<compile_context>
chip_gen: v7x
topology: tpu7x:2x2x1
jax: 0.10.2.dev20260603
libtpu: 0.0.44.dev20260713+nightly
codegen_flags: <defaults>
</compile_context>

<pallas_src>
import functools

import jax
import jax.numpy as jnp
from jax import lax
from jax.experimental import pallas as pl
from jax.experimental.pallas import tpu as pltpu
from jax.experimental.pallas import tpu_sc as plsc

N = 10000
E = 320000
H = 128
NPAD = 10240
NC = 2
NS = 16
NW = NC * NS
ROWS_PER_TILE = NPAD // NS

def _mesh():
    return plsc.VectorSubcoreMesh(core_axis_name="c", subcore_axis_name="s")



EPAD = 327680
EPWP = EPAD // NW
CHV = 128
NCH = EPWP // CHV
PH = 2
CPP = NCH // PH


def _sc_aggregate(src_p, dst2d, h, zeros_pad):

    @functools.partial(
        pl.kernel,
        out_type=jax.ShapeDtypeStruct((NC, NPAD, H), jnp.float32),
        mesh=_mesh(),
        scratch_types=[
            pltpu.VMEM((CHV, H), jnp.float32),
            pltpu.VMEM((CHV, H), jnp.float32),
            pltpu.VMEM((CPP * CHV,), jnp.int32),
            pltpu.VMEM((CPP, CHV), jnp.int32),
            pltpu.VMEM_SHARED((NPAD, H), jnp.float32),
            pltpu.SemaphoreType.DMA,
            pltpu.SemaphoreType.DMA,
        ],
    )
    def k(src_hbm, dst_hbm, h_hbm, z_hbm, out_hbm, rows_a, rows_b,
          src_v, dst_v, acc_sh, sem_a, sem_b):
        c = lax.axis_index("c")
        s = lax.axis_index("s")
        wid = s * NC + c
        row0 = s * ROWS_PER_TILE
        pltpu.sync_copy(z_hbm.at[pl.ds(row0, ROWS_PER_TILE)],
                        acc_sh.at[pl.ds(row0, ROWS_PER_TILE)])
        plsc.subcore_barrier()

        def gstart(buf, sem, lc):
            pltpu.async_copy(h_hbm.at[src_v.at[pl.ds(lc * CHV, CHV)]],
                             buf, sem)

        def gwait(buf, sem):
            pltpu.make_async_copy(h_hbm.at[pl.ds(0, CHV)], buf, sem).wait()

        for p in range(PH):
            pltpu.sync_copy(
                src_hbm.at[pl.ds(wid * EPWP + p * CPP * CHV, CPP * CHV)],
                src_v)
            pltpu.sync_copy(dst_hbm.at[pl.ds(wid * (EPWP // CHV) + p * CPP,
                                             CPP)], dst_v)
            gstart(rows_a, sem_a, 0)
            gstart(rows_b, sem_b, 1)

            @pl.loop(0, CPP // 2)
            def _(j):
                gwait(rows_a, sem_a)
                pltpu.sync_copy(rows_a, acc_sh.at[dst_v.at[2 * j]], add=True)

                @pl.when(j < CPP // 2 - 1)
                def _():
                    gstart(rows_a, sem_a, 2 * j + 2)

                gwait(rows_b, sem_b)
                pltpu.sync_copy(rows_b, acc_sh.at[dst_v.at[2 * j + 1]],
                                add=True)

                @pl.when(j < CPP // 2 - 1)
                def _():
                    gstart(rows_b, sem_b, 2 * j + 3)

        plsc.subcore_barrier()
        pltpu.sync_copy(acc_sh.at[pl.ds(row0, ROWS_PER_TILE)],
                        out_hbm.at[c, pl.ds(row0, ROWS_PER_TILE)])

    return k(src_p, dst2d, h, zeros_pad)


def _sc_degree(dst2d, ones_rows, zeros_pad):

    @functools.partial(
        pl.kernel,
        out_type=jax.ShapeDtypeStruct((NC, NPAD, H), jnp.float32),
        mesh=_mesh(),
        scratch_types=[
            pltpu.VMEM((CHV, H), jnp.float32),
            pltpu.VMEM((CPP, CHV), jnp.int32),
            pltpu.VMEM_SHARED((NPAD, H), jnp.float32),
            pltpu.SemaphoreType.DMA,
        ],
    )
    def k(dst_hbm, ones_hbm, z_hbm, out_hbm, ones_v, dst_v, acc_sh, sem):
        c = lax.axis_index("c")
        s = lax.axis_index("s")
        wid = s * NC + c
        row0 = s * ROWS_PER_TILE
        pltpu.sync_copy(z_hbm.at[pl.ds(row0, ROWS_PER_TILE)],
                        acc_sh.at[pl.ds(row0, ROWS_PER_TILE)])
        pltpu.sync_copy(ones_hbm, ones_v)
        plsc.subcore_barrier()

        for p in range(PH):
            pltpu.sync_copy(dst_hbm.at[pl.ds(wid * (EPWP // CHV) + p * CPP,
                                             CPP)], dst_v)

            @pl.loop(0, CPP // 4)
            def _(j):
                ds_ = [pltpu.async_copy(ones_v, acc_sh.at[dst_v.at[4 * j + q]],
                                        sem, add=True) for q in range(4)]
                for d in ds_:
                    d.wait()

        plsc.subcore_barrier()
        pltpu.sync_copy(acc_sh.at[pl.ds(row0, ROWS_PER_TILE)],
                        out_hbm.at[c, pl.ds(row0, ROWS_PER_TILE)])

    return k(dst2d, ones_rows, zeros_pad)


def _sc_central_gather(h, idx):
    b = idx.shape[0]
    bpw = b // NW

    @functools.partial(
        pl.kernel,
        out_type=jax.ShapeDtypeStruct((b, H), jnp.float32),
        mesh=_mesh(),
        scratch_types=[
            pltpu.VMEM((bpw,), jnp.int32),
            pltpu.VMEM((bpw, H), jnp.float32),
            pltpu.SemaphoreType.DMA,
        ],
    )
    def k(h_hbm, idx_hbm, out_hbm, idx_v, rows_v, sem):
        wid = lax.axis_index("s") * NC + lax.axis_index("c")
        base = wid * bpw
        pltpu.sync_copy(idx_hbm.at[pl.ds(base, bpw)], idx_v)
        pltpu.async_copy(h_hbm.at[idx_v], rows_v, sem).wait()
        pltpu.sync_copy(rows_v, out_hbm.at[pl.ds(base, bpw)])

    return k(h, idx)



_BLK = 1000
_NBLK = N // _BLK


def _dot(a, b):
    return jnp.dot(a.astype(jnp.bfloat16), b.astype(jnp.bfloat16),
                   preferred_element_type=jnp.float32)


def _tc_embed(x, emb_W, emb_b):
    def body(x_ref, w_ref, b_ref, o_ref):
        o_ref[...] = jnp.maximum(
            _dot(x_ref[...], w_ref[...]) + b_ref[...], 0.0)

    return pl.pallas_call(
        body,
        grid=(_NBLK,),
        in_specs=[
            pl.BlockSpec((_BLK, H), lambda i: (i, 0)),
            pl.BlockSpec((H, H), lambda i: (0, 0)),
            pl.BlockSpec((1, H), lambda i: (0, 0)),
        ],
        out_specs=pl.BlockSpec((_BLK, H), lambda i: (i, 0)),
        out_shape=jax.ShapeDtypeStruct((N, H), jnp.float32),
    )(x, emb_W, emb_b.reshape(1, H))


def _tc_layer(agg0, agg1, deg0, deg1, h, Wl_i, bl_i, Wr_i, g_i, b_i):

    def body(a0, a1, d0, d1, h_ref, wl, bl, wr, g_ref, b_ref, o_ref,
             y_scr, st_scr):
        p = pl.program_id(0)
        i = pl.program_id(1)

        @pl.when(p == 0)
        def _():
            agg = a0[...] + a1[...]
            deg = d0[...][:, 0:1] + d1[...][:, 0:1]
            mean_agg = agg * (1.0 / jnp.maximum(deg, 1.0))
            y = _dot(mean_agg, wl[...]) + _dot(h_ref[...], wr[...]) + bl[...]
            y_scr[pl.ds(i * _BLK, _BLK), :] = y
            part = jnp.concatenate(
                [jnp.sum(y, 0, keepdims=True),
                 jnp.sum(y * y, 0, keepdims=True)], 0)

            @pl.when(i == 0)
            def _():
                st_scr[...] = part

            @pl.when(i > 0)
            def _():
                st_scr[...] += part

        @pl.when(p == 1)
        def _():
            mean = st_scr[0:1, :] * (1.0 / N)
            var = st_scr[1:2, :] * (1.0 / N) - mean * mean
            rstd = lax.rsqrt(var + 1e-5)
            y = y_scr[pl.ds(i * _BLK, _BLK), :]
            o_ref[...] = jnp.maximum(
                (y - mean) * rstd * g_ref[...] + b_ref[...], 0.0)

    blk = lambda: pl.BlockSpec((_BLK, H), lambda p, i: ((1 - p) * i, 0))
    cst = lambda: pl.BlockSpec((H, H), lambda p, i: (0, 0))
    row = lambda: pl.BlockSpec((1, H), lambda p, i: (0, 0))
    return pl.pallas_call(
        body,
        grid=(2, _NBLK),
        in_specs=[blk(), blk(), blk(), blk(), blk(),
                  cst(), row(), cst(), row(), row()],
        out_specs=pl.BlockSpec((_BLK, H), lambda p, i: (i * p, 0)),
        out_shape=jax.ShapeDtypeStruct((N, H), jnp.float32),
        scratch_shapes=[
            pltpu.VMEM((N, H), jnp.float32),
            pltpu.VMEM((2, H), jnp.float32),
        ],
    )(agg0, agg1, deg0, deg1, h, Wl_i, bl_i.reshape(1, H), Wr_i,
      g_i.reshape(1, H), b_i.reshape(1, H))


def _tc_head(central, lin1_W, lin1_b, lin2_W, lin2_b):
    b = central.shape[0]
    o = lin2_W.shape[1]

    def body(c_ref, w1, b1, w2, b2, o_ref):
        t = jnp.maximum(
            _dot(c_ref[...], w1[...]) + b1[...], 0.0)
        o_ref[...] = _dot(t, w2[...]) + b2[...]

    return pl.pallas_call(
        body,
        out_shape=jax.ShapeDtypeStruct((b, o), jnp.float32),
    )(central, lin1_W, lin1_b.reshape(1, H), lin2_W, lin2_b.reshape(1, o))



def kernel(x, edge_index, batch, central_node_idx, emb_W, emb_b, Wl, bl, Wr,
           bn_g, bn_b, lin1_W, lin1_b, lin2_W, lin2_b):
    del batch
    src = edge_index[0]
    dst = edge_index[1]
    zeros_pad = jnp.zeros((NPAD, H), jnp.float32)
    ones_rows = jnp.ones((CHV, H), jnp.float32)

    npd = EPAD - E
    ar = jnp.arange(npd, dtype=jnp.int32)
    src_p = jnp.concatenate([src, ar % N])
    dst2d = jnp.concatenate([dst, N + (ar % (NPAD - N))]).reshape(
        EPAD // CHV, CHV)

    degp = _sc_degree(dst2d, ones_rows, zeros_pad)
    deg0 = degp[0, :N]
    deg1 = degp[1, :N]

    h = _tc_embed(x, emb_W, emb_b)
    for i in range(Wl.shape[0]):
        aggp = _sc_aggregate(src_p, dst2d, h, zeros_pad)
        h = _tc_layer(aggp[0, :N], aggp[1, :N], deg0, deg1, h,
                      Wl[i], bl[i], Wr[i], bn_g[i], bn_b[i])

    central = _sc_central_gather(h, central_node_idx)
    return _tc_head(central, lin1_W, lin1_b, lin2_W, lin2_b)

# --- scband reference (transcript-rebuilt; emitter-appended) ---
"""Pipeline reference for scband-gnnbiomarker-model-40432822124917 (READ-ONLY COPY).

The authoritative reference and input builder live on the scoring server;
editing this copy changes nothing except your own understanding.
"""

import jax, jax.numpy as jnp
import numpy as np

N, E, D, H, O, L, B = 10000, 320000, 128, 128, 1, 3, 512


def setup_inputs(seed: int = 0) -> dict:
    key = jax.random.key(seed)
    ks = jax.random.split(key, 24)
    x = jax.random.normal(ks[0], (N, D), dtype=jnp.float32)
    edge_index = jax.random.randint(ks[1], (2, E), 0, N, dtype=jnp.int32)
    batch = jnp.sort(jax.random.randint(ks[2], (N,), 0, B, dtype=jnp.int32))
    central_node_idx = jax.random.randint(ks[3], (B,), 0, N, dtype=jnp.int32)
    s = 1.0 / np.sqrt(H)
    emb_W = jax.random.uniform(ks[4], (D, H), jnp.float32, -s, s)
    emb_b = jax.random.uniform(ks[5], (H,), jnp.float32, -s, s)
    Wl = jax.random.uniform(ks[6], (L, H, H), jnp.float32, -s, s)
    bl = jax.random.uniform(ks[7], (L, H), jnp.float32, -s, s)
    Wr = jax.random.uniform(ks[8], (L, H, H), jnp.float32, -s, s)
    bn_g = jnp.ones((L, H), jnp.float32)
    bn_b = jnp.zeros((L, H), jnp.float32)
    lin1_W = jax.random.uniform(ks[9], (H, H), jnp.float32, -s, s)
    lin1_b = jax.random.uniform(ks[10], (H,), jnp.float32, -s, s)
    lin2_W = jax.random.uniform(ks[11], (H, O), jnp.float32, -s, s)
    lin2_b = jax.random.uniform(ks[12], (O,), jnp.float32, -s, s)
    return {"x": x, "edge_index": edge_index, "batch": batch,
            "central_node_idx": central_node_idx, "emb_W": emb_W, "emb_b": emb_b,
            "Wl": Wl, "bl": bl, "Wr": Wr, "bn_g": bn_g, "bn_b": bn_b,
            "lin1_W": lin1_W, "lin1_b": lin1_b, "lin2_W": lin2_W, "lin2_b": lin2_b}


def _sage_conv(h, src, dst, Wl_i, bl_i, Wr_i, n_nodes):
    msg = h[src]  # gather of neighbor features (memory-bound)
    agg = jax.ops.segment_sum(msg, dst, num_segments=n_nodes)
    deg = jax.ops.segment_sum(jnp.ones((src.shape[0], 1), h.dtype), dst, num_segments=n_nodes)
    agg = agg / jnp.clip(deg, 1.0, None)  # mean aggregation (PyG SAGEConv default)
    return agg @ Wl_i + bl_i + h @ Wr_i  # lin_l(aggr) + lin_r(root), lin_r bias=False


def _batch_norm(h, g, b, eps=1e-5):
    mean = h.mean(axis=0)
    var = h.var(axis=0)
    return (h - mean) / jnp.sqrt(var + eps) * g + b


def reference(x, edge_index, batch, central_node_idx, emb_W, emb_b, Wl, bl, Wr,
              bn_g, bn_b, lin1_W, lin1_b, lin2_W, lin2_b):
    n_nodes = x.shape[0]
    src, dst = edge_index[0], edge_index[1]
    h = jax.nn.relu(x @ emb_W + emb_b)
    for i in range(L):
        h = _sage_conv(h, src, dst, Wl[i], bl[i], Wr[i], n_nodes)
        h = _batch_norm(h, bn_g[i], bn_b[i])
        h = jax.nn.relu(h)
    central = h[central_node_idx]
    out = jax.nn.relu(central @ lin1_W + lin1_b)
    out = out @ lin2_W + lin2_b
    return out

if __name__ == "__main__":
    import jax
    _d = setup_inputs()
    print(jax.jit(kernel)(*tuple(_d.values())))

</pallas_src>

<mosaic_0001>
#map = affine_map<(d0, d1) -> (0)>
#map1 = affine_map<(d0, d1) -> (0, 0)>
#map2 = affine_map<(d0, d1) -> (0, 0, 0)>
module attributes {stable_mosaic.version = 14 : i64} {
  func.func @k(%arg0: i32, %arg1: i32, %arg2: memref<327680xi32, #tpu.memory_space<hbm>>, %arg3: memref<2560x128xi32, #tpu.memory_space<hbm>>, %arg4: memref<10000x128xf32, #tpu.memory_space<hbm>>, %arg5: memref<10240x128xf32, #tpu.memory_space<hbm>>, %arg6: memref<2x10240x128xf32, #tpu.memory_space<hbm>>, %arg7: memref<128x128xf32, #tpu.memory_space<vmem>>, %arg8: memref<128x128xf32, #tpu.memory_space<vmem>>, %arg9: memref<5120xi32, #tpu.memory_space<vmem>>, %arg10: memref<40x128xi32, #tpu.memory_space<vmem>>, %arg11: memref<10240x128xf32, #tpu.memory_space<vmem_shared>>, %arg12: memref<!tpu.dma_semaphore, #tpu.memory_space<semaphore_mem>>, %arg13: memref<!tpu.dma_semaphore, #tpu.memory_space<semaphore_mem>>) attributes {dimension_semantics = [#tpu.dimension_semantics<core_parallel>, #tpu.dimension_semantics<subcore_parallel>], iteration_bounds = array<i64: 2, 16>, scalar_prefetch = 0 : i64, scratch_operands = 7 : i64, tpu.core_type = #tpu.core_type<sc_vector_subcore>, window_params = [{transform_indices = #map}, {transform_indices = #map1}, {transform_indices = #map1}, {transform_indices = #map1}, {transform_indices = #map2}]} {
    %mul3A = arith.constant 2 : i32
    %mul3A_0 = arith.muli %arg1, %mul3A : i32
    %add3A = arith.addi %mul3A_0, %arg0 : i32
    %mul3A_1 = arith.constant 640 : i32
    %mul3A_2 = arith.muli %arg1, %mul3A_1 : i32
    "tpu.region"() ({
      %run_scoped3A = tpu.sem_alloc : memref<!tpu.dma_semaphore, #tpu.memory_space<semaphore_mem>>
      %dma_start3A_48 = arith.constant 0 : i32
      %dma_start3A_49 = tpu.memref_slice %arg11[%mul3A_2, %dma_start3A_48] : memref<10240x128xf32, #tpu.memory_space<vmem_shared>> -> memref<640x128xf32, #tpu.memory_space<vmem_shared>>
      %dma_start3A_50 = arith.constant 0 : i32
      %dma_start3A_51 = tpu.memref_slice %arg5[%mul3A_2, %dma_start3A_50] : memref<10240x128xf32, #tpu.memory_space<hbm>> -> memref<640x128xf32, #tpu.memory_space<hbm>>
      tpu.enqueue_dma source(%dma_start3A_51 : memref<640x128xf32, #tpu.memory_space<hbm>>) target(%dma_start3A_49 : memref<640x128xf32, #tpu.memory_space<vmem_shared>>) target_semaphore(%run_scoped3A : memref<!tpu.dma_semaphore, #tpu.memory_space<semaphore_mem>>)
      %dma_wait3A = arith.constant 0 : i32
      %dma_wait3A_52 = tpu.memref_slice %arg11[%mul3A_2, %dma_wait3A] : memref<10240x128xf32, #tpu.memory_space<vmem_shared>> -> memref<640x128xf32, #tpu.memory_space<vmem_shared>>
      %dma_wait3A_53 = arith.constant 0 : i32
      %dma_wait3A_54 = tpu.memref_slice %arg5[%mul3A_2, %dma_wait3A_53] : memref<10240x128xf32, #tpu.memory_space<hbm>> -> memref<640x128xf32, #tpu.memory_space<hbm>>
      tpu.wait_dma2 semaphore(%run_scoped3A : memref<!tpu.dma_semaphore, #tpu.memory_space<semaphore_mem>>) src(%dma_wait3A_54 : memref<640x128xf32, #tpu.memory_space<hbm>>) dst(%dma_wait3A_52 : memref<640x128xf32, #tpu.memory_space<vmem_shared>>)
      tpu.yield
    }) : () -> ()
    %barrier3A = arith.constant 0 : index
    tpu.barrier barrier_id(%barrier3A)
    %mul3A_3 = arith.constant 10240 : i32
    %mul3A_4 = arith.muli %add3A, %mul3A_3 : i32
    %add3A_5 = arith.constant 0 : i32
    %add3A_6 = arith.addi %mul3A_4, %add3A_5 : i32
    "tpu.region"() ({
      %run_scoped3A = tpu.sem_alloc : memref<!tpu.dma_semaphore, #tpu.memory_space<semaphore_mem>>
      %dma_start3A_48 = tpu.memref_slice %arg2[%add3A_6] : memref<327680xi32, #tpu.memory_space<hbm>> -> memref<5120xi32, #tpu.memory_space<hbm>>
      %dma_start3A_49 = tpu.memref_slice %arg2[%add3A_6] : memref<327680xi32, #tpu.memory_space<hbm>> -> memref<5120xi32, #tpu.memory_space<hbm>>
      tpu.enqueue_dma source(%dma_start3A_49 : memref<5120xi32, #tpu.memory_space<hbm>>) target(%arg9 : memref<5120xi32, #tpu.memory_space<vmem>>) target_semaphore(%run_scoped3A : memref<!tpu.dma_semaphore, #tpu.memory_space<semaphore_mem>>)
      %dma_wait3A = tpu.memref_slice %arg2[%add3A_6] : memref<327680xi32, #tpu.memory_space<hbm>> -> memref<5120xi32, #tpu.memory_space<hbm>>
      %dma_wait3A_50 = tpu.memref_slice %arg2[%add3A_6] : memref<327680xi32, #tpu.memory_space<hbm>> -> memref<5120xi32, #tpu.memory_space<hbm>>
      tpu.wait_dma2 semaphore(%run_scoped3A : memref<!tpu.dma_semaphore, #tpu.memory_space<semaphore_mem>>) src(%dma_wait3A_50 : memref<5120xi32, #tpu.memory_space<hbm>>) dst(%arg9 : memref<5120xi32, #tpu.memory_space<vmem>>)
      tpu.yield
    }) : () -> ()
    %mul3A_7 = arith.constant 80 : i32
    %mul3A_8 = arith.muli %add3A, %mul3A_7 : i32
    %add3A_9 = arith.constant 0 : i32
    %add3A_10 = arith.addi %mul3A_8, %add3A_9 : i32
    "tpu.region"() ({
      %run_scoped3A = tpu.sem_alloc : memref<!tpu.dma_semaphore, #tpu.memory_space<semaphore_mem>>
      %dma_start3A_48 = arith.constant 0 : i32
      %dma_start3A_49 = tpu.memref_slice %arg3[%add3A_10, %dma_start3A_48] : memref<2560x128xi32, #tpu.memory_space<hbm>> -> memref<40x128xi32, #tpu.memory_space<hbm>>
      %dma_start3A_50 = arith.constant 0 : i32
      %dma_start3A_51 = tpu.memref_slice %arg3[%add3A_10, %dma_start3A_50] : memref<2560x128xi32, #tpu.memory_space<hbm>> -> memref<40x128xi32, #tpu.memory_space<hbm>>
      tpu.enqueue_dma source(%dma_start3A_51 : memref<40x128xi32, #tpu.memory_space<hbm>>) target(%arg10 : memref<40x128xi32, #tpu.memory_space<vmem>>) target_semaphore(%run_scoped3A : memref<!tpu.dma_semaphore, #tpu.memory_space<semaphore_mem>>)
      %dma_wait3A = arith.constant 0 : i32
      %dma_wait3A_52 = tpu.memref_slice %arg3[%add3A_10, %dma_wait3A] : memref<2560x128xi32, #tpu.memory_space<hbm>> -> memref<40x128xi32, #tpu.memory_space<hbm>>
      %dma_wait3A_53 = arith.constant 0 : i32
      %dma_wait3A_54 = tpu.memref_slice %arg3[%add3A_10, %dma_wait3A_53] : memref<2560x128xi32, #tpu.memory_space<hbm>> -> memref<40x128xi32, #tpu.memory_space<hbm>>
      tpu.wait_dma2 semaphore(%run_scoped3A : memref<!tpu.dma_semaphore, #tpu.memory_space<semaphore_mem>>) src(%dma_wait3A_54 : memref<40x128xi32, #tpu.memory_space<hbm>>) dst(%arg10 : memref<40x128xi32, #tpu.memory_space<vmem>>)
      tpu.yield
    }) : () -> ()
    %dma_start3A = arith.constant 0 : i32
    %dma_start3A_11 = tpu.memref_slice %arg9[%dma_start3A] : memref<5120xi32, #tpu.memory_space<vmem>> -> memref<128xi32, #tpu.memory_space<vmem>>
    %dma_start3A_12 = arith.constant 0 : i32
    %dma_start3A_13 = arith.constant 0 : i32
    %dma_start3A_14 = tpu.memref_slice %arg4[%dma_start3A_12, %dma_start3A_13] : memref<10000x128xf32, #tpu.memory_space<hbm>> -> memref<10000x128xf32, #tpu.memory_space<hbm>>
    tpu.enqueue_indirect_dma source(%dma_start3A_14 : memref<10000x128xf32, #tpu.memory_space<hbm>>) target(%arg7 : memref<128x128xf32, #tpu.memory_space<vmem>>) offsets(%dma_start3A_11 : memref<128xi32, #tpu.memory_space<vmem>>) semaphore(%arg12 : memref<!tpu.dma_semaphore, #tpu.memory_space<semaphore_mem>>)
    %dma_start3A_15 = arith.constant 128 : i32
    %dma_start3A_16 = tpu.memref_slice %arg9[%dma_start3A_15] : memref<5120xi32, #tpu.memory_space<vmem>> -> memref<128xi32, #tpu.memory_space<vmem>>
    %dma_start3A_17 = arith.constant 0 : i32
    %dma_start3A_18 = arith.constant 0 : i32
    %dma_start3A_19 = tpu.memref_slice %arg4[%dma_start3A_17, %dma_start3A_18] : memref<10000x128xf32, #tpu.memory_space<hbm>> -> memref<10000x128xf32, #tpu.memory_space<hbm>>
    tpu.enqueue_indirect_dma source(%dma_start3A_19 : memref<10000x128xf32, #tpu.memory_space<hbm>>) target(%arg8 : memref<128x128xf32, #tpu.memory_space<vmem>>) offsets(%dma_start3A_16 : memref<128xi32, #tpu.memory_space<vmem>>) semaphore(%arg13 : memref<!tpu.dma_semaphore, #tpu.memory_space<semaphore_mem>>)
    %scan3A = arith.constant 0 : i32
    %scan3A_20 = arith.constant 20 : i32
    %scan3A_21 = arith.addi %scan3A, %scan3A_20 : i32
    %scan3A_22 = arith.constant 1 : i32
    scf.for %scan3A_48 = %scan3A to %scan3A_21 step %scan3A_22  : i32 {
      %mul3A_49 = arith.constant 1 : i32
      %mul3A_50 = arith.muli %scan3A_48, %mul3A_49 : i32
      %add3A_51 = arith.constant 0 : i32
      %add3A_52 = arith.addi %add3A_51, %mul3A_50 : i32
      %dma_wait3A = arith.constant 0 : i32
      %dma_wait3A_53 = arith.constant 0 : i32
      %dma_wait3A_54 = tpu.memref_slice %arg4[%dma_wait3A, %dma_wait3A_53] : memref<10000x128xf32, #tpu.memory_space<hbm>> -> memref<128x128xf32, #tpu.memory_space<hbm>>
      %dma_wait3A_55 = arith.constant 0 : i32
      %dma_wait3A_56 = arith.constant 0 : i32
      %dma_wait3A_57 = tpu.memref_slice %arg4[%dma_wait3A_55, %dma_wait3A_56] : memref<10000x128xf32, #tpu.memory_space<hbm>> -> memref<128x128xf32, #tpu.memory_space<hbm>>
      tpu.wait_dma2 semaphore(%arg12 : memref<!tpu.dma_semaphore, #tpu.memory_space<semaphore_mem>>) src(%dma_wait3A_57 : memref<128x128xf32, #tpu.memory_space<hbm>>) dst(%arg7 : memref<128x128xf32, #tpu.memory_space<vmem>>)
      %mul3A_58 = arith.constant 2 : i32
      %mul3A_59 = arith.muli %mul3A_58, %add3A_52 : i32
      "tpu.region"() ({
        %run_scoped3A = tpu.sem_alloc : memref<!tpu.dma_semaphore, #tpu.memory_space<semaphore_mem>>
        %dma_start3A_77 = arith.constant 0 : i32
        %dma_start3A_78 = tpu.memref_slice %arg10[%mul3A_59, %dma_start3A_77] : memref<40x128xi32, #tpu.memory_space<vmem>> -> memref<1x128xi32, #tpu.memory_space<vmem>>
        %dma_start3A_79 = tpu.memref_squeeze %dma_start3A_78 : memref<1x128xi32, #tpu.memory_space<vmem>> -> memref<128xi32, #tpu.memory_space<vmem>>
        %dma_start3A_80 = arith.constant 0 : i32
        %dma_start3A_81 = arith.constant 0 : i32
        %dma_start3A_82 = tpu.memref_slice %arg11[%dma_start3A_80, %dma_start3A_81] : memref<10240x128xf32, #tpu.memory_space<vmem_shared>> -> memref<10240x128xf32, #tpu.memory_space<vmem_shared>>
        tpu.enqueue_indirect_dma source(%arg7 : memref<128x128xf32, #tpu.memory_space<vmem>>) target(%dma_start3A_82 : memref<10240x128xf32, #tpu.memory_space<vmem_shared>>) offsets(%dma_start3A_79 : memref<128xi32, #tpu.memory_space<vmem>>) semaphore(%run_scoped3A : memref<!tpu.dma_semaphore, #tpu.memory_space<semaphore_mem>>) {add = true}
        %dma_wait3A_83 = arith.constant 0 : i32
        %dma_wait3A_84 = tpu.memref_slice %arg10[%mul3A_59, %dma_wait3A_83] : memref<40x128xi32, #tpu.memory_space<vmem>> -> memref<1x128xi32, #tpu.memory_space<vmem>>
        %dma_wait3A_85 = tpu.memref_squeeze %dma_wait3A_84 : memref<1x128xi32, #tpu.memory_space<vmem>> -> memref<128xi32, #tpu.memory_space<vmem>>
        %dma_wait3A_86 = arith.constant 0 : i32
        %dma_wait3A_87 = arith.constant 0 : i32
        %dma_wait3A_88 = tpu.memref_slice %arg11[%dma_wait3A_86, %dma_wait3A_87] : memref<10240x128xf32, #tpu.memory_space<vmem_shared>> -> memref<10240x128xf32, #tpu.memory_space<vmem_shared>>
        tpu.wait_indirect_dma semaphore(%run_scoped3A : memref<!tpu.dma_semaphore, #tpu.memory_space<semaphore_mem>>) src(%arg7 : memref<128x128xf32, #tpu.memory_space<vmem>>) dst(%dma_wait3A_88 : memref<10240x128xf32, #tpu.memory_space<vmem_shared>>)
        tpu.yield
      }) : () -> ()
      %lt3A = arith.constant 19 : i32
      %lt3A_60 = arith.cmpi slt, %add3A_52, %lt3A : i32
      %convert_element_type3A = arith.extui %lt3A_60 : i1 to i32
      %cond3A = arith.constant 0 : i32
      %cond3A_61 = arith.cmpi ne, %convert_element_type3A, %cond3A : i32
      scf.if %cond3A_61 {
        %mul3A_77 = arith.constant 2 : i32
        %mul3A_78 = arith.muli %mul3A_77, %add3A_52 : i32
        %add3A_79 = arith.constant 2 : i32
        %add3A_80 = arith.addi %mul3A_78, %add3A_79 : i32
        %mul3A_81 = arith.constant 128 : i32
        %mul3A_82 = arith.muli %add3A_80, %mul3A_81 : i32
        %dma_start3A_83 = tpu.memref_slice %arg9[%mul3A_82] : memref<5120xi32, #tpu.memory_space<vmem>> -> memref<128xi32, #tpu.memory_space<vmem>>
        %dma_start3A_84 = arith.constant 0 : i32
        %dma_start3A_85 = arith.constant 0 : i32
        %dma_start3A_86 = tpu.memref_slice %arg4[%dma_start3A_84, %dma_start3A_85] : memref<10000x128xf32, #tpu.memory_space<hbm>> -> memref<10000x128xf32, #tpu.memory_space<hbm>>
        tpu.enqueue_indirect_dma source(%dma_start3A_86 : memref<10000x128xf32, #tpu.memory_space<hbm>>) target(%arg7 : memref<128x128xf32, #tpu.memory_space<vmem>>) offsets(%dma_start3A_83 : memref<128xi32, #tpu.memory_space<vmem>>) semaphore(%arg12 : memref<!tpu.dma_semaphore, #tpu.memory_space<semaphore_mem>>)
      } else {
      }
      %dma_wait3A_62 = arith.constant 0 : i32
      %dma_wait3A_63 = arith.constant 0 : i32
      %dma_wait3A_64 = tpu.memref_slice %arg4[%dma_wait3A_62, %dma_wait3A_63] : memref<10000x128xf32, #tpu.memory_space<hbm>> -> memref<128x128xf32, #tpu.memory_space<hbm>>
      %dma_wait3A_65 = arith.constant 0 : i32
      %dma_wait3A_66 = arith.constant 0 : i32
      %dma_wait3A_67 = tpu.memref_slice %arg4[%dma_wait3A_65, %dma_wait3A_66] : memref<10000x128xf32, #tpu.memory_space<hbm>> -> memref<128x128xf32, #tpu.memory_space<hbm>>
      tpu.wait_dma2 semaphore(%arg13 : memref<!tpu.dma_semaphore, #tpu.memory_space<semaphore_mem>>) src(%dma_wait3A_67 : memref<128x128xf32, #tpu.memory_space<hbm>>) dst(%arg8 : memref<128x128xf32, #tpu.memory_space<vmem>>)
      %mul3A_68 = arith.constant 2 : i32
      %mul3A_69 = arith.muli %mul3A_68, %add3A_52 : i32
      %add3A_70 = arith.constant 1 : i32
      %add3A_71 = arith.addi %mul3A_69, %add3A_70 : i32
      "tpu.region"() ({
        %run_scoped3A = tpu.sem_alloc : memref<!tpu.dma_semaphore, #tpu.memory_space<semaphore_mem>>
        %dma_start3A_77 = arith.constant 0 : i32
        %dma_start3A_78 = tpu.memref_slice %arg10[%add3A_71, %dma_start3A_77] : memref<40x128xi32, #tpu.memory_space<vmem>> -> memref<1x128xi32, #tpu.memory_space<vmem>>
        %dma_start3A_79 = tpu.memref_squeeze %dma_start3A_78 : memref<1x128xi32, #tpu.memory_space<vmem>> -> memref<128xi32, #tpu.memory_space<vmem>>
        %dma_start3A_80 = arith.constant 0 : i32
        %dma_start3A_81 = arith.constant 0 : i32
        %dma_start3A_82 = tpu.memref_slice %arg11[%dma_start3A_80, %dma_start3A_81] : memref<10240x128xf32, #tpu.memory_space<vmem_shared>> -> memref<10240x128xf32, #tpu.memory_space<vmem_shared>>
        tpu.enqueue_indirect_dma source(%arg8 : memref<128x128xf32, #tpu.memory_space<vmem>>) target(%dma_start3A_82 : memref<10240x128xf32, #tpu.memory_space<vmem_shared>>) offsets(%dma_start3A_79 : memref<128xi32, #tpu.memory_space<vmem>>) semaphore(%run_scoped3A : memref<!tpu.dma_semaphore, #tpu.memory_space<semaphore_mem>>) {add = true}
        %dma_wait3A_83 = arith.constant 0 : i32
        %dma_wait3A_84 = tpu.memref_slice %arg10[%add3A_71, %dma_wait3A_83] : memref<40x128xi32, #tpu.memory_space<vmem>> -> memref<1x128xi32, #tpu.memory_space<vmem>>
        %dma_wait3A_85 = tpu.memref_squeeze %dma_wait3A_84 : memref<1x128xi32, #tpu.memory_space<vmem>> -> memref<128xi32, #tpu.memory_space<vmem>>
        %dma_wait3A_86 = arith.constant 0 : i32
        %dma_wait3A_87 = arith.constant 0 : i32
        %dma_wait3A_88 = tpu.memref_slice %arg11[%dma_wait3A_86, %dma_wait3A_87] : memref<10240x128xf32, #tpu.memory_space<vmem_shared>> -> memref<10240x128xf32, #tpu.memory_space<vmem_shared>>
        tpu.wait_indirect_dma semaphore(%run_scoped3A : memref<!tpu.dma_semaphore, #tpu.memory_space<semaphore_mem>>) src(%arg8 : memref<128x128xf32, #tpu.memory_space<vmem>>) dst(%dma_wait3A_88 : memref<10240x128xf32, #tpu.memory_space<vmem_shared>>)
        tpu.yield
      }) : () -> ()
      %lt3A_72 = arith.constant 19 : i32
      %lt3A_73 = arith.cmpi slt, %add3A_52, %lt3A_72 : i32
      %convert_element_type3A_74 = arith.extui %lt3A_73 : i1 to i32
      %cond3A_75 = arith.constant 0 : i32
      %cond3A_76 = arith.cmpi ne, %convert_element_type3A_74, %cond3A_75 : i32
      scf.if %cond3A_76 {
        %mul3A_77 = arith.constant 2 : i32
        %mul3A_78 = arith.muli %mul3A_77, %add3A_52 : i32
        %add3A_79 = arith.constant 3 : i32
        %add3A_80 = arith.addi %mul3A_78, %add3A_79 : i32
        %mul3A_81 = arith.constant 128 : i32
        %mul3A_82 = arith.muli %add3A_80, %mul3A_81 : i32
        %dma_start3A_83 = tpu.memref_slice %arg9[%mul3A_82] : memref<5120xi32, #tpu.memory_space<vmem>> -> memref<128xi32, #tpu.memory_space<vmem>>
        %dma_start3A_84 = arith.constant 0 : i32
        %dma_start3A_85 = arith.constant 0 : i32
        %dma_start3A_86 = tpu.memref_slice %arg4[%dma_start3A_84, %dma_start3A_85] : memref<10000x128xf32, #tpu.memory_space<hbm>> -> memref<10000x128xf32, #tpu.memory_space<hbm>>
        tpu.enqueue_indirect_dma source(%dma_start3A_86 : memref<10000x128xf32, #tpu.memory_space<hbm>>) target(%arg8 : memref<128x128xf32, #tpu.memory_space<vmem>>) offsets(%dma_start3A_83 : memref<128xi32, #tpu.memory_space<vmem>>) semaphore(%arg13 : memref<!tpu.dma_semaphore, #tpu.memory_space<semaphore_mem>>)
      } else {
      }
    }
    %scan3A_23 = arith.constant 20 : i32
    %mul3A_24 = arith.constant 10240 : i32
    %mul3A_25 = arith.muli %add3A, %mul3A_24 : i32
    %add3A_26 = arith.constant 5120 : i32
    %add3A_27 = arith.addi %mul3A_25, %add3A_26 : i32
    "tpu.region"() ({
      %run_scoped3A = tpu.sem_alloc : memref<!tpu.dma_semaphore, #tpu.memory_space<semaphore_mem>>
      %dma_start3A_48 = tpu.memref_slice %arg2[%add3A_27] : memref<327680xi32, #tpu.memory_space<hbm>> -> memref<5120xi32, #tpu.memory_space<hbm>>
      %dma_start3A_49 = tpu.memref_slice %arg2[%add3A_27] : memref<327680xi32, #tpu.memory_space<hbm>> -> memref<5120xi32, #tpu.memory_space<hbm>>
      tpu.enqueue_dma source(%dma_start3A_49 : memref<5120xi32, #tpu.memory_space<hbm>>) target(%arg9 : memref<5120xi32, #tpu.memory_space<vmem>>) target_semaphore(%run_scoped3A : memref<!tpu.dma_semaphore, #tpu.memory_space<semaphore_mem>>)
      %dma_wait3A = tpu.memref_slice %arg2[%add3A_27] : memref<327680xi32, #tpu.memory_space<hbm>> -> memref<5120xi32, #tpu.memory_space<hbm>>
      %dma_wait3A_50 = tpu.memref_slice %arg2[%add3A_27] : memref<327680xi32, #tpu.memory_space<hbm>> -> memref<5120xi32, #tpu.memory_space<hbm>>
      tpu.wait_dma2 semaphore(%run_scoped3A : memref<!tpu.dma_semaphore, #tpu.memory_space<semaphore_mem>>) src(%dma_wait3A_50 : memref<5120xi32, #tpu.memory_space<hbm>>) dst(%arg9 : memref<5120xi32, #tpu.memory_space<vmem>>)
      tpu.yield
    }) : () -> ()
    %mul3A_28 = arith.constant 80 : i32
    %mul3A_29 = arith.muli %add3A, %mul3A_28 : i32
    %add3A_30 = arith.constant 40 : i32
    %add3A_31 = arith.addi %mul3A_29, %add3A_30 : i32
    "tpu.region"() ({
      %run_scoped3A = tpu.sem_alloc : memref<!tpu.dma_semaphore, #tpu.memory_space<semaphore_mem>>
      %dma_start3A_48 = arith.constant 0 : i32
      %dma_start3A_49 = tpu.memref_slice %arg3[%add3A_31, %dma_start3A_48] : memref<2560x128xi32, #tpu.memory_space<hbm>> -> memref<40x128xi32, #tpu.memory_space<hbm>>
      %dma_start3A_50 = arith.constant 0 : i32
      %dma_start3A_51 = tpu.memref_slice %arg3[%add3A_31, %dma_start3A_50] : memref<2560x128xi32, #tpu.memory_space<hbm>> -> memref<40x128xi32, #tpu.memory_space<hbm>>
      tpu.enqueue_dma source(%dma_start3A_51 : memref<40x128xi32, #tpu.memory_space<hbm>>) target(%arg10 : memref<40x128xi32, #tpu.memory_space<vmem>>) target_semaphore(%run_scoped3A : memref<!tpu.dma_semaphore, #tpu.memory_space<semaphore_mem>>)
      %dma_wait3A = arith.constant 0 : i32
      %dma_wait3A_52 = tpu.memref_slice %arg3[%add3A_31, %dma_wait3A] : memref<2560x128xi32, #tpu.memory_space<hbm>> -> memref<40x128xi32, #tpu.memory_space<hbm>>
      %dma_wait3A_53 = arith.constant 0 : i32
      %dma_wait3A_54 = tpu.memref_slice %arg3[%add3A_31, %dma_wait3A_53] : memref<2560x128xi32, #tpu.memory_space<hbm>> -> memref<40x128xi32, #tpu.memory_space<hbm>>
      tpu.wait_dma2 semaphore(%run_scoped3A : memref<!tpu.dma_semaphore, #tpu.memory_space<semaphore_mem>>) src(%dma_wait3A_54 : memref<40x128xi32, #tpu.memory_space<hbm>>) dst(%arg10 : memref<40x128xi32, #tpu.memory_space<vmem>>)
      tpu.yield
    }) : () -> ()
    %dma_start3A_32 = arith.constant 0 : i32
    %dma_start3A_33 = tpu.memref_slice %arg9[%dma_start3A_32] : memref<5120xi32, #tpu.memory_space<vmem>> -> memref<128xi32, #tpu.memory_space<vmem>>
    %dma_start3A_34 = arith.constant 0 : i32
    %dma_start3A_35 = arith.constant 0 : i32
    %dma_start3A_36 = tpu.memref_slice %arg4[%dma_start3A_34, %dma_start3A_35] : memref<10000x128xf32, #tpu.memory_space<hbm>> -> memref<10000x128xf32, #tpu.memory_space<hbm>>
    tpu.enqueue_indirect_dma source(%dma_start3A_36 : memref<10000x128xf32, #tpu.memory_space<hbm>>) target(%arg7 : memref<128x128xf32, #tpu.memory_space<vmem>>) offsets(%dma_start3A_33 : memref<128xi32, #tpu.memory_space<vmem>>) semaphore(%arg12 : memref<!tpu.dma_semaphore, #tpu.memory_space<semaphore_mem>>)
    %dma_start3A_37 = arith.constant 128 : i32
    %dma_start3A_38 = tpu.memref_slice %arg9[%dma_start3A_37] : memref<5120xi32, #tpu.memory_space<vmem>> -> memref<128xi32, #tpu.memory_space<vmem>>
    %dma_start3A_39 = arith.constant 0 : i32
    %dma_start3A_40 = arith.constant 0 : i32
    %dma_start3A_41 = tpu.memref_slice %arg4[%dma_start3A_39, %dma_start3A_40] : memref<10000x128xf32, #tpu.memory_space<hbm>> -> memref<10000x128xf32, #tpu.memory_space<hbm>>
    tpu.enqueue_indirect_dma source(%dma_start3A_41 : memref<10000x128xf32, #tpu.memory_space<hbm>>) target(%arg8 : memref<128x128xf32, #tpu.memory_space<vmem>>) offsets(%dma_start3A_38 : memref<128xi32, #tpu.memory_space<vmem>>) semaphore(%arg13 : memref<!tpu.dma_semaphore, #tpu.memory_space<semaphore_mem>>)
    %scan3A_42 = arith.constant 0 : i32
    %scan3A_43 = arith.constant 20 : i32
    %scan3A_44 = arith.addi %scan3A_42, %scan3A_43 : i32
    %scan3A_45 = arith.constant 1 : i32
    scf.for %scan3A_48 = %scan3A_42 to %scan3A_44 step %scan3A_45  : i32 {
      %mul3A_49 = arith.constant 1 : i32
      %mul3A_50 = arith.muli %scan3A_48, %mul3A_49 : i32
      %add3A_51 = arith.constant 0 : i32
      %add3A_52 = arith.addi %add3A_51, %mul3A_50 : i32
      %dma_wait3A = arith.constant 0 : i32
      %dma_wait3A_53 = arith.constant 0 : i32
      %dma_wait3A_54 = tpu.memref_slice %arg4[%dma_wait3A, %dma_wait3A_53] : memref<10000x128xf32, #tpu.memory_space<hbm>> -> memref<128x128xf32, #tpu.memory_space<hbm>>
      %dma_wait3A_55 = arith.constant 0 : i32
      %dma_wait3A_56 = arith.constant 0 : i32
      %dma_wait3A_57 = tpu.memref_slice %arg4[%dma_wait3A_55, %dma_wait3A_56] : memref<10000x128xf32, #tpu.memory_space<hbm>> -> memref<128x128xf32, #tpu.memory_space<hbm>>
      tpu.wait_dma2 semaphore(%arg12 : memref<!tpu.dma_semaphore, #tpu.memory_space<semaphore_mem>>) src(%dma_wait3A_57 : memref<128x128xf32, #tpu.memory_space<hbm>>) dst(%arg7 : memref<128x128xf32, #tpu.memory_space<vmem>>)
      %mul3A_58 = arith.constant 2 : i32
      %mul3A_59 = arith.muli %mul3A_58, %add3A_52 : i32
      "tpu.region"() ({
        %run_scoped3A = tpu.sem_alloc : memref<!tpu.dma_semaphore, #tpu.memory_space<semaphore_mem>>
        %dma_start3A_77 = arith.constant 0 : i32
        %dma_start3A_78 = tpu.memref_slice %arg10[%mul3A_59, %dma_start3A_77] : memref<40x128xi32, #tpu.memory_space<vmem>> -> memref<1x128xi32, #tpu.memory_space<vmem>>
        %dma_start3A_79 = tpu.memref_squeeze %dma_start3A_78 : memref<1x128xi32, #tpu.memory_space<vmem>> -> memref<128xi32, #tpu.memory_space<vmem>>
        %dma_start3A_80 = arith.constant 0 : i32
        %dma_start3A_81 = arith.constant 0 : i32
        %dma_start3A_82 = tpu.memref_slice %arg11[%dma_start3A_80, %dma_start3A_81] : memref<10240x128xf32, #tpu.memory_space<vmem_shared>> -> memref<10240x128xf32, #tpu.memory_space<vmem_shared>>
        tpu.enqueue_indirect_dma source(%arg7 : memref<128x128xf32, #tpu.memory_space<vmem>>) target(%dma_start3A_82 : memref<10240x128xf32, #tpu.memory_space<vmem_shared>>) offsets(%dma_start3A_79 : memref<128xi32, #tpu.memory_space<vmem>>) semaphore(%run_scoped3A : memref<!tpu.dma_semaphore, #tpu.memory_space<semaphore_mem>>) {add = true}
        %dma_wait3A_83 = arith.constant 0 : i32
        %dma_wait3A_84 = tpu.memref_slice %arg10[%mul3A_59, %dma_wait3A_83] : memref<40x128xi32, #tpu.memory_space<vmem>> -> memref<1x128xi32, #tpu.memory_space<vmem>>
        %dma_wait3A_85 = tpu.memref_squeeze %dma_wait3A_84 : memref<1x128xi32, #tpu.memory_space<vmem>> -> memref<128xi32, #tpu.memory_space<vmem>>
        %dma_wait3A_86 = arith.constant 0 : i32
        %dma_wait3A_87 = arith.constant 0 : i32
        %dma_wait3A_88 = tpu.memref_slice %arg11[%dma_wait3A_86, %dma_wait3A_87] : memref<10240x128xf32, #tpu.memory_space<vmem_shared>> -> memref<10240x128xf32, #tpu.memory_space<vmem_shared>>
        tpu.wait_indirect_dma semaphore(%run_scoped3A : memref<!tpu.dma_semaphore, #tpu.memory_space<semaphore_mem>>) src(%arg7 : memref<128x128xf32, #tpu.memory_space<vmem>>) dst(%dma_wait3A_88 : memref<10240x128xf32, #tpu.memory_space<vmem_shared>>)
        tpu.yield
      }) : () -> ()
      %lt3A = arith.constant 19 : i32
      %lt3A_60 = arith.cmpi slt, %add3A_52, %lt3A : i32
      %convert_element_type3A = arith.extui %lt3A_60 : i1 to i32
      %cond3A = arith.constant 0 : i32
      %cond3A_61 = arith.cmpi ne, %convert_element_type3A, %cond3A : i32
      scf.if %cond3A_61 {
        %mul3A_77 = arith.constant 2 : i32
        %mul3A_78 = arith.muli %mul3A_77, %add3A_52 : i32
        %add3A_79 = arith.constant 2 : i32
        %add3A_80 = arith.addi %mul3A_78, %add3A_79 : i32
        %mul3A_81 = arith.constant 128 : i32
        %mul3A_82 = arith.muli %add3A_80, %mul3A_81 : i32
        %dma_start3A_83 = tpu.memref_slice %arg9[%mul3A_82] : memref<5120xi32, #tpu.memory_space<vmem>> -> memref<128xi32, #tpu.memory_space<vmem>>
        %dma_start3A_84 = arith.constant 0 : i32
        %dma_start3A_85 = arith.constant 0 : i32
        %dma_start3A_86 = tpu.memref_slice %arg4[%dma_start3A_84, %dma_start3A_85] : memref<10000x128xf32, #tpu.memory_space<hbm>> -> memref<10000x128xf32, #tpu.memory_space<hbm>>
        tpu.enqueue_indirect_dma source(%dma_start3A_86 : memref<10000x128xf32, #tpu.memory_space<hbm>>) target(%arg7 : memref<128x128xf32, #tpu.memory_space<vmem>>) offsets(%dma_start3A_83 : memref<128xi32, #tpu.memory_space<vmem>>) semaphore(%arg12 : memref<!tpu.dma_semaphore, #tpu.memory_space<semaphore_mem>>)
      } else {
      }
      %dma_wait3A_62 = arith.constant 0 : i32
      %dma_wait3A_63 = arith.constant 0 : i32
      %dma_wait3A_64 = tpu.memref_slice %arg4[%dma_wait3A_62, %dma_wait3A_63] : memref<10000x128xf32, #tpu.memory_space<hbm>> -> memref<128x128xf32, #tpu.memory_space<hbm>>
      %dma_wait3A_65 = arith.constant 0 : i32
      %dma_wait3A_66 = arith.constant 0 : i32
      %dma_wait3A_67 = tpu.memref_slice %arg4[%dma_wait3A_65, %dma_wait3A_66] : memref<10000x128xf32, #tpu.memory_space<hbm>> -> memref<128x128xf32, #tpu.memory_space<hbm>>
      tpu.wait_dma2 semaphore(%arg13 : memref<!tpu.dma_semaphore, #tpu.memory_space<semaphore_mem>>) src(%dma_wait3A_67 : memref<128x128xf32, #tpu.memory_space<hbm>>) dst(%arg8 : memref<128x128xf32, #tpu.memory_space<vmem>>)
      %mul3A_68 = arith.constant 2 : i32
      %mul3A_69 = arith.muli %mul3A_68, %add3A_52 : i32
      %add3A_70 = arith.constant 1 : i32
      %add3A_71 = arith.addi %mul3A_69, %add3A_70 : i32
      "tpu.region"() ({
        %run_scoped3A = tpu.sem_alloc : memref<!tpu.dma_semaphore, #tpu.memory_space<semaphore_mem>>
        %dma_start3A_77 = arith.constant 0 : i32
        %dma_start3A_78 = tpu.memref_slice %arg10[%add3A_71, %dma_start3A_77] : memref<40x128xi32, #tpu.memory_space<vmem>> -> memref<1x128xi32, #tpu.memory_space<vmem>>
        %dma_start3A_79 = tpu.memref_squeeze %dma_start3A_78 : memref<1x128xi32, #tpu.memory_space<vmem>> -> memref<128xi32, #tpu.memory_space<vmem>>
        %dma_start3A_80 = arith.constant 0 : i32
        %dma_start3A_81 = arith.constant 0 : i32
        %dma_start3A_82 = tpu.memref_slice %arg11[%dma_start3A_80, %dma_start3A_81] : memref<10240x128xf32, #tpu.memory_space<vmem_shared>> -> memref<10240x128xf32, #tpu.memory_space<vmem_shared>>
        tpu.enqueue_indirect_dma source(%arg8 : memref<128x128xf32, #tpu.memory_space<vmem>>) target(%dma_start3A_82 : memref<10240x128xf32, #tpu.memory_space<vmem_shared>>) offsets(%dma_start3A_79 : memref<128xi32, #tpu.memory_space<vmem>>) semaphore(%run_scoped3A : memref<!tpu.dma_semaphore, #tpu.memory_space<semaphore_mem>>) {add = true}
        %dma_wait3A_83 = arith.constant 0 : i32
        %dma_wait3A_84 = tpu.memref_slice %arg10[%add3A_71, %dma_wait3A_83] : memref<40x128xi32, #tpu.memory_space<vmem>> -> memref<1x128xi32, #tpu.memory_space<vmem>>
        %dma_wait3A_85 = tpu.memref_squeeze %dma_wait3A_84 : memref<1x128xi32, #tpu.memory_space<vmem>> -> memref<128xi32, #tpu.memory_space<vmem>>
        %dma_wait3A_86 = arith.constant 0 : i32
        %dma_wait3A_87 = arith.constant 0 : i32
        %dma_wait3A_88 = tpu.memref_slice %arg11[%dma_wait3A_86, %dma_wait3A_87] : memref<10240x128xf32, #tpu.memory_space<vmem_shared>> -> memref<10240x128xf32, #tpu.memory_space<vmem_shared>>
        tpu.wait_indirect_dma semaphore(%run_scoped3A : memref<!tpu.dma_semaphore, #tpu.memory_space<semaphore_mem>>) src(%arg8 : memref<128x128xf32, #tpu.memory_space<vmem>>) dst(%dma_wait3A_88 : memref<10240x128xf32, #tpu.memory_space<vmem_shared>>)
        tpu.yield
      }) : () -> ()
      %lt3A_72 = arith.constant 19 : i32
      %lt3A_73 = arith.cmpi slt, %add3A_52, %lt3A_72 : i32
      %convert_element_type3A_74 = arith.extui %lt3A_73 : i1 to i32
      %cond3A_75 = arith.constant 0 : i32
      %cond3A_76 = arith.cmpi ne, %convert_element_type3A_74, %cond3A_75 : i32
      scf.if %cond3A_76 {
        %mul3A_77 = arith.constant 2 : i32
        %mul3A_78 = arith.muli %mul3A_77, %add3A_52 : i32
        %add3A_79 = arith.constant 3 : i32
        %add3A_80 = arith.addi %mul3A_78, %add3A_79 : i32
        %mul3A_81 = arith.constant 128 : i32
        %mul3A_82 = arith.muli %add3A_80, %mul3A_81 : i32
        %dma_start3A_83 = tpu.memref_slice %arg9[%mul3A_82] : memref<5120xi32, #tpu.memory_space<vmem>> -> memref<128xi32, #tpu.memory_space<vmem>>
        %dma_start3A_84 = arith.constant 0 : i32
        %dma_start3A_85 = arith.constant 0 : i32
        %dma_start3A_86 = tpu.memref_slice %arg4[%dma_start3A_84, %dma_start3A_85] : memref<10000x128xf32, #tpu.memory_space<hbm>> -> memref<10000x128xf32, #tpu.memory_space<hbm>>
        tpu.enqueue_indirect_dma source(%dma_start3A_86 : memref<10000x128xf32, #tpu.memory_space<hbm>>) target(%arg8 : memref<128x128xf32, #tpu.memory_space<vmem>>) offsets(%dma_start3A_83 : memref<128xi32, #tpu.memory_space<vmem>>) semaphore(%arg13 : memref<!tpu.dma_semaphore, #tpu.memory_space<semaphore_mem>>)
      } else {
      }
    }
    %scan3A_46 = arith.constant 20 : i32
    %barrier3A_47 = arith.constant 0 : index
    tpu.barrier barrier_id(%barrier3A_47)
    "tpu.region"() ({
      %run_scoped3A = tpu.sem_alloc : memref<!tpu.dma_semaphore, #tpu.memory_space<semaphore_mem>>
      %dma_start3A_48 = arith.constant 0 : i32
      %dma_start3A_49 = tpu.memref_slice %arg6[%arg0, %mul3A_2, %dma_start3A_48] : memref<2x10240x128xf32, #tpu.memory_space<hbm>> -> memref<1x640x128xf32, #tpu.memory_space<hbm>>
      %dma_start3A_50 = tpu.memref_squeeze %dma_start3A_49 : memref<1x640x128xf32, #tpu.memory_space<hbm>> -> memref<640x128xf32, #tpu.memory_space<hbm>>
      %dma_start3A_51 = arith.constant 0 : i32
      %dma_start3A_52 = tpu.memref_slice %arg11[%mul3A_2, %dma_start3A_51] : memref<10240x128xf32, #tpu.memory_space<vmem_shared>> -> memref<640x128xf32, #tpu.memory_space<vmem_shared>>
      tpu.enqueue_dma source(%dma_start3A_52 : memref<640x128xf32, #tpu.memory_space<vmem_shared>>) target(%dma_start3A_50 : memref<640x128xf32, #tpu.memory_space<hbm>>) target_semaphore(%run_scoped3A : memref<!tpu.dma_semaphore, #tpu.memory_space<semaphore_mem>>)
      %dma_wait3A = arith.constant 0 : i32
      %dma_wait3A_53 = tpu.memref_slice %arg6[%arg0, %mul3A_2, %dma_wait3A] : memref<2x10240x128xf32, #tpu.memory_space<hbm>> -> memref<1x640x128xf32, #tpu.memory_space<hbm>>
      %dma_wait3A_54 = tpu.memref_squeeze %dma_wait3A_53 : memref<1x640x128xf32, #tpu.memory_space<hbm>> -> memref<640x128xf32, #tpu.memory_space<hbm>>
      %dma_wait3A_55 = arith.constant 0 : i32
      %dma_wait3A_56 = tpu.memref_slice %arg11[%mul3A_2, %dma_wait3A_55] : memref<10240x128xf32, #tpu.memory_space<vmem_shared>> -> memref<640x128xf32, #tpu.memory_space<vmem_shared>>
      tpu.wait_dma2 semaphore(%run_scoped3A : memref<!tpu.dma_semaphore, #tpu.memory_space<semaphore_mem>>) src(%dma_wait3A_56 : memref<640x128xf32, #tpu.memory_space<vmem_shared>>) dst(%dma_wait3A_54 : memref<640x128xf32, #tpu.memory_space<hbm>>)
      tpu.yield
    }) : () -> ()
    return
  }
}

#map = affine_map<(d0, d1) -> (0)>
#map1 = affine_map<(d0, d1) -> (0, 0)>
#map2 = affine_map<(d0, d1) -> (0, 0, 0)>
module attributes {stable_mosaic.version = 14 : i64} {
  func.func @k(%arg0: i32, %arg1: i32, %arg2: memref<327680xi32, #tpu.memory_space<hbm>>, %arg3: memref<2560x128xi32, #tpu.memory_space<hbm>>, %arg4: memref<10000x128xf32, #tpu.memory_space<hbm>>, %arg5: memref<10240x128xf32, #tpu.memory_space<hbm>>, %arg6: memref<2x10240x128xf32, #tpu.memory_space<hbm>>, %arg7: memref<128x128xf32, #tpu.memory_space<vmem>>, %arg8: memref<128x128xf32, #tpu.memory_space<vmem>>, %arg9: memref<5120xi32, #tpu.memory_space<vmem>>, %arg10: memref<40x128xi32, #tpu.memory_space<vmem>>, %arg11: memref<10240x128xf32, #tpu.memory_space<vmem_shared>>, %arg12: memref<!tpu.dma_semaphore, #tpu.memory_space<semaphore_mem>>, %arg13: memref<!tpu.dma_semaphore, #tpu.memory_space<semaphore_mem>>) attributes {dimension_semantics = [#tpu.dimension_semantics<core_parallel>, #tpu.dimension_semantics<subcore_parallel>], iteration_bounds = array<i64: 2, 16>, scalar_prefetch = 0 : i64, scratch_operands = 7 : i64, tpu.core_type = #tpu.core_type<sc_vector_subcore>, window_params = [{transform_indices = #map}, {transform_indices = #map1}, {transform_indices = #map1}, {transform_indices = #map1}, {transform_indices = #map2}]} {
    %mul3A = arith.constant 2 : i32
    %mul3A_0 = arith.muli %arg1, %mul3A : i32
    %add3A = arith.addi %mul3A_0, %arg0 : i32
    %mul3A_1 = arith.constant 640 : i32
    %mul3A_2 = arith.muli %arg1, %mul3A_1 : i32
    "tpu.region"() ({
      %run_scoped3A = tpu.sem_alloc : memref<!tpu.dma_semaphore, #tpu.memory_space<semaphore_mem>>
      %dma_start3A_48 = arith.constant 0 : i32
      %dma_start3A_49 = tpu.memref_slice %arg11[%mul3A_2, %dma_start3A_48] : memref<10240x128xf32, #tpu.memory_space<vmem_shared>> -> memref<640x128xf32, #tpu.memory_space<vmem_shared>>
      %dma_start3A_50 = arith.constant 0 : i32
      %dma_start3A_51 = tpu.memref_slice %arg5[%mul3A_2, %dma_start3A_50] : memref<10240x128xf32, #tpu.memory_space<hbm>> -> memref<640x128xf32, #tpu.memory_space<hbm>>
      tpu.enqueue_dma source(%dma_start3A_51 : memref<640x128xf32, #tpu.memory_space<hbm>>) target(%dma_start3A_49 : memref<640x128xf32, #tpu.memory_space<vmem_shared>>) target_semaphore(%run_scoped3A : memref<!tpu.dma_semaphore, #tpu.memory_space<semaphore_mem>>)
      %dma_wait3A = arith.constant 0 : i32
      %dma_wait3A_52 = tpu.memref_slice %arg11[%mul3A_2, %dma_wait3A] : memref<10240x128xf32, #tpu.memory_space<vmem_shared>> -> memref<640x128xf32, #tpu.memory_space<vmem_shared>>
      %dma_wait3A_53 = arith.constant 0 : i32
      %dma_wait3A_54 = tpu.memref_slice %arg5[%mul3A_2, %dma_wait3A_53] : memref<10240x128xf32, #tpu.memory_space<hbm>> -> memref<640x128xf32, #tpu.memory_space<hbm>>
      tpu.wait_dma2 semaphore(%run_scoped3A : memref<!tpu.dma_semaphore, #tpu.memory_space<semaphore_mem>>) src(%dma_wait3A_54 : memref<640x128xf32, #tpu.memory_space<hbm>>) dst(%dma_wait3A_52 : memref<640x128xf32, #tpu.memory_space<vmem_shared>>)
      tpu.yield
    }) : () -> ()
    %barrier3A = arith.constant 0 : index
    tpu.barrier barrier_id(%barrier3A)
    %mul3A_3 = arith.constant 10240 : i32
    %mul3A_4 = arith.muli %add3A, %mul3A_3 : i32
    %add3A_5 = arith.constant 0 : i32
    %add3A_6 = arith.addi %mul3A_4, %add3A_5 : i32
    "tpu.region"() ({
      %run_scoped3A = tpu.sem_alloc : memref<!tpu.dma_semaphore, #tpu.memory_space<semaphore_mem>>
      %dma_start3A_48 = tpu.memref_slice %arg2[%add3A_6] : memref<327680xi32, #tpu.memory_space<hbm>> -> memref<5120xi32, #tpu.memory_space<hbm>>
      %dma_start3A_49 = tpu.memref_slice %arg2[%add3A_6] : memref<327680xi32, #tpu.memory_space<hbm>> -> memref<5120xi32, #tpu.memory_space<hbm>>
      tpu.enqueue_dma source(%dma_start3A_49 : memref<5120xi32, #tpu.memory_space<hbm>>) target(%arg9 : memref<5120xi32, #tpu.memory_space<vmem>>) target_semaphore(%run_scoped3A : memref<!tpu.dma_semaphore, #tpu.memory_space<semaphore_mem>>)
      %dma_wait3A = tpu.memref_slice %arg2[%add3A_6] : memref<327680xi32, #tpu.memory_space<hbm>> -> memref<5120xi32, #tpu.memory_space<hbm>>
      %dma_wait3A_50 = tpu.memref_slice %arg2[%add3A_6] : memref<327680xi32, #tpu.memory_space<hbm>> -> memref<5120xi32, #tpu.memory_space<hbm>>
      tpu.wait_dma2 semaphore(%run_scoped3A : memref<!tpu.dma_semaphore, #tpu.memory_space<semaphore_mem>>) src(%dma_wait3A_50 : memref<5120xi32, #tpu.memory_space<hbm>>) dst(%arg9 : memref<5120xi32, #tpu.memory_space<vmem>>)
      tpu.yield
    }) : () -> ()
    %mul3A_7 = arith.constant 80 : i32
    %mul3A_8 = arith.muli %add3A, %mul3A_7 : i32
    %add3A_9 = arith.constant 0 : i32
    %add3A_10 = arith.addi %mul3A_8, %add3A_9 : i32
    "tpu.region"() ({
      %run_scoped3A = tpu.sem_alloc : memref<!tpu.dma_semaphore, #tpu.memory_space<semaphore_mem>>
      %dma_start3A_48 = arith.constant 0 : i32
      %dma_start3A_49 = tpu.memref_slice %arg3[%add3A_10, %dma_start3A_48] : memref<2560x128xi32, #tpu.memory_space<hbm>> -> memref<40x128xi32, #tpu.memory_space<hbm>>
      %dma_start3A_50 = arith.constant 0 : i32
      %dma_start3A_51 = tpu.memref_slice %arg3[%add3A_10, %dma_start3A_50] : memref<2560x128xi32, #tpu.memory_space<hbm>> -> memref<40x128xi32, #tpu.memory_space<hbm>>
      tpu.enqueue_dma source(%dma_start3A_51 : memref<40x128xi32, #tpu.memory_space<hbm>>) target(%arg10 : memref<40x128xi32, #tpu.memory_space<vmem>>) target_semaphore(%run_scoped3A : memref<!tpu.dma_semaphore, #tpu.memory_space<semaphore_mem>>)
      %dma_wait3A = arith.constant 0 : i32
      %dma_wait3A_52 = tpu.memref_slice %arg3[%add3A_10, %dma_wait3A] : memref<2560x128xi32, #tpu.memory_space<hbm>> -> memref<40x128xi32, #tpu.memory_space<hbm>>
      %dma_wait3A_53 = arith.constant 0 : i32
      %dma_wait3A_54 = tpu.memref_slice %arg3[%add3A_10, %dma_wait3A_53] : memref<2560x128xi32, #tpu.memory_space<hbm>> -> memref<40x128xi32, #tpu.memory_space<hbm>>
      tpu.wait_dma2 semaphore(%run_scoped3A : memref<!tpu.dma_semaphore, #tpu.memory_space<semaphore_mem>>) src(%dma_wait3A_54 : memref<40x128xi32, #tpu.memory_space<hbm>>) dst(%arg10 : memref<40x128xi32, #tpu.memory_space<vmem>>)
      tpu.yield
    }) : () -> ()
    %dma_start3A = arith.constant 0 : i32
    %dma_start3A_11 = tpu.memref_slice %arg9[%dma_start3A] : memref<5120xi32, #tpu.memory_space<vmem>> -> memref<128xi32, #tpu.memory_space<vmem>>
    %dma_start3A_12 = arith.constant 0 : i32
    %dma_start3A_13 = arith.constant 0 : i32
    %dma_start3A_14 = tpu.memref_slice %arg4[%dma_start3A_12, %dma_start3A_13] : memref<10000x128xf32, #tpu.memory_space<hbm>> -> memref<10000x128xf32, #tpu.memory_space<hbm>>
    tpu.enqueue_indirect_dma source(%dma_start3A_14 : memref<10000x128xf32, #tpu.memory_space<hbm>>) target(%arg7 : memref<128x128xf32, #tpu.memory_space<vmem>>) offsets(%dma_start3A_11 : memref<128xi32, #tpu.memory_space<vmem>>) semaphore(%arg12 : memref<!tpu.dma_semaphore, #tpu.memory_space<semaphore_mem>>)
    %dma_start3A_15 = arith.constant 128 : i32
    %dma_start3A_16 = tpu.memref_slice %arg9[%dma_start3A_15] : memref<5120xi32, #tpu.memory_space<vmem>> -> memref<128xi32, #tpu.memory_space<vmem>>
    %dma_start3A_17 = arith.constant 0 : i32
    %dma_start3A_18 = arith.constant 0 : i32
    %dma_start3A_19 = tpu.memref_slice %arg4[%dma_start3A_17, %dma_start3A_18] : memref<10000x128xf32, #tpu.memory_space<hbm>> -> memref<10000x128xf32, #tpu.memory_space<hbm>>
    tpu.enqueue_indirect_dma source(%dma_start3A_19 : memref<10000x128xf32, #tpu.memory_space<hbm>>) target(%arg8 : memref<128x128xf32, #tpu.memory_space<vmem>>) offsets(%dma_start3A_16 : memref<128xi32, #tpu.memory_space<vmem>>) semaphore(%arg13 : memref<!tpu.dma_semaphore, #tpu.memory_space<semaphore_mem>>)
    %scan3A = arith.constant 0 : i32
    %scan3A_20 = arith.constant 20 : i32
    %scan3A_21 = arith.addi %scan3A, %scan3A_20 : i32
    %scan3A_22 = arith.constant 1 : i32
    scf.for %scan3A_48 = %scan3A to %scan3A_21 step %scan3A_22  : i32 {
      %mul3A_49 = arith.constant 1 : i32
      %mul3A_50 = arith.muli %scan3A_48, %mul3A_49 : i32
      %add3A_51 = arith.constant 0 : i32
      %add3A_52 = arith.addi %add3A_51, %mul3A_50 : i32
      %dma_wait3A = arith.constant 0 : i32
      %dma_wait3A_53 = arith.constant 0 : i32
      %dma_wait3A_54 = tpu.memref_slice %arg4[%dma_wait3A, %dma_wait3A_53] : memref<10000x128xf32, #tpu.memory_space<hbm>> -> memref<128x128xf32, #tpu.memory_space<hbm>>
      %dma_wait3A_55 = arith.constant 0 : i32
      %dma_wait3A_56 = arith.constant 0 : i32
      %dma_wait3A_57 = tpu.memref_slice %arg4[%dma_wait3A_55, %dma_wait3A_56] : memref<10000x128xf32, #tpu.memory_space<hbm>> -> memref<128x128xf32, #tpu.memory_space<hbm>>
      tpu.wait_dma2 semaphore(%arg12 : memref<!tpu.dma_semaphore, #tpu.memory_space<semaphore_mem>>) src(%dma_wait3A_57 : memref<128x128xf32, #tpu.memory_space<hbm>>) dst(%arg7 : memref<128x128xf32, #tpu.memory_space<vmem>>)
      %mul3A_58 = arith.constant 2 : i32
      %mul3A_59 = arith.muli %mul3A_58, %add3A_52 : i32
      "tpu.region"() ({
        %run_scoped3A = tpu.sem_alloc : memref<!tpu.dma_semaphore, #tpu.memory_space<semaphore_mem>>
        %dma_start3A_77 = arith.constant 0 : i32
        %dma_start3A_78 = tpu.memref_slice %arg10[%mul3A_59, %dma_start3A_77] : memref<40x128xi32, #tpu.memory_space<vmem>> -> memref<1x128xi32, #tpu.memory_space<vmem>>
        %dma_start3A_79 = tpu.memref_squeeze %dma_start3A_78 : memref<1x128xi32, #tpu.memory_space<vmem>> -> memref<128xi32, #tpu.memory_space<vmem>>
        %dma_start3A_80 = arith.constant 0 : i32
        %dma_start3A_81 = arith.constant 0 : i32
        %dma_start3A_82 = tpu.memref_slice %arg11[%dma_start3A_80, %dma_start3A_81] : memref<10240x128xf32, #tpu.memory_space<vmem_shared>> -> memref<10240x128xf32, #tpu.memory_space<vmem_shared>>
        tpu.enqueue_indirect_dma source(%arg7 : memref<128x128xf32, #tpu.memory_space<vmem>>) target(%dma_start3A_82 : memref<10240x128xf32, #tpu.memory_space<vmem_shared>>) offsets(%dma_start3A_79 : memref<128xi32, #tpu.memory_space<vmem>>) semaphore(%run_scoped3A : memref<!tpu.dma_semaphore, #tpu.memory_space<semaphore_mem>>) {add = true}
        %dma_wait3A_83 = arith.constant 0 : i32
        %dma_wait3A_84 = tpu.memref_slice %arg10[%mul3A_59, %dma_wait3A_83] : memref<40x128xi32, #tpu.memory_space<vmem>> -> memref<1x128xi32, #tpu.memory_space<vmem>>
        %dma_wait3A_85 = tpu.memref_squeeze %dma_wait3A_84 : memref<1x128xi32, #tpu.memory_space<vmem>> -> memref<128xi32, #tpu.memory_space<vmem>>
        %dma_wait3A_86 = arith.constant 0 : i32
        %dma_wait3A_87 = arith.constant 0 : i32
        %dma_wait3A_88 = tpu.memref_slice %arg11[%dma_wait3A_86, %dma_wait3A_87] : memref<10240x128xf32, #tpu.memory_space<vmem_shared>> -> memref<10240x128xf32, #tpu.memory_space<vmem_shared>>
        tpu.wait_indirect_dma semaphore(%run_scoped3A : memref<!tpu.dma_semaphore, #tpu.memory_space<semaphore_mem>>) src(%arg7 : memref<128x128xf32, #tpu.memory_space<vmem>>) dst(%dma_wait3A_88 : memref<10240x128xf32, #tpu.memory_space<vmem_shared>>)
        tpu.yield
      }) : () -> ()
      %lt3A = arith.constant 19 : i32
      %lt3A_60 = arith.cmpi slt, %add3A_52, %lt3A : i32
      %convert_element_type3A = arith.extui %lt3A_60 : i1 to i32
      %cond3A = arith.constant 0 : i32
      %cond3A_61 = arith.cmpi ne, %convert_element_type3A, %cond3A : i32
      scf.if %cond3A_61 {
        %mul3A_77 = arith.constant 2 : i32
        %mul3A_78 = arith.muli %mul3A_77, %add3A_52 : i32
        %add3A_79 = arith.constant 2 : i32
        %add3A_80 = arith.addi %mul3A_78, %add3A_79 : i32
        %mul3A_81 = arith.constant 128 : i32
        %mul3A_82 = arith.muli %add3A_80, %mul3A_81 : i32
        %dma_start3A_83 = tpu.memref_slice %arg9[%mul3A_82] : memref<5120xi32, #tpu.memory_space<vmem>> -> memref<128xi32, #tpu.memory_space<vmem>>
        %dma_start3A_84 = arith.constant 0 : i32
        %dma_start3A_85 = arith.constant 0 : i32
        %dma_start3A_86 = tpu.memref_slice %arg4[%dma_start3A_84, %dma_start3A_85] : memref<10000x128xf32, #tpu.memory_space<hbm>> -> memref<10000x128xf32, #tpu.memory_space<hbm>>
        tpu.enqueue_indirect_dma source(%dma_start3A_86 : memref<10000x128xf32, #tpu.memory_space<hbm>>) target(%arg7 : memref<128x128xf32, #tpu.memory_space<vmem>>) offsets(%dma_start3A_83 : memref<128xi32, #tpu.memory_space<vmem>>) semaphore(%arg12 : memref<!tpu.dma_semaphore, #tpu.memory_space<semaphore_mem>>)
      } else {
      }
      %dma_wait3A_62 = arith.constant 0 : i32
      %dma_wait3A_63 = arith.constant 0 : i32
      %dma_wait3A_64 = tpu.memref_slice %arg4[%dma_wait3A_62, %dma_wait3A_63] : memref<10000x128xf32, #tpu.memory_space<hbm>> -> memref<128x128xf32, #tpu.memory_space<hbm>>
      %dma_wait3A_65 = arith.constant 0 : i32
      %dma_wait3A_66 = arith.constant 0 : i32
      %dma_wait3A_67 = tpu.memref_slice %arg4[%dma_wait3A_65, %dma_wait3A_66] : memref<10000x128xf32, #tpu.memory_space<hbm>> -> memref<128x128xf32, #tpu.memory_space<hbm>>
      tpu.wait_dma2 semaphore(%arg13 : memref<!tpu.dma_semaphore, #tpu.memory_space<semaphore_mem>>) src(%dma_wait3A_67 : memref<128x128xf32, #tpu.memory_space<hbm>>) dst(%arg8 : memref<128x128xf32, #tpu.memory_space<vmem>>)
      %mul3A_68 = arith.constant 2 : i32
      %mul3A_69 = arith.muli %mul3A_68, %add3A_52 : i32
      %add3A_70 = arith.constant 1 : i32
      %add3A_71 = arith.addi %mul3A_69, %add3A_70 : i32
      "tpu.region"() ({
        %run_scoped3A = tpu.sem_alloc : memref<!tpu.dma_semaphore, #tpu.memory_space<semaphore_mem>>
        %dma_start3A_77 = arith.constant 0 : i32
        %dma_start3A_78 = tpu.memref_slice %arg10[%add3A_71, %dma_start3A_77] : memref<40x128xi32, #tpu.memory_space<vmem>> -> memref<1x128xi32, #tpu.memory_space<vmem>>
        %dma_start3A_79 = tpu.memref_squeeze %dma_start3A_78 : memref<1x128xi32, #tpu.memory_space<vmem>> -> memref<128xi32, #tpu.memory_space<vmem>>
        %dma_start3A_80 = arith.constant 0 : i32
        %dma_start3A_81 = arith.constant 0 : i32
        %dma_start3A_82 = tpu.memref_slice %arg11[%dma_start3A_80, %dma_start3A_81] : memref<10240x128xf32, #tpu.memory_space<vmem_shared>> -> memref<10240x128xf32, #tpu.memory_space<vmem_shared>>
        tpu.enqueue_indirect_dma source(%arg8 : memref<128x128xf32, #tpu.memory_space<vmem>>) target(%dma_start3A_82 : memref<10240x128xf32, #tpu.memory_space<vmem_shared>>) offsets(%dma_start3A_79 : memref<128xi32, #tpu.memory_space<vmem>>) semaphore(%run_scoped3A : memref<!tpu.dma_semaphore, #tpu.memory_space<semaphore_mem>>) {add = true}
        %dma_wait3A_83 = arith.constant 0 : i32
        %dma_wait3A_84 = tpu.memref_slice %arg10[%add3A_71, %dma_wait3A_83] : memref<40x128xi32, #tpu.memory_space<vmem>> -> memref<1x128xi32, #tpu.memory_space<vmem>>
        %dma_wait3A_85 = tpu.memref_squeeze %dma_wait3A_84 : memref<1x128xi32, #tpu.memory_space<vmem>> -> memref<128xi32, #tpu.memory_space<vmem>>
        %dma_wait3A_86 = arith.constant 0 : i32
        %dma_wait3A_87 = arith.constant 0 : i32
        %dma_wait3A_88 = tpu.memref_slice %arg11[%dma_wait3A_86, %dma_wait3A_87] : memref<10240x128xf32, #tpu.memory_space<vmem_shared>> -> memref<10240x128xf32, #tpu.memory_space<vmem_shared>>
        tpu.wait_indirect_dma semaphore(%run_scoped3A : memref<!tpu.dma_semaphore, #tpu.memory_space<semaphore_mem>>) src(%arg8 : memref<128x128xf32, #tpu.memory_space<vmem>>) dst(%dma_wait3A_88 : memref<10240x128xf32, #tpu.memory_space<vmem_shared>>)
        tpu.yield
      }) : () -> ()
      %lt3A_72 = arith.constant 19 : i32
      %lt3A_73 = arith.cmpi slt, %add3A_52, %lt3A_72 : i32
      %convert_element_type3A_74 = arith.extui %lt3A_73 : i1 to i32
      %cond3A_75 = arith.constant 0 : i32
      %cond3A_76 = arith.cmpi ne, %convert_element_type3A_74, %cond3A_75 : i32
      scf.if %cond3A_76 {
        %mul3A_77 = arith.constant 2 : i32
        %mul3A_78 = arith.muli %mul3A_77, %add3A_52 : i32
        %add3A_79 = arith.constant 3 : i32
        %add3A_80 = arith.addi %mul3A_78, %add3A_79 : i32
        %mul3A_81 = arith.constant 128 : i32
        %mul3A_82 = arith.muli %add3A_80, %mul3A_81 : i32
        %dma_start3A_83 = tpu.memref_slice %arg9[%mul3A_82] : memref<5120xi32, #tpu.memory_space<vmem>> -> memref<128xi32, #tpu.memory_space<vmem>>
        %dma_start3A_84 = arith.constant 0 : i32
        %dma_start3A_85 = arith.constant 0 : i32
        %dma_start3A_86 = tpu.memref_slice %arg4[%dma_start3A_84, %dma_start3A_85] : memref<10000x128xf32, #tpu.memory_space<hbm>> -> memref<10000x128xf32, #tpu.memory_space<hbm>>
        tpu.enqueue_indirect_dma source(%dma_start3A_86 : memref<10000x128xf32, #tpu.memory_space<hbm>>) target(%arg8 : memref<128x128xf32, #tpu.memory_space<vmem>>) offsets(%dma_start3A_83 : memref<128xi32, #tpu.memory_space<vmem>>) semaphore(%arg13 : memref<!tpu.dma_semaphore, #tpu.memory_space<semaphore_mem>>)
      } else {
      }
    }
    %scan3A_23 = arith.constant 20 : i32
    %mul3A_24 = arith.constant 10240 : i32
    %mul3A_25 = arith.muli %add3A, %mul3A_24 : i32
    %add3A_26 = arith.constant 5120 : i32
    %add3A_27 = arith.addi %mul3A_25, %add3A_26 : i32
    "tpu.region"() ({
      %run_scoped3A = tpu.sem_alloc : memref<!tpu.dma_semaphore, #tpu.memory_space<semaphore_mem>>
      %dma_start3A_48 = tpu.memref_slice %arg2[%add3A_27] : memref<327680xi32, #tpu.memory_space<hbm>> -> memref<5120xi32, #tpu.memory_space<hbm>>
      %dma_start3A_49 = tpu.memref_slice %arg2[%add3A_27] : memref<327680xi32, #tpu.memory_space<hbm>> -> memref<5120xi32, #tpu.memory_space<hbm>>
      tpu.enqueue_dma source(%dma_start3A_49 : memref<5120xi32, #tpu.memory_space<hbm>>) target(%arg9 : memref<5120xi32, #tpu.memory_space<vmem>>) target_semaphore(%run_scoped3A : memref<!tpu.dma_semaphore, #tpu.memory_space<semaphore_mem>>)
      %dma_wait3A = tpu.memref_slice %arg2[%add3A_27] : memref<327680xi32, #tpu.memory_space<hbm>> -> memref<5120xi32, #tpu.memory_space<hbm>>
      %dma_wait3A_50 = tpu.memref_slice %arg2[%add3A_27] : memref<327680xi32, #tpu.memory_space<hbm>> -> memref<5120xi32, #tpu.memory_space<hbm>>
      tpu.wait_dma2 semaphore(%run_scoped3A : memref<!tpu.dma_semaphore, #tpu.memory_space<semaphore_mem>>) src(%dma_wait3A_50 : memref<5120xi32, #tpu.memory_space<hbm>>) dst(%arg9 : memref<5120xi32, #tpu.memory_space<vmem>>)
      tpu.yield
    }) : () -> ()
    %mul3A_28 = arith.constant 80 : i32
    %mul3A_29 = arith.muli %add3A, %mul3A_28 : i32
    %add3A_30 = arith.constant 40 : i32
    %add3A_31 = arith.addi %mul3A_29, %add3A_30 : i32
    "tpu.region"() ({
      %run_scoped3A = tpu.sem_alloc : memref<!tpu.dma_semaphore, #tpu.memory_space<semaphore_mem>>
      %dma_start3A_48 = arith.constant 0 : i32
      %dma_start3A_49 = tpu.memref_slice %arg3[%add3A_31, %dma_start3A_48] : memref<2560x128xi32, #tpu.memory_space<hbm>> -> memref<40x128xi32, #tpu.memory_space<hbm>>
      %dma_start3A_50 = arith.constant 0 : i32
      %dma_start3A_51 = tpu.memref_slice %arg3[%add3A_31, %dma_start3A_50] : memref<2560x128xi32, #tpu.memory_space<hbm>> -> memref<40x128xi32, #tpu.memory_space<hbm>>
      tpu.enqueue_dma source(%dma_start3A_51 : memref<40x128xi32, #tpu.memory_space<hbm>>) target(%arg10 : memref<40x128xi32, #tpu.memory_space<vmem>>) target_semaphore(%run_scoped3A : memref<!tpu.dma_semaphore, #tpu.memory_space<semaphore_mem>>)
      %dma_wait3A = arith.constant 0 : i32
      %dma_wait3A_52 = tpu.memref_slice %arg3[%add3A_31, %dma_wait3A] : memref<2560x128xi32, #tpu.memory_space<hbm>> -> memref<40x128xi32, #tpu.memory_space<hbm>>
      %dma_wait3A_53 = arith.constant 0 : i32
      %dma_wait3A_54 = tpu.memref_slice %arg3[%add3A_31, %dma_wait3A_53] : memref<2560x128xi32, #tpu.memory_space<hbm>> -> memref<40x128xi32, #tpu.memory_space<hbm>>
      tpu.wait_dma2 semaphore(%run_scoped3A : memref<!tpu.dma_semaphore, #tpu.memory_space<semaphore_mem>>) src(%dma_wait3A_54 : memref<40x128xi32, #tpu.memory_space<hbm>>) dst(%arg10 : memref<40x128xi32, #tpu.memory_space<vmem>>)
      tpu.yield
    }) : () -> ()
    %dma_start3A_32 = arith.constant 0 : i32
    %dma_start3A_33 = tpu.memref_slice %arg9[%dma_start3A_32] : memref<5120xi32, #tpu.memory_space<vmem>> -> memref<128xi32, #tpu.memory_space<vmem>>
    %dma_start3A_34 = arith.constant 0 : i32
    %dma_start3A_35 = arith.constant 0 : i32
    %dma_start3A_36 = tpu.memref_slice %arg4[%dma_start3A_34, %dma_start3A_35] : memref<10000x128xf32, #tpu.memory_space<hbm>> -> memref<10000x128xf32, #tpu.memory_space<hbm>>
    tpu.enqueue_indirect_dma source(%dma_start3A_36 : memref<10000x128xf32, #tpu.memory_space<hbm>>) target(%arg7 : memref<128x128xf32, #tpu.memory_space<vmem>>) offsets(%dma_start3A_33 : memref<128xi32, #tpu.memory_space<vmem>>) semaphore(%arg12 : memref<!tpu.dma_semaphore, #tpu.memory_space<semaphore_mem>>)
    %dma_start3A_37 = arith.constant 128 : i32
    %dma_start3A_38 = tpu.memref_slice %arg9[%dma_start3A_37] : memref<5120xi32, #tpu.memory_space<vmem>> -> memref<128xi32, #tpu.memory_space<vmem>>
    %dma_start3A_39 = arith.constant 0 : i32
    %dma_start3A_40 = arith.constant 0 : i32
    %dma_start3A_41 = tpu.memref_slice %arg4[%dma_start3A_39, %dma_start3A_40] : memref<10000x128xf32, #tpu.memory_space<hbm>> -> memref<10000x128xf32, #tpu.memory_space<hbm>>
    tpu.enqueue_indirect_dma source(%dma_start3A_41 : memref<10000x128xf32, #tpu.memory_space<hbm>>) target(%arg8 : memref<128x128xf32, #tpu.memory_space<vmem>>) offsets(%dma_start3A_38 : memref<128xi32, #tpu.memory_space<vmem>>) semaphore(%arg13 : memref<!tpu.dma_semaphore, #tpu.memory_space<semaphore_mem>>)
    %scan3A_42 = arith.constant 0 : i32
    %scan3A_43 = arith.constant 20 : i32
    %scan3A_44 = arith.addi %scan3A_42, %scan3A_43 : i32
    %scan3A_45 = arith.constant 1 : i32
    scf.for %scan3A_48 = %scan3A_42 to %scan3A_44 step %scan3A_45  : i32 {
      %mul3A_49 = arith.constant 1 : i32
      %mul3A_50 = arith.muli %scan3A_48, %mul3A_49 : i32
      %add3A_51 = arith.constant 0 : i32
      %add3A_52 = arith.addi %add3A_51, %mul3A_50 : i32
      %dma_wait3A = arith.constant 0 : i32
      %dma_wait3A_53 = arith.constant 0 : i32
      %dma_wait3A_54 = tpu.memref_slice %arg4[%dma_wait3A, %dma_wait3A_53] : memref<10000x128xf32, #tpu.memory_space<hbm>> -> memref<128x128xf32, #tpu.memory_space<hbm>>
      %dma_wait3A_55 = arith.constant 0 : i32
      %dma_wait3A_56 = arith.constant 0 : i32
      %dma_wait3A_57 = tpu.memref_slice %arg4[%dma_wait3A_55, %dma_wait3A_56] : memref<10000x128xf32, #tpu.memory_space<hbm>> -> memref<128x128xf32, #tpu.memory_space<hbm>>
      tpu.wait_dma2 semaphore(%arg12 : memref<!tpu.dma_semaphore, #tpu.memory_space<semaphore_mem>>) src(%dma_wait3A_57 : memref<128x128xf32, #tpu.memory_space<hbm>>) dst(%arg7 : memref<128x128xf32, #tpu.memory_space<vmem>>)
      %mul3A_58 = arith.constant 2 : i32
      %mul3A_59 = arith.muli %mul3A_58, %add3A_52 : i32
      "tpu.region"() ({
        %run_scoped3A = tpu.sem_alloc : memref<!tpu.dma_semaphore, #tpu.memory_space<semaphore_mem>>
        %dma_start3A_77 = arith.constant 0 : i32
        %dma_start3A_78 = tpu.memref_slice %arg10[%mul3A_59, %dma_start3A_77] : memref<40x128xi32, #tpu.memory_space<vmem>> -> memref<1x128xi32, #tpu.memory_space<vmem>>
        %dma_start3A_79 = tpu.memref_squeeze %dma_start3A_78 : memref<1x128xi32, #tpu.memory_space<vmem>> -> memref<128xi32, #tpu.memory_space<vmem>>
        %dma_start3A_80 = arith.constant 0 : i32
        %dma_start3A_81 = arith.constant 0 : i32
        %dma_start3A_82 = tpu.memref_slice %arg11[%dma_start3A_80, %dma_start3A_81] : memref<10240x128xf32, #tpu.memory_space<vmem_shared>> -> memref<10240x128xf32, #tpu.memory_space<vmem_shared>>
        tpu.enqueue_indirect_dma source(%arg7 : memref<128x128xf32, #tpu.memory_space<vmem>>) target(%dma_start3A_82 : memref<10240x128xf32, #tpu.memory_space<vmem_shared>>) offsets(%dma_start3A_79 : memref<128xi32, #tpu.memory_space<vmem>>) semaphore(%run_scoped3A : memref<!tpu.dma_semaphore, #tpu.memory_space<semaphore_mem>>) {add = true}
        %dma_wait3A_83 = arith.constant 0 : i32
        %dma_wait3A_84 = tpu.memref_slice %arg10[%mul3A_59, %dma_wait3A_83] : memref<40x128xi32, #tpu.memory_space<vmem>> -> memref<1x128xi32, #tpu.memory_space<vmem>>
        %dma_wait3A_85 = tpu.memref_squeeze %dma_wait3A_84 : memref<1x128xi32, #tpu.memory_space<vmem>> -> memref<128xi32, #tpu.memory_space<vmem>>
        %dma_wait3A_86 = arith.constant 0 : i32
        %dma_wait3A_87 = arith.constant 0 : i32
        %dma_wait3A_88 = tpu.memref_slice %arg11[%dma_wait3A_86, %dma_wait3A_87] : memref<10240x128xf32, #tpu.memory_space<vmem_shared>> -> memref<10240x128xf32, #tpu.memory_space<vmem_shared>>
        tpu.wait_indirect_dma semaphore(%run_scoped3A : memref<!tpu.dma_semaphore, #tpu.memory_space<semaphore_mem>>) src(%arg7 : memref<128x128xf32, #tpu.memory_space<vmem>>) dst(%dma_wait3A_88 : memref<10240x128xf32, #tpu.memory_space<vmem_shared>>)
        tpu.yield
      }) : () -> ()
      %lt3A = arith.constant 19 : i32
      %lt3A_60 = arith.cmpi slt, %add3A_52, %lt3A : i32
      %convert_element_type3A = arith.extui %lt3A_60 : i1 to i32
      %cond3A = arith.constant 0 : i32
      %cond3A_61 = arith.cmpi ne, %convert_element_type3A, %cond3A : i32
      scf.if %cond3A_61 {
        %mul3A_77 = arith.constant 2 : i32
        %mul3A_78 = arith.muli %mul3A_77, %add3A_52 : i32
        %add3A_79 = arith.constant 2 : i32
        %add3A_80 = arith.addi %mul3A_78, %add3A_79 : i32
        %mul3A_81 = arith.constant 128 : i32
        %mul3A_82 = arith.muli %add3A_80, %mul3A_81 : i32
        %dma_start3A_83 = tpu.memref_slice %arg9[%mul3A_82] : memref<5120xi32, #tpu.memory_space<vmem>> -> memref<128xi32, #tpu.memory_space<vmem>>
        %dma_start3A_84 = arith.constant 0 : i32
        %dma_start3A_85 = arith.constant 0 : i32
        %dma_start3A_86 = tpu.memref_slice %arg4[%dma_start3A_84, %dma_start3A_85] : memref<10000x128xf32, #tpu.memory_space<hbm>> -> memref<10000x128xf32, #tpu.memory_space<hbm>>
        tpu.enqueue_indirect_dma source(%dma_start3A_86 : memref<10000x128xf32, #tpu.memory_space<hbm>>) target(%arg7 : memref<128x128xf32, #tpu.memory_space<vmem>>) offsets(%dma_start3A_83 : memref<128xi32, #tpu.memory_space<vmem>>) semaphore(%arg12 : memref<!tpu.dma_semaphore, #tpu.memory_space<semaphore_mem>>)
      } else {
      }
      %dma_wait3A_62 = arith.constant 0 : i32
      %dma_wait3A_63 = arith.constant 0 : i32
      %dma_wait3A_64 = tpu.memref_slice %arg4[%dma_wait3A_62, %dma_wait3A_63] : memref<10000x128xf32, #tpu.memory_space<hbm>> -> memref<128x128xf32, #tpu.memory_space<hbm>>
      %dma_wait3A_65 = arith.constant 0 : i32
      %dma_wait3A_66 = arith.constant 0 : i32
      %dma_wait3A_67 = tpu.memref_slice %arg4[%dma_wait3A_65, %dma_wait3A_66] : memref<10000x128xf32, #tpu.memory_space<hbm>> -> memref<128x128xf32, #tpu.memory_space<hbm>>
      tpu.wait_dma2 semaphore(%arg13 : memref<!tpu.dma_semaphore, #tpu.memory_space<semaphore_mem>>) src(%dma_wait3A_67 : memref<128x128xf32, #tpu.memory_space<hbm>>) dst(%arg8 : memref<128x128xf32, #tpu.memory_space<vmem>>)
      %mul3A_68 = arith.constant 2 : i32
      %mul3A_69 = arith.muli %mul3A_68, %add3A_52 : i32
      %add3A_70 = arith.constant 1 : i32
      %add3A_71 = arith.addi %mul3A_69, %add3A_70 : i32
      "tpu.region"() ({
        %run_scoped3A = tpu.sem_alloc : memref<!tpu.dma_semaphore, #tpu.memory_space<semaphore_mem>>
        %dma_start3A_77 = arith.constant 0 : i32
        %dma_start3A_78 = tpu.memref_slice %arg10[%add3A_71, %dma_start3A_77] : memref<40x128xi32, #tpu.memory_space<vmem>> -> memref<1x128xi32, #tpu.memory_space<vmem>>
        %dma_start3A_79 = tpu.memref_squeeze %dma_start3A_78 : memref<1x128xi32, #tpu.memory_space<vmem>> -> memref<128xi32, #tpu.memory_space<vmem>>
        %dma_start3A_80 = arith.constant 0 : i32
        %dma_start3A_81 = arith.constant 0 : i32
        %dma_start3A_82 = tpu.memref_slice %arg11[%dma_start3A_80, %dma_start3A_81] : memref<10240x128xf32, #tpu.memory_space<vmem_shared>> -> memref<10240x128xf32, #tpu.memory_space<vmem_shared>>
        tpu.enqueue_indirect_dma source(%arg8 : memref<128x128xf32, #tpu.memory_space<vmem>>) target(%dma_start3A_82 : memref<10240x128xf32, #tpu.memory_space<vmem_shared>>) offsets(%dma_start3A_79 : memref<128xi32, #tpu.memory_space<vmem>>) semaphore(%run_scoped3A : memref<!tpu.dma_semaphore, #tpu.memory_space<semaphore_mem>>) {add = true}
        %dma_wait3A_83 = arith.constant 0 : i32
        %dma_wait3A_84 = tpu.memref_slice %arg10[%add3A_71, %dma_wait3A_83] : memref<40x128xi32, #tpu.memory_space<vmem>> -> memref<1x128xi32, #tpu.memory_space<vmem>>
        %dma_wait3A_85 = tpu.memref_squeeze %dma_wait3A_84 : memref<1x128xi32, #tpu.memory_space<vmem>> -> memref<128xi32, #tpu.memory_space<vmem>>
        %dma_wait3A_86 = arith.constant 0 : i32
        %dma_wait3A_87 = arith.constant 0 : i32
        %dma_wait3A_88 = tpu.memref_slice %arg11[%dma_wait3A_86, %dma_wait3A_87] : memref<10240x128xf32, #tpu.memory_space<vmem_shared>> -> memref<10240x128xf32, #tpu.memory_space<vmem_shared>>
        tpu.wait_indirect_dma semaphore(%run_scoped3A : memref<!tpu.dma_semaphore, #tpu.memory_space<semaphore_mem>>) src(%arg8 : memref<128x128xf32, #tpu.memory_space<vmem>>) dst(%dma_wait3A_88 : memref<10240x128xf32, #tpu.memory_space<vmem_shared>>)
        tpu.yield
      }) : () -> ()
      %lt3A_72 = arith.constant 19 : i32
      %lt3A_73 = arith.cmpi slt, %add3A_52, %lt3A_72 : i32
      %convert_element_type3A_74 = arith.extui %lt3A_73 : i1 to i32
      %cond3A_75 = arith.constant 0 : i32
      %cond3A_76 = arith.cmpi ne, %convert_element_type3A_74, %cond3A_75 : i32
      scf.if %cond3A_76 {
        %mul3A_77 = arith.constant 2 : i32
        %mul3A_78 = arith.muli %mul3A_77, %add3A_52 : i32
        %add3A_79 = arith.constant 3 : i32
        %add3A_80 = arith.addi %mul3A_78, %add3A_79 : i32
        %mul3A_81 = arith.constant 128 : i32
        %mul3A_82 = arith.muli %add3A_80, %mul3A_81 : i32
        %dma_start3A_83 = tpu.memref_slice %arg9[%mul3A_82] : memref<5120xi32, #tpu.memory_space<vmem>> -> memref<128xi32, #tpu.memory_space<vmem>>
        %dma_start3A_84 = arith.constant 0 : i32
        %dma_start3A_85 = arith.constant 0 : i32
        %dma_start3A_86 = tpu.memref_slice %arg4[%dma_start3A_84, %dma_start3A_85] : memref<10000x128xf32, #tpu.memory_space<hbm>> -> memref<10000x128xf32, #tpu.memory_space<hbm>>
        tpu.enqueue_indirect_dma source(%dma_start3A_86 : memref<10000x128xf32, #tpu.memory_space<hbm>>) target(%arg8 : memref<128x128xf32, #tpu.memory_space<vmem>>) offsets(%dma_start3A_83 : memref<128xi32, #tpu.memory_space<vmem>>) semaphore(%arg13 : memref<!tpu.dma_semaphore, #tpu.memory_space<semaphore_mem>>)
      } else {
      }
    }
    %scan3A_46 = arith.constant 20 : i32
    %barrier3A_47 = arith.constant 0 : index
    tpu.barrier barrier_id(%barrier3A_47)
    "tpu.region"() ({
      %run_scoped3A = tpu.sem_alloc : memref<!tpu.dma_semaphore, #tpu.memory_space<semaphore_mem>>
      %dma_start3A_48 = arith.constant 0 : i32
      %dma_start3A_49 = tpu.memref_slice %arg6[%arg0, %mul3A_2, %dma_start3A_48] : memref<2x10240x128xf32, #tpu.memory_space<hbm>> -> memref<1x640x128xf32, #tpu.memory_space<hbm>>
      %dma_start3A_50 = tpu.memref_squeeze %dma_start3A_49 : memref<1x640x128xf32, #tpu.memory_space<hbm>> -> memref<640x128xf32, #tpu.memory_space<hbm>>
      %dma_start3A_51 = arith.constant 0 : i32
      %dma_start3A_52 = tpu.memref_slice %arg11[%mul3A_2, %dma_start3A_51] : memref<10240x128xf32, #tpu.memory_space<vmem_shared>> -> memref<640x128xf32, #tpu.memory_space<vmem_shared>>
      tpu.enqueue_dma source(%dma_start3A_52 : memref<640x128xf32, #tpu.memory_space<vmem_shared>>) target(%dma_start3A_50 : memref<640x128xf32, #tpu.memory_space<hbm>>) target_semaphore(%run_scoped3A : memref<!tpu.dma_semaphore, #tpu.memory_space<semaphore_mem>>)
      %dma_wait3A = arith.constant 0 : i32
      %dma_wait3A_53 = tpu.memref_slice %arg6[%arg0, %mul3A_2, %dma_wait3A] : memref<2x10240x128xf32, #tpu.memory_space<hbm>> -> memref<1x640x128xf32, #tpu.memory_space<hbm>>
      %dma_wait3A_54 = tpu.memref_squeeze %dma_wait3A_53 : memref<1x640x128xf32, #tpu.memory_space<hbm>> -> memref<640x128xf32, #tpu.memory_space<hbm>>
      %dma_wait3A_55 = arith.constant 0 : i32
      %dma_wait3A_56 = tpu.memref_slice %arg11[%mul3A_2, %dma_wait3A_55] : memref<10240x128xf32, #tpu.memory_space<vmem_shared>> -> memref<640x128xf32, #tpu.memory_space<vmem_shared>>
      tpu.wait_dma2 semaphore(%run_scoped3A : memref<!tpu.dma_semaphore, #tpu.memory_space<semaphore_mem>>) src(%dma_wait3A_56 : memref<640x128xf32, #tpu.memory_space<vmem_shared>>) dst(%dma_wait3A_54 : memref<640x128xf32, #tpu.memory_space<hbm>>)
      tpu.yield
    }) : () -> ()
    return
  }
}

#map = affine_map<(d0, d1) -> (0, 0)>
#map1 = affine_map<(d0, d1) -> (0, 0, 0)>
module attributes {stable_mosaic.version = 14 : i64} {
  func.func @k(%arg0: i32, %arg1: i32, %arg2: memref<2560x128xi32, #tpu.memory_space<hbm>>, %arg3: memref<128x128xf32, #tpu.memory_space<hbm>>, %arg4: memref<10240x128xf32, #tpu.memory_space<hbm>>, %arg5: memref<2x10240x128xf32, #tpu.memory_space<hbm>>, %arg6: memref<128x128xf32, #tpu.memory_space<vmem>>, %arg7: memref<40x128xi32, #tpu.memory_space<vmem>>, %arg8: memref<10240x128xf32, #tpu.memory_space<vmem_shared>>, %arg9: memref<!tpu.dma_semaphore, #tpu.memory_space<semaphore_mem>>) attributes {dimension_semantics = [#tpu.dimension_semantics<core_parallel>, #tpu.dimension_semantics<subcore_parallel>], iteration_bounds = array<i64: 2, 16>, scalar_prefetch = 0 : i64, scratch_operands = 4 : i64, tpu.core_type = #tpu.core_type<sc_vector_subcore>, window_params = [{transform_indices = #map}, {transform_indices = #map}, {transform_indices = #map}, {transform_indices = #map1}]} {
    %mul3A = arith.constant 2 : i32
    %mul3A_0 = arith.muli %arg1, %mul3A : i32
    %add3A = arith.addi %mul3A_0, %arg0 : i32
    %mul3A_1 = arith.constant 640 : i32
    %mul3A_2 = arith.muli %arg1, %mul3A_1 : i32
    "tpu.region"() ({
      %run_scoped3A = tpu.sem_alloc : memref<!tpu.dma_semaphore, #tpu.memory_space<semaphore_mem>>
      %dma_start3A = arith.constant 0 : i32
      %dma_start3A_21 = tpu.memref_slice %arg8[%mul3A_2, %dma_start3A] : memref<10240x128xf32, #tpu.memory_space<vmem_shared>> -> memref<640x128xf32, #tpu.memory_space<vmem_shared>>
      %dma_start3A_22 = arith.constant 0 : i32
      %dma_start3A_23 = tpu.memref_slice %arg4[%mul3A_2, %dma_start3A_22] : memref<10240x128xf32, #tpu.memory_space<hbm>> -> memref<640x128xf32, #tpu.memory_space<hbm>>
      tpu.enqueue_dma source(%dma_start3A_23 : memref<640x128xf32, #tpu.memory_space<hbm>>) target(%dma_start3A_21 : memref<640x128xf32, #tpu.memory_space<vmem_shared>>) target_semaphore(%run_scoped3A : memref<!tpu.dma_semaphore, #tpu.memory_space<semaphore_mem>>)
      %dma_wait3A = arith.constant 0 : i32
      %dma_wait3A_24 = tpu.memref_slice %arg8[%mul3A_2, %dma_wait3A] : memref<10240x128xf32, #tpu.memory_space<vmem_shared>> -> memref<640x128xf32, #tpu.memory_space<vmem_shared>>
      %dma_wait3A_25 = arith.constant 0 : i32
      %dma_wait3A_26 = tpu.memref_slice %arg4[%mul3A_2, %dma_wait3A_25] : memref<10240x128xf32, #tpu.memory_space<hbm>> -> memref<640x128xf32, #tpu.memory_space<hbm>>
      tpu.wait_dma2 semaphore(%run_scoped3A : memref<!tpu.dma_semaphore, #tpu.memory_space<semaphore_mem>>) src(%dma_wait3A_26 : memref<640x128xf32, #tpu.memory_space<hbm>>) dst(%dma_wait3A_24 : memref<640x128xf32, #tpu.memory_space<vmem_shared>>)
      tpu.yield
    }) : () -> ()
    "tpu.region"() ({
      %run_scoped3A = tpu.sem_alloc : memref<!tpu.dma_semaphore, #tpu.memory_space<semaphore_mem>>
      tpu.enqueue_dma source(%arg3 : memref<128x128xf32, #tpu.memory_space<hbm>>) target(%arg6 : memref<128x128xf32, #tpu.memory_space<vmem>>) target_semaphore(%run_scoped3A : memref<!tpu.dma_semaphore, #tpu.memory_space<semaphore_mem>>)
      tpu.wait_dma2 semaphore(%run_scoped3A : memref<!tpu.dma_semaphore, #tpu.memory_space<semaphore_mem>>) src(%arg3 : memref<128x128xf32, #tpu.memory_space<hbm>>) dst(%arg6 : memref<128x128xf32, #tpu.memory_space<vmem>>)
      tpu.yield
    }) : () -> ()
    %barrier3A = arith.constant 0 : index
    tpu.barrier barrier_id(%barrier3A)
    %mul3A_3 = arith.constant 80 : i32
    %mul3A_4 = arith.muli %add3A, %mul3A_3 : i32
    %add3A_5 = arith.constant 0 : i32
    %add3A_6 = arith.addi %mul3A_4, %add3A_5 : i32
    "tpu.region"() ({
      %run_scoped3A = tpu.sem_alloc : memref<!tpu.dma_semaphore, #tpu.memory_space<semaphore_mem>>
      %dma_start3A = arith.constant 0 : i32
      %dma_start3A_21 = tpu.memref_slice %arg2[%add3A_6, %dma_start3A] : memref<2560x128xi32, #tpu.memory_space<hbm>> -> memref<40x128xi32, #tpu.memory_space<hbm>>
      %dma_start3A_22 = arith.constant 0 : i32
      %dma_start3A_23 = tpu.memref_slice %arg2[%add3A_6, %dma_start3A_22] : memref<2560x128xi32, #tpu.memory_space<hbm>> -> memref<40x128xi32, #tpu.memory_space<hbm>>
      tpu.enqueue_dma source(%dma_start3A_23 : memref<40x128xi32, #tpu.memory_space<hbm>>) target(%arg7 : memref<40x128xi32, #tpu.memory_space<vmem>>) target_semaphore(%run_scoped3A : memref<!tpu.dma_semaphore, #tpu.memory_space<semaphore_mem>>)
      %dma_wait3A = arith.constant 0 : i32
      %dma_wait3A_24 = tpu.memref_slice %arg2[%add3A_6, %dma_wait3A] : memref<2560x128xi32, #tpu.memory_space<hbm>> -> memref<40x128xi32, #tpu.memory_space<hbm>>
      %dma_wait3A_25 = arith.constant 0 : i32
      %dma_wait3A_26 = tpu.memref_slice %arg2[%add3A_6, %dma_wait3A_25] : memref<2560x128xi32, #tpu.memory_space<hbm>> -> memref<40x128xi32, #tpu.memory_space<hbm>>
      tpu.wait_dma2 semaphore(%run_scoped3A : memref<!tpu.dma_semaphore, #tpu.memory_space<semaphore_mem>>) src(%dma_wait3A_26 : memref<40x128xi32, #tpu.memory_space<hbm>>) dst(%arg7 : memref<40x128xi32, #tpu.memory_space<vmem>>)
      tpu.yield
    }) : () -> ()
    %scan3A = arith.constant 0 : i32
    %scan3A_7 = arith.constant 10 : i32
    %scan3A_8 = arith.addi %scan3A, %scan3A_7 : i32
    %scan3A_9 = arith.constant 1 : i32
    scf.for %scan3A_21 = %scan3A to %scan3A_8 step %scan3A_9  : i32 {
      %mul3A_22 = arith.constant 1 : i32
      %mul3A_23 = arith.muli %scan3A_21, %mul3A_22 : i32
      %add3A_24 = arith.constant 0 : i32
      %add3A_25 = arith.addi %add3A_24, %mul3A_23 : i32
      %mul3A_26 = arith.constant 4 : i32
      %mul3A_27 = arith.muli %mul3A_26, %add3A_25 : i32
      %add3A_28 = arith.constant 0 : i32
      %add3A_29 = arith.addi %mul3A_27, %add3A_28 : i32
      %dma_start3A = arith.constant 0 : i32
      %dma_start3A_30 = tpu.memref_slice %arg7[%add3A_29, %dma_start3A] : memref<40x128xi32, #tpu.memory_space<vmem>> -> memref<1x128xi32, #tpu.memory_space<vmem>>
      %dma_start3A_31 = tpu.memref_squeeze %dma_start3A_30 : memref<1x128xi32, #tpu.memory_space<vmem>> -> memref<128xi32, #tpu.memory_space<vmem>>
      %dma_start3A_32 = arith.constant 0 : i32
      %dma_start3A_33 = arith.constant 0 : i32
      %dma_start3A_34 = tpu.memref_slice %arg8[%dma_start3A_32, %dma_start3A_33] : memref<10240x128xf32, #tpu.memory_space<vmem_shared>> -> memref<10240x128xf32, #tpu.memory_space<vmem_shared>>
      tpu.enqueue_indirect_dma source(%arg6 : memref<128x128xf32, #tpu.memory_space<vmem>>) target(%dma_start3A_34 : memref<10240x128xf32, #tpu.memory_space<vmem_shared>>) offsets(%dma_start3A_31 : memref<128xi32, #tpu.memory_space<vmem>>) semaphore(%arg9 : memref<!tpu.dma_semaphore, #tpu.memory_space<semaphore_mem>>) {add = true}
      %mul3A_35 = arith.constant 4 : i32
      %mul3A_36 = arith.muli %mul3A_35, %add3A_25 : i32
      %add3A_37 = arith.constant 1 : i32
      %add3A_38 = arith.addi %mul3A_36, %add3A_37 : i32
      %dma_start3A_39 = arith.constant 0 : i32
      %dma_start3A_40 = tpu.memref_slice %arg7[%add3A_38, %dma_start3A_39] : memref<40x128xi32, #tpu.memory_space<vmem>> -> memref<1x128xi32, #tpu.memory_space<vmem>>
      %dma_start3A_41 = tpu.memref_squeeze %dma_start3A_40 : memref<1x128xi32, #tpu.memory_space<vmem>> -> memref<128xi32, #tpu.memory_space<vmem>>
      %dma_start3A_42 = arith.constant 0 : i32
      %dma_start3A_43 = arith.constant 0 : i32
      %dma_start3A_44 = tpu.memref_slice %arg8[%dma_start3A_42, %dma_start3A_43] : memref<10240x128xf32, #tpu.memory_space<vmem_shared>> -> memref<10240x128xf32, #tpu.memory_space<vmem_shared>>
      tpu.enqueue_indirect_dma source(%arg6 : memref<128x128xf32, #tpu.memory_space<vmem>>) target(%dma_start3A_44 : memref<10240x128xf32, #tpu.memory_space<vmem_shared>>) offsets(%dma_start3A_41 : memref<128xi32, #tpu.memory_space<vmem>>) semaphore(%arg9 : memref<!tpu.dma_semaphore, #tpu.memory_space<semaphore_mem>>) {add = true}
      %mul3A_45 = arith.constant 4 : i32
      %mul3A_46 = arith.muli %mul3A_45, %add3A_25 : i32
      %add3A_47 = arith.constant 2 : i32
      %add3A_48 = arith.addi %mul3A_46, %add3A_47 : i32
      %dma_start3A_49 = arith.constant 0 : i32
      %dma_start3A_50 = tpu.memref_slice %arg7[%add3A_48, %dma_start3A_49] : memref<40x128xi32, #tpu.memory_space<vmem>> -> memref<1x128xi32, #tpu.memory_space<vmem>>
      %dma_start3A_51 = tpu.memref_squeeze %dma_start3A_50 : memref<1x128xi32, #tpu.memory_space<vmem>> -> memref<128xi32, #tpu.memory_space<vmem>>
      %dma_start3A_52 = arith.constant 0 : i32
      %dma_start3A_53 = arith.constant 0 : i32
      %dma_start3A_54 = tpu.memref_slice %arg8[%dma_start3A_52, %dma_start3A_53] : memref<10240x128xf32, #tpu.memory_space<vmem_shared>> -> memref<10240x128xf32, #tpu.memory_space<vmem_shared>>
      tpu.enqueue_indirect_dma source(%arg6 : memref<128x128xf32, #tpu.memory_space<vmem>>) target(%dma_start3A_54 : memref<10240x128xf32, #tpu.memory_space<vmem_shared>>) offsets(%dma_start3A_51 : memref<128xi32, #tpu.memory_space<vmem>>) semaphore(%arg9 : memref<!tpu.dma_semaphore, #tpu.memory_space<semaphore_mem>>) {add = true}
      %mul3A_55 = arith.constant 4 : i32
      %mul3A_56 = arith.muli %mul3A_55, %add3A_25 : i32
      %add3A_57 = arith.constant 3 : i32
      %add3A_58 = arith.addi %mul3A_56, %add3A_57 : i32
      %dma_start3A_59 = arith.constant 0 : i32
      %dma_start3A_60 = tpu.memref_slice %arg7[%add3A_58, %dma_start3A_59] : memref<40x128xi32, #tpu.memory_space<vmem>> -> memref<1x128xi32, #tpu.memory_space<vmem>>
      %dma_start3A_61 = tpu.memref_squeeze %dma_start3A_60 : memref<1x128xi32, #tpu.memory_space<vmem>> -> memref<128xi32, #tpu.memory_space<vmem>>
      %dma_start3A_62 = arith.constant 0 : i32
      %dma_start3A_63 = arith.constant 0 : i32
      %dma_start3A_64 = tpu.memref_slice %arg8[%dma_start3A_62, %dma_start3A_63] : memref<10240x128xf32, #tpu.memory_space<vmem_shared>> -> memref<10240x128xf32, #tpu.memory_space<vmem_shared>>
      tpu.enqueue_indirect_dma source(%arg6 : memref<128x128xf32, #tpu.memory_space<vmem>>) target(%dma_start3A_64 : memref<10240x128xf32, #tpu.memory_space<vmem_shared>>) offsets(%dma_start3A_61 : memref<128xi32, #tpu.memory_space<vmem>>) semaphore(%arg9 : memref<!tpu.dma_semaphore, #tpu.memory_space<semaphore_mem>>) {add = true}
      %dma_wait3A = arith.constant 0 : i32
      %dma_wait3A_65 = tpu.memref_slice %arg7[%add3A_29, %dma_wait3A] : memref<40x128xi32, #tpu.memory_space<vmem>> -> memref<1x128xi32, #tpu.memory_space<vmem>>
      %dma_wait3A_66 = tpu.memref_squeeze %dma_wait3A_65 : memref<1x128xi32, #tpu.memory_space<vmem>> -> memref<128xi32, #tpu.memory_space<vmem>>
      %dma_wait3A_67 = arith.constant 0 : i32
      %dma_wait3A_68 = arith.constant 0 : i32
      %dma_wait3A_69 = tpu.memref_slice %arg8[%dma_wait3A_67, %dma_wait3A_68] : memref<10240x128xf32, #tpu.memory_space<vmem_shared>> -> memref<10240x128xf32, #tpu.memory_space<vmem_shared>>
      tpu.wait_indirect_dma semaphore(%arg9 : memref<!tpu.dma_semaphore, #tpu.memory_space<semaphore_mem>>) src(%arg6 : memref<128x128xf32, #tpu.memory_space<vmem>>) dst(%dma_wait3A_69 : memref<10240x128xf32, #tpu.memory_space<vmem_shared>>)
      %dma_wait3A_70 = arith.constant 0 : i32
      %dma_wait3A_71 = tpu.memref_slice %arg7[%add3A_38, %dma_wait3A_70] : memref<40x128xi32, #tpu.memory_space<vmem>> -> memref<1x128xi32, #tpu.memory_space<vmem>>
      %dma_wait3A_72 = tpu.memref_squeeze %dma_wait3A_71 : memref<1x128xi32, #tpu.memory_space<vmem>> -> memref<128xi32, #tpu.memory_space<vmem>>
      %dma_wait3A_73 = arith.constant 0 : i32
      %dma_wait3A_74 = arith.constant 0 : i32
      %dma_wait3A_75 = tpu.memref_slice %arg8[%dma_wait3A_73, %dma_wait3A_74] : memref<10240x128xf32, #tpu.memory_space<vmem_shared>> -> memref<10240x128xf32, #tpu.memory_space<vmem_shared>>
      tpu.wait_indirect_dma semaphore(%arg9 : memref<!tpu.dma_semaphore, #tpu.memory_space<semaphore_mem>>) src(%arg6 : memref<128x128xf32, #tpu.memory_space<vmem>>) dst(%dma_wait3A_75 : memref<10240x128xf32, #tpu.memory_space<vmem_shared>>)
      %dma_wait3A_76 = arith.constant 0 : i32
      %dma_wait3A_77 = tpu.memref_slice %arg7[%add3A_48, %dma_wait3A_76] : memref<40x128xi32, #tpu.memory_space<vmem>> -> memref<1x128xi32, #tpu.memory_space<vmem>>
      %dma_wait3A_78 = tpu.memref_squeeze %dma_wait3A_77 : memref<1x128xi32, #tpu.memory_space<vmem>> -> memref<128xi32, #tpu.memory_space<vmem>>
      %dma_wait3A_79 = arith.constant 0 : i32
      %dma_wait3A_80 = arith.constant 0 : i32
      %dma_wait3A_81 = tpu.memref_slice %arg8[%dma_wait3A_79, %dma_wait3A_80] : memref<10240x128xf32, #tpu.memory_space<vmem_shared>> -> memref<10240x128xf32, #tpu.memory_space<vmem_shared>>
      tpu.wait_indirect_dma semaphore(%arg9 : memref<!tpu.dma_semaphore, #tpu.memory_space<semaphore_mem>>) src(%arg6 : memref<128x128xf32, #tpu.memory_space<vmem>>) dst(%dma_wait3A_81 : memref<10240x128xf32, #tpu.memory_space<vmem_shared>>)
      %dma_wait3A_82 = arith.constant 0 : i32
      %dma_wait3A_83 = tpu.memref_slice %arg7[%add3A_58, %dma_wait3A_82] : memref<40x128xi32, #tpu.memory_space<vmem>> -> memref<1x128xi32, #tpu.memory_space<vmem>>
      %dma_wait3A_84 = tpu.memref_squeeze %dma_wait3A_83 : memref<1x128xi32, #tpu.memory_space<vmem>> -> memref<128xi32, #tpu.memory_space<vmem>>
      %dma_wait3A_85 = arith.constant 0 : i32
      %dma_wait3A_86 = arith.constant 0 : i32
      %dma_wait3A_87 = tpu.memref_slice %arg8[%dma_wait3A_85, %dma_wait3A_86] : memref<10240x128xf32, #tpu.memory_space<vmem_shared>> -> memref<10240x128xf32, #tpu.memory_space<vmem_shared>>
      tpu.wait_indirect_dma semaphore(%arg9 : memref<!tpu.dma_semaphore, #tpu.memory_space<semaphore_mem>>) src(%arg6 : memref<128x128xf32, #tpu.memory_space<vmem>>) dst(%dma_wait3A_87 : memref<10240x128xf32, #tpu.memory_space<vmem_shared>>)
    }
    %scan3A_10 = arith.constant 10 : i32
    %mul3A_11 = arith.constant 80 : i32
    %mul3A_12 = arith.muli %add3A, %mul3A_11 : i32
    %add3A_13 = arith.constant 40 : i32
    %add3A_14 = arith.addi %mul3A_12, %add3A_13 : i32
    "tpu.region"() ({
      %run_scoped3A = tpu.sem_alloc : memref<!tpu.dma_semaphore, #tpu.memory_space<semaphore_mem>>
      %dma_start3A = arith.constant 0 : i32
      %dma_start3A_21 = tpu.memref_slice %arg2[%add3A_14, %dma_start3A] : memref<2560x128xi32, #tpu.memory_space<hbm>> -> memref<40x128xi32, #tpu.memory_space<hbm>>
      %dma_start3A_22 = arith.constant 0 : i32
      %dma_start3A_23 = tpu.memref_slice %arg2[%add3A_14, %dma_start3A_22] : memref<2560x128xi32, #tpu.memory_space<hbm>> -> memref<40x128xi32, #tpu.memory_space<hbm>>
      tpu.enqueue_dma source(%dma_start3A_23 : memref<40x128xi32, #tpu.memory_space<hbm>>) target(%arg7 : memref<40x128xi32, #tpu.memory_space<vmem>>) target_semaphore(%run_scoped3A : memref<!tpu.dma_semaphore, #tpu.memory_space<semaphore_mem>>)
      %dma_wait3A = arith.constant 0 : i32
      %dma_wait3A_24 = tpu.memref_slice %arg2[%add3A_14, %dma_wait3A] : memref<2560x128xi32, #tpu.memory_space<hbm>> -> memref<40x128xi32, #tpu.memory_space<hbm>>
      %dma_wait3A_25 = arith.constant 0 : i32
      %dma_wait3A_26 = tpu.memref_slice %arg2[%add3A_14, %dma_wait3A_25] : memref<2560x128xi32, #tpu.memory_space<hbm>> -> memref<40x128xi32, #tpu.memory_space<hbm>>
      tpu.wait_dma2 semaphore(%run_scoped3A : memref<!tpu.dma_semaphore, #tpu.memory_space<semaphore_mem>>) src(%dma_wait3A_26 : memref<40x128xi32, #tpu.memory_space<hbm>>) dst(%arg7 : memref<40x128xi32, #tpu.memory_space<vmem>>)
      tpu.yield
    }) : () -> ()
    %scan3A_15 = arith.constant 0 : i32
    %scan3A_16 = arith.constant 10 : i32
    %scan3A_17 = arith.addi %scan3A_15, %scan3A_16 : i32
    %scan3A_18 = arith.constant 1 : i32
    scf.for %scan3A_21 = %scan3A_15 to %scan3A_17 step %scan3A_18  : i32 {
      %mul3A_22 = arith.constant 1 : i32
      %mul3A_23 = arith.muli %scan3A_21, %mul3A_22 : i32
      %add3A_24 = arith.constant 0 : i32
      %add3A_25 = arith.addi %add3A_24, %mul3A_23 : i32
      %mul3A_26 = arith.constant 4 : i32
      %mul3A_27 = arith.muli %mul3A_26, %add3A_25 : i32
      %add3A_28 = arith.constant 0 : i32
      %add3A_29 = arith.addi %mul3A_27, %add3A_28 : i32
      %dma_start3A = arith.constant 0 : i32
      %dma_start3A_30 = tpu.memref_slice %arg7[%add3A_29, %dma_start3A] : memref<40x128xi32, #tpu.memory_space<vmem>> -> memref<1x128xi32, #tpu.memory_space<vmem>>
      %dma_start3A_31 = tpu.memref_squeeze %dma_start3A_30 : memref<1x128xi32, #tpu.memory_space<vmem>> -> memref<128xi32, #tpu.memory_space<vmem>>
      %dma_start3A_32 = arith.constant 0 : i32
      %dma_start3A_33 = arith.constant 0 : i32
      %dma_start3A_34 = tpu.memref_slice %arg8[%dma_start3A_32, %dma_start3A_33] : memref<10240x128xf32, #tpu.memory_space<vmem_shared>> -> memref<10240x128xf32, #tpu.memory_space<vmem_shared>>
      tpu.enqueue_indirect_dma source(%arg6 : memref<128x128xf32, #tpu.memory_space<vmem>>) target(%dma_start3A_34 : memref<10240x128xf32, #tpu.memory_space<vmem_shared>>) offsets(%dma_start3A_31 : memref<128xi32, #tpu.memory_space<vmem>>) semaphore(%arg9 : memref<!tpu.dma_semaphore, #tpu.memory_space<semaphore_mem>>) {add = true}
      %mul3A_35 = arith.constant 4 : i32
      %mul3A_36 = arith.muli %mul3A_35, %add3A_25 : i32
      %add3A_37 = arith.constant 1 : i32
      %add3A_38 = arith.addi %mul3A_36, %add3A_37 : i32
      %dma_start3A_39 = arith.constant 0 : i32
      %dma_start3A_40 = tpu.memref_slice %arg7[%add3A_38, %dma_start3A_39] : memref<40x128xi32, #tpu.memory_space<vmem>> -> memref<1x128xi32, #tpu.memory_space<vmem>>
      %dma_start3A_41 = tpu.memref_squeeze %dma_start3A_40 : memref<1x128xi32, #tpu.memory_space<vmem>> -> memref<128xi32, #tpu.memory_space<vmem>>
      %dma_start3A_42 = arith.constant 0 : i32
      %dma_start3A_43 = arith.constant 0 : i32
      %dma_start3A_44 = tpu.memref_slice %arg8[%dma_start3A_42, %dma_start3A_43] : memref<10240x128xf32, #tpu.memory_space<vmem_shared>> -> memref<10240x128xf32, #tpu.memory_space<vmem_shared>>
      tpu.enqueue_indirect_dma source(%arg6 : memref<128x128xf32, #tpu.memory_space<vmem>>) target(%dma_start3A_44 : memref<10240x128xf32, #tpu.memory_space<vmem_shared>>) offsets(%dma_start3A_41 : memref<128xi32, #tpu.memory_space<vmem>>) semaphore(%arg9 : memref<!tpu.dma_semaphore, #tpu.memory_space<semaphore_mem>>) {add = true}
      %mul3A_45 = arith.constant 4 : i32
      %mul3A_46 = arith.muli %mul3A_45, %add3A_25 : i32
      %add3A_47 = arith.constant 2 : i32
      %add3A_48 = arith.addi %mul3A_46, %add3A_47 : i32
      %dma_start3A_49 = arith.constant 0 : i32
      %dma_start3A_50 = tpu.memref_slice %arg7[%add3A_48, %dma_start3A_49] : memref<40x128xi32, #tpu.memory_space<vmem>> -> memref<1x128xi32, #tpu.memory_space<vmem>>
      %dma_start3A_51 = tpu.memref_squeeze %dma_start3A_50 : memref<1x128xi32, #tpu.memory_space<vmem>> -> memref<128xi32, #tpu.memory_space<vmem>>
      %dma_start3A_52 = arith.constant 0 : i32
      %dma_start3A_53 = arith.constant 0 : i32
      %dma_start3A_54 = tpu.memref_slice %arg8[%dma_start3A_52, %dma_start3A_53] : memref<10240x128xf32, #tpu.memory_space<vmem_shared>> -> memref<10240x128xf32, #tpu.memory_space<vmem_shared>>
      tpu.enqueue_indirect_dma source(%arg6 : memref<128x128xf32, #tpu.memory_space<vmem>>) target(%dma_start3A_54 : memref<10240x128xf32, #tpu.memory_space<vmem_shared>>) offsets(%dma_start3A_51 : memref<128xi32, #tpu.memory_space<vmem>>) semaphore(%arg9 : memref<!tpu.dma_semaphore, #tpu.memory_space<semaphore_mem>>) {add = true}
      %mul3A_55 = arith.constant 4 : i32
      %mul3A_56 = arith.muli %mul3A_55, %add3A_25 : i32
      %add3A_57 = arith.constant 3 : i32
      %add3A_58 = arith.addi %mul3A_56, %add3A_57 : i32
      %dma_start3A_59 = arith.constant 0 : i32
      %dma_start3A_60 = tpu.memref_slice %arg7[%add3A_58, %dma_start3A_59] : memref<40x128xi32, #tpu.memory_space<vmem>> -> memref<1x128xi32, #tpu.memory_space<vmem>>
      %dma_start3A_61 = tpu.memref_squeeze %dma_start3A_60 : memref<1x128xi32, #tpu.memory_space<vmem>> -> memref<128xi32, #tpu.memory_space<vmem>>
      %dma_start3A_62 = arith.constant 0 : i32
      %dma_start3A_63 = arith.constant 0 : i32
      %dma_start3A_64 = tpu.memref_slice %arg8[%dma_start3A_62, %dma_start3A_63] : memref<10240x128xf32, #tpu.memory_space<vmem_shared>> -> memref<10240x128xf32, #tpu.memory_space<vmem_shared>>
      tpu.enqueue_indirect_dma source(%arg6 : memref<128x128xf32, #tpu.memory_space<vmem>>) target(%dma_start3A_64 : memref<10240x128xf32, #tpu.memory_space<vmem_shared>>) offsets(%dma_start3A_61 : memref<128xi32, #tpu.memory_space<vmem>>) semaphore(%arg9 : memref<!tpu.dma_semaphore, #tpu.memory_space<semaphore_mem>>) {add = true}
      %dma_wait3A = arith.constant 0 : i32
      %dma_wait3A_65 = tpu.memref_slice %arg7[%add3A_29, %dma_wait3A] : memref<40x128xi32, #tpu.memory_space<vmem>> -> memref<1x128xi32, #tpu.memory_space<vmem>>
      %dma_wait3A_66 = tpu.memref_squeeze %dma_wait3A_65 : memref<1x128xi32, #tpu.memory_space<vmem>> -> memref<128xi32, #tpu.memory_space<vmem>>
      %dma_wait3A_67 = arith.constant 0 : i32
      %dma_wait3A_68 = arith.constant 0 : i32
      %dma_wait3A_69 = tpu.memref_slice %arg8[%dma_wait3A_67, %dma_wait3A_68] : memref<10240x128xf32, #tpu.memory_space<vmem_shared>> -> memref<10240x128xf32, #tpu.memory_space<vmem_shared>>
      tpu.wait_indirect_dma semaphore(%arg9 : memref<!tpu.dma_semaphore, #tpu.memory_space<semaphore_mem>>) src(%arg6 : memref<128x128xf32, #tpu.memory_space<vmem>>) dst(%dma_wait3A_69 : memref<10240x128xf32, #tpu.memory_space<vmem_shared>>)
      %dma_wait3A_70 = arith.constant 0 : i32
      %dma_wait3A_71 = tpu.memref_slice %arg7[%add3A_38, %dma_wait3A_70] : memref<40x128xi32, #tpu.memory_space<vmem>> -> memref<1x128xi32, #tpu.memory_space<vmem>>
      %dma_wait3A_72 = tpu.memref_squeeze %dma_wait3A_71 : memref<1x128xi32, #tpu.memory_space<vmem>> -> memref<128xi32, #tpu.memory_space<vmem>>
      %dma_wait3A_73 = arith.constant 0 : i32
      %dma_wait3A_74 = arith.constant 0 : i32
      %dma_wait3A_75 = tpu.memref_slice %arg8[%dma_wait3A_73, %dma_wait3A_74] : memref<10240x128xf32, #tpu.memory_space<vmem_shared>> -> memref<10240x128xf32, #tpu.memory_space<vmem_shared>>
      tpu.wait_indirect_dma semaphore(%arg9 : memref<!tpu.dma_semaphore, #tpu.memory_space<semaphore_mem>>) src(%arg6 : memref<128x128xf32, #tpu.memory_space<vmem>>) dst(%dma_wait3A_75 : memref<10240x128xf32, #tpu.memory_space<vmem_shared>>)
      %dma_wait3A_76 = arith.constant 0 : i32
      %dma_wait3A_77 = tpu.memref_slice %arg7[%add3A_48, %dma_wait3A_76] : memref<40x128xi32, #tpu.memory_space<vmem>> -> memref<1x128xi32, #tpu.memory_space<vmem>>
      %dma_wait3A_78 = tpu.memref_squeeze %dma_wait3A_77 : memref<1x128xi32, #tpu.memory_space<vmem>> -> memref<128xi32, #tpu.memory_space<vmem>>
      %dma_wait3A_79 = arith.constant 0 : i32
      %dma_wait3A_80 = arith.constant 0 : i32
      %dma_wait3A_81 = tpu.memref_slice %arg8[%dma_wait3A_79, %dma_wait3A_80] : memref<10240x128xf32, #tpu.memory_space<vmem_shared>> -> memref<10240x128xf32, #tpu.memory_space<vmem_shared>>
      tpu.wait_indirect_dma semaphore(%arg9 : memref<!tpu.dma_semaphore, #tpu.memory_space<semaphore_mem>>) src(%arg6 : memref<128x128xf32, #tpu.memory_space<vmem>>) dst(%dma_wait3A_81 : memref<10240x128xf32, #tpu.memory_space<vmem_shared>>)
      %dma_wait3A_82 = arith.constant 0 : i32
      %dma_wait3A_83 = tpu.memref_slice %arg7[%add3A_58, %dma_wait3A_82] : memref<40x128xi32, #tpu.memory_space<vmem>> -> memref<1x128xi32, #tpu.memory_space<vmem>>
      %dma_wait3A_84 = tpu.memref_squeeze %dma_wait3A_83 : memref<1x128xi32, #tpu.memory_space<vmem>> -> memref<128xi32, #tpu.memory_space<vmem>>
      %dma_wait3A_85 = arith.constant 0 : i32
      %dma_wait3A_86 = arith.constant 0 : i32
      %dma_wait3A_87 = tpu.memref_slice %arg8[%dma_wait3A_85, %dma_wait3A_86] : memref<10240x128xf32, #tpu.memory_space<vmem_shared>> -> memref<10240x128xf32, #tpu.memory_space<vmem_shared>>
      tpu.wait_indirect_dma semaphore(%arg9 : memref<!tpu.dma_semaphore, #tpu.memory_space<semaphore_mem>>) src(%arg6 : memref<128x128xf32, #tpu.memory_space<vmem>>) dst(%dma_wait3A_87 : memref<10240x128xf32, #tpu.memory_space<vmem_shared>>)
    }
    %scan3A_19 = arith.constant 10 : i32
    %barrier3A_20 = arith.constant 0 : index
    tpu.barrier barrier_id(%barrier3A_20)
    "tpu.region"() ({
      %run_scoped3A = tpu.sem_alloc : memref<!tpu.dma_semaphore, #tpu.memory_space<semaphore_mem>>
      %dma_start3A = arith.constant 0 : i32
      %dma_start3A_21 = tpu.memref_slice %arg5[%arg0, %mul3A_2, %dma_start3A] : memref<2x10240x128xf32, #tpu.memory_space<hbm>> -> memref<1x640x128xf32, #tpu.memory_space<hbm>>
      %dma_start3A_22 = tpu.memref_squeeze %dma_start3A_21 : memref<1x640x128xf32, #tpu.memory_space<hbm>> -> memref<640x128xf32, #tpu.memory_space<hbm>>
      %dma_start3A_23 = arith.constant 0 : i32
      %dma_start3A_24 = tpu.memref_slice %arg8[%mul3A_2, %dma_start3A_23] : memref<10240x128xf32, #tpu.memory_space<vmem_shared>> -> memref<640x128xf32, #tpu.memory_space<vmem_shared>>
      tpu.enqueue_dma source(%dma_start3A_24 : memref<640x128xf32, #tpu.memory_space<vmem_shared>>) target(%dma_start3A_22 : memref<640x128xf32, #tpu.memory_space<hbm>>) target_semaphore(%run_scoped3A : memref<!tpu.dma_semaphore, #tpu.memory_space<semaphore_mem>>)
      %dma_wait3A = arith.constant 0 : i32
      %dma_wait3A_25 = tpu.memref_slice %arg5[%arg0, %mul3A_2, %dma_wait3A] : memref<2x10240x128xf32, #tpu.memory_space<hbm>> -> memref<1x640x128xf32, #tpu.memory_space<hbm>>
      %dma_wait3A_26 = tpu.memref_squeeze %dma_wait3A_25 : memref<1x640x128xf32, #tpu.memory_space<hbm>> -> memref<640x128xf32, #tpu.memory_space<hbm>>
      %dma_wait3A_27 = arith.constant 0 : i32
      %dma_wait3A_28 = tpu.memref_slice %arg8[%mul3A_2, %dma_wait3A_27] : memref<10240x128xf32, #tpu.memory_space<vmem_shared>> -> memref<640x128xf32, #tpu.memory_space<vmem_shared>>
      tpu.wait_dma2 semaphore(%run_scoped3A : memref<!tpu.dma_semaphore, #tpu.memory_space<semaphore_mem>>) src(%dma_wait3A_28 : memref<640x128xf32, #tpu.memory_space<vmem_shared>>) dst(%dma_wait3A_26 : memref<640x128xf32, #tpu.memory_space<hbm>>)
      tpu.yield
    }) : () -> ()
    return
  }
}

#map = affine_map<(d0, d1) -> (0)>
#map1 = affine_map<(d0, d1) -> (0, 0)>
#map2 = affine_map<(d0, d1) -> (0, 0, 0)>
module attributes {stable_mosaic.version = 14 : i64} {
  func.func @k(%arg0: i32, %arg1: i32, %arg2: memref<327680xi32, #tpu.memory_space<hbm>>, %arg3: memref<2560x128xi32, #tpu.memory_space<hbm>>, %arg4: memref<10000x128xf32, #tpu.memory_space<hbm>>, %arg5: memref<10240x128xf32, #tpu.memory_space<hbm>>, %arg6: memref<2x10240x128xf32, #tpu.memory_space<hbm>>, %arg7: memref<128x128xf32, #tpu.memory_space<vmem>>, %arg8: memref<128x128xf32, #tpu.memory_space<vmem>>, %arg9: memref<5120xi32, #tpu.memory_space<vmem>>, %arg10: memref<40x128xi32, #tpu.memory_space<vmem>>, %arg11: memref<10240x128xf32, #tpu.memory_space<vmem_shared>>, %arg12: memref<!tpu.dma_semaphore, #tpu.memory_space<semaphore_mem>>, %arg13: memref<!tpu.dma_semaphore, #tpu.memory_space<semaphore_mem>>) attributes {dimension_semantics = [#tpu.dimension_semantics<core_parallel>, #tpu.dimension_semantics<subcore_parallel>], iteration_bounds = array<i64: 2, 16>, scalar_prefetch = 0 : i64, scratch_operands = 7 : i64, tpu.core_type = #tpu.core_type<sc_vector_subcore>, window_params = [{transform_indices = #map}, {transform_indices = #map1}, {transform_indices = #map1}, {transform_indices = #map1}, {transform_indices = #map2}]} {
    %mul3A = arith.constant 2 : i32
    %mul3A_0 = arith.muli %arg1, %mul3A : i32
    %add3A = arith.addi %mul3A_0, %arg0 : i32
    %mul3A_1 = arith.constant 640 : i32
    %mul3A_2 = arith.muli %arg1, %mul3A_1 : i32
    "tpu.region"() ({
      %run_scoped3A = tpu.sem_alloc : memref<!tpu.dma_semaphore, #tpu.memory_space<semaphore_mem>>
      %dma_start3A_48 = arith.constant 0 : i32
      %dma_start3A_49 = tpu.memref_slice %arg11[%mul3A_2, %dma_start3A_48] : memref<10240x128xf32, #tpu.memory_space<vmem_shared>> -> memref<640x128xf32, #tpu.memory_space<vmem_shared>>
      %dma_start3A_50 = arith.constant 0 : i32
      %dma_start3A_51 = tpu.memref_slice %arg5[%mul3A_2, %dma_start3A_50] : memref<10240x128xf32, #tpu.memory_space<hbm>> -> memref<640x128xf32, #tpu.memory_space<hbm>>
      tpu.enqueue_dma source(%dma_start3A_51 : memref<640x128xf32, #tpu.memory_space<hbm>>) target(%dma_start3A_49 : memref<640x128xf32, #tpu.memory_space<vmem_shared>>) target_semaphore(%run_scoped3A : memref<!tpu.dma_semaphore, #tpu.memory_space<semaphore_mem>>)
      %dma_wait3A = arith.constant 0 : i32
      %dma_wait3A_52 = tpu.memref_slice %arg11[%mul3A_2, %dma_wait3A] : memref<10240x128xf32, #tpu.memory_space<vmem_shared>> -> memref<640x128xf32, #tpu.memory_space<vmem_shared>>
      %dma_wait3A_53 = arith.constant 0 : i32
      %dma_wait3A_54 = tpu.memref_slice %arg5[%mul3A_2, %dma_wait3A_53] : memref<10240x128xf32, #tpu.memory_space<hbm>> -> memref<640x128xf32, #tpu.memory_space<hbm>>
      tpu.wait_dma2 semaphore(%run_scoped3A : memref<!tpu.dma_semaphore, #tpu.memory_space<semaphore_mem>>) src(%dma_wait3A_54 : memref<640x128xf32, #tpu.memory_space<hbm>>) dst(%dma_wait3A_52 : memref<640x128xf32, #tpu.memory_space<vmem_shared>>)
      tpu.yield
    }) : () -> ()
    %barrier3A = arith.constant 0 : index
    tpu.barrier barrier_id(%barrier3A)
    %mul3A_3 = arith.constant 10240 : i32
    %mul3A_4 = arith.muli %add3A, %mul3A_3 : i32
    %add3A_5 = arith.constant 0 : i32
    %add3A_6 = arith.addi %mul3A_4, %add3A_5 : i32
    "tpu.region"() ({
      %run_scoped3A = tpu.sem_alloc : memref<!tpu.dma_semaphore, #tpu.memory_space<semaphore_mem>>
      %dma_start3A_48 = tpu.memref_slice %arg2[%add3A_6] : memref<327680xi32, #tpu.memory_space<hbm>> -> memref<5120xi32, #tpu.memory_space<hbm>>
      %dma_start3A_49 = tpu.memref_slice %arg2[%add3A_6] : memref<327680xi32, #tpu.memory_space<hbm>> -> memref<5120xi32, #tpu.memory_space<hbm>>
      tpu.enqueue_dma source(%dma_start3A_49 : memref<5120xi32, #tpu.memory_space<hbm>>) target(%arg9 : memref<5120xi32, #tpu.memory_space<vmem>>) target_semaphore(%run_scoped3A : memref<!tpu.dma_semaphore, #tpu.memory_space<semaphore_mem>>)
      %dma_wait3A = tpu.memref_slice %arg2[%add3A_6] : memref<327680xi32, #tpu.memory_space<hbm>> -> memref<5120xi32, #tpu.memory_space<hbm>>
      %dma_wait3A_50 = tpu.memref_slice %arg2[%add3A_6] : memref<327680xi32, #tpu.memory_space<hbm>> -> memref<5120xi32, #tpu.memory_space<hbm>>
      tpu.wait_dma2 semaphore(%run_scoped3A : memref<!tpu.dma_semaphore, #tpu.memory_space<semaphore_mem>>) src(%dma_wait3A_50 : memref<5120xi32, #tpu.memory_space<hbm>>) dst(%arg9 : memref<5120xi32, #tpu.memory_space<vmem>>)
      tpu.yield
    }) : () -> ()
    %mul3A_7 = arith.constant 80 : i32
    %mul3A_8 = arith.muli %add3A, %mul3A_7 : i32
    %add3A_9 = arith.constant 0 : i32
    %add3A_10 = arith.addi %mul3A_8, %add3A_9 : i32
    "tpu.region"() ({
      %run_scoped3A = tpu.sem_alloc : memref<!tpu.dma_semaphore, #tpu.memory_space<semaphore_mem>>
      %dma_start3A_48 = arith.constant 0 : i32
      %dma_start3A_49 = tpu.memref_slice %arg3[%add3A_10, %dma_start3A_48] : memref<2560x128xi32, #tpu.memory_space<hbm>> -> memref<40x128xi32, #tpu.memory_space<hbm>>
      %dma_start3A_50 = arith.constant 0 : i32
      %dma_start3A_51 = tpu.memref_slice %arg3[%add3A_10, %dma_start3A_50] : memref<2560x128xi32, #tpu.memory_space<hbm>> -> memref<40x128xi32, #tpu.memory_space<hbm>>
      tpu.enqueue_dma source(%dma_start3A_51 : memref<40x128xi32, #tpu.memory_space<hbm>>) target(%arg10 : memref<40x128xi32, #tpu.memory_space<vmem>>) target_semaphore(%run_scoped3A : memref<!tpu.dma_semaphore, #tpu.memory_space<semaphore_mem>>)
      %dma_wait3A = arith.constant 0 : i32
      %dma_wait3A_52 = tpu.memref_slice %arg3[%add3A_10, %dma_wait3A] : memref<2560x128xi32, #tpu.memory_space<hbm>> -> memref<40x128xi32, #tpu.memory_space<hbm>>
      %dma_wait3A_53 = arith.constant 0 : i32
      %dma_wait3A_54 = tpu.memref_slice %arg3[%add3A_10, %dma_wait3A_53] : memref<2560x128xi32, #tpu.memory_space<hbm>> -> memref<40x128xi32, #tpu.memory_space<hbm>>
      tpu.wait_dma2 semaphore(%run_scoped3A : memref<!tpu.dma_semaphore, #tpu.memory_space<semaphore_mem>>) src(%dma_wait3A_54 : memref<40x128xi32, #tpu.memory_space<hbm>>) dst(%arg10 : memref<40x128xi32, #tpu.memory_space<vmem>>)
      tpu.yield
    }) : () -> ()
    %dma_start3A = arith.constant 0 : i32
    %dma_start3A_11 = tpu.memref_slice %arg9[%dma_start3A] : memref<5120xi32, #tpu.memory_space<vmem>> -> memref<128xi32, #tpu.memory_space<vmem>>
    %dma_start3A_12 = arith.constant 0 : i32
    %dma_start3A_13 = arith.constant 0 : i32
    %dma_start3A_14 = tpu.memref_slice %arg4[%dma_start3A_12, %dma_start3A_13] : memref<10000x128xf32, #tpu.memory_space<hbm>> -> memref<10000x128xf32, #tpu.memory_space<hbm>>
    tpu.enqueue_indirect_dma source(%dma_start3A_14 : memref<10000x128xf32, #tpu.memory_space<hbm>>) target(%arg7 : memref<128x128xf32, #tpu.memory_space<vmem>>) offsets(%dma_start3A_11 : memref<128xi32, #tpu.memory_space<vmem>>) semaphore(%arg12 : memref<!tpu.dma_semaphore, #tpu.memory_space<semaphore_mem>>)
    %dma_start3A_15 = arith.constant 128 : i32
    %dma_start3A_16 = tpu.memref_slice %arg9[%dma_start3A_15] : memref<5120xi32, #tpu.memory_space<vmem>> -> memref<128xi32, #tpu.memory_space<vmem>>
    %dma_start3A_17 = arith.constant 0 : i32
    %dma_start3A_18 = arith.constant 0 : i32
    %dma_start3A_19 = tpu.memref_slice %arg4[%dma_start3A_17, %dma_start3A_18] : memref<10000x128xf32, #tpu.memory_space<hbm>> -> memref<10000x128xf32, #tpu.memory_space<hbm>>
    tpu.enqueue_indirect_dma source(%dma_start3A_19 : memref<10000x128xf32, #tpu.memory_space<hbm>>) target(%arg8 : memref<128x128xf32, #tpu.memory_space<vmem>>) offsets(%dma_start3A_16 : memref<128xi32, #tpu.memory_space<vmem>>) semaphore(%arg13 : memref<!tpu.dma_semaphore, #tpu.memory_space<semaphore_mem>>)
    %scan3A = arith.constant 0 : i32
    %scan3A_20 = arith.constant 20 : i32
    %scan3A_21 = arith.addi %scan3A, %scan3A_20 : i32
    %scan3A_22 = arith.constant 1 : i32
    scf.for %scan3A_48 = %scan3A to %scan3A_21 step %scan3A_22  : i32 {
      %mul3A_49 = arith.constant 1 : i32
      %mul3A_50 = arith.muli %scan3A_48, %mul3A_49 : i32
      %add3A_51 = arith.constant 0 : i32
      %add3A_52 = arith.addi %add3A_51, %mul3A_50 : i32
      %dma_wait3A = arith.constant 0 : i32
      %dma_wait3A_53 = arith.constant 0 : i32
      %dma_wait3A_54 = tpu.memref_slice %arg4[%dma_wait3A, %dma_wait3A_53] : memref<10000x128xf32, #tpu.memory_space<hbm>> -> memref<128x128xf32, #tpu.memory_space<hbm>>
      %dma_wait3A_55 = arith.constant 0 : i32
      %dma_wait3A_56 = arith.constant 0 : i32
      %dma_wait3A_57 = tpu.memref_slice %arg4[%dma_wait3A_55, %dma_wait3A_56] : memref<10000x128xf32, #tpu.memory_space<hbm>> -> memref<128x128xf32, #tpu.memory_space<hbm>>
      tpu.wait_dma2 semaphore(%arg12 : memref<!tpu.dma_semaphore, #tpu.memory_space<semaphore_mem>>) src(%dma_wait3A_57 : memref<128x128xf32, #tpu.memory_space<hbm>>) dst(%arg7 : memref<128x128xf32, #tpu.memory_space<vmem>>)
      %mul3A_58 = arith.constant 2 : i32
      %mul3A_59 = arith.muli %mul3A_58, %add3A_52 : i32
      "tpu.region"() ({
        %run_scoped3A = tpu.sem_alloc : memref<!tpu.dma_semaphore, #tpu.memory_space<semaphore_mem>>
        %dma_start3A_77 = arith.constant 0 : i32
        %dma_start3A_78 = tpu.memref_slice %arg10[%mul3A_59, %dma_start3A_77] : memref<40x128xi32, #tpu.memory_space<vmem>> -> memref<1x128xi32, #tpu.memory_space<vmem>>
        %dma_start3A_79 = tpu.memref_squeeze %dma_start3A_78 : memref<1x128xi32, #tpu.memory_space<vmem>> -> memref<128xi32, #tpu.memory_space<vmem>>
        %dma_start3A_80 = arith.constant 0 : i32
        %dma_start3A_81 = arith.constant 0 : i32
        %dma_start3A_82 = tpu.memref_slice %arg11[%dma_start3A_80, %dma_start3A_81] : memref<10240x128xf32, #tpu.memory_space<vmem_shared>> -> memref<10240x128xf32, #tpu.memory_space<vmem_shared>>
        tpu.enqueue_indirect_dma source(%arg7 : memref<128x128xf32, #tpu.memory_space<vmem>>) target(%dma_start3A_82 : memref<10240x128xf32, #tpu.memory_space<vmem_shared>>) offsets(%dma_start3A_79 : memref<128xi32, #tpu.memory_space<vmem>>) semaphore(%run_scoped3A : memref<!tpu.dma_semaphore, #tpu.memory_space<semaphore_mem>>) {add = true}
        %dma_wait3A_83 = arith.constant 0 : i32
        %dma_wait3A_84 = tpu.memref_slice %arg10[%mul3A_59, %dma_wait3A_83] : memref<40x128xi32, #tpu.memory_space<vmem>> -> memref<1x128xi32, #tpu.memory_space<vmem>>
        %dma_wait3A_85 = tpu.memref_squeeze %dma_wait3A_84 : memref<1x128xi32, #tpu.memory_space<vmem>> -> memref<128xi32, #tpu.memory_space<vmem>>
        %dma_wait3A_86 = arith.constant 0 : i32
        %dma_wait3A_87 = arith.constant 0 : i32
        %dma_wait3A_88 = tpu.memref_slice %arg11[%dma_wait3A_86, %dma_wait3A_87] : memref<10240x128xf32, #tpu.memory_space<vmem_shared>> -> memref<10240x128xf32, #tpu.memory_space<vmem_shared>>
        tpu.wait_indirect_dma semaphore(%run_scoped3A : memref<!tpu.dma_semaphore, #tpu.memory_space<semaphore_mem>>) src(%arg7 : memref<128x128xf32, #tpu.memory_space<vmem>>) dst(%dma_wait3A_88 : memref<10240x128xf32, #tpu.memory_space<vmem_shared>>)
        tpu.yield
      }) : () -> ()
      %lt3A = arith.constant 19 : i32
      %lt3A_60 = arith.cmpi slt, %add3A_52, %lt3A : i32
      %convert_element_type3A = arith.extui %lt3A_60 : i1 to i32
      %cond3A = arith.constant 0 : i32
      %cond3A_61 = arith.cmpi ne, %convert_element_type3A, %cond3A : i32
      scf.if %cond3A_61 {
        %mul3A_77 = arith.constant 2 : i32
        %mul3A_78 = arith.muli %mul3A_77, %add3A_52 : i32
        %add3A_79 = arith.constant 2 : i32
        %add3A_80 = arith.addi %mul3A_78, %add3A_79 : i32
        %mul3A_81 = arith.constant 128 : i32
        %mul3A_82 = arith.muli %add3A_80, %mul3A_81 : i32
        %dma_start3A_83 = tpu.memref_slice %arg9[%mul3A_82] : memref<5120xi32, #tpu.memory_space<vmem>> -> memref<128xi32, #tpu.memory_space<vmem>>
        %dma_start3A_84 = arith.constant 0 : i32
        %dma_start3A_85 = arith.constant 0 : i32
        %dma_start3A_86 = tpu.memref_slice %arg4[%dma_start3A_84, %dma_start3A_85] : memref<10000x128xf32, #tpu.memory_space<hbm>> -> memref<10000x128xf32, #tpu.memory_space<hbm>>
        tpu.enqueue_indirect_dma source(%dma_start3A_86 : memref<10000x128xf32, #tpu.memory_space<hbm>>) target(%arg7 : memref<128x128xf32, #tpu.memory_space<vmem>>) offsets(%dma_start3A_83 : memref<128xi32, #tpu.memory_space<vmem>>) semaphore(%arg12 : memref<!tpu.dma_semaphore, #tpu.memory_space<semaphore_mem>>)
      } else {
      }
      %dma_wait3A_62 = arith.constant 0 : i32
      %dma_wait3A_63 = arith.constant 0 : i32
      %dma_wait3A_64 = tpu.memref_slice %arg4[%dma_wait3A_62, %dma_wait3A_63] : memref<10000x128xf32, #tpu.memory_space<hbm>> -> memref<128x128xf32, #tpu.memory_space<hbm>>
      %dma_wait3A_65 = arith.constant 0 : i32
      %dma_wait3A_66 = arith.constant 0 : i32
      %dma_wait3A_67 = tpu.memref_slice %arg4[%dma_wait3A_65, %dma_wait3A_66] : memref<10000x128xf32, #tpu.memory_space<hbm>> -> memref<128x128xf32, #tpu.memory_space<hbm>>
      tpu.wait_dma2 semaphore(%arg13 : memref<!tpu.dma_semaphore, #tpu.memory_space<semaphore_mem>>) src(%dma_wait3A_67 : memref<128x128xf32, #tpu.memory_space<hbm>>) dst(%arg8 : memref<128x128xf32, #tpu.memory_space<vmem>>)
      %mul3A_68 = arith.constant 2 : i32
      %mul3A_69 = arith.muli %mul3A_68, %add3A_52 : i32
      %add3A_70 = arith.constant 1 : i32
      %add3A_71 = arith.addi %mul3A_69, %add3A_70 : i32
      "tpu.region"() ({
        %run_scoped3A = tpu.sem_alloc : memref<!tpu.dma_semaphore, #tpu.memory_space<semaphore_mem>>
        %dma_start3A_77 = arith.constant 0 : i32
        %dma_start3A_78 = tpu.memref_slice %arg10[%add3A_71, %dma_start3A_77] : memref<40x128xi32, #tpu.memory_space<vmem>> -> memref<1x128xi32, #tpu.memory_space<vmem>>
        %dma_start3A_79 = tpu.memref_squeeze %dma_start3A_78 : memref<1x128xi32, #tpu.memory_space<vmem>> -> memref<128xi32, #tpu.memory_space<vmem>>
        %dma_start3A_80 = arith.constant 0 : i32
        %dma_start3A_81 = arith.constant 0 : i32
        %dma_start3A_82 = tpu.memref_slice %arg11[%dma_start3A_80, %dma_start3A_81] : memref<10240x128xf32, #tpu.memory_space<vmem_shared>> -> memref<10240x128xf32, #tpu.memory_space<vmem_shared>>
        tpu.enqueue_indirect_dma source(%arg8 : memref<128x128xf32, #tpu.memory_space<vmem>>) target(%dma_start3A_82 : memref<10240x128xf32, #tpu.memory_space<vmem_shared>>) offsets(%dma_start3A_79 : memref<128xi32, #tpu.memory_space<vmem>>) semaphore(%run_scoped3A : memref<!tpu.dma_semaphore, #tpu.memory_space<semaphore_mem>>) {add = true}
        %dma_wait3A_83 = arith.constant 0 : i32
        %dma_wait3A_84 = tpu.memref_slice %arg10[%add3A_71, %dma_wait3A_83] : memref<40x128xi32, #tpu.memory_space<vmem>> -> memref<1x128xi32, #tpu.memory_space<vmem>>
        %dma_wait3A_85 = tpu.memref_squeeze %dma_wait3A_84 : memref<1x128xi32, #tpu.memory_space<vmem>> -> memref<128xi32, #tpu.memory_space<vmem>>
        %dma_wait3A_86 = arith.constant 0 : i32
        %dma_wait3A_87 = arith.constant 0 : i32
        %dma_wait3A_88 = tpu.memref_slice %arg11[%dma_wait3A_86, %dma_wait3A_87] : memref<10240x128xf32, #tpu.memory_space<vmem_shared>> -> memref<10240x128xf32, #tpu.memory_space<vmem_shared>>
        tpu.wait_indirect_dma semaphore(%run_scoped3A : memref<!tpu.dma_semaphore, #tpu.memory_space<semaphore_mem>>) src(%arg8 : memref<128x128xf32, #tpu.memory_space<vmem>>) dst(%dma_wait3A_88 : memref<10240x128xf32, #tpu.memory_space<vmem_shared>>)
        tpu.yield
      }) : () -> ()
      %lt3A_72 = arith.constant 19 : i32
      %lt3A_73 = arith.cmpi slt, %add3A_52, %lt3A_72 : i32
      %convert_element_type3A_74 = arith.extui %lt3A_73 : i1 to i32
      %cond3A_75 = arith.constant 0 : i32
      %cond3A_76 = arith.cmpi ne, %convert_element_type3A_74, %cond3A_75 : i32
      scf.if %cond3A_76 {
        %mul3A_77 = arith.constant 2 : i32
        %mul3A_78 = arith.muli %mul3A_77, %add3A_52 : i32
        %add3A_79 = arith.constant 3 : i32
        %add3A_80 = arith.addi %mul3A_78, %add3A_79 : i32
        %mul3A_81 = arith.constant 128 : i32
        %mul3A_82 = arith.muli %add3A_80, %mul3A_81 : i32
        %dma_start3A_83 = tpu.memref_slice %arg9[%mul3A_82] : memref<5120xi32, #tpu.memory_space<vmem>> -> memref<128xi32, #tpu.memory_space<vmem>>
        %dma_start3A_84 = arith.constant 0 : i32
        %dma_start3A_85 = arith.constant 0 : i32
        %dma_start3A_86 = tpu.memref_slice %arg4[%dma_start3A_84, %dma_start3A_85] : memref<10000x128xf32, #tpu.memory_space<hbm>> -> memref<10000x128xf32, #tpu.memory_space<hbm>>
        tpu.enqueue_indirect_dma source(%dma_start3A_86 : memref<10000x128xf32, #tpu.memory_space<hbm>>) target(%arg8 : memref<128x128xf32, #tpu.memory_space<vmem>>) offsets(%dma_start3A_83 : memref<128xi32, #tpu.memory_space<vmem>>) semaphore(%arg13 : memref<!tpu.dma_semaphore, #tpu.memory_space<semaphore_mem>>)
      } else {
      }
    }
    %scan3A_23 = arith.constant 20 : i32
    %mul3A_24 = arith.constant 10240 : i32
    %mul3A_25 = arith.muli %add3A, %mul3A_24 : i32
    %add3A_26 = arith.constant 5120 : i32
    %add3A_27 = arith.addi %mul3A_25, %add3A_26 : i32
    "tpu.region"() ({
      %run_scoped3A = tpu.sem_alloc : memref<!tpu.dma_semaphore, #tpu.memory_space<semaphore_mem>>
      %dma_start3A_48 = tpu.memref_slice %arg2[%add3A_27] : memref<327680xi32, #tpu.memory_space<hbm>> -> memref<5120xi32, #tpu.memory_space<hbm>>
      %dma_start3A_49 = tpu.memref_slice %arg2[%add3A_27] : memref<327680xi32, #tpu.memory_space<hbm>> -> memref<5120xi32, #tpu.memory_space<hbm>>
      tpu.enqueue_dma source(%dma_start3A_49 : memref<5120xi32, #tpu.memory_space<hbm>>) target(%arg9 : memref<5120xi32, #tpu.memory_space<vmem>>) target_semaphore(%run_scoped3A : memref<!tpu.dma_semaphore, #tpu.memory_space<semaphore_mem>>)
      %dma_wait3A = tpu.memref_slice %arg2[%add3A_27] : memref<327680xi32, #tpu.memory_space<hbm>> -> memref<5120xi32, #tpu.memory_space<hbm>>
      %dma_wait3A_50 = tpu.memref_slice %arg2[%add3A_27] : memref<327680xi32, #tpu.memory_space<hbm>> -> memref<5120xi32, #tpu.memory_space<hbm>>
      tpu.wait_dma2 semaphore(%run_scoped3A : memref<!tpu.dma_semaphore, #tpu.memory_space<semaphore_mem>>) src(%dma_wait3A_50 : memref<5120xi32, #tpu.memory_space<hbm>>) dst(%arg9 : memref<5120xi32, #tpu.memory_space<vmem>>)
      tpu.yield
    }) : () -> ()
    %mul3A_28 = arith.constant 80 : i32
    %mul3A_29 = arith.muli %add3A, %mul3A_28 : i32
    %add3A_30 = arith.constant 40 : i32
    %add3A_31 = arith.addi %mul3A_29, %add3A_30 : i32
    "tpu.region"() ({
      %run_scoped3A = tpu.sem_alloc : memref<!tpu.dma_semaphore, #tpu.memory_space<semaphore_mem>>
      %dma_start3A_48 = arith.constant 0 : i32
      %dma_start3A_49 = tpu.memref_slice %arg3[%add3A_31, %dma_start3A_48] : memref<2560x128xi32, #tpu.memory_space<hbm>> -> memref<40x128xi32, #tpu.memory_space<hbm>>
      %dma_start3A_50 = arith.constant 0 : i32
      %dma_start3A_51 = tpu.memref_slice %arg3[%add3A_31, %dma_start3A_50] : memref<2560x128xi32, #tpu.memory_space<hbm>> -> memref<40x128xi32, #tpu.memory_space<hbm>>
      tpu.enqueue_dma source(%dma_start3A_51 : memref<40x128xi32, #tpu.memory_space<hbm>>) target(%arg10 : memref<40x128xi32, #tpu.memory_space<vmem>>) target_semaphore(%run_scoped3A : memref<!tpu.dma_semaphore, #tpu.memory_space<semaphore_mem>>)
      %dma_wait3A = arith.constant 0 : i32
      %dma_wait3A_52 = tpu.memref_slice %arg3[%add3A_31, %dma_wait3A] : memref<2560x128xi32, #tpu.memory_space<hbm>> -> memref<40x128xi32, #tpu.memory_space<hbm>>
      %dma_wait3A_53 = arith.constant 0 : i32
      %dma_wait3A_54 = tpu.memref_slice %arg3[%add3A_31, %dma_wait3A_53] : memref<2560x128xi32, #tpu.memory_space<hbm>> -> memref<40x128xi32, #tpu.memory_space<hbm>>
      tpu.wait_dma2 semaphore(%run_scoped3A : memref<!tpu.dma_semaphore, #tpu.memory_space<semaphore_mem>>) src(%dma_wait3A_54 : memref<40x128xi32, #tpu.memory_space<hbm>>) dst(%arg10 : memref<40x128xi32, #tpu.memory_space<vmem>>)
      tpu.yield
    }) : () -> ()
    %dma_start3A_32 = arith.constant 0 : i32
    %dma_start3A_33 = tpu.memref_slice %arg9[%dma_start3A_32] : memref<5120xi32, #tpu.memory_space<vmem>> -> memref<128xi32, #tpu.memory_space<vmem>>
    %dma_start3A_34 = arith.constant 0 : i32
    %dma_start3A_35 = arith.constant 0 : i32
    %dma_start3A_36 = tpu.memref_slice %arg4[%dma_start3A_34, %dma_start3A_35] : memref<10000x128xf32, #tpu.memory_space<hbm>> -> memref<10000x128xf32, #tpu.memory_space<hbm>>
    tpu.enqueue_indirect_dma source(%dma_start3A_36 : memref<10000x128xf32, #tpu.memory_space<hbm>>) target(%arg7 : memref<128x128xf32, #tpu.memory_space<vmem>>) offsets(%dma_start3A_33 : memref<128xi32, #tpu.memory_space<vmem>>) semaphore(%arg12 : memref<!tpu.dma_semaphore, #tpu.memory_space<semaphore_mem>>)
    %dma_start3A_37 = arith.constant 128 : i32
    %dma_start3A_38 = tpu.memref_slice %arg9[%dma_start3A_37] : memref<5120xi32, #tpu.memory_space<vmem>> -> memref<128xi32, #tpu.memory_space<vmem>>
    %dma_start3A_39 = arith.constant 0 : i32
    %dma_start3A_40 = arith.constant 0 : i32
    %dma_start3A_41 = tpu.memref_slice %arg4[%dma_start3A_39, %dma_start3A_40] : memref<10000x128xf32, #tpu.memory_space<hbm>> -> memref<10000x128xf32, #tpu.memory_space<hbm>>
    tpu.enqueue_indirect_dma source(%dma_start3A_41 : memref<10000x128xf32, #tpu.memory_space<hbm>>) target(%arg8 : memref<128x128xf32, #tpu.memory_space<vmem>>) offsets(%dma_start3A_38 : memref<128xi32, #tpu.memory_space<vmem>>) semaphore(%arg13 : memref<!tpu.dma_semaphore, #tpu.memory_space<semaphore_mem>>)
    %scan3A_42 = arith.constant 0 : i32
    %scan3A_43 = arith.constant 20 : i32
    %scan3A_44 = arith.addi %scan3A_42, %scan3A_43 : i32
    %scan3A_45 = arith.constant 1 : i32
    scf.for %scan3A_48 = %scan3A_42 to %scan3A_44 step %scan3A_45  : i32 {
      %mul3A_49 = arith.constant 1 : i32
      %mul3A_50 = arith.muli %scan3A_48, %mul3A_49 : i32
      %add3A_51 = arith.constant 0 : i32
      %add3A_52 = arith.addi %add3A_51, %mul3A_50 : i32
      %dma_wait3A = arith.constant 0 : i32
      %dma_wait3A_53 = arith.constant 0 : i32
      %dma_wait3A_54 = tpu.memref_slice %arg4[%dma_wait3A, %dma_wait3A_53] : memref<10000x128xf32, #tpu.memory_space<hbm>> -> memref<128x128xf32, #tpu.memory_space<hbm>>
      %dma_wait3A_55 = arith.constant 0 : i32
      %dma_wait3A_56 = arith.constant 0 : i32
      %dma_wait3A_57 = tpu.memref_slice %arg4[%dma_wait3A_55, %dma_wait3A_56] : memref<10000x128xf32, #tpu.memory_space<hbm>> -> memref<128x128xf32, #tpu.memory_space<hbm>>
      tpu.wait_dma2 semaphore(%arg12 : memref<!tpu.dma_semaphore, #tpu.memory_space<semaphore_mem>>) src(%dma_wait3A_57 : memref<128x128xf32, #tpu.memory_space<hbm>>) dst(%arg7 : memref<128x128xf32, #tpu.memory_space<vmem>>)
      %mul3A_58 = arith.constant 2 : i32
      %mul3A_59 = arith.muli %mul3A_58, %add3A_52 : i32
      "tpu.region"() ({
        %run_scoped3A = tpu.sem_alloc : memref<!tpu.dma_semaphore, #tpu.memory_space<semaphore_mem>>
        %dma_start3A_77 = arith.constant 0 : i32
        %dma_start3A_78 = tpu.memref_slice %arg10[%mul3A_59, %dma_start3A_77] : memref<40x128xi32, #tpu.memory_space<vmem>> -> memref<1x128xi32, #tpu.memory_space<vmem>>
        %dma_start3A_79 = tpu.memref_squeeze %dma_start3A_78 : memref<1x128xi32, #tpu.memory_space<vmem>> -> memref<128xi32, #tpu.memory_space<vmem>>
        %dma_start3A_80 = arith.constant 0 : i32
        %dma_start3A_81 = arith.constant 0 : i32
        %dma_start3A_82 = tpu.memref_slice %arg11[%dma_start3A_80, %dma_start3A_81] : memref<10240x128xf32, #tpu.memory_space<vmem_shared>> -> memref<10240x128xf32, #tpu.memory_space<vmem_shared>>
        tpu.enqueue_indirect_dma source(%arg7 : memref<128x128xf32, #tpu.memory_space<vmem>>) target(%dma_start3A_82 : memref<10240x128xf32, #tpu.memory_space<vmem_shared>>) offsets(%dma_start3A_79 : memref<128xi32, #tpu.memory_space<vmem>>) semaphore(%run_scoped3A : memref<!tpu.dma_semaphore, #tpu.memory_space<semaphore_mem>>) {add = true}
        %dma_wait3A_83 = arith.constant 0 : i32
        %dma_wait3A_84 = tpu.memref_slice %arg10[%mul3A_59, %dma_wait3A_83] : memref<40x128xi32, #tpu.memory_space<vmem>> -> memref<1x128xi32, #tpu.memory_space<vmem>>
        %dma_wait3A_85 = tpu.memref_squeeze %dma_wait3A_84 : memref<1x128xi32, #tpu.memory_space<vmem>> -> memref<128xi32, #tpu.memory_space<vmem>>
        %dma_wait3A_86 = arith.constant 0 : i32
        %dma_wait3A_87 = arith.constant 0 : i32
        %dma_wait3A_88 = tpu.memref_slice %arg11[%dma_wait3A_86, %dma_wait3A_87] : memref<10240x128xf32, #tpu.memory_space<vmem_shared>> -> memref<10240x128xf32, #tpu.memory_space<vmem_shared>>
        tpu.wait_indirect_dma semaphore(%run_scoped3A : memref<!tpu.dma_semaphore, #tpu.memory_space<semaphore_mem>>) src(%arg7 : memref<128x128xf32, #tpu.memory_space<vmem>>) dst(%dma_wait3A_88 : memref<10240x128xf32, #tpu.memory_space<vmem_shared>>)
        tpu.yield
      }) : () -> ()
      %lt3A = arith.constant 19 : i32
      %lt3A_60 = arith.cmpi slt, %add3A_52, %lt3A : i32
      %convert_element_type3A = arith.extui %lt3A_60 : i1 to i32
      %cond3A = arith.constant 0 : i32
      %cond3A_61 = arith.cmpi ne, %convert_element_type3A, %cond3A : i32
      scf.if %cond3A_61 {
        %mul3A_77 = arith.constant 2 : i32
        %mul3A_78 = arith.muli %mul3A_77, %add3A_52 : i32
        %add3A_79 = arith.constant 2 : i32
        %add3A_80 = arith.addi %mul3A_78, %add3A_79 : i32
        %mul3A_81 = arith.constant 128 : i32
        %mul3A_82 = arith.muli %add3A_80, %mul3A_81 : i32
        %dma_start3A_83 = tpu.memref_slice %arg9[%mul3A_82] : memref<5120xi32, #tpu.memory_space<vmem>> -> memref<128xi32, #tpu.memory_space<vmem>>
        %dma_start3A_84 = arith.constant 0 : i32
        %dma_start3A_85 = arith.constant 0 : i32
        %dma_start3A_86 = tpu.memref_slice %arg4[%dma_start3A_84, %dma_start3A_85] : memref<10000x128xf32, #tpu.memory_space<hbm>> -> memref<10000x128xf32, #tpu.memory_space<hbm>>
        tpu.enqueue_indirect_dma source(%dma_start3A_86 : memref<10000x128xf32, #tpu.memory_space<hbm>>) target(%arg7 : memref<128x128xf32, #tpu.memory_space<vmem>>) offsets(%dma_start3A_83 : memref<128xi32, #tpu.memory_space<vmem>>) semaphore(%arg12 : memref<!tpu.dma_semaphore, #tpu.memory_space<semaphore_mem>>)
      } else {
      }
      %dma_wait3A_62 = arith.constant 0 : i32
      %dma_wait3A_63 = arith.constant 0 : i32
      %dma_wait3A_64 = tpu.memref_slice %arg4[%dma_wait3A_62, %dma_wait3A_63] : memref<10000x128xf32, #tpu.memory_space<hbm>> -> memref<128x128xf32, #tpu.memory_space<hbm>>
      %dma_wait3A_65 = arith.constant 0 : i32
      %dma_wait3A_66 = arith.constant 0 : i32
      %dma_wait3A_67 = tpu.memref_slice %arg4[%dma_wait3A_65, %dma_wait3A_66] : memref<10000x128xf32, #tpu.memory_space<hbm>> -> memref<128x128xf32, #tpu.memory_space<hbm>>
      tpu.wait_dma2 semaphore(%arg13 : memref<!tpu.dma_semaphore, #tpu.memory_space<semaphore_mem>>) src(%dma_wait3A_67 : memref<128x128xf32, #tpu.memory_space<hbm>>) dst(%arg8 : memref<128x128xf32, #tpu.memory_space<vmem>>)
      %mul3A_68 = arith.constant 2 : i32
      %mul3A_69 = arith.muli %mul3A_68, %add3A_52 : i32
      %add3A_70 = arith.constant 1 : i32
      %add3A_71 = arith.addi %mul3A_69, %add3A_70 : i32
      "tpu.region"() ({
        %run_scoped3A = tpu.sem_alloc : memref<!tpu.dma_semaphore, #tpu.memory_space<semaphore_mem>>
        %dma_start3A_77 = arith.constant 0 : i32
        %dma_start3A_78 = tpu.memref_slice %arg10[%add3A_71, %dma_start3A_77] : memref<40x128xi32, #tpu.memory_space<vmem>> -> memref<1x128xi32, #tpu.memory_space<vmem>>
        %dma_start3A_79 = tpu.memref_squeeze %dma_start3A_78 : memref<1x128xi32, #tpu.memory_space<vmem>> -> memref<128xi32, #tpu.memory_space<vmem>>
        %dma_start3A_80 = arith.constant 0 : i32
        %dma_start3A_81 = arith.constant 0 : i32
        %dma_start3A_82 = tpu.memref_slice %arg11[%dma_start3A_80, %dma_start3A_81] : memref<10240x128xf32, #tpu.memory_space<vmem_shared>> -> memref<10240x128xf32, #tpu.memory_space<vmem_shared>>
        tpu.enqueue_indirect_dma source(%arg8 : memref<128x128xf32, #tpu.memory_space<vmem>>) target(%dma_start3A_82 : memref<10240x128xf32, #tpu.memory_space<vmem_shared>>) offsets(%dma_start3A_79 : memref<128xi32, #tpu.memory_space<vmem>>) semaphore(%run_scoped3A : memref<!tpu.dma_semaphore, #tpu.memory_space<semaphore_mem>>) {add = true}
        %dma_wait3A_83 = arith.constant 0 : i32
        %dma_wait3A_84 = tpu.memref_slice %arg10[%add3A_71, %dma_wait3A_83] : memref<40x128xi32, #tpu.memory_space<vmem>> -> memref<1x128xi32, #tpu.memory_space<vmem>>
        %dma_wait3A_85 = tpu.memref_squeeze %dma_wait3A_84 : memref<1x128xi32, #tpu.memory_space<vmem>> -> memref<128xi32, #tpu.memory_space<vmem>>
        %dma_wait3A_86 = arith.constant 0 : i32
        %dma_wait3A_87 = arith.constant 0 : i32
        %dma_wait3A_88 = tpu.memref_slice %arg11[%dma_wait3A_86, %dma_wait3A_87] : memref<10240x128xf32, #tpu.memory_space<vmem_shared>> -> memref<10240x128xf32, #tpu.memory_space<vmem_shared>>
        tpu.wait_indirect_dma semaphore(%run_scoped3A : memref<!tpu.dma_semaphore, #tpu.memory_space<semaphore_mem>>) src(%arg8 : memref<128x128xf32, #tpu.memory_space<vmem>>) dst(%dma_wait3A_88 : memref<10240x128xf32, #tpu.memory_space<vmem_shared>>)
        tpu.yield
      }) : () -> ()
      %lt3A_72 = arith.constant 19 : i32
      %lt3A_73 = arith.cmpi slt, %add3A_52, %lt3A_72 : i32
      %convert_element_type3A_74 = arith.extui %lt3A_73 : i1 to i32
      %cond3A_75 = arith.constant 0 : i32
      %cond3A_76 = arith.cmpi ne, %convert_element_type3A_74, %cond3A_75 : i32
      scf.if %cond3A_76 {
        %mul3A_77 = arith.constant 2 : i32
        %mul3A_78 = arith.muli %mul3A_77, %add3A_52 : i32
        %add3A_79 = arith.constant 3 : i32
        %add3A_80 = arith.addi %mul3A_78, %add3A_79 : i32
        %mul3A_81 = arith.constant 128 : i32
        %mul3A_82 = arith.muli %add3A_80, %mul3A_81 : i32
        %dma_start3A_83 = tpu.memref_slice %arg9[%mul3A_82] : memref<5120xi32, #tpu.memory_space<vmem>> -> memref<128xi32, #tpu.memory_space<vmem>>
        %dma_start3A_84 = arith.constant 0 : i32
        %dma_start3A_85 = arith.constant 0 : i32
        %dma_start3A_86 = tpu.memref_slice %arg4[%dma_start3A_84, %dma_start3A_85] : memref<10000x128xf32, #tpu.memory_space<hbm>> -> memref<10000x128xf32, #tpu.memory_space<hbm>>
        tpu.enqueue_indirect_dma source(%dma_start3A_86 : memref<10000x128xf32, #tpu.memory_space<hbm>>) target(%arg8 : memref<128x128xf32, #tpu.memory_space<vmem>>) offsets(%dma_start3A_83 : memref<128xi32, #tpu.memory_space<vmem>>) semaphore(%arg13 : memref<!tpu.dma_semaphore, #tpu.memory_space<semaphore_mem>>)
      } else {
      }
    }
    %scan3A_46 = arith.constant 20 : i32
    %barrier3A_47 = arith.constant 0 : index
    tpu.barrier barrier_id(%barrier3A_47)
    "tpu.region"() ({
      %run_scoped3A = tpu.sem_alloc : memref<!tpu.dma_semaphore, #tpu.memory_space<semaphore_mem>>
      %dma_start3A_48 = arith.constant 0 : i32
      %dma_start3A_49 = tpu.memref_slice %arg6[%arg0, %mul3A_2, %dma_start3A_48] : memref<2x10240x128xf32, #tpu.memory_space<hbm>> -> memref<1x640x128xf32, #tpu.memory_space<hbm>>
      %dma_start3A_50 = tpu.memref_squeeze %dma_start3A_49 : memref<1x640x128xf32, #tpu.memory_space<hbm>> -> memref<640x128xf32, #tpu.memory_space<hbm>>
      %dma_start3A_51 = arith.constant 0 : i32
      %dma_start3A_52 = tpu.memref_slice %arg11[%mul3A_2, %dma_start3A_51] : memref<10240x128xf32, #tpu.memory_space<vmem_shared>> -> memref<640x128xf32, #tpu.memory_space<vmem_shared>>
      tpu.enqueue_dma source(%dma_start3A_52 : memref<640x128xf32, #tpu.memory_space<vmem_shared>>) target(%dma_start3A_50 : memref<640x128xf32, #tpu.memory_space<hbm>>) target_semaphore(%run_scoped3A : memref<!tpu.dma_semaphore, #tpu.memory_space<semaphore_mem>>)
      %dma_wait3A = arith.constant 0 : i32
      %dma_wait3A_53 = tpu.memref_slice %arg6[%arg0, %mul3A_2, %dma_wait3A] : memref<2x10240x128xf32, #tpu.memory_space<hbm>> -> memref<1x640x128xf32, #tpu.memory_space<hbm>>
      %dma_wait3A_54 = tpu.memref_squeeze %dma_wait3A_53 : memref<1x640x128xf32, #tpu.memory_space<hbm>> -> memref<640x128xf32, #tpu.memory_space<hbm>>
      %dma_wait3A_55 = arith.constant 0 : i32
      %dma_wait3A_56 = tpu.memref_slice %arg11[%mul3A_2, %dma_wait3A_55] : memref<10240x128xf32, #tpu.memory_space<vmem_shared>> -> memref<640x128xf32, #tpu.memory_space<vmem_shared>>
      tpu.wait_dma2 semaphore(%run_scoped3A : memref<!tpu.dma_semaphore, #tpu.memory_space<semaphore_mem>>) src(%dma_wait3A_56 : memref<640x128xf32, #tpu.memory_space<vmem_shared>>) dst(%dma_wait3A_54 : memref<640x128xf32, #tpu.memory_space<hbm>>)
      tpu.yield
    }) : () -> ()
    return
  }
}

#map = affine_map<(d0, d1) -> (0, 0)>
#map1 = affine_map<(d0, d1) -> (0)>
module attributes {stable_mosaic.version = 14 : i64} {
  func.func @k(%arg0: i32, %arg1: i32, %arg2: memref<10000x128xf32, #tpu.memory_space<hbm>>, %arg3: memref<512xi32, #tpu.memory_space<hbm>>, %arg4: memref<512x128xf32, #tpu.memory_space<hbm>>, %arg5: memref<16xi32, #tpu.memory_space<vmem>>, %arg6: memref<16x128xf32, #tpu.memory_space<vmem>>, %arg7: memref<!tpu.dma_semaphore, #tpu.memory_space<semaphore_mem>>) attributes {dimension_semantics = [#tpu.dimension_semantics<core_parallel>, #tpu.dimension_semantics<subcore_parallel>], iteration_bounds = array<i64: 2, 16>, scalar_prefetch = 0 : i64, scratch_operands = 3 : i64, tpu.core_type = #tpu.core_type<sc_vector_subcore>, window_params = [{transform_indices = #map}, {transform_indices = #map1}, {transform_indices = #map}]} {
    %mul3A = arith.constant 2 : i32
    %mul3A_0 = arith.muli %arg1, %mul3A : i32
    %add3A = arith.addi %mul3A_0, %arg0 : i32
    %mul3A_1 = arith.constant 16 : i32
    %mul3A_2 = arith.muli %add3A, %mul3A_1 : i32
    "tpu.region"() ({
      %run_scoped3A = tpu.sem_alloc : memref<!tpu.dma_semaphore, #tpu.memory_space<semaphore_mem>>
      %dma_start3A_7 = tpu.memref_slice %arg3[%mul3A_2] : memref<512xi32, #tpu.memory_space<hbm>> -> memref<16xi32, #tpu.memory_space<hbm>>
      %dma_start3A_8 = tpu.memref_slice %arg3[%mul3A_2] : memref<512xi32, #tpu.memory_space<hbm>> -> memref<16xi32, #tpu.memory_space<hbm>>
      tpu.enqueue_dma source(%dma_start3A_8 : memref<16xi32, #tpu.memory_space<hbm>>) target(%arg5 : memref<16xi32, #tpu.memory_space<vmem>>) target_semaphore(%run_scoped3A : memref<!tpu.dma_semaphore, #tpu.memory_space<semaphore_mem>>)
      %dma_wait3A_9 = tpu.memref_slice %arg3[%mul3A_2] : memref<512xi32, #tpu.memory_space<hbm>> -> memref<16xi32, #tpu.memory_space<hbm>>
      %dma_wait3A_10 = tpu.memref_slice %arg3[%mul3A_2] : memref<512xi32, #tpu.memory_space<hbm>> -> memref<16xi32, #tpu.memory_space<hbm>>
      tpu.wait_dma2 semaphore(%run_scoped3A : memref<!tpu.dma_semaphore, #tpu.memory_space<semaphore_mem>>) src(%dma_wait3A_10 : memref<16xi32, #tpu.memory_space<hbm>>) dst(%arg5 : memref<16xi32, #tpu.memory_space<vmem>>)
      tpu.yield
    }) : () -> ()
    %dma_start3A = arith.constant 0 : i32
    %dma_start3A_3 = arith.constant 0 : i32
    %dma_start3A_4 = tpu.memref_slice %arg2[%dma_start3A, %dma_start3A_3] : memref<10000x128xf32, #tpu.memory_space<hbm>> -> memref<10000x128xf32, #tpu.memory_space<hbm>>
    tpu.enqueue_indirect_dma source(%dma_start3A_4 : memref<10000x128xf32, #tpu.memory_space<hbm>>) target(%arg6 : memref<16x128xf32, #tpu.memory_space<vmem>>) offsets(%arg5 : memref<16xi32, #tpu.memory_space<vmem>>) semaphore(%arg7 : memref<!tpu.dma_semaphore, #tpu.memory_space<semaphore_mem>>)
    %dma_wait3A = arith.constant 0 : i32
    %dma_wait3A_5 = arith.constant 0 : i32
    %dma_wait3A_6 = tpu.memref_slice %arg2[%dma_wait3A, %dma_wait3A_5] : memref<10000x128xf32, #tpu.memory_space<hbm>> -> memref<10000x128xf32, #tpu.memory_space<hbm>>
    tpu.wait_indirect_dma semaphore(%arg7 : memref<!tpu.dma_semaphore, #tpu.memory_space<semaphore_mem>>) src(%dma_wait3A_6 : memref<10000x128xf32, #tpu.memory_space<hbm>>) dst(%arg6 : memref<16x128xf32, #tpu.memory_space<vmem>>)
    "tpu.region"() ({
      %run_scoped3A = tpu.sem_alloc : memref<!tpu.dma_semaphore, #tpu.memory_space<semaphore_mem>>
      %dma_start3A_7 = arith.constant 0 : i32
      %dma_start3A_8 = tpu.memref_slice %arg4[%mul3A_2, %dma_start3A_7] : memref<512x128xf32, #tpu.memory_space<hbm>> -> memref<16x128xf32, #tpu.memory_space<hbm>>
      %dma_start3A_9 = arith.constant 0 : i32
      %dma_start3A_10 = tpu.memref_slice %arg4[%mul3A_2, %dma_start3A_9] : memref<512x128xf32, #tpu.memory_space<hbm>> -> memref<16x128xf32, #tpu.memory_space<hbm>>
      tpu.enqueue_dma source(%arg6 : memref<16x128xf32, #tpu.memory_space<vmem>>) target(%dma_start3A_10 : memref<16x128xf32, #tpu.memory_space<hbm>>) target_semaphore(%run_scoped3A : memref<!tpu.dma_semaphore, #tpu.memory_space<semaphore_mem>>)
      %dma_wait3A_11 = arith.constant 0 : i32
      %dma_wait3A_12 = tpu.memref_slice %arg4[%mul3A_2, %dma_wait3A_11] : memref<512x128xf32, #tpu.memory_space<hbm>> -> memref<16x128xf32, #tpu.memory_space<hbm>>
      %dma_wait3A_13 = arith.constant 0 : i32
      %dma_wait3A_14 = tpu.memref_slice %arg4[%mul3A_2, %dma_wait3A_13] : memref<512x128xf32, #tpu.memory_space<hbm>> -> memref<16x128xf32, #tpu.memory_space<hbm>>
      tpu.wait_dma2 semaphore(%run_scoped3A : memref<!tpu.dma_semaphore, #tpu.memory_space<semaphore_mem>>) src(%arg6 : memref<16x128xf32, #tpu.memory_space<vmem>>) dst(%dma_wait3A_14 : memref<16x128xf32, #tpu.memory_space<hbm>>)
      tpu.yield
    }) : () -> ()
    return
  }
}

module attributes {stable_mosaic.version = 14 : i64} {
  func.func @body(%arg0: i32, %arg1: memref<1000x128xf32, #tpu.memory_space<vmem>>, %arg2: memref<128x128xf32, #tpu.memory_space<vmem>>, %arg3: memref<1x128xf32, #tpu.memory_space<vmem>>, %arg4: memref<1000x128xf32, #tpu.memory_space<vmem>>) attributes {dimension_semantics = [#tpu.dimension_semantics<arbitrary>], iteration_bounds = array<i64: 10>, scalar_prefetch = 0 : i64, scratch_operands = 0 : i64, tpu.core_type = #tpu.core_type<tc>, window_params = [{transform_indices = @transform_0, window_bounds = array<i64: 1000, 128>}, {pipeline_mode = #tpu.pipeline_mode<synchronous>, transform_indices = @transform_1, window_bounds = array<i64: 128, 128>}, {pipeline_mode = #tpu.pipeline_mode<synchronous>, transform_indices = @transform_2, window_bounds = array<i64: 1, 128>}, {transform_indices = @transform_3, window_bounds = array<i64: 1000, 128>}]} {
    %get3A = arith.constant 0 : index
    %get3A_0 = arith.constant 0 : index
    %get3A_1 = vector.load %arg1[%get3A, %get3A_0] : memref<1000x128xf32, #tpu.memory_space<vmem>>, vector<1000x128xf32>
    %get3A_2 = arith.constant 0 : index
    %get3A_3 = arith.constant 0 : index
    %get3A_4 = vector.load %arg2[%get3A_2, %get3A_3] : memref<128x128xf32, #tpu.memory_space<vmem>>, vector<128x128xf32>
    %convert_element_type3A = arith.truncf %get3A_1 : vector<1000x128xf32> to vector<1000x128xbf16>
    %convert_element_type3A_5 = arith.truncf %get3A_4 : vector<128x128xf32> to vector<128x128xbf16>
    %dot_general3A = arith.constant dense<0.000000e+00> : vector<1000x128xf32>
    %dot_general3A_6 = tpu.matmul %convert_element_type3A, %convert_element_type3A_5, %dot_general3A {dimension_numbers = #tpu.dot_dimension_numbers<[1], [0], [0], [1], [0, 0, 1, 1], [], []>, transpose_lhs_hint = false} : vector<1000x128xbf16>, vector<128x128xbf16>, vector<1000x128xf32> -> vector<1000x128xf32>
    %get3A_7 = arith.constant 0 : index
    %get3A_8 = arith.constant 0 : index
    %get3A_9 = vector.load %arg3[%get3A_7, %get3A_8] : memref<1x128xf32, #tpu.memory_space<vmem>>, vector<1x128xf32>
    %add3A = vector.broadcast %get3A_9 : vector<1x128xf32> to vector<1000x128xf32>
    %add3A_10 = arith.addf %dot_general3A_6, %add3A : vector<1000x128xf32>
    %max3A = arith.constant 0.000000e+00 : f32
    %max3A_11 = vector.broadcast %max3A : f32 to vector<1000x128xf32>
    %max3A_12 = arith.maximumf %add3A_10, %max3A_11 : vector<1000x128xf32>
    %swap3A = arith.constant 0 : index
    %swap3A_13 = arith.constant 0 : index
    %swap3A_14 = vector.load %arg4[%swap3A, %swap3A_13] : memref<1000x128xf32, #tpu.memory_space<vmem>>, vector<1000x128xf32>
    tpu.vector_store %arg4[%swap3A, %swap3A_13], %max3A_12 {strides = array<i32>} : memref<1000x128xf32, #tpu.memory_space<vmem>>, vector<1000x128xf32>,
    return
  }
  func.func @transform_0(%arg0: i32) -> (i32, i32) {
    %c0_i32 = arith.constant 0 : i32
    %c0_i32_0 = arith.constant 0 : i32
    return %arg0, %c0_i32 : i32, i32
  }
  func.func @transform_1(%arg0: i32) -> (i32, i32) {
    %c0_i32 = arith.constant 0 : i32
    %c0_i32_0 = arith.constant 0 : i32
    %c0_i32_1 = arith.constant 0 : i32
    return %c0_i32, %c0_i32_0 : i32, i32
  }
  func.func @transform_2(%arg0: i32) -> (i32, i32) {
    %c0_i32 = arith.constant 0 : i32
    %c0_i32_0 = arith.constant 0 : i32
    %c0_i32_1 = arith.constant 0 : i32
    return %c0_i32, %c0_i32_0 : i32, i32
  }
  func.func @transform_3(%arg0: i32) -> (i32, i32) {
    %c0_i32 = arith.constant 0 : i32
    %c0_i32_0 = arith.constant 0 : i32
    return %arg0, %c0_i32 : i32, i32
  }
}

module attributes {stable_mosaic.version = 14 : i64} {
  func.func @body(%arg0: i32, %arg1: i32, %arg2: memref<1000x128xf32, #tpu.memory_space<vmem>>, %arg3: memref<1000x128xf32, #tpu.memory_space<vmem>>, %arg4: memref<1000x128xf32, #tpu.memory_space<vmem>>, %arg5: memref<1000x128xf32, #tpu.memory_space<vmem>>, %arg6: memref<1000x128xf32, #tpu.memory_space<vmem>>, %arg7: memref<128x128xf32, #tpu.memory_space<vmem>>, %arg8: memref<1x128xf32, #tpu.memory_space<vmem>>, %arg9: memref<128x128xf32, #tpu.memory_space<vmem>>, %arg10: memref<1x128xf32, #tpu.memory_space<vmem>>, %arg11: memref<1x128xf32, #tpu.memory_space<vmem>>, %arg12: memref<1000x128xf32, #tpu.memory_space<vmem>>, %arg13: memref<10000x128xf32, #tpu.memory_space<vmem>>, %arg14: memref<2x128xf32, #tpu.memory_space<vmem>>) attributes {dimension_semantics = [#tpu.dimension_semantics<arbitrary>, #tpu.dimension_semantics<arbitrary>], iteration_bounds = array<i64: 2, 10>, scalar_prefetch = 0 : i64, scratch_operands = 2 : i64, tpu.core_type = #tpu.core_type<tc>, window_params = [{transform_indices = @transform_0, window_bounds = array<i64: 1000, 128>}, {transform_indices = @transform_1, window_bounds = array<i64: 1000, 128>}, {transform_indices = @transform_2, window_bounds = array<i64: 1000, 128>}, {transform_indices = @transform_3, window_bounds = array<i64: 1000, 128>}, {transform_indices = @transform_4, window_bounds = array<i64: 1000, 128>}, {pipeline_mode = #tpu.pipeline_mode<synchronous>, transform_indices = @transform_5, window_bounds = array<i64: 128, 128>}, {pipeline_mode = #tpu.pipeline_mode<synchronous>, transform_indices = @transform_6, window_bounds = array<i64: 1, 128>}, {pipeline_mode = #tpu.pipeline_mode<synchronous>, transform_indices = @transform_7, window_bounds = array<i64: 128, 128>}, {pipeline_mode = #tpu.pipeline_mode<synchronous>, transform_indices = @transform_8, window_bounds = array<i64: 1, 128>}, {pipeline_mode = #tpu.pipeline_mode<synchronous>, transform_indices = @transform_9, window_bounds = array<i64: 1, 128>}, {transform_indices = @transform_10, window_bounds = array<i64: 1000, 128>}]} {
    %eq3A = arith.constant 0 : i32
    %eq3A_0 = arith.cmpi eq, %arg0, %eq3A : i32
    %convert_element_type3A = arith.extui %eq3A_0 : i1 to i32
    %cond3A = arith.constant 0 : i32
    %cond3A_1 = arith.cmpi ne, %convert_element_type3A, %cond3A : i32
    scf.if %cond3A_1 {
      %get3A = arith.constant 0 : index
      %get3A_7 = arith.constant 0 : index
      %get3A_8 = vector.load %arg2[%get3A, %get3A_7] : memref<1000x128xf32, #tpu.memory_space<vmem>>, vector<1000x128xf32>
      %get3A_9 = arith.constant 0 : index
      %get3A_10 = arith.constant 0 : index
      %get3A_11 = vector.load %arg3[%get3A_9, %get3A_10] : memref<1000x128xf32, #tpu.memory_space<vmem>>, vector<1000x128xf32>
      %add3A = arith.addf %get3A_8, %get3A_11 : vector<1000x128xf32>
      %get3A_12 = arith.constant 0 : index
      %get3A_13 = arith.constant 0 : index
      %get3A_14 = vector.load %arg4[%get3A_12, %get3A_13] : memref<1000x128xf32, #tpu.memory_space<vmem>>, vector<1000x128xf32>
      %slice3A = vector.extract_strided_slice %get3A_14 {offsets = [0, 0], sizes = [1000, 1], strides = [1, 1]} : vector<1000x128xf32> to vector<1000x1xf32>
      %get3A_15 = arith.constant 0 : index
      %get3A_16 = arith.constant 0 : index
      %get3A_17 = vector.load %arg5[%get3A_15, %get3A_16] : memref<1000x128xf32, #tpu.memory_space<vmem>>, vector<1000x128xf32>
      %slice3A_18 = vector.extract_strided_slice %get3A_17 {offsets = [0, 0], sizes = [1000, 1], strides = [1, 1]} : vector<1000x128xf32> to vector<1000x1xf32>
      %add3A_19 = arith.addf %slice3A, %slice3A_18 : vector<1000x1xf32>
      %max3A = arith.constant 1.000000e+00 : f32
      %max3A_20 = vector.broadcast %max3A : f32 to vector<1000x1xf32>
      %max3A_21 = arith.maximumf %add3A_19, %max3A_20 : vector<1000x1xf32>
      %div3A = arith.constant 1.000000e+00 : f32
      %div3A_22 = vector.broadcast %div3A : f32 to vector<1000x1xf32>
      %div3A_23 = arith.divf %div3A_22, %max3A_21 : vector<1000x1xf32>
      %mul3A = vector.broadcast %div3A_23 : vector<1000x1xf32> to vector<1000x128xf32>
      %mul3A_24 = arith.mulf %add3A, %mul3A : vector<1000x128xf32>
      %get3A_25 = arith.constant 0 : index
      %get3A_26 = arith.constant 0 : index
      %get3A_27 = vector.load %arg7[%get3A_25, %get3A_26] : memref<128x128xf32, #tpu.memory_space<vmem>>, vector<128x128xf32>
      %convert_element_type3A_28 = arith.truncf %mul3A_24 : vector<1000x128xf32> to vector<1000x128xbf16>
      %convert_element_type3A_29 = arith.truncf %get3A_27 : vector<128x128xf32> to vector<128x128xbf16>
      %dot_general3A = arith.constant dense<0.000000e+00> : vector<1000x128xf32>
      %dot_general3A_30 = tpu.matmul %convert_element_type3A_28, %convert_element_type3A_29, %dot_general3A {dimension_numbers = #tpu.dot_dimension_numbers<[1], [0], [0], [1], [0, 0, 1, 1], [], []>, transpose_lhs_hint = false} : vector<1000x128xbf16>, vector<128x128xbf16>, vector<1000x128xf32> -> vector<1000x128xf32>
      %get3A_31 = arith.constant 0 : index
      %get3A_32 = arith.constant 0 : index
      %get3A_33 = vector.load %arg6[%get3A_31, %get3A_32] : memref<1000x128xf32, #tpu.memory_space<vmem>>, vector<1000x128xf32>
      %get3A_34 = arith.constant 0 : index
      %get3A_35 = arith.constant 0 : index
      %get3A_36 = vector.load %arg9[%get3A_34, %get3A_35] : memref<128x128xf32, #tpu.memory_space<vmem>>, vector<128x128xf32>
      %convert_element_type3A_37 = arith.truncf %get3A_33 : vector<1000x128xf32> to vector<1000x128xbf16>
      %convert_element_type3A_38 = arith.truncf %get3A_36 : vector<128x128xf32> to vector<128x128xbf16>
      %dot_general3A_39 = arith.constant dense<0.000000e+00> : vector<1000x128xf32>
      %dot_general3A_40 = tpu.matmul %convert_element_type3A_37, %convert_element_type3A_38, %dot_general3A_39 {dimension_numbers = #tpu.dot_dimension_numbers<[1], [0], [0], [1], [0, 0, 1, 1], [], []>, transpose_lhs_hint = false} : vector<1000x128xbf16>, vector<128x128xbf16>, vector<1000x128xf32> -> vector<1000x128xf32>
      %add3A_41 = arith.addf %dot_general3A_30, %dot_general3A_40 : vector<1000x128xf32>
      %get3A_42 = arith.constant 0 : index
      %get3A_43 = arith.constant 0 : index
      %get3A_44 = vector.load %arg8[%get3A_42, %get3A_43] : memref<1x128xf32, #tpu.memory_space<vmem>>, vector<1x128xf32>
      %add3A_45 = vector.broadcast %get3A_44 : vector<1x128xf32> to vector<1000x128xf32>
      %add3A_46 = arith.addf %add3A_41, %add3A_45 : vector<1000x128xf32>
      %mul3A_47 = arith.constant 1000 : i32
      %mul3A_48 = arith.muli %arg1, %mul3A_47 : i32
      %swap3A = arith.index_cast %mul3A_48 : i32 to index
      %swap3A_49 = arith.constant 0 : index
      %swap3A_50 = vector.load %arg13[%swap3A, %swap3A_49] : memref<10000x128xf32, #tpu.memory_space<vmem>>, vector<1000x128xf32>
      tpu.vector_store %arg13[%swap3A, %swap3A_49], %add3A_46 {strides = array<i32>} : memref<10000x128xf32, #tpu.memory_space<vmem>>, vector<1000x128xf32>,
      %reduce_sum3A = arith.constant dense<0.000000e+00> : vector<128xf32>
      %reduce_sum3A_51 = vector.multi_reduction <add>, %add3A_46, %reduce_sum3A [0] : vector<1000x128xf32> to vector<128xf32>
      %broadcast_in_dim3A = vector.shape_cast %reduce_sum3A_51 : vector<128xf32> to vector<1x128xf32>
      %mul3A_52 = arith.mulf %add3A_46, %add3A_46 : vector<1000x128xf32>
      %reduce_sum3A_53 = arith.constant dense<0.000000e+00> : vector<128xf32>
      %reduce_sum3A_54 = vector.multi_reduction <add>, %mul3A_52, %reduce_sum3A_53 [0] : vector<1000x128xf32> to vector<128xf32>
      %broadcast_in_dim3A_55 = vector.shape_cast %reduce_sum3A_54 : vector<128xf32> to vector<1x128xf32>
      %concatenate3A = tpu.concatenate %broadcast_in_dim3A, %broadcast_in_dim3A_55 in 0 : vector<1x128xf32>, vector<1x128xf32> -> vector<2x128xf32>
      %eq3A_56 = arith.constant 0 : i32
      %eq3A_57 = arith.cmpi eq, %arg1, %eq3A_56 : i32
      %convert_element_type3A_58 = arith.extui %eq3A_57 : i1 to i32
      %cond3A_59 = arith.constant 0 : i32
      %cond3A_60 = arith.cmpi ne, %convert_element_type3A_58, %cond3A_59 : i32
      scf.if %cond3A_60 {
        %swap3A_65 = arith.constant 0 : index
        %swap3A_66 = arith.constant 0 : index
        %swap3A_67 = vector.load %arg14[%swap3A_65, %swap3A_66] : memref<2x128xf32, #tpu.memory_space<vmem>>, vector<2x128xf32>
        tpu.vector_store %arg14[%swap3A_65, %swap3A_66], %concatenate3A {strides = array<i32>} : memref<2x128xf32, #tpu.memory_space<vmem>>, vector<2x128xf32>,
      } else {
      }
      %gt3A = arith.constant 0 : i32
      %gt3A_61 = arith.cmpi sgt, %arg1, %gt3A : i32
      %convert_element_type3A_62 = arith.extui %gt3A_61 : i1 to i32
      %cond3A_63 = arith.constant 0 : i32
      %cond3A_64 = arith.cmpi ne, %convert_element_type3A_62, %cond3A_63 : i32
      scf.if %cond3A_64 {
        %get3A_65 = arith.constant 0 : index
        %get3A_66 = arith.constant 0 : index
        %get3A_67 = vector.load %arg14[%get3A_65, %get3A_66] : memref<2x128xf32, #tpu.memory_space<vmem>>, vector<2x128xf32>
        %add3A_68 = arith.addf %get3A_67, %concatenate3A : vector<2x128xf32>
        %swap3A_69 = arith.constant 0 : index
        %swap3A_70 = arith.constant 0 : index
        %swap3A_71 = vector.load %arg14[%swap3A_69, %swap3A_70] : memref<2x128xf32, #tpu.memory_space<vmem>>, vector<2x128xf32>
        tpu.vector_store %arg14[%swap3A_69, %swap3A_70], %add3A_68 {strides = array<i32>} : memref<2x128xf32, #tpu.memory_space<vmem>>, vector<2x128xf32>,
      } else {
      }
    } else {
    }
    %eq3A_2 = arith.constant 1 : i32
    %eq3A_3 = arith.cmpi eq, %arg0, %eq3A_2 : i32
    %convert_element_type3A_4 = arith.extui %eq3A_3 : i1 to i32
    %cond3A_5 = arith.constant 0 : i32
    %cond3A_6 = arith.cmpi ne, %convert_element_type3A_4, %cond3A_5 : i32
    scf.if %cond3A_6 {
      %get3A = arith.constant 0 : index
      %get3A_7 = arith.constant 0 : index
      %get3A_8 = vector.load %arg14[%get3A, %get3A_7] : memref<2x128xf32, #tpu.memory_space<vmem>>, vector<1x128xf32>
      %mul3A = arith.constant 9.99999974E-5 : f32
      %mul3A_9 = vector.broadcast %mul3A : f32 to vector<1x128xf32>
      %mul3A_10 = arith.mulf %get3A_8, %mul3A_9 : vector<1x128xf32>
      %get3A_11 = arith.constant 1 : index
      %get3A_12 = arith.constant 0 : index
      %get3A_13 = vector.load %arg14[%get3A_11, %get3A_12] : memref<2x128xf32, #tpu.memory_space<vmem>>, vector<1x128xf32>
      %mul3A_14 = arith.constant 9.99999974E-5 : f32
      %mul3A_15 = vector.broadcast %mul3A_14 : f32 to vector<1x128xf32>
      %mul3A_16 = arith.mulf %get3A_13, %mul3A_15 : vector<1x128xf32>
      %mul3A_17 = arith.mulf %mul3A_10, %mul3A_10 : vector<1x128xf32>
      %sub3A = arith.subf %mul3A_16, %mul3A_17 : vector<1x128xf32>
      %add3A = arith.constant 9.99999974E-6 : f32
      %add3A_18 = vector.broadcast %add3A : f32 to vector<1x128xf32>
      %add3A_19 = arith.addf %sub3A, %add3A_18 : vector<1x128xf32>
      %rsqrt3A = math.rsqrt %add3A_19 : vector<1x128xf32>
      %mul3A_20 = arith.constant 1000 : i32
      %mul3A_21 = arith.muli %arg1, %mul3A_20 : i32
      %get3A_22 = arith.index_cast %mul3A_21 : i32 to index
      %get3A_23 = arith.constant 0 : index
      %get3A_24 = vector.load %arg13[%get3A_22, %get3A_23] : memref<10000x128xf32, #tpu.memory_space<vmem>>, vector<1000x128xf32>
      %sub3A_25 = vector.broadcast %mul3A_10 : vector<1x128xf32> to vector<1000x128xf32>
      %sub3A_26 = arith.subf %get3A_24, %sub3A_25 : vector<1000x128xf32>
      %mul3A_27 = vector.broadcast %rsqrt3A : vector<1x128xf32> to vector<1000x128xf32>
      %mul3A_28 = arith.mulf %sub3A_26, %mul3A_27 : vector<1000x128xf32>
      %get3A_29 = arith.constant 0 : index
      %get3A_30 = arith.constant 0 : index
      %get3A_31 = vector.load %arg10[%get3A_29, %get3A_30] : memref<1x128xf32, #tpu.memory_space<vmem>>, vector<1x128xf32>
      %mul3A_32 = vector.broadcast %get3A_31 : vector<1x128xf32> to vector<1000x128xf32>
      %mul3A_33 = arith.mulf %mul3A_28, %mul3A_32 : vector<1000x128xf32>
      %get3A_34 = arith.constant 0 : index
      %get3A_35 = arith.constant 0 : index
      %get3A_36 = vector.load %arg11[%get3A_34, %get3A_35] : memref<1x128xf32, #tpu.memory_space<vmem>>, vector<1x128xf32>
      %add3A_37 = vector.broadcast %get3A_36 : vector<1x128xf32> to vector<1000x128xf32>
      %add3A_38 = arith.addf %mul3A_33, %add3A_37 : vector<1000x128xf32>
      %max3A = arith.constant 0.000000e+00 : f32
      %max3A_39 = vector.broadcast %max3A : f32 to vector<1000x128xf32>
      %max3A_40 = arith.maximumf %add3A_38, %max3A_39 : vector<1000x128xf32>
      %swap3A = arith.constant 0 : index
      %swap3A_41 = arith.constant 0 : index
      %swap3A_42 = vector.load %arg12[%swap3A, %swap3A_41] : memref<1000x128xf32, #tpu.memory_space<vmem>>, vector<1000x128xf32>
      tpu.vector_store %arg12[%swap3A, %swap3A_41], %max3A_40 {strides = array<i32>} : memref<1000x128xf32, #tpu.memory_space<vmem>>, vector<1000x128xf32>,
    } else {
    }
    return
  }
  func.func @transform_0(%arg0: i32, %arg1: i32) -> (i32, i32) {
    %sub3A = arith.constant 1 : i32
    %sub3A_0 = arith.subi %sub3A, %arg0 : i32
    %mul3A = arith.muli %sub3A_0, %arg1 : i32
    %c0_i32 = arith.constant 0 : i32
    %c0_i32_1 = arith.constant 0 : i32
    return %mul3A, %c0_i32 : i32, i32
  }
  func.func @transform_1(%arg0: i32, %arg1: i32) -> (i32, i32) {
    %sub3A = arith.constant 1 : i32
    %sub3A_0 = arith.subi %sub3A, %arg0 : i32
    %mul3A = arith.muli %sub3A_0, %arg1 : i32
    %c0_i32 = arith.constant 0 : i32
    %c0_i32_1 = arith.constant 0 : i32
    return %mul3A, %c0_i32 : i32, i32
  }
  func.func @transform_2(%arg0: i32, %arg1: i32) -> (i32, i32) {
    %sub3A = arith.constant 1 : i32
    %sub3A_0 = arith.subi %sub3A, %arg0 : i32
    %mul3A = arith.muli %sub3A_0, %arg1 : i32
    %c0_i32 = arith.constant 0 : i32
    %c0_i32_1 = arith.constant 0 : i32
    return %mul3A, %c0_i32 : i32, i32
  }
  func.func @transform_3(%arg0: i32, %arg1: i32) -> (i32, i32) {
    %sub3A = arith.constant 1 : i32
    %sub3A_0 = arith.subi %sub3A, %arg0 : i32
    %mul3A = arith.muli %sub3A_0, %arg1 : i32
    %c0_i32 = arith.constant 0 : i32
    %c0_i32_1 = arith.constant 0 : i32
    return %mul3A, %c0_i32 : i32, i32
  }
  func.func @transform_4(%arg0: i32, %arg1: i32) -> (i32, i32) {
    %sub3A = arith.constant 1 : i32
    %sub3A_0 = arith.subi %sub3A, %arg0 : i32
    %mul3A = arith.muli %sub3A_0, %arg1 : i32
    %c0_i32 = arith.constant 0 : i32
    %c0_i32_1 = arith.constant 0 : i32
    return %mul3A, %c0_i32 : i32, i32
  }
  func.func @transform_5(%arg0: i32, %arg1: i32) -> (i32, i32) {
    %c0_i32 = arith.constant 0 : i32
    %c0_i32_0 = arith.constant 0 : i32
    %c0_i32_1 = arith.constant 0 : i32
    return %c0_i32, %c0_i32_0 : i32, i32
  }
  func.func @transform_6(%arg0: i32, %arg1: i32) -> (i32, i32) {
    %c0_i32 = arith.constant 0 : i32
    %c0_i32_0 = arith.constant 0 : i32
    %c0_i32_1 = arith.constant 0 : i32
    return %c0_i32, %c0_i32_0 : i32, i32
  }
  func.func @transform_7(%arg0: i32, %arg1: i32) -> (i32, i32) {
    %c0_i32 = arith.constant 0 : i32
    %c0_i32_0 = arith.constant 0 : i32
    %c0_i32_1 = arith.constant 0 : i32
    return %c0_i32, %c0_i32_0 : i32, i32
  }
  func.func @transform_8(%arg0: i32, %arg1: i32) -> (i32, i32) {
    %c0_i32 = arith.constant 0 : i32
    %c0_i32_0 = arith.constant 0 : i32
    %c0_i32_1 = arith.constant 0 : i32
    return %c0_i32, %c0_i32_0 : i32, i32
  }
  func.func @transform_9(%arg0: i32, %arg1: i32) -> (i32, i32) {
    %c0_i32 = arith.constant 0 : i32
    %c0_i32_0 = arith.constant 0 : i32
    %c0_i32_1 = arith.constant 0 : i32
    return %c0_i32, %c0_i32_0 : i32, i32
  }
  func.func @transform_10(%arg0: i32, %arg1: i32) -> (i32, i32) {
    %mul3A = arith.muli %arg1, %arg0 : i32
    %c0_i32 = arith.constant 0 : i32
    %c0_i32_0 = arith.constant 0 : i32
    return %mul3A, %c0_i32 : i32, i32
  }
}

module attributes {stable_mosaic.version = 14 : i64} {
  func.func @body(%arg0: memref<512x128xf32, #tpu.memory_space<vmem>>, %arg1: memref<128x128xf32, #tpu.memory_space<vmem>>, %arg2: memref<1x128xf32, #tpu.memory_space<vmem>>, %arg3: memref<128x1xf32, #tpu.memory_space<vmem>>, %arg4: memref<1x1xf32, #tpu.memory_space<vmem>>, %arg5: memref<512x1xf32, #tpu.memory_space<vmem>>) attributes {dimension_semantics = [], scalar_prefetch = 0 : i64, scratch_operands = 0 : i64, tpu.core_type = #tpu.core_type<tc>} {
    %get3A = arith.constant 0 : index
    %get3A_0 = arith.constant 0 : index
    %get3A_1 = vector.load %arg0[%get3A, %get3A_0] : memref<512x128xf32, #tpu.memory_space<vmem>>, vector<512x128xf32>
    %get3A_2 = arith.constant 0 : index
    %get3A_3 = arith.constant 0 : index
    %get3A_4 = vector.load %arg1[%get3A_2, %get3A_3] : memref<128x128xf32, #tpu.memory_space<vmem>>, vector<128x128xf32>
    %convert_element_type3A = arith.truncf %get3A_1 : vector<512x128xf32> to vector<512x128xbf16>
    %convert_element_type3A_5 = arith.truncf %get3A_4 : vector<128x128xf32> to vector<128x128xbf16>
    %dot_general3A = arith.constant dense<0.000000e+00> : vector<512x128xf32>
    %dot_general3A_6 = tpu.matmul %convert_element_type3A, %convert_element_type3A_5, %dot_general3A {dimension_numbers = #tpu.dot_dimension_numbers<[1], [0], [0], [1], [0, 0, 1, 1], [], []>, transpose_lhs_hint = false} : vector<512x128xbf16>, vector<128x128xbf16>, vector<512x128xf32> -> vector<512x128xf32>
    %get3A_7 = arith.constant 0 : index
    %get3A_8 = arith.constant 0 : index
    %get3A_9 = vector.load %arg2[%get3A_7, %get3A_8] : memref<1x128xf32, #tpu.memory_space<vmem>>, vector<1x128xf32>
    %add3A = vector.broadcast %get3A_9 : vector<1x128xf32> to vector<512x128xf32>
    %add3A_10 = arith.addf %dot_general3A_6, %add3A : vector<512x128xf32>
    %max3A = arith.constant 0.000000e+00 : f32
    %max3A_11 = vector.broadcast %max3A : f32 to vector<512x128xf32>
    %max3A_12 = arith.maximumf %add3A_10, %max3A_11 : vector<512x128xf32>
    %get3A_13 = arith.constant 0 : index
    %get3A_14 = arith.constant 0 : index
    %get3A_15 = vector.load %arg3[%get3A_13, %get3A_14] : memref<128x1xf32, #tpu.memory_space<vmem>>, vector<128x1xf32>
    %convert_element_type3A_16 = arith.truncf %max3A_12 : vector<512x128xf32> to vector<512x128xbf16>
    %convert_element_type3A_17 = arith.truncf %get3A_15 : vector<128x1xf32> to vector<128x1xbf16>
    %dot_general3A_18 = arith.constant dense<0.000000e+00> : vector<512x1xf32>
    %dot_general3A_19 = tpu.matmul %convert_element_type3A_16, %convert_element_type3A_17, %dot_general3A_18 {dimension_numbers = #tpu.dot_dimension_numbers<[1], [0], [0], [1], [0, 0, 1, 1], [], []>, transpose_lhs_hint = false} : vector<512x128xbf16>, vector<128x1xbf16>, vector<512x1xf32> -> vector<512x1xf32>
    %get3A_20 = arith.constant 0 : index
    %get3A_21 = arith.constant 0 : index
    %get3A_22 = vector.load %arg4[%get3A_20, %get3A_21] : memref<1x1xf32, #tpu.memory_space<vmem>>, vector<1x1xf32>
    %add3A_23 = vector.broadcast %get3A_22 : vector<1x1xf32> to vector<512x1xf32>
    %add3A_24 = arith.addf %dot_general3A_19, %add3A_23 : vector<512x1xf32>
    %swap3A = arith.constant 0 : index
    %swap3A_25 = arith.constant 0 : index
    %swap3A_26 = vector.load %arg5[%swap3A, %swap3A_25] : memref<512x1xf32, #tpu.memory_space<vmem>>, vector<512x1xf32>
    tpu.vector_store %arg5[%swap3A, %swap3A_25], %add3A_24 {strides = array<i32>} : memref<512x1xf32, #tpu.memory_space<vmem>>, vector<512x1xf32>,
    return
  }
}

</mosaic_0001>

<sc_bundles>
// kernel: kernel.12.cloned.1.call-start
scs
__scs_entry_jumppad:
0x0: {  	(pc) =	sbr.rel $0x88, $3  }
0x1: {  	(tag) =	ssettag $0x0;
	lr =	simm.s32 $0x1  }
0x2: {  	[smem:$0x3F93] =	sst lr;
	_ =	strace $0xD0000000  }
0x3: {  	_ = 	snop  }
0x4: {  	_ = 	snop  }
0x5: {  	_ = 	snop  }
0x6: {  	_ = 	snop  }
0x7: {  	_ = 	snop  }
__scs_overlays_trampoline_lowered:
0x8: {  	[smem:$0x3FA2] =	sst s0  }
0x9: {  	[smem:$0x3FA3] =	sst s1  }
0xa: {  	[smem:$0x3FA4] =	sst s2  }
0xb: {  	[smem:$0x3FA5] =	sst s3  }
0xc: {  	[smem:$0x3FA6] =	sst s4  }
0xd: {  	[smem:$0x3FA7] =	sst s5  }
0xe: {  	[smem:$0x3FA8] =	sst s6  }
0xf: {  	[smem:$0x3FA9] =	sst s7  }
0x10: {  	[smem:$0x3FAA] =	sst s8  }
0x11: {  	[smem:$0x3FAB] =	sst s9;
	s0 =	simm.s32 @!p0 $0x0  }
0x12: {  	s1 =	sld [smem:$0x3F91];
	s0 =	simm.s32 @p0 $0x1  }
0x13: {  	[smem:$0x3FAC] =	sst s0;
	s0 =	simm.s32 @!p1 $0x0  }
0x14: {  	s2 =	sld [smem:$0x3F90];
	s0 =	simm.s32 @p1 $0x1  }
0x15: {  	[smem:$0x3FAD] =	sst s0;
	s0 =	simm.s32 @!p2 $0x0  }
0x16: {  	s3 =	sld [smem:$0x3FDB];
	s0 =	simm.s32 @p2 $0x1  }
0x17: {  	s4 =	simm.s32 $0x1BF5;
	[smem:$0x3FAF] =	sst s0  }
0x18: {  	s0 =	sld [smem:$0x3F92];
	_ =	swait.ge [sflag:s4], $0x0  }
0x19: {  	s7 =	sld [smem:$0x3F93]  }
0x1a: {  	s8 =	sadd.s32 $0xFFFFE003, lr  }
0x1b: {  	s9 =	sadd.s32 $0xFFFFFEF7, lr;
	s5 =	simm.s32 $0xFFFFFFFF;
	p2 =	slt.u32 s8, $0xFFFFF086  }
0x1c: {  	p1 =	slt.u32 s9, $0xF7A;
	s5 =	simm.s32 @!p2 $0x0  }
0x1d: {  	s5 =	simm.s32 @p1 $0x1;
	p0 =	seq.s32 s7, s2  }
0x1e: {  	s7 =	smul.u32 @!p0 $0xF7A, s2;
	p2 =	seq.s32 @!p0 s5, $0x0  }
0x1f: {  	s9 =	smul.u32 $0xF7A, s1;
	s8 =	simm.s32 @!p0 $0x1BF5;
	p2 =	por !p2, p0  }
0x20: {  	[sflag:s8] =	ssyncset.s32 @!p0 $0xFFFFF086;
	s6 =	sadd.s32 @!p0 s3, s7;
	s7 =	simm.s32 @!p0 $0x108  }
0x21: {  	s3 =	sadd.s32 s3, s9;
	s6 =	sadd.s32 @!p0 $0x88, s6;
	s7 =	simm.s32 @p2 $0x1082  }
0x22: {  	[simem:s7], [sflag:s8] =	dma.local @!p0 [hbm:s6], $0xF7A  }
0x23: {  	s9 =	sor.u32 $0xD0000000, s2;
	s6 =	simm.s32 $0x108;
	_ =	swait.ge @!p0 [sflag:s8], $0x0  }
0x24: {  	s3 =	sadd.s32 $0x88, s3;
	s6 =	simm.s32 @!p1 $0x1082;
	[sflag:s4] =	ssyncset.s32 $0xFFFFF086  }
0x25: {  	[simem:s6], [sflag:s4] =	dma.local [hbm:s3], $0xF7A  }
0x26: {  	[smem:$0x3F93] =	sst s1;
	(tag) =	ssettag s2;
	_ =	strace s9  }
0x27: {  	s1 =	sld [smem:$0x3FA3]  }
0x28: {  	s2 =	sld [smem:$0x3FA4]  }
0x29: {  	s4 =	sld [smem:$0x3FA6]  }
0x2a: {  	p0 =	seq.s32 s5, $0x0;
	s5 =	sld [smem:$0x3FA7]  }
0x2b: {  	s6 =	sld [smem:$0x3FA8]  }
0x2c: {  	s7 =	sld [smem:$0x3FA9]  }
0x2d: {  	s3 =	simm.s32 $0x108;
	s8 =	sld [smem:$0x3FAA]  }
0x2e: {  	s3 =	simm.s32 @!p0 $0x1082;
	s9 =	sld [smem:$0x3FAB]  }
0x2f: {  	lr =	sadd.s32 s0, s3;
	s0 =	sld [smem:$0x3FA2]  }
0x30: {  	s3 =	sld [smem:$0x3FA5]  }
0x31: {  	[smem:$0x3FAE] =	sst s10  }
0x32: {  	s10 =	sld [smem:$0x3FAC];
	_ =	sdelay $0x3  }
0x33: {  	p0 =	seq.s32 s10, $0x1;
	s10 =	sld [smem:$0x3FAE];
	_ =	sdelay $0x3  }
0x34: {  	[smem:$0x3FAE] =	sst s10  }
0x35: {  	s10 =	sld [smem:$0x3FAD];
	_ =	sdelay $0x3  }
0x36: {  	p1 =	seq.s32 s10, $0x1;
	s10 =	sld [smem:$0x3FAE];
	_ =	sdelay $0x3  }
0x37: {  	[smem:$0x3FAE] =	sst s10  }
0x38: {  	s10 =	sld [smem:$0x3FAF]  }
0x39: {  	_ = 	snop;
	(pc) =	sbr.ind lr, $3  }
0x3a: {  	_ = 	snop  }
0x3b: {  	_ = 	snop  }
0x3c: {  	p2 =	seq.s32 s10, $0x1;
	s10 =	sld [smem:$0x3FAE]  }
0x3d: {  	_ =	shalt  }
0x3e: {  	_ =	shalt  }
0x3f: {  	_ =	shalt  }
0x40: {  	_ =	shalt  }
0x41: {  	_ =	shalt  }
0x42: {  	_ =	shalt  }
0x43: {  	_ =	shalt  }
0x44: {  	_ =	shalt  }
0x45: {  	_ =	shalt  }
0x46: {  	_ =	shalt  }
0x47: {  	_ =	shalt  }
0x48: {  	_ =	shalt  }
0x49: {  	_ =	shalt  }
0x4a: {  	_ =	shalt  }
0x4b: {  	_ =	shalt  }
0x4c: {  	_ =	shalt  }
0x4d: {  	_ =	shalt  }
0x4e: {  	_ =	shalt  }
0x4f: {  	_ =	shalt  }
0x50: {  	_ =	shalt  }
0x51: {  	_ =	shalt  }
0x52: {  	_ =	shalt  }
0x53: {  	_ =	shalt  }
0x54: {  	_ =	shalt  }
0x55: {  	_ =	shalt  }
0x56: {  	_ =	shalt  }
0x57: {  	_ =	shalt  }
0x58: {  	_ =	shalt  }
0x59: {  	_ =	shalt  }
0x5a: {  	_ =	shalt  }
0x5b: {  	_ =	shalt  }
0x5c: {  	_ =	shalt  }
0x5d: {  	_ =	shalt  }
0x5e: {  	_ =	shalt  }
0x5f: {  	_ =	shalt  }
0x60: {  	_ =	shalt  }
0x61: {  	_ =	shalt  }
0x62: {  	_ =	shalt  }
0x63: {  	_ =	shalt  }
0x64: {  	_ =	shalt  }
0x65: {  	_ =	shalt  }
0x66: {  	_ =	shalt  }
0x67: {  	_ =	shalt  }
0x68: {  	_ =	shalt  }
0x69: {  	_ =	shalt  }
0x6a: {  	_ =	shalt  }
0x6b: {  	_ =	shalt  }
0x6c: {  	_ =	shalt  }
0x6d: {  	_ =	shalt  }
0x6e: {  	_ =	shalt  }
0x6f: {  	_ =	shalt  }
0x70: {  	_ =	shalt  }
0x71: {  	_ =	shalt  }
0x72: {  	_ =	shalt  }
0x73: {  	_ =	shalt  }
0x74: {  	_ =	shalt  }
0x75: {  	_ =	shalt  }
0x76: {  	_ =	shalt  }
0x77: {  	_ =	shalt  }
0x78: {  	_ =	shalt  }
0x79: {  	_ =	shalt  }
0x7a: {  	_ =	shalt  }
0x7b: {  	_ =	shalt  }
0x7c: {  	_ =	shalt  }
0x7d: {  	_ =	shalt  }
0x7e: {  	_ =	shalt  }
0x7f: {  	_ =	shalt  }
0x80: {  	_ =	shalt  }
0x81: {  	_ =	shalt  }
0x82: {  	_ =	shalt  }
0x83: {  	_ =	shalt  }
0x84: {  	_ =	shalt  }
0x85: {  	_ =	shalt  }
0x86: {  	_ =	shalt  }
0x87: {  	_ =	shalt  }
.Lfunc_end0:
.L_simem_size_0:
called_computation_lowered:
.L_overlay_start_0:
0x88: {  	s2 =	sld [smem:$0x3FD9]  }
0x89: {  	s3 =	sld [smem:$0x3FFE];
	_ =	sdelay $0x1  }
0x8a: {  	s1 =	srdreg.scid  }
0x8b: {  	s0 =	sand.u32 $0x1, s1  }
0x8c: {  	s17 =	sshll.u32 s0, $0xA;
	s2 =	sadd.s32 s3, s2  }
0x8d: {  	s2 =	sadd.s32 s2, s17  }
0x8e: {  	[smem:$0x3FBA] =	sst s2  }
0x8f: {  	_ = 	snop  }
0x90: {  	(tm) =	ssettm $0x1  }
0x91: {  	s18 =	sld [smem:$0x3FFB];
	_ =	sdelay $0x3  }
0x92: {  	_ =	strace s18  }
0x93: {  	s2 =	sld [smem:$0x3FFC];
	_ =	sdelay $0x3  }
0x94: {  	_ =	strace s2  }
0x95: {  	s2 =	sld [smem:$0x3FFD];
	_ =	sdelay $0x3  }
0x96: {  	_ =	strace s2  }
0x97: {  	_ =	strace $0x8FFFFFFF  }
0x98: {  	s19 =	sld [smem:$0x3FDB];
	_ =	sdelay $0x1  }
0x99: {  	s20 =	simm.s32 $_scs_section_size  }
0x9a: {  	s4 =	simm.s32 $_size__tile_overlayer_lowered;
	s5 =	simm.s32 $_tile_overlayer_lowered  }
0x9b: {  	s6 =	simm.s32 $0x1BFF;
	s21 =	sshll.u32 s5, $0x1;
	s3 =	sadd.s32 s20, s19  }
0x9c: {  	s22 =	simm.s32 $0x0;
	s4 =	sshll.u32 s4, $0x1;
	s5 =	sadd.s32 s21, s3  }
0x9d: {  	[timem:s22], [sflag:s6] =	dma.local [hbm:s5], s4  }
0x9e: {  	_ =	swait.ge [sflag:s6], s4  }
0x9f: {  	s4 =	ssub.s32 $0x0, s4;
	[sflag:s6] =	ssyncset.done $0x0  }
0xa0: {  	[sflag:s6] =	ssyncadd.s32 s4;
	_ =	sdelay $0x1  }
0xa1: {  	s23 =	simm.s32 $0x1B8B  }
0xa2: {  	_ =	swait.ge [sflag:s23], $0x1  }
0xa3: {  	[sflag:s23] =	ssyncset.done $0x0  }
0xa4: {  	[sflag:s23] =	ssyncadd.s32 $0xFFFFFFFF  }
0xa5: {  	s4 =	sld [smem:$0x0]  }
0xa6: {  	s5 =	sand.u32 $0xFFFFFFFE, s1  }
0xa7: {  	p0 =	sne.s32 s1, s5  }
0xa8: {  	s5 =	sshll.u32 @p0 s5, $0xE  }
0xa9: {  	s5 =	sadd.s32 @p0 $0x11B8D, s5;
	s6 =	sshll.u32 @p0 s4, $0x11  }
0xaa: {  	s5 =	sor.u32 @p0 s6, s5  }
0xab: {  	[sflag:s5] =	ssyncadd.remote.s32 @p0 $0x1;
	_ =	sdelay $0x1  }
0xac: {  	s5 =	simm.s32 @p0 $0x1B8D  }
0xad: {  	_ =	swait.eq @p0 [sflag:s5], $0x1  }
0xae: {  	[sflag:s5] =	ssyncadd.s32 @p0 $0xFFFFFFFF  }
0xaf: {  	s6 =	sshll.u32 @!p0 s1, $0xE  }
0xb0: {  	s6 =	sor.u32 @!p0 $0x4000, s6;
	s5 =	simm.s32 @!p0 $0x1B8D  }
0xb1: {  	s4 =	sshll.u32 @!p0 s4, $0x11;
	s6 =	sadd.s32 @!p0 $0x11B8D, s6;
	_ =	swait.eq @!p0 [sflag:s5], $0x1  }
0xb2: {  	s4 =	sor.u32 @!p0 s4, s6;
	[sflag:s5] =	ssyncadd.s32 @!p0 $0xFFFFFFFF  }
0xb3: {  	s25 =	simm.s32 $0x1B8E;
	s24 =	sld [smem:$0x3FFE];
	[sflag:s4] =	ssyncadd.remote.s32 @!p0 $0x1  }
0xb4: {  	s26 =	simm.s32 $execute0_lowered;
	[smem:$0x3FD2] =	sst s25  }
0xb5: {  	s5 =	sshll.u32 s26, $0x1;
	_ =	strace $0x80000049;
	[dreg:$0x1] =	wrdreg $0xFFFFFFFF  }
0xb6: {  	s28 =	simm.s32 $_size_execute0_lowered;
	s3 =	sadd.s32 s3, s5;
	[dreg:$0x0] =	wrdreg $0x0  }
0xb7: {  	s5 =	sshll.u32 s28, $0x1;
	[dreg:$0x2] =	wrdreg s3  }
0xb8: {  	[dreg:$0x3] =	wrdreg s5  }
0xb9: {  	[dreg:$0x4] =	wrdreg $0xC0  }
0xba: {  	_ =	task [dreg:s22], $0x5FFFF  }
0xbb: {  	[dreg:$0x1] =	wrdreg $0xFFFFFFFF  }
0xbc: {  	[dreg:$0x0] =	wrdreg $0x60  }
0xbd: {  	[dreg:$0x2] =	wrdreg s24  }
0xbe: {  	[dreg:$0x3] =	wrdreg $0x54000  }
0xbf: {  	[dreg:$0x4] =	wrdreg $0x9  }
0xc0: {  	_ =	task.clear_ibuf [dreg:s22], $0x5FFFF;
	_ =	strace $0x90000049  }
0xc1: {  	s29 =	simm.s32 $0x9;
	_ =	strace $0x8000004B  }
0xc2: {  	_ =	swait.ge [sflag:s29], $0x1  }
0xc3: {  	[sflag:s29] =	ssyncadd.s32 $0xFFFFFFFF  }
0xc4: {  	_ =	strace $0x9000004B  }
0xc5: {  	_ =	sfence  }
0xc6: {  	s30 =	sld [smem:$0x0];
	_ =	sdelay $0x2  }
0xc7: {  	s31 =	sshll.u32 s1, $0xD;
	s1 =	sshrl.u32 s1, $0x2  }
0xc8: {  	s4 =	sand.u32 $0x4000, s31;
	s1 =	sadd.s32 s1, s30  }
0xc9: {  	s0 =	sor.u32 s4, s0;
	s1 =	sshll.u32 s1, $0x11  }
0xca: {  	s0 =	sor.u32 s1, s0  }
0xcb: {  	s0 =	sadd.s32 $0x8F2B, s0  }
0xcc: {  	[sflag:s0] =	ssyncadd.remote.s32 $0x1  }
0xcd: {  	_ =	sfence.sel $0xFFFF  }
0xce: {  	[dreg:$0x0] =	wrdreg $0xFFFFFFFF;
	(pc) =	sbr.abs _section_cstart, $3  }
0xcf: {  	[dreg:$0x1] =	wrdreg $0xFFFFFFFF  }
0xd0: {  	_ =	task.clear_ibuf [dreg:s22], $0x2FFFF;
	_ =	strace $0x9FFFFFFF  }
0xd1: {  	(tm) =	ssettm $0x7FFFFFFF  }
tec
execute0_lowered:
.L_overlay_start_1:
0x0: {  	(tag) =	ssettag $0x1  }
0x1: {  	s0 =	rddreg [dreg:$0x0]  }
0x2: {  	s2 =	rddreg [dreg:$0x1];
	s3 =	simm.s32 $0x0  }
0x3: {  	s11 =	stileid.u32;
	s1 =	srdreg.scid;
	p0 =	por $0x0, $0x0  }
0x4: {  	[smem:$0x7FF] =	sst s3;
	s4 =	smul.u32 $0x14000, s11;
	s1 =	sand.u32 $0x1, s1  }
0x5: {  	s5 =	sadd.s32 $0xB6A00, s0;
	s7 =	sadd.s32 $0x3800, s0;
	s22 =	sshll.u32 s11, $0x1  }
0x6: {  	s23 =	smul.u32 $0x50000, s11;
	s30 =	sshll.u32 s11, $0x6;
	_ =	strace $0x8000004A  }
0x7: {  	s6 =	smul.u32 $0x140000, s1;
	s8 =	ssub.s32 $0x2, s1;
	s1 =	sor.u32 s1, s22  }
0x8: {  	[dreg:$0x3] =	wrdreg s5;
	s21 =	sshrl.u32 s4, $0x3;
	s10 =	smul.u32 $0x2800, s1  }
0x9: {  	s9 =	sshrl.u32 s8, $0x1;
	s1 =	smul.u32 $0x500, s1;
	s24 =	sshrl.u32 s23, $0x2  }
0xa: {  	s5 =	sadd.s32 s21, s0;
	s4 =	sadd.s32 s4, s6;
	s8 =	ssub.s32 s8, s9  }
0xb: {  	s28 =	sadd.s32 s24, s2;
	s21 =	simm.s32 $0x4000;
	s4 =	sshrl.u32 s4, $0x3  }
0xc: {  	s5 =	sadd.s32 $0x3EA00, s5;
	s25 =	sshrl.u32 s10, $0x3;
	s31 =	smax.u32 s8, $0x1  }
0xd: {  	s1 =	sadd.s32 s7, s1;
	s6 =	sshrl.u32 s28, $0x3;
	p1 =	sne.s32 s31, $0x1  }
.Ltmp0:
0xe: {  	s8 =	simm.s32 $0x80;
	[dreg:$0x4] =	wrdreg s5;
	(pc) =	sbr.rel @!p1 .LBB2_5-.Ltmp0, $4  }
0xf: {  	s0 =	sadd.s32 s4, s0;
	s26 =	sadd.s32 s7, s25;
	[dreg:$0x5] =	wrdreg s1  }
0x10: {  	s4 =	sor.u32 $0x1C02, s30;
	s29 =	sadd.s32 $0x280, s26;
	s26 =	rddreg [dreg:$0x4]  }
0x11: {  	s5 =	simm.s32 $0x2;
	s0 =	sadd.s32 $0xB7200, s0;
	[dreg:$0x6] =	wrdreg s29  }
0x12: {  	s7 =	simm.s32 $0x1;
	s1 =	sadd.s32 $0xFFFFFFFF, s31;
	[dreg:$0x7] =	wrdreg s0  }
0x13: {  	[spmem:s6], [sflag:s4] =	dma.local [hbm:s26], $0x2800  }
0x14: {  	_ =	swait.ge [sflag:s5], $0x2800  }
0x15: {  	[sflag:s5] =	ssyncset.done $0x0  }
0x16: {  	s23 =	rddreg [dreg:$0x3];
	[sflag:s5] =	ssyncadd.s32 $0xFFFFD800  }
0x17: {  	[tilespmem:s3], [sflag:$0x2] =	stream.linear.gather [hbm4b:s23+s3], $0x4000, $0x38;
	[tilespmem:$0x19400] =	vst v63  }
0x18: {  	_ =	swait.ge [sflag:s5], $0x4000  }
0x19: {  	[sflag:s5] =	ssyncset.done $0x0  }
0x1a: {  	[sflag:s5] =	ssyncadd.s32 $0xFFFFC000  }
0x1b: {  	[bflag:$0x0] =	sbarrier.arrive $0xFFFF  }
0x1c: {  	s24 =	rddreg [dreg:$0x5]  }
0x1d: {  	[tilespmem:s21], [sflag:$0x2] =	stream.linear.gather [hbm4b:s24+s3], $0x1400, $0x38;
	[tilespmem:$0x19400] =	vst v63  }
0x1e: {  	_ =	swait.ge [sflag:s5], $0x1400  }
0x1f: {  	[sflag:s5] =	ssyncset.done $0x0  }
0x20: {  	[sflag:s5] =	ssyncadd.s32 $0xFFFFEC00  }
0x21: {  	[spmem:s2] =	stream.indirect.scatter.add.f32 [tilespmem:s3], [sflag:$0x1], $0x80, s21, s8, $0xb8;
	[tilespmem:$0x19400] =	vst v63  }
0x22: {  	s28 =	simm.s32 $0x4080  }
0x23: {  	[spmem:s2] =	stream.indirect.scatter.add.f32 [tilespmem:s3], [sflag:$0x1], $0x80, s28, s8, $0xb8;
	[tilespmem:$0x19400] =	vst v63  }
0x24: {  	s29 =	simm.s32 $0x4100  }
0x25: {  	[spmem:s2] =	stream.indirect.scatter.add.f32 [tilespmem:s3], [sflag:$0x1], $0x80, s29, s8, $0xb8;
	[tilespmem:$0x19400] =	vst v63  }
0x26: {  	s9 =	simm.s32 $0x4180  }
0x27: {  	[spmem:s2] =	stream.indirect.scatter.add.f32 [tilespmem:s3], [sflag:$0x1], $0x80, s9, s8, $0xb8;
	[tilespmem:$0x19400] =	vst v63  }
0x28: {  	_ =	swait.ge [sflag:s7], $0x4000  }
0x29: {  	[sflag:s7] =	ssyncset.done $0x0  }
0x2a: {  	[sflag:s7] =	ssyncadd.s32 $0xFFFFC000  }
0x2b: {  	_ =	swait.ge [sflag:s7], $0x4000  }
0x2c: {  	[sflag:s7] =	ssyncset.done $0x0  }
0x2d: {  	[sflag:s7] =	ssyncadd.s32 $0xFFFFC000  }
0x2e: {  	_ =	swait.ge [sflag:s7], $0x4000  }
0x2f: {  	[sflag:s7] =	ssyncset.done $0x0  }
0x30: {  	[sflag:s7] =	ssyncadd.s32 $0xFFFFC000  }
0x31: {  	_ =	swait.ge [sflag:s7], $0x4000  }
0x32: {  	[sflag:s7] =	ssyncset.done $0x0  }
0x33: {  	s24 =	simm.s32 $0x4200;
	[sflag:s7] =	ssyncadd.s32 $0xFFFFC000  }
0x34: {  	[spmem:s2] =	stream.indirect.scatter.add.f32 [tilespmem:s3], [sflag:$0x1], $0x80, s24, s8, $0xb8;
	[tilespmem:$0x19400] =	vst v63  }
0x35: {  	s12 =	simm.s32 $0x4280  }
0x36: {  	[spmem:s2] =	stream.indirect.scatter.add.f32 [tilespmem:s3], [sflag:$0x1], $0x80, s12, s8, $0xb8;
	[tilespmem:$0x19400] =	vst v63  }
0x37: {  	s10 =	simm.s32 $0x4300  }
0x38: {  	[spmem:s2] =	stream.indirect.scatter.add.f32 [tilespmem:s3], [sflag:$0x1], $0x80, s10, s8, $0xb8;
	[tilespmem:$0x19400] =	vst v63  }
0x39: {  	s17 =	simm.s32 $0x4380  }
0x3a: {  	[spmem:s2] =	stream.indirect.scatter.add.f32 [tilespmem:s3], [sflag:$0x1], $0x80, s17, s8, $0xb8;
	[tilespmem:$0x19400] =	vst v63  }
0x3b: {  	_ =	swait.ge [sflag:s7], $0x4000  }
0x3c: {  	[sflag:s7] =	ssyncset.done $0x0  }
0x3d: {  	[sflag:s7] =	ssyncadd.s32 $0xFFFFC000  }
0x3e: {  	_ =	swait.ge [sflag:s7], $0x4000  }
0x3f: {  	[sflag:s7] =	ssyncset.done $0x0  }
0x40: {  	[sflag:s7] =	ssyncadd.s32 $0xFFFFC000  }
0x41: {  	_ =	swait.ge [sflag:s7], $0x4000  }
0x42: {  	[sflag:s7] =	ssyncset.done $0x0  }
0x43: {  	[sflag:s7] =	ssyncadd.s32 $0xFFFFC000  }
0x44: {  	_ =	swait.ge [sflag:s7], $0x4000  }
0x45: {  	[sflag:s7] =	ssyncset.done $0x0  }
0x46: {  	s20 =	simm.s32 $0x4400;
	[sflag:s7] =	ssyncadd.s32 $0xFFFFC000  }
0x47: {  	[spmem:s2] =	stream.indirect.scatter.add.f32 [tilespmem:s3], [sflag:$0x1], $0x80, s20, s8, $0xb8;
	[tilespmem:$0x19400] =	vst v63  }
0x48: {  	s11 =	simm.s32 $0x4480  }
0x49: {  	[spmem:s2] =	stream.indirect.scatter.add.f32 [tilespmem:s3], [sflag:$0x1], $0x80, s11, s8, $0xb8;
	[tilespmem:$0x19400] =	vst v63  }
0x4a: {  	s30 =	simm.s32 $0x4500  }
0x4b: {  	[spmem:s2] =	stream.indirect.scatter.add.f32 [tilespmem:s3], [sflag:$0x1], $0x80, s30, s8, $0xb8;
	[tilespmem:$0x19400] =	vst v63  }
0x4c: {  	s0 =	simm.s32 $0x4580  }
0x4d: {  	[spmem:s2] =	stream.indirect.scatter.add.f32 [tilespmem:s3], [sflag:$0x1], $0x80, s0, s8, $0xb8;
	[tilespmem:$0x19400] =	vst v63  }
0x4e: {  	_ =	swait.ge [sflag:s7], $0x4000  }
0x4f: {  	[sflag:s7] =	ssyncset.done $0x0  }
0x50: {  	[sflag:s7] =	ssyncadd.s32 $0xFFFFC000  }
0x51: {  	_ =	swait.ge [sflag:s7], $0x4000  }
0x52: {  	[sflag:s7] =	ssyncset.done $0x0  }
0x53: {  	[sflag:s7] =	ssyncadd.s32 $0xFFFFC000  }
0x54: {  	_ =	swait.ge [sflag:s7], $0x4000  }
0x55: {  	[sflag:s7] =	ssyncset.done $0x0  }
0x56: {  	[sflag:s7] =	ssyncadd.s32 $0xFFFFC000  }
0x57: {  	_ =	swait.ge [sflag:s7], $0x4000  }
0x58: {  	[sflag:s7] =	ssyncset.done $0x0  }
0x59: {  	s16 =	simm.s32 $0x4600;
	[sflag:s7] =	ssyncadd.s32 $0xFFFFC000  }
0x5a: {  	[spmem:s2] =	stream.indirect.scatter.add.f32 [tilespmem:s3], [sflag:$0x1], $0x80, s16, s8, $0xb8;
	[tilespmem:$0x19400] =	vst v63  }
0x5b: {  	s31 =	simm.s32 $0x4680  }
0x5c: {  	[spmem:s2] =	stream.indirect.scatter.add.f32 [tilespmem:s3], [sflag:$0x1], $0x80, s31, s8, $0xb8;
	[tilespmem:$0x19400] =	vst v63  }
0x5d: {  	s18 =	simm.s32 $0x4700  }
0x5e: {  	[spmem:s2] =	stream.indirect.scatter.add.f32 [tilespmem:s3], [sflag:$0x1], $0x80, s18, s8, $0xb8;
	[tilespmem:$0x19400] =	vst v63  }
0x5f: {  	s19 =	simm.s32 $0x4780  }
0x60: {  	[spmem:s2] =	stream.indirect.scatter.add.f32 [tilespmem:s3], [sflag:$0x1], $0x80, s19, s8, $0xb8;
	[tilespmem:$0x19400] =	vst v63  }
0x61: {  	_ =	swait.ge [sflag:s7], $0x4000  }
0x62: {  	[sflag:s7] =	ssyncset.done $0x0  }
0x63: {  	[sflag:s7] =	ssyncadd.s32 $0xFFFFC000  }
0x64: {  	_ =	swait.ge [sflag:s7], $0x4000  }
0x65: {  	[sflag:s7] =	ssyncset.done $0x0  }
0x66: {  	[sflag:s7] =	ssyncadd.s32 $0xFFFFC000  }
0x67: {  	_ =	swait.ge [sflag:s7], $0x4000  }
0x68: {  	[sflag:s7] =	ssyncset.done $0x0  }
0x69: {  	[sflag:s7] =	ssyncadd.s32 $0xFFFFC000  }
0x6a: {  	_ =	swait.ge [sflag:s7], $0x4000  }
0x6b: {  	[sflag:s7] =	ssyncset.done $0x0  }
0x6c: {  	s15 =	simm.s32 $0x4800;
	[sflag:s7] =	ssyncadd.s32 $0xFFFFC000  }
0x6d: {  	[spmem:s2] =	stream.indirect.scatter.add.f32 [tilespmem:s3], [sflag:$0x1], $0x80, s15, s8, $0xb8;
	[tilespmem:$0x19400] =	vst v63  }
0x6e: {  	s25 =	simm.s32 $0x4880  }
0x6f: {  	[spmem:s2] =	stream.indirect.scatter.add.f32 [tilespmem:s3], [sflag:$0x1], $0x80, s25, s8, $0xb8;
	[tilespmem:$0x19400] =	vst v63  }
0x70: {  	s23 =	simm.s32 $0x4900  }
0x71: {  	[spmem:s2] =	stream.indirect.scatter.add.f32 [tilespmem:s3], [sflag:$0x1], $0x80, s23, s8, $0xb8;
	[tilespmem:$0x19400] =	vst v63  }
0x72: {  	[dreg:$0x8] =	wrdreg s4;
	s4 =	simm.s32 $0x4980  }
0x73: {  	[spmem:s2] =	stream.indirect.scatter.add.f32 [tilespmem:s3], [sflag:$0x1], $0x80, s4, s8, $0xb8;
	[tilespmem:$0x19400] =	vst v63  }
0x74: {  	_ =	swait.ge [sflag:s7], $0x4000  }
0x75: {  	[sflag:s7] =	ssyncset.done $0x0  }
0x76: {  	[sflag:s7] =	ssyncadd.s32 $0xFFFFC000  }
0x77: {  	_ =	swait.ge [sflag:s7], $0x4000  }
0x78: {  	[sflag:s7] =	ssyncset.done $0x0  }
0x79: {  	[sflag:s7] =	ssyncadd.s32 $0xFFFFC000  }
0x7a: {  	_ =	swait.ge [sflag:s7], $0x4000  }
0x7b: {  	[sflag:s7] =	ssyncset.done $0x0  }
0x7c: {  	[sflag:s7] =	ssyncadd.s32 $0xFFFFC000  }
0x7d: {  	_ =	swait.ge [sflag:s7], $0x4000  }
0x7e: {  	[sflag:s7] =	ssyncset.done $0x0  }
0x7f: {  	s13 =	simm.s32 $0x4A00;
	[sflag:s7] =	ssyncadd.s32 $0xFFFFC000  }
0x80: {  	[spmem:s2] =	stream.indirect.scatter.add.f32 [tilespmem:s3], [sflag:$0x1], $0x80, s13, s8, $0xb8;
	[tilespmem:$0x19400] =	vst v63  }
0x81: {  	s21 =	simm.s32 $0x4A80  }
0x82: {  	[spmem:s2] =	stream.indirect.scatter.add.f32 [tilespmem:s3], [sflag:$0x1], $0x80, s21, s8, $0xb8;
	[tilespmem:$0x19400] =	vst v63  }
0x83: {  	s25 =	simm.s32 $0x4B00  }
0x84: {  	[spmem:s2] =	stream.indirect.scatter.add.f32 [tilespmem:s3], [sflag:$0x1], $0x80, s25, s8, $0xb8;
	[tilespmem:$0x19400] =	vst v63  }
0x85: {  	s14 =	simm.s32 $0x4B80  }
0x86: {  	[spmem:s2] =	stream.indirect.scatter.add.f32 [tilespmem:s3], [sflag:$0x1], $0x80, s14, s8, $0xb8;
	[tilespmem:$0x19400] =	vst v63  }
0x87: {  	_ =	swait.ge [sflag:s7], $0x4000  }
0x88: {  	[sflag:s7] =	ssyncset.done $0x0  }
0x89: {  	[sflag:s7] =	ssyncadd.s32 $0xFFFFC000  }
0x8a: {  	_ =	swait.ge [sflag:s7], $0x4000  }
0x8b: {  	[sflag:s7] =	ssyncset.done $0x0  }
0x8c: {  	[sflag:s7] =	ssyncadd.s32 $0xFFFFC000  }
0x8d: {  	_ =	swait.ge [sflag:s7], $0x4000  }
0x8e: {  	[sflag:s7] =	ssyncset.done $0x0  }
0x8f: {  	[sflag:s7] =	ssyncadd.s32 $0xFFFFC000  }
0x90: {  	_ =	swait.ge [sflag:s7], $0x4000  }
0x91: {  	[sflag:s7] =	ssyncset.done $0x0  }
0x92: {  	s22 =	simm.s32 $0x4C00;
	[sflag:s7] =	ssyncadd.s32 $0xFFFFC000  }
0x93: {  	[spmem:s2] =	stream.indirect.scatter.add.f32 [tilespmem:s3], [sflag:$0x1], $0x80, s22, s8, $0xb8;
	[tilespmem:$0x19400] =	vst v63  }
0x94: {  	s26 =	simm.s32 $0x4C80  }
0x95: {  	[spmem:s2] =	stream.indirect.scatter.add.f32 [tilespmem:s3], [sflag:$0x1], $0x80, s26, s8, $0xb8;
	[tilespmem:$0x19400] =	vst v63  }
0x96: {  	s26 =	simm.s32 $0x4D00  }
0x97: {  	[spmem:s2] =	stream.indirect.scatter.add.f32 [tilespmem:s3], [sflag:$0x1], $0x80, s26, s8, $0xb8;
	[tilespmem:$0x19400] =	vst v63  }
0x98: {  	s26 =	simm.s32 $0x4D80  }
0x99: {  	[spmem:s2] =	stream.indirect.scatter.add.f32 [tilespmem:s3], [sflag:$0x1], $0x80, s26, s8, $0xb8;
	[tilespmem:$0x19400] =	vst v63  }
0x9a: {  	_ =	swait.ge [sflag:s7], $0x4000  }
0x9b: {  	[sflag:s7] =	ssyncset.done $0x0  }
0x9c: {  	[sflag:s7] =	ssyncadd.s32 $0xFFFFC000  }
0x9d: {  	_ =	swait.ge [sflag:s7], $0x4000  }
0x9e: {  	[sflag:s7] =	ssyncset.done $0x0  }
0x9f: {  	[sflag:s7] =	ssyncadd.s32 $0xFFFFC000  }
0xa0: {  	_ =	swait.ge [sflag:s7], $0x4000  }
0xa1: {  	[sflag:s7] =	ssyncset.done $0x0  }
0xa2: {  	[sflag:s7] =	ssyncadd.s32 $0xFFFFC000  }
0xa3: {  	_ =	swait.ge [sflag:s7], $0x4000  }
0xa4: {  	[sflag:s7] =	ssyncset.done $0x0  }
0xa5: {  	s14 =	simm.s32 $0x4E00;
	[sflag:s7] =	ssyncadd.s32 $0xFFFFC000  }
0xa6: {  	[spmem:s2] =	stream.indirect.scatter.add.f32 [tilespmem:s3], [sflag:$0x1], $0x80, s14, s8, $0xb8;
	[tilespmem:$0x19400] =	vst v63  }
0xa7: {  	s26 =	simm.s32 $0x4E80  }
0xa8: {  	[spmem:s2] =	stream.indirect.scatter.add.f32 [tilespmem:s3], [sflag:$0x1], $0x80, s26, s8, $0xb8;
	[tilespmem:$0x19400] =	vst v63  }
0xa9: {  	s26 =	simm.s32 $0x4F00  }
0xaa: {  	[spmem:s2] =	stream.indirect.scatter.add.f32 [tilespmem:s3], [sflag:$0x1], $0x80, s26, s8, $0xb8;
	[tilespmem:$0x19400] =	vst v63  }
0xab: {  	s26 =	simm.s32 $0x4F80  }
0xac: {  	[spmem:s2] =	stream.indirect.scatter.add.f32 [tilespmem:s3], [sflag:$0x1], $0x80, s26, s8, $0xb8;
	[tilespmem:$0x19400] =	vst v63  }
0xad: {  	_ =	swait.ge [sflag:s7], $0x4000  }
0xae: {  	[sflag:s7] =	ssyncset.done $0x0  }
0xaf: {  	[sflag:s7] =	ssyncadd.s32 $0xFFFFC000  }
0xb0: {  	_ =	swait.ge [sflag:s7], $0x4000  }
0xb1: {  	[sflag:s7] =	ssyncset.done $0x0  }
0xb2: {  	[sflag:s7] =	ssyncadd.s32 $0xFFFFC000  }
0xb3: {  	_ =	swait.ge [sflag:s7], $0x4000  }
0xb4: {  	[sflag:s7] =	ssyncset.done $0x0  }
0xb5: {  	[sflag:s7] =	ssyncadd.s32 $0xFFFFC000  }
0xb6: {  	_ =	swait.ge [sflag:s7], $0x4000  }
0xb7: {  	[sflag:s7] =	ssyncset.done $0x0  }
0xb8: {  	[dreg:$0x9] =	wrdreg s6;
	s6 =	simm.s32 $0x5000;
	[sflag:s7] =	ssyncadd.s32 $0xFFFFC000  }
0xb9: {  	[spmem:s2] =	stream.indirect.scatter.add.f32 [tilespmem:s3], [sflag:$0x1], $0x80, s6, s8, $0xb8;
	[tilespmem:$0x19400] =	vst v63  }
0xba: {  	s26 =	simm.s32 $0x5080  }
0xbb: {  	[spmem:s2] =	stream.indirect.scatter.add.f32 [tilespmem:s3], [sflag:$0x1], $0x80, s26, s8, $0xb8;
	[tilespmem:$0x19400] =	vst v63  }
0xbc: {  	s26 =	simm.s32 $0x5100  }
0xbd: {  	[spmem:s2] =	stream.indirect.scatter.add.f32 [tilespmem:s3], [sflag:$0x1], $0x80, s26, s8, $0xb8;
	[tilespmem:$0x19400] =	vst v63  }
0xbe: {  	s26 =	simm.s32 $0x5180  }
0xbf: {  	[spmem:s2] =	stream.indirect.scatter.add.f32 [tilespmem:s3], [sflag:$0x1], $0x80, s26, s8, $0xb8;
	[tilespmem:$0x19400] =	vst v63  }
0xc0: {  	_ =	swait.ge [sflag:s7], $0x4000  }
0xc1: {  	[sflag:s7] =	ssyncset.done $0x0  }
0xc2: {  	[sflag:s7] =	ssyncadd.s32 $0xFFFFC000  }
0xc3: {  	_ =	swait.ge [sflag:s7], $0x4000  }
0xc4: {  	[sflag:s7] =	ssyncset.done $0x0  }
0xc5: {  	[sflag:s7] =	ssyncadd.s32 $0xFFFFC000  }
0xc6: {  	_ =	swait.ge [sflag:s7], $0x4000  }
0xc7: {  	[sflag:s7] =	ssyncset.done $0x0  }
0xc8: {  	[sflag:s7] =	ssyncadd.s32 $0xFFFFC000  }
0xc9: {  	_ =	swait.ge [sflag:s7], $0x4000  }
0xca: {  	[sflag:s7] =	ssyncset.done $0x0  }
0xcb: {  	s26 =	simm.s32 $0x5200;
	[sflag:s7] =	ssyncadd.s32 $0xFFFFC000  }
0xcc: {  	[spmem:s2] =	stream.indirect.scatter.add.f32 [tilespmem:s3], [sflag:$0x1], $0x80, s26, s8, $0xb8;
	[tilespmem:$0x19400] =	vst v63  }
0xcd: {  	s26 =	simm.s32 $0x5280  }
0xce: {  	[spmem:s2] =	stream.indirect.scatter.add.f32 [tilespmem:s3], [sflag:$0x1], $0x80, s26, s8, $0xb8;
	[tilespmem:$0x19400] =	vst v63  }
0xcf: {  	s26 =	simm.s32 $0x5300  }
0xd0: {  	[spmem:s2] =	stream.indirect.scatter.add.f32 [tilespmem:s3], [sflag:$0x1], $0x80, s26, s8, $0xb8;
	[tilespmem:$0x19400] =	vst v63  }
0xd1: {  	s26 =	simm.s32 $0x5380  }
0xd2: {  	[spmem:s2] =	stream.indirect.scatter.add.f32 [tilespmem:s3], [sflag:$0x1], $0x80, s26, s8, $0xb8;
	[tilespmem:$0x19400] =	vst v63  }
0xd3: {  	_ =	swait.ge [sflag:s7], $0x4000  }
0xd4: {  	[sflag:s7] =	ssyncset.done $0x0  }
0xd5: {  	[sflag:s7] =	ssyncadd.s32 $0xFFFFC000  }
0xd6: {  	_ =	swait.ge [sflag:s7], $0x4000  }
0xd7: {  	[sflag:s7] =	ssyncset.done $0x0  }
0xd8: {  	[sflag:s7] =	ssyncadd.s32 $0xFFFFC000  }
0xd9: {  	_ =	swait.ge [sflag:s7], $0x4000  }
0xda: {  	[sflag:s7] =	ssyncset.done $0x0  }
0xdb: {  	[sflag:s7] =	ssyncadd.s32 $0xFFFFC000  }
0xdc: {  	_ =	swait.ge [sflag:s7], $0x4000  }
0xdd: {  	[sflag:s7] =	ssyncset.done $0x0  }
0xde: {  	s0 =	simm.s32 $0x4000;
	s26 =	rddreg [dreg:$0x6];
	[sflag:s7] =	ssyncadd.s32 $0xFFFFC000  }
0xdf: {  	[tilespmem:s0], [sflag:$0x2] =	stream.linear.gather [hbm4b:s26+s3], $0x1400, $0x38;
	[tilespmem:$0x19400] =	vst v63  }
0xe0: {  	_ =	swait.ge [sflag:s5], $0x1400  }
0xe1: {  	[sflag:s5] =	ssyncset.done $0x0  }
0xe2: {  	[sflag:s5] =	ssyncadd.s32 $0xFFFFEC00  }
0xe3: {  	[spmem:s2] =	stream.indirect.scatter.add.f32 [tilespmem:s3], [sflag:$0x1], $0x80, s0, s8, $0xb8;
	[tilespmem:$0x19400] =	vst v63  }
0xe4: {  	_ = 	snop  }
0xe5: {  	[spmem:s2] =	stream.indirect.scatter.add.f32 [tilespmem:s3], [sflag:$0x1], $0x80, s28, s8, $0xb8;
	[tilespmem:$0x19400] =	vst v63  }
0xe6: {  	_ = 	snop  }
0xe7: {  	[spmem:s2] =	stream.indirect.scatter.add.f32 [tilespmem:s3], [sflag:$0x1], $0x80, s29, s8, $0xb8;
	[tilespmem:$0x19400] =	vst v63  }
0xe8: {  	_ = 	snop  }
0xe9: {  	[spmem:s2] =	stream.indirect.scatter.add.f32 [tilespmem:s3], [sflag:$0x1], $0x80, s9, s8, $0xb8;
	[tilespmem:$0x19400] =	vst v63  }
0xea: {  	_ =	swait.ge [sflag:s7], $0x4000  }
0xeb: {  	[sflag:s7] =	ssyncset.done $0x0  }
0xec: {  	[sflag:s7] =	ssyncadd.s32 $0xFFFFC000  }
0xed: {  	_ =	swait.ge [sflag:s7], $0x4000  }
0xee: {  	[sflag:s7] =	ssyncset.done $0x0  }
0xef: {  	[sflag:s7] =	ssyncadd.s32 $0xFFFFC000  }
0xf0: {  	_ =	swait.ge [sflag:s7], $0x4000  }
0xf1: {  	[sflag:s7] =	ssyncset.done $0x0  }
0xf2: {  	[sflag:s7] =	ssyncadd.s32 $0xFFFFC000  }
0xf3: {  	_ =	swait.ge [sflag:s7], $0x4000  }
0xf4: {  	[sflag:s7] =	ssyncset.done $0x0  }
0xf5: {  	[sflag:s7] =	ssyncadd.s32 $0xFFFFC000  }
0xf6: {  	[spmem:s2] =	stream.indirect.scatter.add.f32 [tilespmem:s3], [sflag:$0x1], $0x80, s24, s8, $0xb8;
	[tilespmem:$0x19400] =	vst v63  }
0xf7: {  	_ = 	snop  }
0xf8: {  	[spmem:s2] =	stream.indirect.scatter.add.f32 [tilespmem:s3], [sflag:$0x1], $0x80, s12, s8, $0xb8;
	[tilespmem:$0x19400] =	vst v63  }
0xf9: {  	_ = 	snop  }
0xfa: {  	[spmem:s2] =	stream.indirect.scatter.add.f32 [tilespmem:s3], [sflag:$0x1], $0x80, s10, s8, $0xb8;
	[tilespmem:$0x19400] =	vst v63  }
0xfb: {  	_ = 	snop  }
0xfc: {  	[spmem:s2] =	stream.indirect.scatter.add.f32 [tilespmem:s3], [sflag:$0x1], $0x80, s17, s8, $0xb8;
	[tilespmem:$0x19400] =	vst v63  }
0xfd: {  	_ =	swait.ge [sflag:s7], $0x4000  }
0xfe: {  	[sflag:s7] =	ssyncset.done $0x0  }
0xff: {  	[sflag:s7] =	ssyncadd.s32 $0xFFFFC000  }
0x100: {  	_ =	swait.ge [sflag:s7], $0x4000  }
0x101: {  	[sflag:s7] =	ssyncset.done $0x0  }
0x102: {  	[sflag:s7] =	ssyncadd.s32 $0xFFFFC000  }
0x103: {  	_ =	swait.ge [sflag:s7], $0x4000  }
0x104: {  	[sflag:s7] =	ssyncset.done $0x0  }
0x105: {  	[sflag:s7] =	ssyncadd.s32 $0xFFFFC000  }
0x106: {  	_ =	swait.ge [sflag:s7], $0x4000  }
0x107: {  	[sflag:s7] =	ssyncset.done $0x0  }
0x108: {  	[sflag:s7] =	ssyncadd.s32 $0xFFFFC000  }
0x109: {  	[spmem:s2] =	stream.indirect.scatter.add.f32 [tilespmem:s3], [sflag:$0x1], $0x80, s20, s8, $0xb8;
	[tilespmem:$0x19400] =	vst v63  }
0x10a: {  	_ = 	snop  }
0x10b: {  	[spmem:s2] =	stream.indirect.scatter.add.f32 [tilespmem:s3], [sflag:$0x1], $0x80, s11, s8, $0xb8;
	[tilespmem:$0x19400] =	vst v63  }
0x10c: {  	_ = 	snop  }
0x10d: {  	[spmem:s2] =	stream.indirect.scatter.add.f32 [tilespmem:s3], [sflag:$0x1], $0x80, s30, s8, $0xb8;
	[tilespmem:$0x19400] =	vst v63  }
0x10e: {  	s12 =	simm.s32 $0x4580  }
0x10f: {  	[spmem:s2] =	stream.indirect.scatter.add.f32 [tilespmem:s3], [sflag:$0x1], $0x80, s12, s8, $0xb8;
	[tilespmem:$0x19400] =	vst v63  }
0x110: {  	_ =	swait.ge [sflag:s7], $0x4000  }
0x111: {  	[sflag:s7] =	ssyncset.done $0x0  }
0x112: {  	[sflag:s7] =	ssyncadd.s32 $0xFFFFC000  }
0x113: {  	_ =	swait.ge [sflag:s7], $0x4000  }
0x114: {  	[sflag:s7] =	ssyncset.done $0x0  }
0x115: {  	[sflag:s7] =	ssyncadd.s32 $0xFFFFC000  }
0x116: {  	_ =	swait.ge [sflag:s7], $0x4000  }
0x117: {  	[sflag:s7] =	ssyncset.done $0x0  }
0x118: {  	[sflag:s7] =	ssyncadd.s32 $0xFFFFC000  }
0x119: {  	_ =	swait.ge [sflag:s7], $0x4000  }
0x11a: {  	[sflag:s7] =	ssyncset.done $0x0  }
0x11b: {  	[sflag:s7] =	ssyncadd.s32 $0xFFFFC000  }
0x11c: {  	[spmem:s2] =	stream.indirect.scatter.add.f32 [tilespmem:s3], [sflag:$0x1], $0x80, s16, s8, $0xb8;
	[tilespmem:$0x19400] =	vst v63  }
0x11d: {  	_ = 	snop  }
0x11e: {  	[spmem:s2] =	stream.indirect.scatter.add.f32 [tilespmem:s3], [sflag:$0x1], $0x80, s31, s8, $0xb8;
	[tilespmem:$0x19400] =	vst v63  }
0x11f: {  	_ = 	snop  }
0x120: {  	[spmem:s2] =	stream.indirect.scatter.add.f32 [tilespmem:s3], [sflag:$0x1], $0x80, s18, s8, $0xb8;
	[tilespmem:$0x19400] =	vst v63  }
0x121: {  	_ = 	snop  }
0x122: {  	[spmem:s2] =	stream.indirect.scatter.add.f32 [tilespmem:s3], [sflag:$0x1], $0x80, s19, s8, $0xb8;
	[tilespmem:$0x19400] =	vst v63  }
0x123: {  	_ =	swait.ge [sflag:s7], $0x4000  }
0x124: {  	[sflag:s7] =	ssyncset.done $0x0  }
0x125: {  	[sflag:s7] =	ssyncadd.s32 $0xFFFFC000  }
0x126: {  	_ =	swait.ge [sflag:s7], $0x4000  }
0x127: {  	[sflag:s7] =	ssyncset.done $0x0  }
0x128: {  	[sflag:s7] =	ssyncadd.s32 $0xFFFFC000  }
0x129: {  	_ =	swait.ge [sflag:s7], $0x4000  }
0x12a: {  	[sflag:s7] =	ssyncset.done $0x0  }
0x12b: {  	[sflag:s7] =	ssyncadd.s32 $0xFFFFC000  }
0x12c: {  	_ =	swait.ge [sflag:s7], $0x4000  }
0x12d: {  	[sflag:s7] =	ssyncset.done $0x0  }
0x12e: {  	[sflag:s7] =	ssyncadd.s32 $0xFFFFC000  }
0x12f: {  	[spmem:s2] =	stream.indirect.scatter.add.f32 [tilespmem:s3], [sflag:$0x1], $0x80, s15, s8, $0xb8;
	[tilespmem:$0x19400] =	vst v63  }
0x130: {  	s15 =	simm.s32 $0x4880  }
0x131: {  	[spmem:s2] =	stream.indirect.scatter.add.f32 [tilespmem:s3], [sflag:$0x1], $0x80, s15, s8, $0xb8;
	[tilespmem:$0x19400] =	vst v63  }
0x132: {  	_ = 	snop  }
0x133: {  	[spmem:s2] =	stream.indirect.scatter.add.f32 [tilespmem:s3], [sflag:$0x1], $0x80, s23, s8, $0xb8;
	[tilespmem:$0x19400] =	vst v63  }
0x134: {  	_ = 	snop  }
0x135: {  	[spmem:s2] =	stream.indirect.scatter.add.f32 [tilespmem:s3], [sflag:$0x1], $0x80, s4, s8, $0xb8;
	[tilespmem:$0x19400] =	vst v63  }
0x136: {  	s4 =	rddreg [dreg:$0x8];
	_ =	swait.ge [sflag:s7], $0x4000  }
0x137: {  	[sflag:s7] =	ssyncset.done $0x0  }
0x138: {  	[sflag:s7] =	ssyncadd.s32 $0xFFFFC000  }
0x139: {  	_ =	swait.ge [sflag:s7], $0x4000  }
0x13a: {  	[sflag:s7] =	ssyncset.done $0x0  }
0x13b: {  	[sflag:s7] =	ssyncadd.s32 $0xFFFFC000  }
0x13c: {  	_ =	swait.ge [sflag:s7], $0x4000  }
0x13d: {  	[sflag:s7] =	ssyncset.done $0x0  }
0x13e: {  	[sflag:s7] =	ssyncadd.s32 $0xFFFFC000  }
0x13f: {  	_ =	swait.ge [sflag:s7], $0x4000  }
0x140: {  	[sflag:s7] =	ssyncset.done $0x0  }
0x141: {  	[sflag:s7] =	ssyncadd.s32 $0xFFFFC000  }
0x142: {  	[spmem:s2] =	stream.indirect.scatter.add.f32 [tilespmem:s3], [sflag:$0x1], $0x80, s13, s8, $0xb8;
	[tilespmem:$0x19400] =	vst v63  }
0x143: {  	_ = 	snop  }
0x144: {  	[spmem:s2] =	stream.indirect.scatter.add.f32 [tilespmem:s3], [sflag:$0x1], $0x80, s21, s8, $0xb8;
	[tilespmem:$0x19400] =	vst v63  }
0x145: {  	_ = 	snop  }
0x146: {  	[spmem:s2] =	stream.indirect.scatter.add.f32 [tilespmem:s3], [sflag:$0x1], $0x80, s25, s8, $0xb8;
	[tilespmem:$0x19400] =	vst v63  }
0x147: {  	s16 =	simm.s32 $0x4B80  }
0x148: {  	[spmem:s2] =	stream.indirect.scatter.add.f32 [tilespmem:s3], [sflag:$0x1], $0x80, s16, s8, $0xb8;
	[tilespmem:$0x19400] =	vst v63  }
0x149: {  	_ =	swait.ge [sflag:s7], $0x4000  }
0x14a: {  	[sflag:s7] =	ssyncset.done $0x0  }
0x14b: {  	[sflag:s7] =	ssyncadd.s32 $0xFFFFC000  }
0x14c: {  	_ =	swait.ge [sflag:s7], $0x4000  }
0x14d: {  	[sflag:s7] =	ssyncset.done $0x0  }
0x14e: {  	[sflag:s7] =	ssyncadd.s32 $0xFFFFC000  }
0x14f: {  	_ =	swait.ge [sflag:s7], $0x4000  }
0x150: {  	[sflag:s7] =	ssyncset.done $0x0  }
0x151: {  	[sflag:s7] =	ssyncadd.s32 $0xFFFFC000  }
0x152: {  	_ =	swait.ge [sflag:s7], $0x4000  }
0x153: {  	[sflag:s7] =	ssyncset.done $0x0  }
0x154: {  	[sflag:s7] =	ssyncadd.s32 $0xFFFFC000  }
0x155: {  	[spmem:s2] =	stream.indirect.scatter.add.f32 [tilespmem:s3], [sflag:$0x1], $0x80, s22, s8, $0xb8;
	[tilespmem:$0x19400] =	vst v63  }
0x156: {  	s17 =	simm.s32 $0x4C80  }
0x157: {  	[spmem:s2] =	stream.indirect.scatter.add.f32 [tilespmem:s3], [sflag:$0x1], $0x80, s17, s8, $0xb8;
	[tilespmem:$0x19400] =	vst v63  }
0x158: {  	s18 =	simm.s32 $0x4D00  }
0x159: {  	[spmem:s2] =	stream.indirect.scatter.add.f32 [tilespmem:s3], [sflag:$0x1], $0x80, s18, s8, $0xb8;
	[tilespmem:$0x19400] =	vst v63  }
0x15a: {  	s19 =	simm.s32 $0x4D80  }
0x15b: {  	[spmem:s2] =	stream.indirect.scatter.add.f32 [tilespmem:s3], [sflag:$0x1], $0x80, s19, s8, $0xb8;
	[tilespmem:$0x19400] =	vst v63  }
0x15c: {  	_ =	swait.ge [sflag:s7], $0x4000  }
0x15d: {  	[sflag:s7] =	ssyncset.done $0x0  }
0x15e: {  	[sflag:s7] =	ssyncadd.s32 $0xFFFFC000  }
0x15f: {  	_ =	swait.ge [sflag:s7], $0x4000  }
0x160: {  	[sflag:s7] =	ssyncset.done $0x0  }
0x161: {  	[sflag:s7] =	ssyncadd.s32 $0xFFFFC000  }
0x162: {  	_ =	swait.ge [sflag:s7], $0x4000  }
0x163: {  	[sflag:s7] =	ssyncset.done $0x0  }
0x164: {  	[sflag:s7] =	ssyncadd.s32 $0xFFFFC000  }
0x165: {  	_ =	swait.ge [sflag:s7], $0x4000  }
0x166: {  	[sflag:s7] =	ssyncset.done $0x0  }
0x167: {  	[sflag:s7] =	ssyncadd.s32 $0xFFFFC000  }
0x168: {  	[spmem:s2] =	stream.indirect.scatter.add.f32 [tilespmem:s3], [sflag:$0x1], $0x80, s14, s8, $0xb8;
	[tilespmem:$0x19400] =	vst v63  }
0x169: {  	s20 =	simm.s32 $0x4E80  }
0x16a: {  	[spmem:s2] =	stream.indirect.scatter.add.f32 [tilespmem:s3], [sflag:$0x1], $0x80, s20, s8, $0xb8;
	[tilespmem:$0x19400] =	vst v63  }
0x16b: {  	s21 =	simm.s32 $0x4F00  }
0x16c: {  	[spmem:s2] =	stream.indirect.scatter.add.f32 [tilespmem:s3], [sflag:$0x1], $0x80, s21, s8, $0xb8;
	[tilespmem:$0x19400] =	vst v63  }
0x16d: {  	s22 =	simm.s32 $0x4F80  }
0x16e: {  	[spmem:s2] =	stream.indirect.scatter.add.f32 [tilespmem:s3], [sflag:$0x1], $0x80, s22, s8, $0xb8;
	[tilespmem:$0x19400] =	vst v63  }
0x16f: {  	_ =	swait.ge [sflag:s7], $0x4000  }
0x170: {  	[sflag:s7] =	ssyncset.done $0x0  }
0x171: {  	[sflag:s7] =	ssyncadd.s32 $0xFFFFC000  }
0x172: {  	_ =	swait.ge [sflag:s7], $0x4000  }
0x173: {  	[sflag:s7] =	ssyncset.done $0x0  }
0x174: {  	[sflag:s7] =	ssyncadd.s32 $0xFFFFC000  }
0x175: {  	_ =	swait.ge [sflag:s7], $0x4000  }
0x176: {  	[sflag:s7] =	ssyncset.done $0x0  }
0x177: {  	[sflag:s7] =	ssyncadd.s32 $0xFFFFC000  }
0x178: {  	_ =	swait.ge [sflag:s7], $0x4000  }
0x179: {  	[sflag:s7] =	ssyncset.done $0x0  }
0x17a: {  	[sflag:s7] =	ssyncadd.s32 $0xFFFFC000  }
0x17b: {  	[spmem:s2] =	stream.indirect.scatter.add.f32 [tilespmem:s3], [sflag:$0x1], $0x80, s6, s8, $0xb8;
	[tilespmem:$0x19400] =	vst v63  }
0x17c: {  	s23 =	simm.s32 $0x5080  }
0x17d: {  	[spmem:s2] =	stream.indirect.scatter.add.f32 [tilespmem:s3], [sflag:$0x1], $0x80, s23, s8, $0xb8;
	[tilespmem:$0x19400] =	vst v63  }
0x17e: {  	s24 =	simm.s32 $0x5100  }
0x17f: {  	[spmem:s2] =	stream.indirect.scatter.add.f32 [tilespmem:s3], [sflag:$0x1], $0x80, s24, s8, $0xb8;
	[tilespmem:$0x19400] =	vst v63  }
0x180: {  	s25 =	simm.s32 $0x5180  }
0x181: {  	[spmem:s2] =	stream.indirect.scatter.add.f32 [tilespmem:s3], [sflag:$0x1], $0x80, s25, s8, $0xb8;
	[tilespmem:$0x19400] =	vst v63  }
0x182: {  	s6 =	rddreg [dreg:$0x9];
	_ =	swait.ge [sflag:s7], $0x4000  }
0x183: {  	[sflag:s7] =	ssyncset.done $0x0  }
0x184: {  	[sflag:s7] =	ssyncadd.s32 $0xFFFFC000  }
0x185: {  	_ =	swait.ge [sflag:s7], $0x4000  }
0x186: {  	[sflag:s7] =	ssyncset.done $0x0  }
0x187: {  	[sflag:s7] =	ssyncadd.s32 $0xFFFFC000  }
0x188: {  	_ =	swait.ge [sflag:s7], $0x4000  }
0x189: {  	[sflag:s7] =	ssyncset.done $0x0  }
0x18a: {  	[sflag:s7] =	ssyncadd.s32 $0xFFFFC000  }
0x18b: {  	_ =	swait.ge [sflag:s7], $0x4000  }
0x18c: {  	[sflag:s7] =	ssyncset.done $0x0  }
0x18d: {  	s26 =	simm.s32 $0x5200;
	[sflag:s7] =	ssyncadd.s32 $0xFFFFC000  }
0x18e: {  	[spmem:s2] =	stream.indirect.scatter.add.f32 [tilespmem:s3], [sflag:$0x1], $0x80, s26, s8, $0xb8;
	[tilespmem:$0x19400] =	vst v63  }
0x18f: {  	s28 =	simm.s32 $0x5280  }
0x190: {  	[spmem:s2] =	stream.indirect.scatter.add.f32 [tilespmem:s3], [sflag:$0x1], $0x80, s28, s8, $0xb8;
	[tilespmem:$0x19400] =	vst v63  }
0x191: {  	s29 =	simm.s32 $0x5300  }
0x192: {  	[spmem:s2] =	stream.indirect.scatter.add.f32 [tilespmem:s3], [sflag:$0x1], $0x80, s29, s8, $0xb8;
	[tilespmem:$0x19400] =	vst v63  }
0x193: {  	s30 =	simm.s32 $0x5380  }
0x194: {  	[spmem:s2] =	stream.indirect.scatter.add.f32 [tilespmem:s3], [sflag:$0x1], $0x80, s30, s8, $0xb8;
	[tilespmem:$0x19400] =	vst v63  }
0x195: {  	_ =	swait.ge [sflag:s7], $0x4000  }
0x196: {  	[sflag:s7] =	ssyncset.done $0x0  }
0x197: {  	[sflag:s7] =	ssyncadd.s32 $0xFFFFC000  }
0x198: {  	_ =	swait.ge [sflag:s7], $0x4000  }
0x199: {  	[sflag:s7] =	ssyncset.done $0x0  }
0x19a: {  	[sflag:s7] =	ssyncadd.s32 $0xFFFFC000  }
0x19b: {  	_ =	swait.ge [sflag:s7], $0x4000  }
0x19c: {  	[sflag:s7] =	ssyncset.done $0x0  }
0x19d: {  	[sflag:s7] =	ssyncadd.s32 $0xFFFFC000  }
0x19e: {  	_ =	swait.ge [sflag:s7], $0x4000  }
0x19f: {  	[sflag:s7] =	ssyncset.done $0x0  }
0x1a0: {  	p1 =	sne.s32 s1, $0x1;
	[sflag:s7] =	ssyncadd.s32 $0xFFFFC000  }
.Ltmp1:
0x1a1: {  	[bflag:$0x0] =	sbarrier.arrive $0xFFFF;
	(pc) =	sbr.rel @!p1 .LBB2_6-.Ltmp1, $4  }
0x1a2: {  	s31 =	rddreg [dreg:$0x7]  }
0x1a3: {  	[hbm:s31], [sflag:s4] =	dma.local [spmem:s6], $0x2800  }
0x1a4: {  	p0 =	por $0x1, $0x1;
	_ =	swait.ge [sflag:s5], $0x2800  }
0x1a5: {  	s25 =	sadd.s32 $0xFFFFFFFF, s1;
	s26 =	rddreg [dreg:$0x4];
	[sflag:s5] =	ssyncset.done $0x0  }
0x1a6: {  	s28 =	simm.s32 $0x4080;
	s29 =	simm.s32 $0x4100  }
0x1a7: {  	s9 =	simm.s32 $0x4180;
	s24 =	simm.s32 $0x4200;
	s12 =	simm.s32 $0x4280  }
0x1a8: {  	s17 =	simm.s32 $0x4380;
	s20 =	simm.s32 $0x4400;
	s11 =	simm.s32 $0x4480  }
0x1a9: {  	s30 =	simm.s32 $0x4500;
	s16 =	simm.s32 $0x4600;
	s31 =	simm.s32 $0x4680  }
0x1aa: {  	s18 =	simm.s32 $0x4700;
	s19 =	simm.s32 $0x4780;
	s15 =	simm.s32 $0x4800  }
0x1ab: {  	s10 =	simm.s32 $0x4880;
	s23 =	simm.s32 $0x4900;
	s13 =	simm.s32 $0x4A00  }
0x1ac: {  	s21 =	simm.s32 $0x4A80;
	s22 =	simm.s32 $0x4C00;
	s14 =	simm.s32 $0x4E00  }
.LBB2_3:
0x1ad: {  	[sflag:s5] =	ssyncadd.s32 $0xFFFFD800  }
0x1ae: {  	[spmem:s6], [sflag:s4] =	dma.local [hbm:s26], $0x2800  }
0x1af: {  	_ =	swait.ge [sflag:s5], $0x2800  }
0x1b0: {  	[sflag:s5] =	ssyncset.done $0x0  }
0x1b1: {  	s4 =	rddreg [dreg:$0x3];
	[sflag:s5] =	ssyncadd.s32 $0xFFFFD800  }
0x1b2: {  	[tilespmem:s3], [sflag:$0x2] =	stream.linear.gather [hbm4b:s4+s3], $0x4000, $0x38;
	[tilespmem:$0x19400] =	vst v63  }
0x1b3: {  	_ =	swait.ge [sflag:s5], $0x4000  }
0x1b4: {  	[sflag:s5] =	ssyncset.done $0x0  }
0x1b5: {  	[sflag:s5] =	ssyncadd.s32 $0xFFFFC000  }
0x1b6: {  	[bflag:$0x0] =	sbarrier.arrive $0xFFFF  }
0x1b7: {  	s0 =	simm.s32 $0x4000;
	s6 =	rddreg [dreg:$0x5]  }
0x1b8: {  	[tilespmem:s0], [sflag:$0x2] =	stream.linear.gather [hbm4b:s6+s3], $0x1400, $0x38;
	[tilespmem:$0x19400] =	vst v63  }
0x1b9: {  	_ =	swait.ge [sflag:s5], $0x1400  }
0x1ba: {  	[sflag:s5] =	ssyncset.done $0x0  }
0x1bb: {  	[sflag:s5] =	ssyncadd.s32 $0xFFFFEC00  }
0x1bc: {  	[spmem:s2] =	stream.indirect.scatter.add.f32 [tilespmem:s3], [sflag:$0x1], $0x80, s0, s8, $0xb8;
	[tilespmem:$0x19400] =	vst v63  }
0x1bd: {  	_ = 	snop  }
0x1be: {  	[spmem:s2] =	stream.indirect.scatter.add.f32 [tilespmem:s3], [sflag:$0x1], $0x80, s28, s8, $0xb8;
	[tilespmem:$0x19400] =	vst v63  }
0x1bf: {  	_ = 	snop  }
0x1c0: {  	[spmem:s2] =	stream.indirect.scatter.add.f32 [tilespmem:s3], [sflag:$0x1], $0x80, s29, s8, $0xb8;
	[tilespmem:$0x19400] =	vst v63  }
0x1c1: {  	_ = 	snop  }
0x1c2: {  	[spmem:s2] =	stream.indirect.scatter.add.f32 [tilespmem:s3], [sflag:$0x1], $0x80, s9, s8, $0xb8;
	[tilespmem:$0x19400] =	vst v63  }
0x1c3: {  	_ =	swait.ge [sflag:s7], $0x4000  }
0x1c4: {  	[sflag:s7] =	ssyncset.done $0x0  }
0x1c5: {  	[sflag:s7] =	ssyncadd.s32 $0xFFFFC000  }
0x1c6: {  	_ =	swait.ge [sflag:s7], $0x4000  }
0x1c7: {  	[sflag:s7] =	ssyncset.done $0x0  }
0x1c8: {  	[sflag:s7] =	ssyncadd.s32 $0xFFFFC000  }
0x1c9: {  	_ =	swait.ge [sflag:s7], $0x4000  }
0x1ca: {  	[sflag:s7] =	ssyncset.done $0x0  }
0x1cb: {  	[sflag:s7] =	ssyncadd.s32 $0xFFFFC000  }
0x1cc: {  	_ =	swait.ge [sflag:s7], $0x4000  }
0x1cd: {  	[sflag:s7] =	ssyncset.done $0x0  }
0x1ce: {  	[sflag:s7] =	ssyncadd.s32 $0xFFFFC000  }
0x1cf: {  	[spmem:s2] =	stream.indirect.scatter.add.f32 [tilespmem:s3], [sflag:$0x1], $0x80, s24, s8, $0xb8;
	[tilespmem:$0x19400] =	vst v63  }
0x1d0: {  	_ = 	snop  }
0x1d1: {  	[spmem:s2] =	stream.indirect.scatter.add.f32 [tilespmem:s3], [sflag:$0x1], $0x80, s12, s8, $0xb8;
	[tilespmem:$0x19400] =	vst v63  }
0x1d2: {  	s1 =	simm.s32 $0x4300  }
0x1d3: {  	[spmem:s2] =	stream.indirect.scatter.add.f32 [tilespmem:s3], [sflag:$0x1], $0x80, s1, s8, $0xb8;
	[tilespmem:$0x19400] =	vst v63  }
0x1d4: {  	_ = 	snop  }
0x1d5: {  	[spmem:s2] =	stream.indirect.scatter.add.f32 [tilespmem:s3], [sflag:$0x1], $0x80, s17, s8, $0xb8;
	[tilespmem:$0x19400] =	vst v63  }
0x1d6: {  	_ =	swait.ge [sflag:s7], $0x4000  }
0x1d7: {  	[sflag:s7] =	ssyncset.done $0x0  }
0x1d8: {  	[sflag:s7] =	ssyncadd.s32 $0xFFFFC000  }
0x1d9: {  	_ =	swait.ge [sflag:s7], $0x4000  }
0x1da: {  	[sflag:s7] =	ssyncset.done $0x0  }
0x1db: {  	[sflag:s7] =	ssyncadd.s32 $0xFFFFC000  }
0x1dc: {  	_ =	swait.ge [sflag:s7], $0x4000  }
0x1dd: {  	[sflag:s7] =	ssyncset.done $0x0  }
0x1de: {  	[sflag:s7] =	ssyncadd.s32 $0xFFFFC000  }
0x1df: {  	_ =	swait.ge [sflag:s7], $0x4000  }
0x1e0: {  	[sflag:s7] =	ssyncset.done $0x0  }
0x1e1: {  	[sflag:s7] =	ssyncadd.s32 $0xFFFFC000  }
0x1e2: {  	[spmem:s2] =	stream.indirect.scatter.add.f32 [tilespmem:s3], [sflag:$0x1], $0x80, s20, s8, $0xb8;
	[tilespmem:$0x19400] =	vst v63  }
0x1e3: {  	_ = 	snop  }
0x1e4: {  	[spmem:s2] =	stream.indirect.scatter.add.f32 [tilespmem:s3], [sflag:$0x1], $0x80, s11, s8, $0xb8;
	[tilespmem:$0x19400] =	vst v63  }
0x1e5: {  	_ = 	snop  }
0x1e6: {  	[spmem:s2] =	stream.indirect.scatter.add.f32 [tilespmem:s3], [sflag:$0x1], $0x80, s30, s8, $0xb8;
	[tilespmem:$0x19400] =	vst v63  }
0x1e7: {  	s1 =	simm.s32 $0x4580  }
0x1e8: {  	[spmem:s2] =	stream.indirect.scatter.add.f32 [tilespmem:s3], [sflag:$0x1], $0x80, s1, s8, $0xb8;
	[tilespmem:$0x19400] =	vst v63  }
0x1e9: {  	_ =	swait.ge [sflag:s7], $0x4000  }
0x1ea: {  	[sflag:s7] =	ssyncset.done $0x0  }
0x1eb: {  	[sflag:s7] =	ssyncadd.s32 $0xFFFFC000  }
0x1ec: {  	_ =	swait.ge [sflag:s7], $0x4000  }
0x1ed: {  	[sflag:s7] =	ssyncset.done $0x0  }
0x1ee: {  	[sflag:s7] =	ssyncadd.s32 $0xFFFFC000  }
0x1ef: {  	_ =	swait.ge [sflag:s7], $0x4000  }
0x1f0: {  	[sflag:s7] =	ssyncset.done $0x0  }
0x1f1: {  	[sflag:s7] =	ssyncadd.s32 $0xFFFFC000  }
0x1f2: {  	_ =	swait.ge [sflag:s7], $0x4000  }
0x1f3: {  	[sflag:s7] =	ssyncset.done $0x0  }
0x1f4: {  	[sflag:s7] =	ssyncadd.s32 $0xFFFFC000  }
0x1f5: {  	[spmem:s2] =	stream.indirect.scatter.add.f32 [tilespmem:s3], [sflag:$0x1], $0x80, s16, s8, $0xb8;
	[tilespmem:$0x19400] =	vst v63  }
0x1f6: {  	_ = 	snop  }
0x1f7: {  	[spmem:s2] =	stream.indirect.scatter.add.f32 [tilespmem:s3], [sflag:$0x1], $0x80, s31, s8, $0xb8;
	[tilespmem:$0x19400] =	vst v63  }
0x1f8: {  	_ = 	snop  }
0x1f9: {  	[spmem:s2] =	stream.indirect.scatter.add.f32 [tilespmem:s3], [sflag:$0x1], $0x80, s18, s8, $0xb8;
	[tilespmem:$0x19400] =	vst v63  }
0x1fa: {  	_ = 	snop  }
0x1fb: {  	[spmem:s2] =	stream.indirect.scatter.add.f32 [tilespmem:s3], [sflag:$0x1], $0x80, s19, s8, $0xb8;
	[tilespmem:$0x19400] =	vst v63  }
0x1fc: {  	_ =	swait.ge [sflag:s7], $0x4000  }
0x1fd: {  	[sflag:s7] =	ssyncset.done $0x0  }
0x1fe: {  	[sflag:s7] =	ssyncadd.s32 $0xFFFFC000  }
0x1ff: {  	_ =	swait.ge [sflag:s7], $0x4000  }
0x200: {  	[sflag:s7] =	ssyncset.done $0x0  }
0x201: {  	[sflag:s7] =	ssyncadd.s32 $0xFFFFC000  }
0x202: {  	_ =	swait.ge [sflag:s7], $0x4000  }
0x203: {  	[sflag:s7] =	ssyncset.done $0x0  }
0x204: {  	[sflag:s7] =	ssyncadd.s32 $0xFFFFC000  }
0x205: {  	_ =	swait.ge [sflag:s7], $0x4000  }
0x206: {  	[sflag:s7] =	ssyncset.done $0x0  }
0x207: {  	[sflag:s7] =	ssyncadd.s32 $0xFFFFC000  }
0x208: {  	[spmem:s2] =	stream.indirect.scatter.add.f32 [tilespmem:s3], [sflag:$0x1], $0x80, s15, s8, $0xb8;
	[tilespmem:$0x19400] =	vst v63  }
0x209: {  	_ = 	snop  }
0x20a: {  	[spmem:s2] =	stream.indirect.scatter.add.f32 [tilespmem:s3], [sflag:$0x1], $0x80, s10, s8, $0xb8;
	[tilespmem:$0x19400] =	vst v63  }
0x20b: {  	_ = 	snop  }
0x20c: {  	[spmem:s2] =	stream.indirect.scatter.add.f32 [tilespmem:s3], [sflag:$0x1], $0x80, s23, s8, $0xb8;
	[tilespmem:$0x19400] =	vst v63  }
0x20d: {  	s4 =	simm.s32 $0x4980  }
0x20e: {  	[spmem:s2] =	stream.indirect.scatter.add.f32 [tilespmem:s3], [sflag:$0x1], $0x80, s4, s8, $0xb8;
	[tilespmem:$0x19400] =	vst v63  }
0x20f: {  	_ =	swait.ge [sflag:s7], $0x4000  }
0x210: {  	[sflag:s7] =	ssyncset.done $0x0  }
0x211: {  	[sflag:s7] =	ssyncadd.s32 $0xFFFFC000  }
0x212: {  	_ =	swait.ge [sflag:s7], $0x4000  }
0x213: {  	[sflag:s7] =	ssyncset.done $0x0  }
0x214: {  	[sflag:s7] =	ssyncadd.s32 $0xFFFFC000  }
0x215: {  	_ =	swait.ge [sflag:s7], $0x4000  }
0x216: {  	[sflag:s7] =	ssyncset.done $0x0  }
0x217: {  	[sflag:s7] =	ssyncadd.s32 $0xFFFFC000  }
0x218: {  	_ =	swait.ge [sflag:s7], $0x4000  }
0x219: {  	[sflag:s7] =	ssyncset.done $0x0  }
0x21a: {  	[sflag:s7] =	ssyncadd.s32 $0xFFFFC000  }
0x21b: {  	[spmem:s2] =	stream.indirect.scatter.add.f32 [tilespmem:s3], [sflag:$0x1], $0x80, s13, s8, $0xb8;
	[tilespmem:$0x19400] =	vst v63  }
0x21c: {  	_ = 	snop  }
0x21d: {  	[spmem:s2] =	stream.indirect.scatter.add.f32 [tilespmem:s3], [sflag:$0x1], $0x80, s21, s8, $0xb8;
	[tilespmem:$0x19400] =	vst v63  }
0x21e: {  	s26 =	simm.s32 $0x4B00  }
0x21f: {  	[spmem:s2] =	stream.indirect.scatter.add.f32 [tilespmem:s3], [sflag:$0x1], $0x80, s26, s8, $0xb8;
	[tilespmem:$0x19400] =	vst v63  }
0x220: {  	s26 =	simm.s32 $0x4B80  }
0x221: {  	[spmem:s2] =	stream.indirect.scatter.add.f32 [tilespmem:s3], [sflag:$0x1], $0x80, s26, s8, $0xb8;
	[tilespmem:$0x19400] =	vst v63  }
0x222: {  	_ =	swait.ge [sflag:s7], $0x4000  }
0x223: {  	[sflag:s7] =	ssyncset.done $0x0  }
0x224: {  	[sflag:s7] =	ssyncadd.s32 $0xFFFFC000  }
0x225: {  	_ =	swait.ge [sflag:s7], $0x4000  }
0x226: {  	[sflag:s7] =	ssyncset.done $0x0  }
0x227: {  	[sflag:s7] =	ssyncadd.s32 $0xFFFFC000  }
0x228: {  	_ =	swait.ge [sflag:s7], $0x4000  }
0x229: {  	[sflag:s7] =	ssyncset.done $0x0  }
0x22a: {  	[sflag:s7] =	ssyncadd.s32 $0xFFFFC000  }
0x22b: {  	_ =	swait.ge [sflag:s7], $0x4000  }
0x22c: {  	[sflag:s7] =	ssyncset.done $0x0  }
0x22d: {  	[sflag:s7] =	ssyncadd.s32 $0xFFFFC000  }
0x22e: {  	[spmem:s2] =	stream.indirect.scatter.add.f32 [tilespmem:s3], [sflag:$0x1], $0x80, s22, s8, $0xb8;
	[tilespmem:$0x19400] =	vst v63  }
0x22f: {  	s26 =	simm.s32 $0x4C80  }
0x230: {  	[spmem:s2] =	stream.indirect.scatter.add.f32 [tilespmem:s3], [sflag:$0x1], $0x80, s26, s8, $0xb8;
	[tilespmem:$0x19400] =	vst v63  }
0x231: {  	s26 =	simm.s32 $0x4D00  }
0x232: {  	[spmem:s2] =	stream.indirect.scatter.add.f32 [tilespmem:s3], [sflag:$0x1], $0x80, s26, s8, $0xb8;
	[tilespmem:$0x19400] =	vst v63  }
0x233: {  	s26 =	simm.s32 $0x4D80  }
0x234: {  	[spmem:s2] =	stream.indirect.scatter.add.f32 [tilespmem:s3], [sflag:$0x1], $0x80, s26, s8, $0xb8;
	[tilespmem:$0x19400] =	vst v63  }
0x235: {  	_ =	swait.ge [sflag:s7], $0x4000  }
0x236: {  	[sflag:s7] =	ssyncset.done $0x0  }
0x237: {  	[sflag:s7] =	ssyncadd.s32 $0xFFFFC000  }
0x238: {  	_ =	swait.ge [sflag:s7], $0x4000  }
0x239: {  	[sflag:s7] =	ssyncset.done $0x0  }
0x23a: {  	[sflag:s7] =	ssyncadd.s32 $0xFFFFC000  }
0x23b: {  	_ =	swait.ge [sflag:s7], $0x4000  }
0x23c: {  	[sflag:s7] =	ssyncset.done $0x0  }
0x23d: {  	[sflag:s7] =	ssyncadd.s32 $0xFFFFC000  }
0x23e: {  	_ =	swait.ge [sflag:s7], $0x4000  }
0x23f: {  	[sflag:s7] =	ssyncset.done $0x0  }
0x240: {  	[sflag:s7] =	ssyncadd.s32 $0xFFFFC000  }
0x241: {  	[spmem:s2] =	stream.indirect.scatter.add.f32 [tilespmem:s3], [sflag:$0x1], $0x80, s14, s8, $0xb8;
	[tilespmem:$0x19400] =	vst v63  }
0x242: {  	s26 =	simm.s32 $0x4E80  }
0x243: {  	[spmem:s2] =	stream.indirect.scatter.add.f32 [tilespmem:s3], [sflag:$0x1], $0x80, s26, s8, $0xb8;
	[tilespmem:$0x19400] =	vst v63  }
0x244: {  	s26 =	simm.s32 $0x4F00  }
0x245: {  	[spmem:s2] =	stream.indirect.scatter.add.f32 [tilespmem:s3], [sflag:$0x1], $0x80, s26, s8, $0xb8;
	[tilespmem:$0x19400] =	vst v63  }
0x246: {  	s26 =	simm.s32 $0x4F80  }
0x247: {  	[spmem:s2] =	stream.indirect.scatter.add.f32 [tilespmem:s3], [sflag:$0x1], $0x80, s26, s8, $0xb8;
	[tilespmem:$0x19400] =	vst v63  }
0x248: {  	_ =	swait.ge [sflag:s7], $0x4000  }
0x249: {  	[sflag:s7] =	ssyncset.done $0x0  }
0x24a: {  	[sflag:s7] =	ssyncadd.s32 $0xFFFFC000  }
0x24b: {  	_ =	swait.ge [sflag:s7], $0x4000  }
0x24c: {  	[sflag:s7] =	ssyncset.done $0x0  }
0x24d: {  	[sflag:s7] =	ssyncadd.s32 $0xFFFFC000  }
0x24e: {  	_ =	swait.ge [sflag:s7], $0x4000  }
0x24f: {  	[sflag:s7] =	ssyncset.done $0x0  }
0x250: {  	[sflag:s7] =	ssyncadd.s32 $0xFFFFC000  }
0x251: {  	_ =	swait.ge [sflag:s7], $0x4000  }
0x252: {  	[sflag:s7] =	ssyncset.done $0x0  }
0x253: {  	s6 =	simm.s32 $0x5000;
	[sflag:s7] =	ssyncadd.s32 $0xFFFFC000  }
0x254: {  	[spmem:s2] =	stream.indirect.scatter.add.f32 [tilespmem:s3], [sflag:$0x1], $0x80, s6, s8, $0xb8;
	[tilespmem:$0x19400] =	vst v63  }
0x255: {  	s26 =	simm.s32 $0x5080  }
0x256: {  	[spmem:s2] =	stream.indirect.scatter.add.f32 [tilespmem:s3], [sflag:$0x1], $0x80, s26, s8, $0xb8;
	[tilespmem:$0x19400] =	vst v63  }
0x257: {  	s26 =	simm.s32 $0x5100  }
0x258: {  	[spmem:s2] =	stream.indirect.scatter.add.f32 [tilespmem:s3], [sflag:$0x1], $0x80, s26, s8, $0xb8;
	[tilespmem:$0x19400] =	vst v63  }
0x259: {  	s26 =	simm.s32 $0x5180  }
0x25a: {  	[spmem:s2] =	stream.indirect.scatter.add.f32 [tilespmem:s3], [sflag:$0x1], $0x80, s26, s8, $0xb8;
	[tilespmem:$0x19400] =	vst v63  }
0x25b: {  	_ =	swait.ge [sflag:s7], $0x4000  }
0x25c: {  	[sflag:s7] =	ssyncset.done $0x0  }
0x25d: {  	[sflag:s7] =	ssyncadd.s32 $0xFFFFC000  }
0x25e: {  	_ =	swait.ge [sflag:s7], $0x4000  }
0x25f: {  	[sflag:s7] =	ssyncset.done $0x0  }
0x260: {  	[sflag:s7] =	ssyncadd.s32 $0xFFFFC000  }
0x261: {  	_ =	swait.ge [sflag:s7], $0x4000  }
0x262: {  	[sflag:s7] =	ssyncset.done $0x0  }
0x263: {  	[sflag:s7] =	ssyncadd.s32 $0xFFFFC000  }
0x264: {  	_ =	swait.ge [sflag:s7], $0x4000  }
0x265: {  	[sflag:s7] =	ssyncset.done $0x0  }
0x266: {  	s26 =	simm.s32 $0x5200;
	[sflag:s7] =	ssyncadd.s32 $0xFFFFC000  }
0x267: {  	[spmem:s2] =	stream.indirect.scatter.add.f32 [tilespmem:s3], [sflag:$0x1], $0x80, s26, s8, $0xb8;
	[tilespmem:$0x19400] =	vst v63  }
0x268: {  	s26 =	simm.s32 $0x5280  }
0x269: {  	[spmem:s2] =	stream.indirect.scatter.add.f32 [tilespmem:s3], [sflag:$0x1], $0x80, s26, s8, $0xb8;
	[tilespmem:$0x19400] =	vst v63  }
0x26a: {  	s26 =	simm.s32 $0x5300  }
0x26b: {  	[spmem:s2] =	stream.indirect.scatter.add.f32 [tilespmem:s3], [sflag:$0x1], $0x80, s26, s8, $0xb8;
	[tilespmem:$0x19400] =	vst v63  }
0x26c: {  	s26 =	simm.s32 $0x5380  }
0x26d: {  	[spmem:s2] =	stream.indirect.scatter.add.f32 [tilespmem:s3], [sflag:$0x1], $0x80, s26, s8, $0xb8;
	[tilespmem:$0x19400] =	vst v63  }
0x26e: {  	_ =	swait.ge [sflag:s7], $0x4000  }
0x26f: {  	[sflag:s7] =	ssyncset.done $0x0  }
0x270: {  	[sflag:s7] =	ssyncadd.s32 $0xFFFFC000  }
0x271: {  	_ =	swait.ge [sflag:s7], $0x4000  }
0x272: {  	[sflag:s7] =	ssyncset.done $0x0  }
0x273: {  	[sflag:s7] =	ssyncadd.s32 $0xFFFFC000  }
0x274: {  	_ =	swait.ge [sflag:s7], $0x4000  }
0x275: {  	[sflag:s7] =	ssyncset.done $0x0  }
0x276: {  	[sflag:s7] =	ssyncadd.s32 $0xFFFFC000  }
0x277: {  	_ =	swait.ge [sflag:s7], $0x4000  }
0x278: {  	[sflag:s7] =	ssyncset.done $0x0  }
0x279: {  	s26 =	rddreg [dreg:$0x6];
	[sflag:s7] =	ssyncadd.s32 $0xFFFFC000  }
0x27a: {  	[tilespmem:s0], [sflag:$0x2] =	stream.linear.gather [hbm4b:s26+s3], $0x1400, $0x38;
	[tilespmem:$0x19400] =	vst v63  }
0x27b: {  	_ =	swait.ge [sflag:s5], $0x1400  }
0x27c: {  	[sflag:s5] =	ssyncset.done $0x0  }
0x27d: {  	[sflag:s5] =	ssyncadd.s32 $0xFFFFEC00  }
0x27e: {  	[spmem:s2] =	stream.indirect.scatter.add.f32 [tilespmem:s3], [sflag:$0x1], $0x80, s0, s8, $0xb8;
	[tilespmem:$0x19400] =	vst v63  }
0x27f: {  	_ = 	snop  }
0x280: {  	[spmem:s2] =	stream.indirect.scatter.add.f32 [tilespmem:s3], [sflag:$0x1], $0x80, s28, s8, $0xb8;
	[tilespmem:$0x19400] =	vst v63  }
0x281: {  	_ = 	snop  }
0x282: {  	[spmem:s2] =	stream.indirect.scatter.add.f32 [tilespmem:s3], [sflag:$0x1], $0x80, s29, s8, $0xb8;
	[tilespmem:$0x19400] =	vst v63  }
0x283: {  	_ = 	snop  }
0x284: {  	[spmem:s2] =	stream.indirect.scatter.add.f32 [tilespmem:s3], [sflag:$0x1], $0x80, s9, s8, $0xb8;
	[tilespmem:$0x19400] =	vst v63  }
0x285: {  	_ =	swait.ge [sflag:s7], $0x4000  }
0x286: {  	[sflag:s7] =	ssyncset.done $0x0  }
0x287: {  	[sflag:s7] =	ssyncadd.s32 $0xFFFFC000  }
0x288: {  	_ =	swait.ge [sflag:s7], $0x4000  }
0x289: {  	[sflag:s7] =	ssyncset.done $0x0  }
0x28a: {  	[sflag:s7] =	ssyncadd.s32 $0xFFFFC000  }
0x28b: {  	_ =	swait.ge [sflag:s7], $0x4000  }
0x28c: {  	[sflag:s7] =	ssyncset.done $0x0  }
0x28d: {  	[sflag:s7] =	ssyncadd.s32 $0xFFFFC000  }
0x28e: {  	_ =	swait.ge [sflag:s7], $0x4000  }
0x28f: {  	[sflag:s7] =	ssyncset.done $0x0  }
0x290: {  	[sflag:s7] =	ssyncadd.s32 $0xFFFFC000  }
0x291: {  	[spmem:s2] =	stream.indirect.scatter.add.f32 [tilespmem:s3], [sflag:$0x1], $0x80, s24, s8, $0xb8;
	[tilespmem:$0x19400] =	vst v63  }
0x292: {  	_ = 	snop  }
0x293: {  	[spmem:s2] =	stream.indirect.scatter.add.f32 [tilespmem:s3], [sflag:$0x1], $0x80, s12, s8, $0xb8;
	[tilespmem:$0x19400] =	vst v63  }
0x294: {  	s26 =	simm.s32 $0x4300  }
0x295: {  	[spmem:s2] =	stream.indirect.scatter.add.f32 [tilespmem:s3], [sflag:$0x1], $0x80, s26, s8, $0xb8;
	[tilespmem:$0x19400] =	vst v63  }
0x296: {  	_ = 	snop  }
0x297: {  	[spmem:s2] =	stream.indirect.scatter.add.f32 [tilespmem:s3], [sflag:$0x1], $0x80, s17, s8, $0xb8;
	[tilespmem:$0x19400] =	vst v63  }
0x298: {  	_ =	swait.ge [sflag:s7], $0x4000  }
0x299: {  	[sflag:s7] =	ssyncset.done $0x0  }
0x29a: {  	[sflag:s7] =	ssyncadd.s32 $0xFFFFC000  }
0x29b: {  	_ =	swait.ge [sflag:s7], $0x4000  }
0x29c: {  	[sflag:s7] =	ssyncset.done $0x0  }
0x29d: {  	[sflag:s7] =	ssyncadd.s32 $0xFFFFC000  }
0x29e: {  	_ =	swait.ge [sflag:s7], $0x4000  }
0x29f: {  	[sflag:s7] =	ssyncset.done $0x0  }
0x2a0: {  	[sflag:s7] =	ssyncadd.s32 $0xFFFFC000  }
0x2a1: {  	_ =	swait.ge [sflag:s7], $0x4000  }
0x2a2: {  	[sflag:s7] =	ssyncset.done $0x0  }
0x2a3: {  	[sflag:s7] =	ssyncadd.s32 $0xFFFFC000  }
0x2a4: {  	[spmem:s2] =	stream.indirect.scatter.add.f32 [tilespmem:s3], [sflag:$0x1], $0x80, s20, s8, $0xb8;
	[tilespmem:$0x19400] =	vst v63  }
0x2a5: {  	_ = 	snop  }
0x2a6: {  	[spmem:s2] =	stream.indirect.scatter.add.f32 [tilespmem:s3], [sflag:$0x1], $0x80, s11, s8, $0xb8;
	[tilespmem:$0x19400] =	vst v63  }
0x2a7: {  	_ = 	snop  }
0x2a8: {  	[spmem:s2] =	stream.indirect.scatter.add.f32 [tilespmem:s3], [sflag:$0x1], $0x80, s30, s8, $0xb8;
	[tilespmem:$0x19400] =	vst v63  }
0x2a9: {  	_ = 	snop  }
0x2aa: {  	[spmem:s2] =	stream.indirect.scatter.add.f32 [tilespmem:s3], [sflag:$0x1], $0x80, s1, s8, $0xb8;
	[tilespmem:$0x19400] =	vst v63  }
0x2ab: {  	_ =	swait.ge [sflag:s7], $0x4000  }
0x2ac: {  	[sflag:s7] =	ssyncset.done $0x0  }
0x2ad: {  	[sflag:s7] =	ssyncadd.s32 $0xFFFFC000  }
0x2ae: {  	_ =	swait.ge [sflag:s7], $0x4000  }
0x2af: {  	[sflag:s7] =	ssyncset.done $0x0  }
0x2b0: {  	[sflag:s7] =	ssyncadd.s32 $0xFFFFC000  }
0x2b1: {  	_ =	swait.ge [sflag:s7], $0x4000  }
0x2b2: {  	[sflag:s7] =	ssyncset.done $0x0  }
0x2b3: {  	[sflag:s7] =	ssyncadd.s32 $0xFFFFC000  }
0x2b4: {  	_ =	swait.ge [sflag:s7], $0x4000  }
0x2b5: {  	[sflag:s7] =	ssyncset.done $0x0  }
0x2b6: {  	[sflag:s7] =	ssyncadd.s32 $0xFFFFC000  }
0x2b7: {  	[spmem:s2] =	stream.indirect.scatter.add.f32 [tilespmem:s3], [sflag:$0x1], $0x80, s16, s8, $0xb8;
	[tilespmem:$0x19400] =	vst v63  }
0x2b8: {  	_ = 	snop  }
0x2b9: {  	[spmem:s2] =	stream.indirect.scatter.add.f32 [tilespmem:s3], [sflag:$0x1], $0x80, s31, s8, $0xb8;
	[tilespmem:$0x19400] =	vst v63  }
0x2ba: {  	_ = 	snop  }
0x2bb: {  	[spmem:s2] =	stream.indirect.scatter.add.f32 [tilespmem:s3], [sflag:$0x1], $0x80, s18, s8, $0xb8;
	[tilespmem:$0x19400] =	vst v63  }
0x2bc: {  	_ = 	snop  }
0x2bd: {  	[spmem:s2] =	stream.indirect.scatter.add.f32 [tilespmem:s3], [sflag:$0x1], $0x80, s19, s8, $0xb8;
	[tilespmem:$0x19400] =	vst v63  }
0x2be: {  	_ =	swait.ge [sflag:s7], $0x4000  }
0x2bf: {  	[sflag:s7] =	ssyncset.done $0x0  }
0x2c0: {  	[sflag:s7] =	ssyncadd.s32 $0xFFFFC000  }
0x2c1: {  	_ =	swait.ge [sflag:s7], $0x4000  }
0x2c2: {  	[sflag:s7] =	ssyncset.done $0x0  }
0x2c3: {  	[sflag:s7] =	ssyncadd.s32 $0xFFFFC000  }
0x2c4: {  	_ =	swait.ge [sflag:s7], $0x4000  }
0x2c5: {  	[sflag:s7] =	ssyncset.done $0x0  }
0x2c6: {  	[sflag:s7] =	ssyncadd.s32 $0xFFFFC000  }
0x2c7: {  	_ =	swait.ge [sflag:s7], $0x4000  }
0x2c8: {  	[sflag:s7] =	ssyncset.done $0x0  }
0x2c9: {  	[sflag:s7] =	ssyncadd.s32 $0xFFFFC000  }
0x2ca: {  	[spmem:s2] =	stream.indirect.scatter.add.f32 [tilespmem:s3], [sflag:$0x1], $0x80, s15, s8, $0xb8;
	[tilespmem:$0x19400] =	vst v63  }
0x2cb: {  	_ = 	snop  }
0x2cc: {  	[spmem:s2] =	stream.indirect.scatter.add.f32 [tilespmem:s3], [sflag:$0x1], $0x80, s10, s8, $0xb8;
	[tilespmem:$0x19400] =	vst v63  }
0x2cd: {  	_ = 	snop  }
0x2ce: {  	[spmem:s2] =	stream.indirect.scatter.add.f32 [tilespmem:s3], [sflag:$0x1], $0x80, s23, s8, $0xb8;
	[tilespmem:$0x19400] =	vst v63  }
0x2cf: {  	_ = 	snop  }
0x2d0: {  	[spmem:s2] =	stream.indirect.scatter.add.f32 [tilespmem:s3], [sflag:$0x1], $0x80, s4, s8, $0xb8;
	[tilespmem:$0x19400] =	vst v63  }
0x2d1: {  	s4 =	rddreg [dreg:$0x8];
	_ =	swait.ge [sflag:s7], $0x4000  }
0x2d2: {  	[sflag:s7] =	ssyncset.done $0x0  }
0x2d3: {  	[sflag:s7] =	ssyncadd.s32 $0xFFFFC000  }
0x2d4: {  	_ =	swait.ge [sflag:s7], $0x4000  }
0x2d5: {  	[sflag:s7] =	ssyncset.done $0x0  }
0x2d6: {  	[sflag:s7] =	ssyncadd.s32 $0xFFFFC000  }
0x2d7: {  	_ =	swait.ge [sflag:s7], $0x4000  }
0x2d8: {  	[sflag:s7] =	ssyncset.done $0x0  }
0x2d9: {  	[sflag:s7] =	ssyncadd.s32 $0xFFFFC000  }
0x2da: {  	_ =	swait.ge [sflag:s7], $0x4000  }
0x2db: {  	[sflag:s7] =	ssyncset.done $0x0  }
0x2dc: {  	[sflag:s7] =	ssyncadd.s32 $0xFFFFC000  }
0x2dd: {  	[spmem:s2] =	stream.indirect.scatter.add.f32 [tilespmem:s3], [sflag:$0x1], $0x80, s13, s8, $0xb8;
	[tilespmem:$0x19400] =	vst v63  }
0x2de: {  	_ = 	snop  }
0x2df: {  	[spmem:s2] =	stream.indirect.scatter.add.f32 [tilespmem:s3], [sflag:$0x1], $0x80, s21, s8, $0xb8;
	[tilespmem:$0x19400] =	vst v63  }
0x2e0: {  	s26 =	simm.s32 $0x4B00  }
0x2e1: {  	[spmem:s2] =	stream.indirect.scatter.add.f32 [tilespmem:s3], [sflag:$0x1], $0x80, s26, s8, $0xb8;
	[tilespmem:$0x19400] =	vst v63  }
0x2e2: {  	s1 =	simm.s32 $0x4B80  }
0x2e3: {  	[spmem:s2] =	stream.indirect.scatter.add.f32 [tilespmem:s3], [sflag:$0x1], $0x80, s1, s8, $0xb8;
	[tilespmem:$0x19400] =	vst v63  }
0x2e4: {  	_ =	swait.ge [sflag:s7], $0x4000  }
0x2e5: {  	[sflag:s7] =	ssyncset.done $0x0  }
0x2e6: {  	[sflag:s7] =	ssyncadd.s32 $0xFFFFC000  }
0x2e7: {  	_ =	swait.ge [sflag:s7], $0x4000  }
0x2e8: {  	[sflag:s7] =	ssyncset.done $0x0  }
0x2e9: {  	[sflag:s7] =	ssyncadd.s32 $0xFFFFC000  }
0x2ea: {  	_ =	swait.ge [sflag:s7], $0x4000  }
0x2eb: {  	[sflag:s7] =	ssyncset.done $0x0  }
0x2ec: {  	[sflag:s7] =	ssyncadd.s32 $0xFFFFC000  }
0x2ed: {  	_ =	swait.ge [sflag:s7], $0x4000  }
0x2ee: {  	[sflag:s7] =	ssyncset.done $0x0  }
0x2ef: {  	[sflag:s7] =	ssyncadd.s32 $0xFFFFC000  }
0x2f0: {  	[spmem:s2] =	stream.indirect.scatter.add.f32 [tilespmem:s3], [sflag:$0x1], $0x80, s22, s8, $0xb8;
	[tilespmem:$0x19400] =	vst v63  }
0x2f1: {  	s26 =	simm.s32 $0x4C80  }
0x2f2: {  	[spmem:s2] =	stream.indirect.scatter.add.f32 [tilespmem:s3], [sflag:$0x1], $0x80, s26, s8, $0xb8;
	[tilespmem:$0x19400] =	vst v63  }
0x2f3: {  	s1 =	simm.s32 $0x4D00  }
0x2f4: {  	[spmem:s2] =	stream.indirect.scatter.add.f32 [tilespmem:s3], [sflag:$0x1], $0x80, s1, s8, $0xb8;
	[tilespmem:$0x19400] =	vst v63  }
0x2f5: {  	s26 =	simm.s32 $0x4D80  }
0x2f6: {  	[spmem:s2] =	stream.indirect.scatter.add.f32 [tilespmem:s3], [sflag:$0x1], $0x80, s26, s8, $0xb8;
	[tilespmem:$0x19400] =	vst v63  }
0x2f7: {  	_ =	swait.ge [sflag:s7], $0x4000  }
0x2f8: {  	[sflag:s7] =	ssyncset.done $0x0  }
0x2f9: {  	[sflag:s7] =	ssyncadd.s32 $0xFFFFC000  }
0x2fa: {  	_ =	swait.ge [sflag:s7], $0x4000  }
0x2fb: {  	[sflag:s7] =	ssyncset.done $0x0  }
0x2fc: {  	[sflag:s7] =	ssyncadd.s32 $0xFFFFC000  }
0x2fd: {  	_ =	swait.ge [sflag:s7], $0x4000  }
0x2fe: {  	[sflag:s7] =	ssyncset.done $0x0  }
0x2ff: {  	[sflag:s7] =	ssyncadd.s32 $0xFFFFC000  }
0x300: {  	_ =	swait.ge [sflag:s7], $0x4000  }
0x301: {  	[sflag:s7] =	ssyncset.done $0x0  }
0x302: {  	[sflag:s7] =	ssyncadd.s32 $0xFFFFC000  }
0x303: {  	[spmem:s2] =	stream.indirect.scatter.add.f32 [tilespmem:s3], [sflag:$0x1], $0x80, s14, s8, $0xb8;
	[tilespmem:$0x19400] =	vst v63  }
0x304: {  	s1 =	simm.s32 $0x4E80  }
0x305: {  	[spmem:s2] =	stream.indirect.scatter.add.f32 [tilespmem:s3], [sflag:$0x1], $0x80, s1, s8, $0xb8;
	[tilespmem:$0x19400] =	vst v63  }
0x306: {  	s26 =	simm.s32 $0x4F00  }
0x307: {  	[spmem:s2] =	stream.indirect.scatter.add.f32 [tilespmem:s3], [sflag:$0x1], $0x80, s26, s8, $0xb8;
	[tilespmem:$0x19400] =	vst v63  }
0x308: {  	s1 =	simm.s32 $0x4F80  }
0x309: {  	[spmem:s2] =	stream.indirect.scatter.add.f32 [tilespmem:s3], [sflag:$0x1], $0x80, s1, s8, $0xb8;
	[tilespmem:$0x19400] =	vst v63  }
0x30a: {  	_ =	swait.ge [sflag:s7], $0x4000  }
0x30b: {  	[sflag:s7] =	ssyncset.done $0x0  }
0x30c: {  	[sflag:s7] =	ssyncadd.s32 $0xFFFFC000  }
0x30d: {  	_ =	swait.ge [sflag:s7], $0x4000  }
0x30e: {  	[sflag:s7] =	ssyncset.done $0x0  }
0x30f: {  	[sflag:s7] =	ssyncadd.s32 $0xFFFFC000  }
0x310: {  	_ =	swait.ge [sflag:s7], $0x4000  }
0x311: {  	[sflag:s7] =	ssyncset.done $0x0  }
0x312: {  	[sflag:s7] =	ssyncadd.s32 $0xFFFFC000  }
0x313: {  	_ =	swait.ge [sflag:s7], $0x4000  }
0x314: {  	[sflag:s7] =	ssyncset.done $0x0  }
0x315: {  	[sflag:s7] =	ssyncadd.s32 $0xFFFFC000  }
0x316: {  	[spmem:s2] =	stream.indirect.scatter.add.f32 [tilespmem:s3], [sflag:$0x1], $0x80, s6, s8, $0xb8;
	[tilespmem:$0x19400] =	vst v63  }
0x317: {  	s26 =	simm.s32 $0x5080  }
0x318: {  	[spmem:s2] =	stream.indirect.scatter.add.f32 [tilespmem:s3], [sflag:$0x1], $0x80, s26, s8, $0xb8;
	[tilespmem:$0x19400] =	vst v63  }
0x319: {  	s1 =	simm.s32 $0x5100  }
0x31a: {  	[spmem:s2] =	stream.indirect.scatter.add.f32 [tilespmem:s3], [sflag:$0x1], $0x80, s1, s8, $0xb8;
	[tilespmem:$0x19400] =	vst v63  }
0x31b: {  	s26 =	simm.s32 $0x5180  }
0x31c: {  	[spmem:s2] =	stream.indirect.scatter.add.f32 [tilespmem:s3], [sflag:$0x1], $0x80, s26, s8, $0xb8;
	[tilespmem:$0x19400] =	vst v63  }
0x31d: {  	s6 =	rddreg [dreg:$0x9];
	_ =	swait.ge [sflag:s7], $0x4000  }
0x31e: {  	[sflag:s7] =	ssyncset.done $0x0  }
0x31f: {  	[sflag:s7] =	ssyncadd.s32 $0xFFFFC000  }
0x320: {  	_ =	swait.ge [sflag:s7], $0x4000  }
0x321: {  	[sflag:s7] =	ssyncset.done $0x0  }
0x322: {  	[sflag:s7] =	ssyncadd.s32 $0xFFFFC000  }
0x323: {  	_ =	swait.ge [sflag:s7], $0x4000  }
0x324: {  	[sflag:s7] =	ssyncset.done $0x0  }
0x325: {  	[sflag:s7] =	ssyncadd.s32 $0xFFFFC000  }
0x326: {  	_ =	swait.ge [sflag:s7], $0x4000  }
0x327: {  	[sflag:s7] =	ssyncset.done $0x0  }
0x328: {  	s1 =	simm.s32 $0x5200;
	[sflag:s7] =	ssyncadd.s32 $0xFFFFC000  }
0x329: {  	[spmem:s2] =	stream.indirect.scatter.add.f32 [tilespmem:s3], [sflag:$0x1], $0x80, s1, s8, $0xb8;
	[tilespmem:$0x19400] =	vst v63  }
0x32a: {  	s26 =	simm.s32 $0x5280  }
0x32b: {  	[spmem:s2] =	stream.indirect.scatter.add.f32 [tilespmem:s3], [sflag:$0x1], $0x80, s26, s8, $0xb8;
	[tilespmem:$0x19400] =	vst v63  }
0x32c: {  	s1 =	simm.s32 $0x5300  }
0x32d: {  	[spmem:s2] =	stream.indirect.scatter.add.f32 [tilespmem:s3], [sflag:$0x1], $0x80, s1, s8, $0xb8;
	[tilespmem:$0x19400] =	vst v63  }
0x32e: {  	s26 =	simm.s32 $0x5380  }
0x32f: {  	[spmem:s2] =	stream.indirect.scatter.add.f32 [tilespmem:s3], [sflag:$0x1], $0x80, s26, s8, $0xb8;
	[tilespmem:$0x19400] =	vst v63  }
0x330: {  	_ =	swait.ge [sflag:s7], $0x4000  }
0x331: {  	[sflag:s7] =	ssyncset.done $0x0  }
0x332: {  	[sflag:s7] =	ssyncadd.s32 $0xFFFFC000  }
0x333: {  	_ =	swait.ge [sflag:s7], $0x4000  }
0x334: {  	[sflag:s7] =	ssyncset.done $0x0  }
0x335: {  	[sflag:s7] =	ssyncadd.s32 $0xFFFFC000  }
0x336: {  	_ =	swait.ge [sflag:s7], $0x4000  }
0x337: {  	[sflag:s7] =	ssyncset.done $0x0  }
0x338: {  	[sflag:s7] =	ssyncadd.s32 $0xFFFFC000  }
0x339: {  	_ =	swait.ge [sflag:s7], $0x4000  }
0x33a: {  	[sflag:s7] =	ssyncset.done $0x0  }
0x33b: {  	p1 =	sne.s32 s25, $0x1;
	[sflag:s7] =	ssyncadd.s32 $0xFFFFC000  }
.Ltmp2:
0x33c: {  	[bflag:$0x0] =	sbarrier.arrive $0xFFFF;
	(pc) =	sbr.rel @p1 .LBB2_3-.Ltmp2, $4  }
0x33d: {  	s1 =	rddreg [dreg:$0x7]  }
0x33e: {  	[hbm:s1], [sflag:s4] =	dma.local [spmem:s6], $0x2800  }
0x33f: {  	_ =	swait.ge [sflag:s5], $0x2800  }
0x340: {  	s25 =	sadd.s32 $0xFFFFFFFF, s25;
	s26 =	rddreg [dreg:$0x4];
	[sflag:s5] =	ssyncset.done $0x0  }
0x341: {  	s21 =	simm.s32 $0x4000  }
.LBB2_5:
0x342: {  	[sflag:s5] =	ssyncadd.s32 @p0 $0xFFFFD800  }
0x343: {  	[spmem:s6], [sflag:s4] =	dma.local [hbm:s26], $0x2800  }
0x344: {  	_ =	swait.ge [sflag:s5], $0x2800  }
0x345: {  	[sflag:s5] =	ssyncset.done $0x0  }
0x346: {  	s25 =	rddreg [dreg:$0x3];
	[sflag:s5] =	ssyncadd.s32 $0xFFFFD800  }
0x347: {  	[tilespmem:s3], [sflag:$0x2] =	stream.linear.gather [hbm4b:s25+s3], $0x4000, $0x38;
	[tilespmem:$0x19400] =	vst v63  }
0x348: {  	_ =	swait.ge [sflag:s5], $0x4000  }
0x349: {  	[sflag:s5] =	ssyncset.done $0x0  }
0x34a: {  	[sflag:s5] =	ssyncadd.s32 $0xFFFFC000  }
0x34b: {  	[bflag:$0x0] =	sbarrier.arrive $0xFFFF  }
0x34c: {  	s12 =	rddreg [dreg:$0x5]  }
0x34d: {  	[tilespmem:s21], [sflag:$0x2] =	stream.linear.gather [hbm4b:s12+s3], $0x1400, $0x38;
	[tilespmem:$0x19400] =	vst v63  }
0x34e: {  	_ =	swait.ge [sflag:s5], $0x1400  }
0x34f: {  	[sflag:s5] =	ssyncset.done $0x0  }
0x350: {  	[sflag:s5] =	ssyncadd.s32 $0xFFFFEC00  }
0x351: {  	[spmem:s2] =	stream.indirect.scatter.add.f32 [tilespmem:s3], [sflag:$0x1], $0x80, s21, s8, $0xb8;
	[tilespmem:$0x19400] =	vst v63  }
0x352: {  	s1 =	simm.s32 $0x4080  }
0x353: {  	[spmem:s2] =	stream.indirect.scatter.add.f32 [tilespmem:s3], [sflag:$0x1], $0x80, s1, s8, $0xb8;
	[tilespmem:$0x19400] =	vst v63  }
0x354: {  	s9 =	simm.s32 $0x4100  }
0x355: {  	[spmem:s2] =	stream.indirect.scatter.add.f32 [tilespmem:s3], [sflag:$0x1], $0x80, s9, s8, $0xb8;
	[tilespmem:$0x19400] =	vst v63  }
0x356: {  	s0 =	simm.s32 $0x4180  }
0x357: {  	[spmem:s2] =	stream.indirect.scatter.add.f32 [tilespmem:s3], [sflag:$0x1], $0x80, s0, s8, $0xb8;
	[tilespmem:$0x19400] =	vst v63  }
0x358: {  	_ =	swait.ge [sflag:s7], $0x4000  }
0x359: {  	[sflag:s7] =	ssyncset.done $0x0  }
0x35a: {  	[sflag:s7] =	ssyncadd.s32 $0xFFFFC000  }
0x35b: {  	_ =	swait.ge [sflag:s7], $0x4000  }
0x35c: {  	[sflag:s7] =	ssyncset.done $0x0  }
0x35d: {  	[sflag:s7] =	ssyncadd.s32 $0xFFFFC000  }
0x35e: {  	_ =	swait.ge [sflag:s7], $0x4000  }
0x35f: {  	[sflag:s7] =	ssyncset.done $0x0  }
0x360: {  	[sflag:s7] =	ssyncadd.s32 $0xFFFFC000  }
0x361: {  	_ =	swait.ge [sflag:s7], $0x4000  }
0x362: {  	[sflag:s7] =	ssyncset.done $0x0  }
0x363: {  	s10 =	simm.s32 $0x4200;
	[sflag:s7] =	ssyncadd.s32 $0xFFFFC000  }
0x364: {  	[spmem:s2] =	stream.indirect.scatter.add.f32 [tilespmem:s3], [sflag:$0x1], $0x80, s10, s8, $0xb8;
	[tilespmem:$0x19400] =	vst v63  }
0x365: {  	s13 =	simm.s32 $0x4280  }
0x366: {  	[spmem:s2] =	stream.indirect.scatter.add.f32 [tilespmem:s3], [sflag:$0x1], $0x80, s13, s8, $0xb8;
	[tilespmem:$0x19400] =	vst v63  }
0x367: {  	s10 =	simm.s32 $0x4300  }
0x368: {  	[spmem:s2] =	stream.indirect.scatter.add.f32 [tilespmem:s3], [sflag:$0x1], $0x80, s10, s8, $0xb8;
	[tilespmem:$0x19400] =	vst v63  }
0x369: {  	s11 =	simm.s32 $0x4380  }
0x36a: {  	[spmem:s2] =	stream.indirect.scatter.add.f32 [tilespmem:s3], [sflag:$0x1], $0x80, s11, s8, $0xb8;
	[tilespmem:$0x19400] =	vst v63  }
0x36b: {  	_ =	swait.ge [sflag:s7], $0x4000  }
0x36c: {  	[sflag:s7] =	ssyncset.done $0x0  }
0x36d: {  	[sflag:s7] =	ssyncadd.s32 $0xFFFFC000  }
0x36e: {  	_ =	swait.ge [sflag:s7], $0x4000  }
0x36f: {  	[sflag:s7] =	ssyncset.done $0x0  }
0x370: {  	[sflag:s7] =	ssyncadd.s32 $0xFFFFC000  }
0x371: {  	_ =	swait.ge [sflag:s7], $0x4000  }
0x372: {  	[sflag:s7] =	ssyncset.done $0x0  }
0x373: {  	[sflag:s7] =	ssyncadd.s32 $0xFFFFC000  }
0x374: {  	_ =	swait.ge [sflag:s7], $0x4000  }
0x375: {  	[sflag:s7] =	ssyncset.done $0x0  }
0x376: {  	s12 =	simm.s32 $0x4400;
	[sflag:s7] =	ssyncadd.s32 $0xFFFFC000  }
0x377: {  	[spmem:s2] =	stream.indirect.scatter.add.f32 [tilespmem:s3], [sflag:$0x1], $0x80, s12, s8, $0xb8;
	[tilespmem:$0x19400] =	vst v63  }
0x378: {  	s14 =	simm.s32 $0x4480  }
0x379: {  	[spmem:s2] =	stream.indirect.scatter.add.f32 [tilespmem:s3], [sflag:$0x1], $0x80, s14, s8, $0xb8;
	[tilespmem:$0x19400] =	vst v63  }
0x37a: {  	s15 =	simm.s32 $0x4500  }
0x37b: {  	[spmem:s2] =	stream.indirect.scatter.add.f32 [tilespmem:s3], [sflag:$0x1], $0x80, s15, s8, $0xb8;
	[tilespmem:$0x19400] =	vst v63  }
0x37c: {  	s16 =	simm.s32 $0x4580  }
0x37d: {  	[spmem:s2] =	stream.indirect.scatter.add.f32 [tilespmem:s3], [sflag:$0x1], $0x80, s16, s8, $0xb8;
	[tilespmem:$0x19400] =	vst v63  }
0x37e: {  	_ =	swait.ge [sflag:s7], $0x4000  }
0x37f: {  	[sflag:s7] =	ssyncset.done $0x0  }
0x380: {  	[sflag:s7] =	ssyncadd.s32 $0xFFFFC000  }
0x381: {  	_ =	swait.ge [sflag:s7], $0x4000  }
0x382: {  	[sflag:s7] =	ssyncset.done $0x0  }
0x383: {  	[sflag:s7] =	ssyncadd.s32 $0xFFFFC000  }
0x384: {  	_ =	swait.ge [sflag:s7], $0x4000  }
0x385: {  	[sflag:s7] =	ssyncset.done $0x0  }
0x386: {  	[sflag:s7] =	ssyncadd.s32 $0xFFFFC000  }
0x387: {  	_ =	swait.ge [sflag:s7], $0x4000  }
0x388: {  	[sflag:s7] =	ssyncset.done $0x0  }
0x389: {  	s17 =	simm.s32 $0x4600;
	[sflag:s7] =	ssyncadd.s32 $0xFFFFC000  }
0x38a: {  	[spmem:s2] =	stream.indirect.scatter.add.f32 [tilespmem:s3], [sflag:$0x1], $0x80, s17, s8, $0xb8;
	[tilespmem:$0x19400] =	vst v63  }
0x38b: {  	s18 =	simm.s32 $0x4680  }
0x38c: {  	[spmem:s2] =	stream.indirect.scatter.add.f32 [tilespmem:s3], [sflag:$0x1], $0x80, s18, s8, $0xb8;
	[tilespmem:$0x19400] =	vst v63  }
0x38d: {  	s19 =	simm.s32 $0x4700  }
0x38e: {  	[spmem:s2] =	stream.indirect.scatter.add.f32 [tilespmem:s3], [sflag:$0x1], $0x80, s19, s8, $0xb8;
	[tilespmem:$0x19400] =	vst v63  }
0x38f: {  	s20 =	simm.s32 $0x4780  }
0x390: {  	[spmem:s2] =	stream.indirect.scatter.add.f32 [tilespmem:s3], [sflag:$0x1], $0x80, s20, s8, $0xb8;
	[tilespmem:$0x19400] =	vst v63  }
0x391: {  	_ =	swait.ge [sflag:s7], $0x4000  }
0x392: {  	[sflag:s7] =	ssyncset.done $0x0  }
0x393: {  	[sflag:s7] =	ssyncadd.s32 $0xFFFFC000  }
0x394: {  	_ =	swait.ge [sflag:s7], $0x4000  }
0x395: {  	[sflag:s7] =	ssyncset.done $0x0  }
0x396: {  	[sflag:s7] =	ssyncadd.s32 $0xFFFFC000  }
0x397: {  	_ =	swait.ge [sflag:s7], $0x4000  }
0x398: {  	[sflag:s7] =	ssyncset.done $0x0  }
0x399: {  	[sflag:s7] =	ssyncadd.s32 $0xFFFFC000  }
0x39a: {  	_ =	swait.ge [sflag:s7], $0x4000  }
0x39b: {  	[sflag:s7] =	ssyncset.done $0x0  }
0x39c: {  	s24 =	simm.s32 $0x4800;
	[sflag:s7] =	ssyncadd.s32 $0xFFFFC000  }
0x39d: {  	[spmem:s2] =	stream.indirect.scatter.add.f32 [tilespmem:s3], [sflag:$0x1], $0x80, s24, s8, $0xb8;
	[tilespmem:$0x19400] =	vst v63  }
0x39e: {  	s31 =	simm.s32 $0x4880  }
0x39f: {  	[spmem:s2] =	stream.indirect.scatter.add.f32 [tilespmem:s3], [sflag:$0x1], $0x80, s31, s8, $0xb8;
	[tilespmem:$0x19400] =	vst v63  }
0x3a0: {  	s22 =	simm.s32 $0x4900  }
0x3a1: {  	[spmem:s2] =	stream.indirect.scatter.add.f32 [tilespmem:s3], [sflag:$0x1], $0x80, s22, s8, $0xb8;
	[tilespmem:$0x19400] =	vst v63  }
0x3a2: {  	s23 =	simm.s32 $0x4980  }
0x3a3: {  	[spmem:s2] =	stream.indirect.scatter.add.f32 [tilespmem:s3], [sflag:$0x1], $0x80, s23, s8, $0xb8;
	[tilespmem:$0x19400] =	vst v63  }
0x3a4: {  	_ =	swait.ge [sflag:s7], $0x4000  }
0x3a5: {  	[sflag:s7] =	ssyncset.done $0x0  }
0x3a6: {  	[sflag:s7] =	ssyncadd.s32 $0xFFFFC000  }
0x3a7: {  	_ =	swait.ge [sflag:s7], $0x4000  }
0x3a8: {  	[sflag:s7] =	ssyncset.done $0x0  }
0x3a9: {  	[sflag:s7] =	ssyncadd.s32 $0xFFFFC000  }
0x3aa: {  	_ =	swait.ge [sflag:s7], $0x4000  }
0x3ab: {  	[sflag:s7] =	ssyncset.done $0x0  }
0x3ac: {  	[sflag:s7] =	ssyncadd.s32 $0xFFFFC000  }
0x3ad: {  	_ =	swait.ge [sflag:s7], $0x4000  }
0x3ae: {  	[sflag:s7] =	ssyncset.done $0x0  }
0x3af: {  	s19 =	simm.s32 $0x4A00;
	[sflag:s7] =	ssyncadd.s32 $0xFFFFC000  }
0x3b0: {  	[spmem:s2] =	stream.indirect.scatter.add.f32 [tilespmem:s3], [sflag:$0x1], $0x80, s19, s8, $0xb8;
	[tilespmem:$0x19400] =	vst v63  }
0x3b1: {  	s20 =	simm.s32 $0x4A80  }
0x3b2: {  	[spmem:s2] =	stream.indirect.scatter.add.f32 [tilespmem:s3], [sflag:$0x1], $0x80, s20, s8, $0xb8;
	[tilespmem:$0x19400] =	vst v63  }
0x3b3: {  	s22 =	simm.s32 $0x4B00  }
0x3b4: {  	[spmem:s2] =	stream.indirect.scatter.add.f32 [tilespmem:s3], [sflag:$0x1], $0x80, s22, s8, $0xb8;
	[tilespmem:$0x19400] =	vst v63  }
0x3b5: {  	s23 =	simm.s32 $0x4B80  }
0x3b6: {  	[spmem:s2] =	stream.indirect.scatter.add.f32 [tilespmem:s3], [sflag:$0x1], $0x80, s23, s8, $0xb8;
	[tilespmem:$0x19400] =	vst v63  }
0x3b7: {  	_ =	swait.ge [sflag:s7], $0x4000  }
0x3b8: {  	[sflag:s7] =	ssyncset.done $0x0  }
0x3b9: {  	[sflag:s7] =	ssyncadd.s32 $0xFFFFC000  }
0x3ba: {  	_ =	swait.ge [sflag:s7], $0x4000  }
0x3bb: {  	[sflag:s7] =	ssyncset.done $0x0  }
0x3bc: {  	[sflag:s7] =	ssyncadd.s32 $0xFFFFC000  }
0x3bd: {  	_ =	swait.ge [sflag:s7], $0x4000  }
0x3be: {  	[sflag:s7] =	ssyncset.done $0x0  }
0x3bf: {  	[sflag:s7] =	ssyncadd.s32 $0xFFFFC000  }
0x3c0: {  	_ =	swait.ge [sflag:s7], $0x4000  }
0x3c1: {  	[sflag:s7] =	ssyncset.done $0x0  }
0x3c2: {  	s15 =	simm.s32 $0x4C00;
	[sflag:s7] =	ssyncadd.s32 $0xFFFFC000  }
0x3c3: {  	[spmem:s2] =	stream.indirect.scatter.add.f32 [tilespmem:s3], [sflag:$0x1], $0x80, s15, s8, $0xb8;
	[tilespmem:$0x19400] =	vst v63  }
0x3c4: {  	s16 =	simm.s32 $0x4C80  }
0x3c5: {  	[spmem:s2] =	stream.indirect.scatter.add.f32 [tilespmem:s3], [sflag:$0x1], $0x80, s16, s8, $0xb8;
	[tilespmem:$0x19400] =	vst v63  }
0x3c6: {  	s17 =	simm.s32 $0x4D00  }
0x3c7: {  	[spmem:s2] =	stream.indirect.scatter.add.f32 [tilespmem:s3], [sflag:$0x1], $0x80, s17, s8, $0xb8;
	[tilespmem:$0x19400] =	vst v63  }
0x3c8: {  	s18 =	simm.s32 $0x4D80  }
0x3c9: {  	[spmem:s2] =	stream.indirect.scatter.add.f32 [tilespmem:s3], [sflag:$0x1], $0x80, s18, s8, $0xb8;
	[tilespmem:$0x19400] =	vst v63  }
0x3ca: {  	_ =	swait.ge [sflag:s7], $0x4000  }
0x3cb: {  	[sflag:s7] =	ssyncset.done $0x0  }
0x3cc: {  	[sflag:s7] =	ssyncadd.s32 $0xFFFFC000  }
0x3cd: {  	_ =	swait.ge [sflag:s7], $0x4000  }
0x3ce: {  	[sflag:s7] =	ssyncset.done $0x0  }
0x3cf: {  	[sflag:s7] =	ssyncadd.s32 $0xFFFFC000  }
0x3d0: {  	_ =	swait.ge [sflag:s7], $0x4000  }
0x3d1: {  	[sflag:s7] =	ssyncset.done $0x0  }
0x3d2: {  	[sflag:s7] =	ssyncadd.s32 $0xFFFFC000  }
0x3d3: {  	_ =	swait.ge [sflag:s7], $0x4000  }
0x3d4: {  	[sflag:s7] =	ssyncset.done $0x0  }
0x3d5: {  	s25 =	simm.s32 $0x4E00;
	[sflag:s7] =	ssyncadd.s32 $0xFFFFC000  }
0x3d6: {  	[spmem:s2] =	stream.indirect.scatter.add.f32 [tilespmem:s3], [sflag:$0x1], $0x80, s25, s8, $0xb8;
	[tilespmem:$0x19400] =	vst v63  }
0x3d7: {  	s12 =	simm.s32 $0x4E80  }
0x3d8: {  	[spmem:s2] =	stream.indirect.scatter.add.f32 [tilespmem:s3], [sflag:$0x1], $0x80, s12, s8, $0xb8;
	[tilespmem:$0x19400] =	vst v63  }
0x3d9: {  	s13 =	simm.s32 $0x4F00  }
0x3da: {  	[spmem:s2] =	stream.indirect.scatter.add.f32 [tilespmem:s3], [sflag:$0x1], $0x80, s13, s8, $0xb8;
	[tilespmem:$0x19400] =	vst v63  }
0x3db: {  	s14 =	simm.s32 $0x4F80  }
0x3dc: {  	[spmem:s2] =	stream.indirect.scatter.add.f32 [tilespmem:s3], [sflag:$0x1], $0x80, s14, s8, $0xb8;
	[tilespmem:$0x19400] =	vst v63  }
0x3dd: {  	_ =	swait.ge [sflag:s7], $0x4000  }
0x3de: {  	[sflag:s7] =	ssyncset.done $0x0  }
0x3df: {  	[sflag:s7] =	ssyncadd.s32 $0xFFFFC000  }
0x3e0: {  	_ =	swait.ge [sflag:s7], $0x4000  }
0x3e1: {  	[sflag:s7] =	ssyncset.done $0x0  }
0x3e2: {  	[sflag:s7] =	ssyncadd.s32 $0xFFFFC000  }
0x3e3: {  	_ =	swait.ge [sflag:s7], $0x4000  }
0x3e4: {  	[sflag:s7] =	ssyncset.done $0x0  }
0x3e5: {  	[sflag:s7] =	ssyncadd.s32 $0xFFFFC000  }
0x3e6: {  	_ =	swait.ge [sflag:s7], $0x4000  }
0x3e7: {  	[sflag:s7] =	ssyncset.done $0x0  }
0x3e8: {  	s29 =	simm.s32 $0x5000;
	[sflag:s7] =	ssyncadd.s32 $0xFFFFC000  }
0x3e9: {  	[spmem:s2] =	stream.indirect.scatter.add.f32 [tilespmem:s3], [sflag:$0x1], $0x80, s29, s8, $0xb8;
	[tilespmem:$0x19400] =	vst v63  }
0x3ea: {  	s30 =	simm.s32 $0x5080  }
0x3eb: {  	[spmem:s2] =	stream.indirect.scatter.add.f32 [tilespmem:s3], [sflag:$0x1], $0x80, s30, s8, $0xb8;
	[tilespmem:$0x19400] =	vst v63  }
0x3ec: {  	s26 =	simm.s32 $0x5100  }
0x3ed: {  	[spmem:s2] =	stream.indirect.scatter.add.f32 [tilespmem:s3], [sflag:$0x1], $0x80, s26, s8, $0xb8;
	[tilespmem:$0x19400] =	vst v63  }
0x3ee: {  	s28 =	simm.s32 $0x5180  }
0x3ef: {  	[spmem:s2] =	stream.indirect.scatter.add.f32 [tilespmem:s3], [sflag:$0x1], $0x80, s28, s8, $0xb8;
	[tilespmem:$0x19400] =	vst v63  }
0x3f0: {  	_ =	swait.ge [sflag:s7], $0x4000  }
0x3f1: {  	[sflag:s7] =	ssyncset.done $0x0  }
0x3f2: {  	[sflag:s7] =	ssyncadd.s32 $0xFFFFC000  }
0x3f3: {  	_ =	swait.ge [sflag:s7], $0x4000  }
0x3f4: {  	[sflag:s7] =	ssyncset.done $0x0  }
0x3f5: {  	[sflag:s7] =	ssyncadd.s32 $0xFFFFC000  }
0x3f6: {  	_ =	swait.ge [sflag:s7], $0x4000  }
0x3f7: {  	[sflag:s7] =	ssyncset.done $0x0  }
0x3f8: {  	[sflag:s7] =	ssyncadd.s32 $0xFFFFC000  }
0x3f9: {  	_ =	swait.ge [sflag:s7], $0x4000  }
0x3fa: {  	[sflag:s7] =	ssyncset.done $0x0  }
0x3fb: {  	s26 =	simm.s32 $0x5200;
	[sflag:s7] =	ssyncadd.s32 $0xFFFFC000  }
0x3fc: {  	[spmem:s2] =	stream.indirect.scatter.add.f32 [tilespmem:s3], [sflag:$0x1], $0x80, s26, s8, $0xb8;
	[tilespmem:$0x19400] =	vst v63  }
0x3fd: {  	s28 =	simm.s32 $0x5280  }
0x3fe: {  	[spmem:s2] =	stream.indirect.scatter.add.f32 [tilespmem:s3], [sflag:$0x1], $0x80, s28, s8, $0xb8;
	[tilespmem:$0x19400] =	vst v63  }
0x3ff: {  	s25 =	simm.s32 $0x5300  }
0x400: {  	[spmem:s2] =	stream.indirect.scatter.add.f32 [tilespmem:s3], [sflag:$0x1], $0x80, s25, s8, $0xb8;
	[tilespmem:$0x19400] =	vst v63  }
0x401: {  	s25 =	simm.s32 $0x5380  }
0x402: {  	[spmem:s2] =	stream.indirect.scatter.add.f32 [tilespmem:s3], [sflag:$0x1], $0x80, s25, s8, $0xb8;
	[tilespmem:$0x19400] =	vst v63  }
0x403: {  	_ =	swait.ge [sflag:s7], $0x4000  }
0x404: {  	[sflag:s7] =	ssyncset.done $0x0  }
0x405: {  	[sflag:s7] =	ssyncadd.s32 $0xFFFFC000  }
0x406: {  	_ =	swait.ge [sflag:s7], $0x4000  }
0x407: {  	[sflag:s7] =	ssyncset.done $0x0  }
0x408: {  	[sflag:s7] =	ssyncadd.s32 $0xFFFFC000  }
0x409: {  	_ =	swait.ge [sflag:s7], $0x4000  }
0x40a: {  	[sflag:s7] =	ssyncset.done $0x0  }
0x40b: {  	[sflag:s7] =	ssyncadd.s32 $0xFFFFC000  }
0x40c: {  	_ =	swait.ge [sflag:s7], $0x4000  }
0x40d: {  	[sflag:s7] =	ssyncset.done $0x0  }
0x40e: {  	s25 =	rddreg [dreg:$0x6];
	[sflag:s7] =	ssyncadd.s32 $0xFFFFC000  }
0x40f: {  	[tilespmem:s21], [sflag:$0x2] =	stream.linear.gather [hbm4b:s25+s3], $0x1400, $0x38;
	[tilespmem:$0x19400] =	vst v63  }
0x410: {  	_ =	swait.ge [sflag:s5], $0x1400  }
0x411: {  	[sflag:s5] =	ssyncset.done $0x0  }
0x412: {  	[sflag:s5] =	ssyncadd.s32 $0xFFFFEC00  }
0x413: {  	[spmem:s2] =	stream.indirect.scatter.add.f32 [tilespmem:s3], [sflag:$0x1], $0x80, s21, s8, $0xb8;
	[tilespmem:$0x19400] =	vst v63  }
0x414: {  	_ = 	snop  }
0x415: {  	[spmem:s2] =	stream.indirect.scatter.add.f32 [tilespmem:s3], [sflag:$0x1], $0x80, s1, s8, $0xb8;
	[tilespmem:$0x19400] =	vst v63  }
0x416: {  	_ = 	snop  }
0x417: {  	[spmem:s2] =	stream.indirect.scatter.add.f32 [tilespmem:s3], [sflag:$0x1], $0x80, s9, s8, $0xb8;
	[tilespmem:$0x19400] =	vst v63  }
0x418: {  	_ = 	snop  }
0x419: {  	[spmem:s2] =	stream.indirect.scatter.add.f32 [tilespmem:s3], [sflag:$0x1], $0x80, s0, s8, $0xb8;
	[tilespmem:$0x19400] =	vst v63  }
0x41a: {  	_ =	swait.ge [sflag:s7], $0x4000  }
0x41b: {  	[sflag:s7] =	ssyncset.done $0x0  }
0x41c: {  	[sflag:s7] =	ssyncadd.s32 $0xFFFFC000  }
0x41d: {  	_ =	swait.ge [sflag:s7], $0x4000  }
0x41e: {  	[sflag:s7] =	ssyncset.done $0x0  }
0x41f: {  	[sflag:s7] =	ssyncadd.s32 $0xFFFFC000  }
0x420: {  	_ =	swait.ge [sflag:s7], $0x4000  }
0x421: {  	[sflag:s7] =	ssyncset.done $0x0  }
0x422: {  	[sflag:s7] =	ssyncadd.s32 $0xFFFFC000  }
0x423: {  	_ =	swait.ge [sflag:s7], $0x4000  }
0x424: {  	[sflag:s7] =	ssyncset.done $0x0  }
0x425: {  	s25 =	simm.s32 $0x4200;
	[sflag:s7] =	ssyncadd.s32 $0xFFFFC000  }
0x426: {  	[spmem:s2] =	stream.indirect.scatter.add.f32 [tilespmem:s3], [sflag:$0x1], $0x80, s25, s8, $0xb8;
	[tilespmem:$0x19400] =	vst v63  }
0x427: {  	s1 =	simm.s32 $0x4280  }
0x428: {  	[spmem:s2] =	stream.indirect.scatter.add.f32 [tilespmem:s3], [sflag:$0x1], $0x80, s1, s8, $0xb8;
	[tilespmem:$0x19400] =	vst v63  }
0x429: {  	_ = 	snop  }
0x42a: {  	[spmem:s2] =	stream.indirect.scatter.add.f32 [tilespmem:s3], [sflag:$0x1], $0x80, s10, s8, $0xb8;
	[tilespmem:$0x19400] =	vst v63  }
0x42b: {  	_ = 	snop  }
0x42c: {  	[spmem:s2] =	stream.indirect.scatter.add.f32 [tilespmem:s3], [sflag:$0x1], $0x80, s11, s8, $0xb8;
	[tilespmem:$0x19400] =	vst v63  }
0x42d: {  	_ =	swait.ge [sflag:s7], $0x4000  }
0x42e: {  	[sflag:s7] =	ssyncset.done $0x0  }
0x42f: {  	[sflag:s7] =	ssyncadd.s32 $0xFFFFC000  }
0x430: {  	_ =	swait.ge [sflag:s7], $0x4000  }
0x431: {  	[sflag:s7] =	ssyncset.done $0x0  }
0x432: {  	[sflag:s7] =	ssyncadd.s32 $0xFFFFC000  }
0x433: {  	_ =	swait.ge [sflag:s7], $0x4000  }
0x434: {  	[sflag:s7] =	ssyncset.done $0x0  }
0x435: {  	[sflag:s7] =	ssyncadd.s32 $0xFFFFC000  }
0x436: {  	_ =	swait.ge [sflag:s7], $0x4000  }
0x437: {  	[sflag:s7] =	ssyncset.done $0x0  }
0x438: {  	s9 =	simm.s32 $0x4400;
	[sflag:s7] =	ssyncadd.s32 $0xFFFFC000  }
0x439: {  	[spmem:s2] =	stream.indirect.scatter.add.f32 [tilespmem:s3], [sflag:$0x1], $0x80, s9, s8, $0xb8;
	[tilespmem:$0x19400] =	vst v63  }
0x43a: {  	s10 =	simm.s32 $0x4480  }
0x43b: {  	[spmem:s2] =	stream.indirect.scatter.add.f32 [tilespmem:s3], [sflag:$0x1], $0x80, s10, s8, $0xb8;
	[tilespmem:$0x19400] =	vst v63  }
0x43c: {  	s11 =	simm.s32 $0x4500  }
0x43d: {  	[spmem:s2] =	stream.indirect.scatter.add.f32 [tilespmem:s3], [sflag:$0x1], $0x80, s11, s8, $0xb8;
	[tilespmem:$0x19400] =	vst v63  }
0x43e: {  	s21 =	simm.s32 $0x4580  }
0x43f: {  	[spmem:s2] =	stream.indirect.scatter.add.f32 [tilespmem:s3], [sflag:$0x1], $0x80, s21, s8, $0xb8;
	[tilespmem:$0x19400] =	vst v63  }
0x440: {  	_ =	swait.ge [sflag:s7], $0x4000  }
0x441: {  	[sflag:s7] =	ssyncset.done $0x0  }
0x442: {  	[sflag:s7] =	ssyncadd.s32 $0xFFFFC000  }
0x443: {  	_ =	swait.ge [sflag:s7], $0x4000  }
0x444: {  	[sflag:s7] =	ssyncset.done $0x0  }
0x445: {  	[sflag:s7] =	ssyncadd.s32 $0xFFFFC000  }
0x446: {  	_ =	swait.ge [sflag:s7], $0x4000  }
0x447: {  	[sflag:s7] =	ssyncset.done $0x0  }
0x448: {  	[sflag:s7] =	ssyncadd.s32 $0xFFFFC000  }
0x449: {  	_ =	swait.ge [sflag:s7], $0x4000  }
0x44a: {  	[sflag:s7] =	ssyncset.done $0x0  }
0x44b: {  	s25 =	simm.s32 $0x4600;
	[sflag:s7] =	ssyncadd.s32 $0xFFFFC000  }
0x44c: {  	[spmem:s2] =	stream.indirect.scatter.add.f32 [tilespmem:s3], [sflag:$0x1], $0x80, s25, s8, $0xb8;
	[tilespmem:$0x19400] =	vst v63  }
0x44d: {  	s1 =	simm.s32 $0x4680  }
0x44e: {  	[spmem:s2] =	stream.indirect.scatter.add.f32 [tilespmem:s3], [sflag:$0x1], $0x80, s1, s8, $0xb8;
	[tilespmem:$0x19400] =	vst v63  }
0x44f: {  	s9 =	simm.s32 $0x4700  }
0x450: {  	[spmem:s2] =	stream.indirect.scatter.add.f32 [tilespmem:s3], [sflag:$0x1], $0x80, s9, s8, $0xb8;
	[tilespmem:$0x19400] =	vst v63  }
0x451: {  	s10 =	simm.s32 $0x4780  }
0x452: {  	[spmem:s2] =	stream.indirect.scatter.add.f32 [tilespmem:s3], [sflag:$0x1], $0x80, s10, s8, $0xb8;
	[tilespmem:$0x19400] =	vst v63  }
0x453: {  	_ =	swait.ge [sflag:s7], $0x4000  }
0x454: {  	[sflag:s7] =	ssyncset.done $0x0  }
0x455: {  	[sflag:s7] =	ssyncadd.s32 $0xFFFFC000  }
0x456: {  	_ =	swait.ge [sflag:s7], $0x4000  }
0x457: {  	[sflag:s7] =	ssyncset.done $0x0  }
0x458: {  	[sflag:s7] =	ssyncadd.s32 $0xFFFFC000  }
0x459: {  	_ =	swait.ge [sflag:s7], $0x4000  }
0x45a: {  	[sflag:s7] =	ssyncset.done $0x0  }
0x45b: {  	[sflag:s7] =	ssyncadd.s32 $0xFFFFC000  }
0x45c: {  	_ =	swait.ge [sflag:s7], $0x4000  }
0x45d: {  	[sflag:s7] =	ssyncset.done $0x0  }
0x45e: {  	[sflag:s7] =	ssyncadd.s32 $0xFFFFC000  }
0x45f: {  	[spmem:s2] =	stream.indirect.scatter.add.f32 [tilespmem:s3], [sflag:$0x1], $0x80, s24, s8, $0xb8;
	[tilespmem:$0x19400] =	vst v63  }
0x460: {  	_ = 	snop  }
0x461: {  	[spmem:s2] =	stream.indirect.scatter.add.f32 [tilespmem:s3], [sflag:$0x1], $0x80, s31, s8, $0xb8;
	[tilespmem:$0x19400] =	vst v63  }
0x462: {  	s11 =	simm.s32 $0x4900  }
0x463: {  	[spmem:s2] =	stream.indirect.scatter.add.f32 [tilespmem:s3], [sflag:$0x1], $0x80, s11, s8, $0xb8;
	[tilespmem:$0x19400] =	vst v63  }
0x464: {  	s21 =	simm.s32 $0x4980  }
0x465: {  	[spmem:s2] =	stream.indirect.scatter.add.f32 [tilespmem:s3], [sflag:$0x1], $0x80, s21, s8, $0xb8;
	[tilespmem:$0x19400] =	vst v63  }
0x466: {  	_ =	swait.ge [sflag:s7], $0x4000  }
0x467: {  	[sflag:s7] =	ssyncset.done $0x0  }
0x468: {  	[sflag:s7] =	ssyncadd.s32 $0xFFFFC000  }
0x469: {  	_ =	swait.ge [sflag:s7], $0x4000  }
0x46a: {  	[sflag:s7] =	ssyncset.done $0x0  }
0x46b: {  	[sflag:s7] =	ssyncadd.s32 $0xFFFFC000  }
0x46c: {  	_ =	swait.ge [sflag:s7], $0x4000  }
0x46d: {  	[sflag:s7] =	ssyncset.done $0x0  }
0x46e: {  	[sflag:s7] =	ssyncadd.s32 $0xFFFFC000  }
0x46f: {  	_ =	swait.ge [sflag:s7], $0x4000  }
0x470: {  	[sflag:s7] =	ssyncset.done $0x0  }
0x471: {  	[sflag:s7] =	ssyncadd.s32 $0xFFFFC000  }
0x472: {  	[spmem:s2] =	stream.indirect.scatter.add.f32 [tilespmem:s3], [sflag:$0x1], $0x80, s19, s8, $0xb8;
	[tilespmem:$0x19400] =	vst v63  }
0x473: {  	_ = 	snop  }
0x474: {  	[spmem:s2] =	stream.indirect.scatter.add.f32 [tilespmem:s3], [sflag:$0x1], $0x80, s20, s8, $0xb8;
	[tilespmem:$0x19400] =	vst v63  }
0x475: {  	_ = 	snop  }
0x476: {  	[spmem:s2] =	stream.indirect.scatter.add.f32 [tilespmem:s3], [sflag:$0x1], $0x80, s22, s8, $0xb8;
	[tilespmem:$0x19400] =	vst v63  }
0x477: {  	_ = 	snop  }
0x478: {  	[spmem:s2] =	stream.indirect.scatter.add.f32 [tilespmem:s3], [sflag:$0x1], $0x80, s23, s8, $0xb8;
	[tilespmem:$0x19400] =	vst v63  }
0x479: {  	_ =	swait.ge [sflag:s7], $0x4000  }
0x47a: {  	[sflag:s7] =	ssyncset.done $0x0  }
0x47b: {  	[sflag:s7] =	ssyncadd.s32 $0xFFFFC000  }
0x47c: {  	_ =	swait.ge [sflag:s7], $0x4000  }
0x47d: {  	[sflag:s7] =	ssyncset.done $0x0  }
0x47e: {  	[sflag:s7] =	ssyncadd.s32 $0xFFFFC000  }
0x47f: {  	_ =	swait.ge [sflag:s7], $0x4000  }
0x480: {  	[sflag:s7] =	ssyncset.done $0x0  }
0x481: {  	[sflag:s7] =	ssyncadd.s32 $0xFFFFC000  }
0x482: {  	_ =	swait.ge [sflag:s7], $0x4000  }
0x483: {  	[sflag:s7] =	ssyncset.done $0x0  }
0x484: {  	[sflag:s7] =	ssyncadd.s32 $0xFFFFC000  }
0x485: {  	[spmem:s2] =	stream.indirect.scatter.add.f32 [tilespmem:s3], [sflag:$0x1], $0x80, s15, s8, $0xb8;
	[tilespmem:$0x19400] =	vst v63  }
0x486: {  	_ = 	snop  }
0x487: {  	[spmem:s2] =	stream.indirect.scatter.add.f32 [tilespmem:s3], [sflag:$0x1], $0x80, s16, s8, $0xb8;
	[tilespmem:$0x19400] =	vst v63  }
0x488: {  	_ = 	snop  }
0x489: {  	[spmem:s2] =	stream.indirect.scatter.add.f32 [tilespmem:s3], [sflag:$0x1], $0x80, s17, s8, $0xb8;
	[tilespmem:$0x19400] =	vst v63  }
0x48a: {  	_ = 	snop  }
0x48b: {  	[spmem:s2] =	stream.indirect.scatter.add.f32 [tilespmem:s3], [sflag:$0x1], $0x80, s18, s8, $0xb8;
	[tilespmem:$0x19400] =	vst v63  }
0x48c: {  	_ =	swait.ge [sflag:s7], $0x4000  }
0x48d: {  	[sflag:s7] =	ssyncset.done $0x0  }
0x48e: {  	[sflag:s7] =	ssyncadd.s32 $0xFFFFC000  }
0x48f: {  	_ =	swait.ge [sflag:s7], $0x4000  }
0x490: {  	[sflag:s7] =	ssyncset.done $0x0  }
0x491: {  	[sflag:s7] =	ssyncadd.s32 $0xFFFFC000  }
0x492: {  	_ =	swait.ge [sflag:s7], $0x4000  }
0x493: {  	[sflag:s7] =	ssyncset.done $0x0  }
0x494: {  	[sflag:s7] =	ssyncadd.s32 $0xFFFFC000  }
0x495: {  	_ =	swait.ge [sflag:s7], $0x4000  }
0x496: {  	[sflag:s7] =	ssyncset.done $0x0  }
0x497: {  	s23 =	simm.s32 $0x4E00;
	[sflag:s7] =	ssyncadd.s32 $0xFFFFC000  }
0x498: {  	[spmem:s2] =	stream.indirect.scatter.add.f32 [tilespmem:s3], [sflag:$0x1], $0x80, s23, s8, $0xb8;
	[tilespmem:$0x19400] =	vst v63  }
0x499: {  	_ = 	snop  }
0x49a: {  	[spmem:s2] =	stream.indirect.scatter.add.f32 [tilespmem:s3], [sflag:$0x1], $0x80, s12, s8, $0xb8;
	[tilespmem:$0x19400] =	vst v63  }
0x49b: {  	_ = 	snop  }
0x49c: {  	[spmem:s2] =	stream.indirect.scatter.add.f32 [tilespmem:s3], [sflag:$0x1], $0x80, s13, s8, $0xb8;
	[tilespmem:$0x19400] =	vst v63  }
0x49d: {  	_ = 	snop  }
0x49e: {  	[spmem:s2] =	stream.indirect.scatter.add.f32 [tilespmem:s3], [sflag:$0x1], $0x80, s14, s8, $0xb8;
	[tilespmem:$0x19400] =	vst v63  }
0x49f: {  	_ =	swait.ge [sflag:s7], $0x4000  }
0x4a0: {  	[sflag:s7] =	ssyncset.done $0x0  }
0x4a1: {  	[sflag:s7] =	ssyncadd.s32 $0xFFFFC000  }
0x4a2: {  	_ =	swait.ge [sflag:s7], $0x4000  }
0x4a3: {  	[sflag:s7] =	ssyncset.done $0x0  }
0x4a4: {  	[sflag:s7] =	ssyncadd.s32 $0xFFFFC000  }
0x4a5: {  	_ =	swait.ge [sflag:s7], $0x4000  }
0x4a6: {  	[sflag:s7] =	ssyncset.done $0x0  }
0x4a7: {  	[sflag:s7] =	ssyncadd.s32 $0xFFFFC000  }
0x4a8: {  	_ =	swait.ge [sflag:s7], $0x4000  }
0x4a9: {  	[sflag:s7] =	ssyncset.done $0x0  }
0x4aa: {  	[sflag:s7] =	ssyncadd.s32 $0xFFFFC000  }
0x4ab: {  	[spmem:s2] =	stream.indirect.scatter.add.f32 [tilespmem:s3], [sflag:$0x1], $0x80, s29, s8, $0xb8;
	[tilespmem:$0x19400] =	vst v63  }
0x4ac: {  	_ = 	snop  }
0x4ad: {  	[spmem:s2] =	stream.indirect.scatter.add.f32 [tilespmem:s3], [sflag:$0x1], $0x80, s30, s8, $0xb8;
	[tilespmem:$0x19400] =	vst v63  }
0x4ae: {  	s24 =	simm.s32 $0x5100  }
0x4af: {  	[spmem:s2] =	stream.indirect.scatter.add.f32 [tilespmem:s3], [sflag:$0x1], $0x80, s24, s8, $0xb8;
	[tilespmem:$0x19400] =	vst v63  }
0x4b0: {  	s25 =	simm.s32 $0x5180  }
0x4b1: {  	[spmem:s2] =	stream.indirect.scatter.add.f32 [tilespmem:s3], [sflag:$0x1], $0x80, s25, s8, $0xb8;
	[tilespmem:$0x19400] =	vst v63  }
0x4b2: {  	_ =	swait.ge [sflag:s7], $0x4000  }
0x4b3: {  	[sflag:s7] =	ssyncset.done $0x0  }
0x4b4: {  	[sflag:s7] =	ssyncadd.s32 $0xFFFFC000  }
0x4b5: {  	_ =	swait.ge [sflag:s7], $0x4000  }
0x4b6: {  	[sflag:s7] =	ssyncset.done $0x0  }
0x4b7: {  	[sflag:s7] =	ssyncadd.s32 $0xFFFFC000  }
0x4b8: {  	_ =	swait.ge [sflag:s7], $0x4000  }
0x4b9: {  	[sflag:s7] =	ssyncset.done $0x0  }
0x4ba: {  	[sflag:s7] =	ssyncadd.s32 $0xFFFFC000  }
0x4bb: {  	_ =	swait.ge [sflag:s7], $0x4000  }
0x4bc: {  	[sflag:s7] =	ssyncset.done $0x0  }
0x4bd: {  	[sflag:s7] =	ssyncadd.s32 $0xFFFFC000  }
0x4be: {  	[spmem:s2] =	stream.indirect.scatter.add.f32 [tilespmem:s3], [sflag:$0x1], $0x80, s26, s8, $0xb8;
	[tilespmem:$0x19400] =	vst v63  }
0x4bf: {  	_ = 	snop  }
0x4c0: {  	[spmem:s2] =	stream.indirect.scatter.add.f32 [tilespmem:s3], [sflag:$0x1], $0x80, s28, s8, $0xb8;
	[tilespmem:$0x19400] =	vst v63  }
0x4c1: {  	s28 =	simm.s32 $0x5300  }
0x4c2: {  	[spmem:s2] =	stream.indirect.scatter.add.f32 [tilespmem:s3], [sflag:$0x1], $0x80, s28, s8, $0xb8;
	[tilespmem:$0x19400] =	vst v63  }
0x4c3: {  	s29 =	simm.s32 $0x5380  }
0x4c4: {  	[spmem:s2] =	stream.indirect.scatter.add.f32 [tilespmem:s3], [sflag:$0x1], $0x80, s29, s8, $0xb8;
	[tilespmem:$0x19400] =	vst v63  }
0x4c5: {  	_ =	swait.ge [sflag:s7], $0x4000  }
0x4c6: {  	[sflag:s7] =	ssyncset.done $0x0  }
0x4c7: {  	[sflag:s7] =	ssyncadd.s32 $0xFFFFC000  }
0x4c8: {  	_ =	swait.ge [sflag:s7], $0x4000  }
0x4c9: {  	[sflag:s7] =	ssyncset.done $0x0  }
0x4ca: {  	[sflag:s7] =	ssyncadd.s32 $0xFFFFC000  }
0x4cb: {  	_ =	swait.ge [sflag:s7], $0x4000  }
0x4cc: {  	[sflag:s7] =	ssyncset.done $0x0  }
0x4cd: {  	[sflag:s7] =	ssyncadd.s32 $0xFFFFC000  }
0x4ce: {  	_ =	swait.ge [sflag:s7], $0x4000  }
0x4cf: {  	[sflag:s7] =	ssyncset.done $0x0  }
0x4d0: {  	[sflag:s7] =	ssyncadd.s32 $0xFFFFC000  }
0x4d1: {  	[bflag:$0x0] =	sbarrier.arrive $0xFFFF  }
0x4d2: {  	s30 =	rddreg [dreg:$0x7]  }
0x4d3: {  	[hbm:s30], [sflag:s4] =	dma.local [spmem:s6], $0x2800  }
0x4d4: {  	_ =	swait.ge [sflag:s5], $0x2800  }
0x4d5: {  	[sflag:s5] =	ssyncset.done $0x0  }
0x4d6: {  	[sflag:s5] =	ssyncadd.s32 $0xFFFFD800  }
0x4d7: {  	_ =	sfence.sel $0x180000  }
0x4d8: {  	[bflag:$0x0] =	sbarrier.arrive $0xFFFF  }
0x4d9: {  	_ =	strace $0x9000004A  }
0x4da: {  	s31 =	stileid.u32;
	[bflag:$0x2] =	sbarrier.arrive $0xFFFF  }
0x4db: {  	p0 =	sne.s32 s31, $0x0;
	s0 =	rddreg [dreg:$0x2]  }
0x4dc: {  	s0 =	sadd.s32 @!p0 $0x100000, s0  }
0x4dd: {  	[sflag:s0] =	ssyncadd.tile.s32 @!p0 $0x1;
	_ =	shalt  }
.LBB2_6:
.Ltmp3:
0x4de: {  	(pc) =	sbr.rel .LBB2_5-.Ltmp3, $2  }
0x4df: {  	_ =	sdelay $0x2  }
0x4e0: {  	s21 =	simm.s32 $0x4000  }
.Lfunc_end2:
_tile_overlayer_lowered:
.L_overlay_start_2:
0x4e1: {  	(tag) =	ssettag $0x2  }
0x4e2: {  	s0 =	rddreg [dreg:$0x0];
	s2 =	stileid.u32  }
0x4e3: {  	s1 =	rddreg [dreg:$0x1];
	p0 =	sne.s32 s2, $0x0  }
0x4e4: {  	s3 =	rddreg [dreg:$0x2];
	[bflag:$0x3] =	sbarrier.arrive $0xFFFF;
	s2 =	simm.s32 @!p0 $0x1C02  }
0x4e5: {  	[timem:s3], [sflag:s2] =	dma.local @!p0 [hbm:s0], s1  }
0x4e6: {  	s0 =	simm.s32 @!p0 $0x2  }
0x4e7: {  	_ =	swait.ge @!p0 [sflag:s0], s1  }
0x4e8: {  	s1 =	ssub.s32 @!p0 $0x0, s1;
	[sflag:s0] =	ssyncset.done @!p0 $0x0  }
0x4e9: {  	[sflag:s0] =	ssyncadd.s32 @!p0 s1  }
0x4ea: {  	[bflag:$0x3] =	sbarrier.arrive $0xFFFF  }
0x4eb: {  	_ =	shalt  }

// kernel: kernel.15.cloned.1.call-start
scs
__scs_entry_jumppad:
0x0: {  	(pc) =	sbr.rel $0x88, $3  }
0x1: {  	(tag) =	ssettag $0x0;
	lr =	simm.s32 $0x1  }
0x2: {  	[smem:$0x3F93] =	sst lr;
	_ =	strace $0xD0000000  }
0x3: {  	_ = 	snop  }
0x4: {  	_ = 	snop  }
0x5: {  	_ = 	snop  }
0x6: {  	_ = 	snop  }
0x7: {  	_ = 	snop  }
__scs_overlays_trampoline_lowered:
0x8: {  	[smem:$0x3FA2] =	sst s0  }
0x9: {  	[smem:$0x3FA3] =	sst s1  }
0xa: {  	[smem:$0x3FA4] =	sst s2  }
0xb: {  	[smem:$0x3FA5] =	sst s3  }
0xc: {  	[smem:$0x3FA6] =	sst s4  }
0xd: {  	[smem:$0x3FA7] =	sst s5  }
0xe: {  	[smem:$0x3FA8] =	sst s6  }
0xf: {  	[smem:$0x3FA9] =	sst s7  }
0x10: {  	[smem:$0x3FAA] =	sst s8  }
0x11: {  	[smem:$0x3FAB] =	sst s9;
	s0 =	simm.s32 @!p0 $0x0  }
0x12: {  	s1 =	sld [smem:$0x3F91];
	s0 =	simm.s32 @p0 $0x1  }
0x13: {  	[smem:$0x3FAC] =	sst s0;
	s0 =	simm.s32 @!p1 $0x0  }
0x14: {  	s2 =	sld [smem:$0x3F90];
	s0 =	simm.s32 @p1 $0x1  }
0x15: {  	[smem:$0x3FAD] =	sst s0;
	s0 =	simm.s32 @!p2 $0x0  }
0x16: {  	s3 =	sld [smem:$0x3FDB];
	s0 =	simm.s32 @p2 $0x1  }
0x17: {  	s4 =	simm.s32 $0x1BF5;
	[smem:$0x3FAF] =	sst s0  }
0x18: {  	s0 =	sld [smem:$0x3F92];
	_ =	swait.ge [sflag:s4], $0x0  }
0x19: {  	s7 =	sld [smem:$0x3F93]  }
0x1a: {  	s8 =	sadd.s32 $0xFFFFE003, lr  }
0x1b: {  	s9 =	sadd.s32 $0xFFFFFEF7, lr;
	s5 =	simm.s32 $0xFFFFFFFF;
	p2 =	slt.u32 s8, $0xFFFFF086  }
0x1c: {  	p1 =	slt.u32 s9, $0xF7A;
	s5 =	simm.s32 @!p2 $0x0  }
0x1d: {  	s5 =	simm.s32 @p1 $0x1;
	p0 =	seq.s32 s7, s2  }
0x1e: {  	s7 =	smul.u32 @!p0 $0xF7A, s2;
	p2 =	seq.s32 @!p0 s5, $0x0  }
0x1f: {  	s9 =	smul.u32 $0xF7A, s1;
	s8 =	simm.s32 @!p0 $0x1BF5;
	p2 =	por !p2, p0  }
0x20: {  	[sflag:s8] =	ssyncset.s32 @!p0 $0xFFFFF086;
	s6 =	sadd.s32 @!p0 s3, s7;
	s7 =	simm.s32 @!p0 $0x108  }
0x21: {  	s3 =	sadd.s32 s3, s9;
	s6 =	sadd.s32 @!p0 $0x88, s6;
	s7 =	simm.s32 @p2 $0x1082  }
0x22: {  	[simem:s7], [sflag:s8] =	dma.local @!p0 [hbm:s6], $0xF7A  }
0x23: {  	s9 =	sor.u32 $0xD0000000, s2;
	s6 =	simm.s32 $0x108;
	_ =	swait.ge @!p0 [sflag:s8], $0x0  }
0x24: {  	s3 =	sadd.s32 $0x88, s3;
	s6 =	simm.s32 @!p1 $0x1082;
	[sflag:s4] =	ssyncset.s32 $0xFFFFF086  }
0x25: {  	[simem:s6], [sflag:s4] =	dma.local [hbm:s3], $0xF7A  }
0x26: {  	[smem:$0x3F93] =	sst s1;
	(tag) =	ssettag s2;
	_ =	strace s9  }
0x27: {  	s1 =	sld [smem:$0x3FA3]  }
0x28: {  	s2 =	sld [smem:$0x3FA4]  }
0x29: {  	s4 =	sld [smem:$0x3FA6]  }
0x2a: {  	p0 =	seq.s32 s5, $0x0;
	s5 =	sld [smem:$0x3FA7]  }
0x2b: {  	s6 =	sld [smem:$0x3FA8]  }
0x2c: {  	s7 =	sld [smem:$0x3FA9]  }
0x2d: {  	s3 =	simm.s32 $0x108;
	s8 =	sld [smem:$0x3FAA]  }
0x2e: {  	s3 =	simm.s32 @!p0 $0x1082;
	s9 =	sld [smem:$0x3FAB]  }
0x2f: {  	lr =	sadd.s32 s0, s3;
	s0 =	sld [smem:$0x3FA2]  }
0x30: {  	s3 =	sld [smem:$0x3FA5]  }
0x31: {  	[smem:$0x3FAE] =	sst s10  }
0x32: {  	s10 =	sld [smem:$0x3FAC];
	_ =	sdelay $0x3  }
0x33: {  	p0 =	seq.s32 s10, $0x1;
	s10 =	sld [smem:$0x3FAE];
	_ =	sdelay $0x3  }
0x34: {  	[smem:$0x3FAE] =	sst s10  }
0x35: {  	s10 =	sld [smem:$0x3FAD];
	_ =	sdelay $0x3  }
0x36: {  	p1 =	seq.s32 s10, $0x1;
	s10 =	sld [smem:$0x3FAE];
	_ =	sdelay $0x3  }
0x37: {  	[smem:$0x3FAE] =	sst s10  }
0x38: {  	s10 =	sld [smem:$0x3FAF]  }
0x39: {  	_ = 	snop;
	(pc) =	sbr.ind lr, $3  }
0x3a: {  	_ = 	snop  }
0x3b: {  	_ = 	snop  }
0x3c: {  	p2 =	seq.s32 s10, $0x1;
	s10 =	sld [smem:$0x3FAE]  }
0x3d: {  	_ =	shalt  }
0x3e: {  	_ =	shalt  }
0x3f: {  	_ =	shalt  }
0x40: {  	_ =	shalt  }
0x41: {  	_ =	shalt  }
0x42: {  	_ =	shalt  }
0x43: {  	_ =	shalt  }
0x44: {  	_ =	shalt  }
0x45: {  	_ =	shalt  }
0x46: {  	_ =	shalt  }
0x47: {  	_ =	shalt  }
0x48: {  	_ =	shalt  }
0x49: {  	_ =	shalt  }
0x4a: {  	_ =	shalt  }
0x4b: {  	_ =	shalt  }
0x4c: {  	_ =	shalt  }
0x4d: {  	_ =	shalt  }
0x4e: {  	_ =	shalt  }
0x4f: {  	_ =	shalt  }
0x50: {  	_ =	shalt  }
0x51: {  	_ =	shalt  }
0x52: {  	_ =	shalt  }
0x53: {  	_ =	shalt  }
0x54: {  	_ =	shalt  }
0x55: {  	_ =	shalt  }
0x56: {  	_ =	shalt  }
0x57: {  	_ =	shalt  }
0x58: {  	_ =	shalt  }
0x59: {  	_ =	shalt  }
0x5a: {  	_ =	shalt  }
0x5b: {  	_ =	shalt  }
0x5c: {  	_ =	shalt  }
0x5d: {  	_ =	shalt  }
0x5e: {  	_ =	shalt  }
0x5f: {  	_ =	shalt  }
0x60: {  	_ =	shalt  }
0x61: {  	_ =	shalt  }
0x62: {  	_ =	shalt  }
0x63: {  	_ =	shalt  }
0x64: {  	_ =	shalt  }
0x65: {  	_ =	shalt  }
0x66: {  	_ =	shalt  }
0x67: {  	_ =	shalt  }
0x68: {  	_ =	shalt  }
0x69: {  	_ =	shalt  }
0x6a: {  	_ =	shalt  }
0x6b: {  	_ =	shalt  }
0x6c: {  	_ =	shalt  }
0x6d: {  	_ =	shalt  }
0x6e: {  	_ =	shalt  }
0x6f: {  	_ =	shalt  }
0x70: {  	_ =	shalt  }
0x71: {  	_ =	shalt  }
0x72: {  	_ =	shalt  }
0x73: {  	_ =	shalt  }
0x74: {  	_ =	shalt  }
0x75: {  	_ =	shalt  }
0x76: {  	_ =	shalt  }
0x77: {  	_ =	shalt  }
0x78: {  	_ =	shalt  }
0x79: {  	_ =	shalt  }
0x7a: {  	_ =	shalt  }
0x7b: {  	_ =	shalt  }
0x7c: {  	_ =	shalt  }
0x7d: {  	_ =	shalt  }
0x7e: {  	_ =	shalt  }
0x7f: {  	_ =	shalt  }
0x80: {  	_ =	shalt  }
0x81: {  	_ =	shalt  }
0x82: {  	_ =	shalt  }
0x83: {  	_ =	shalt  }
0x84: {  	_ =	shalt  }
0x85: {  	_ =	shalt  }
0x86: {  	_ =	shalt  }
0x87: {  	_ =	shalt  }
.Lfunc_end0:
.L_simem_size_0:
called_computation.1_lowered:
.L_overlay_start_0:
0x88: {  	s2 =	sld [smem:$0x3FD9]  }
0x89: {  	s3 =	sld [smem:$0x3FFE];
	_ =	sdelay $0x1  }
0x8a: {  	s1 =	srdreg.scid  }
0x8b: {  	s0 =	sand.u32 $0x1, s1  }
0x8c: {  	s16 =	sshll.u32 s0, $0xA;
	s2 =	sadd.s32 s3, s2  }
0x8d: {  	s2 =	sadd.s32 s2, s16  }
0x8e: {  	[smem:$0x3FBA] =	sst s2  }
0x8f: {  	_ = 	snop  }
0x90: {  	(tm) =	ssettm $0x1  }
0x91: {  	s17 =	sld [smem:$0x3FFB];
	_ =	sdelay $0x3  }
0x92: {  	_ =	strace s17  }
0x93: {  	s2 =	sld [smem:$0x3FFC];
	_ =	sdelay $0x3  }
0x94: {  	_ =	strace s2  }
0x95: {  	s2 =	sld [smem:$0x3FFD];
	_ =	sdelay $0x3  }
0x96: {  	_ =	strace s2  }
0x97: {  	_ =	strace $0x8FFFFFFF  }
0x98: {  	s18 =	sld [smem:$0x3FDB];
	_ =	sdelay $0x1  }
0x99: {  	s19 =	simm.s32 $_scs_section_size  }
0x9a: {  	s4 =	simm.s32 $_size__tile_overlayer_lowered;
	s5 =	simm.s32 $_tile_overlayer_lowered  }
0x9b: {  	s22 =	simm.s32 $0x1BFF;
	s21 =	sshll.u32 s5, $0x1;
	s2 =	sadd.s32 s19, s18  }
0x9c: {  	s6 =	simm.s32 $0x0;
	s20 =	sshll.u32 s4, $0x1;
	s4 =	sadd.s32 s21, s2  }
0x9d: {  	[timem:s6], [sflag:s22] =	dma.local [hbm:s4], s20  }
0x9e: {  	_ =	swait.ge [sflag:s22], s20  }
0x9f: {  	s3 =	ssub.s32 $0x0, s20;
	[sflag:s22] =	ssyncset.done $0x0  }
0xa0: {  	[sflag:s22] =	ssyncadd.s32 s3;
	_ =	sdelay $0x1  }
0xa1: {  	s23 =	simm.s32 $0x1B8B  }
0xa2: {  	_ =	swait.ge [sflag:s23], $0x1  }
0xa3: {  	[sflag:s23] =	ssyncset.done $0x0  }
0xa4: {  	s25 =	simm.s32 $0x1B8E;
	s24 =	sld [smem:$0x3FFE];
	[sflag:s23] =	ssyncadd.s32 $0xFFFFFFFF  }
0xa5: {  	s26 =	simm.s32 $execute0_lowered;
	[smem:$0x3FD2] =	sst s25  }
0xa6: {  	s4 =	sshll.u32 s26, $0x1;
	_ =	strace $0x80000046;
	[dreg:$0x1] =	wrdreg $0xFFFFFFFF  }
0xa7: {  	s28 =	simm.s32 $_size_execute0_lowered;
	s2 =	sadd.s32 s2, s4;
	[dreg:$0x0] =	wrdreg $0x0  }
0xa8: {  	s4 =	sshll.u32 s28, $0x1;
	[dreg:$0x2] =	wrdreg s2  }
0xa9: {  	[dreg:$0x3] =	wrdreg s4  }
0xaa: {  	[dreg:$0x4] =	wrdreg $0xC0  }
0xab: {  	_ =	task [dreg:s6], $0x5FFFF  }
0xac: {  	[dreg:$0x1] =	wrdreg $0xFFFFFFFF  }
0xad: {  	[dreg:$0x0] =	wrdreg $0x60  }
0xae: {  	[dreg:$0x2] =	wrdreg s24  }
0xaf: {  	[dreg:$0x3] =	wrdreg $0xA8000  }
0xb0: {  	[dreg:$0x4] =	wrdreg $0xA  }
0xb1: {  	_ =	task.clear_ibuf [dreg:s6], $0x5FFFF;
	_ =	strace $0x90000046  }
0xb2: {  	s29 =	simm.s32 $0xA;
	_ =	strace $0x80000048  }
0xb3: {  	_ =	swait.ge [sflag:s29], $0x1  }
0xb4: {  	[sflag:s29] =	ssyncadd.s32 $0xFFFFFFFF  }
0xb5: {  	_ =	strace $0x90000048  }
0xb6: {  	_ =	sfence  }
0xb7: {  	s30 =	sld [smem:$0x0];
	_ =	sdelay $0x2  }
0xb8: {  	s31 =	sshll.u32 s1, $0xD;
	s1 =	sshrl.u32 s1, $0x2  }
0xb9: {  	s3 =	sand.u32 $0x4000, s31;
	s1 =	sadd.s32 s1, s30  }
0xba: {  	s0 =	sor.u32 s3, s0;
	s1 =	sshll.u32 s1, $0x11  }
0xbb: {  	s0 =	sor.u32 s1, s0  }
0xbc: {  	s0 =	sadd.s32 $0x8F2B, s0  }
0xbd: {  	[sflag:s0] =	ssyncadd.remote.s32 $0x1  }
0xbe: {  	_ =	sfence.sel $0xFFFF  }
0xbf: {  	[dreg:$0x0] =	wrdreg $0xFFFFFFFF;
	(pc) =	sbr.abs _section_cstart, $3  }
0xc0: {  	[dreg:$0x1] =	wrdreg $0xFFFFFFFF  }
0xc1: {  	_ =	task.clear_ibuf [dreg:s6], $0x2FFFF;
	_ =	strace $0x9FFFFFFF  }
0xc2: {  	(tm) =	ssettm $0x7FFFFFFF  }
0xc3: {  	_ =	shalt  }
tec
execute0_lowered:
.L_overlay_start_1:
0x0: {  	(tag) =	ssettag $0x1  }
0x1: {  	s5 =	rddreg [dreg:$0x0]  }
0x2: {  	s2 =	rddreg [dreg:$0x1]  }
0x3: {  	s0 =	rddreg [dreg:$0x2];
	s3 =	simm.s32 $0x0  }
0x4: {  	s1 =	stileid.u32;
	s4 =	srdreg.scid;
	s17 =	simm.s32 $0x80  }
0x5: {  	s18 =	simm.s32 $0x8080;
	s19 =	simm.s32 $0x4000;
	s20 =	simm.s32 $0x1  }
0x6: {  	s21 =	simm.s32 $0x2;
	s22 =	simm.s32 $0xA700;
	s23 =	simm.s32 $0xA780  }
0x7: {  	s24 =	simm.s32 $0x0;
	[smem:$0x7FF] =	sst s3;
	s6 =	smul.u32 $0x14000, s1  }
0x8: {  	s7 =	sand.u32 $0x1, s4;
	s9 =	sadd.s32 $0xD800, s5;
	s11 =	sadd.s32 $0x3800, s5  }
0x9: {  	s4 =	sadd.s32 $0x17800, s5;
	s26 =	sshll.u32 s1, $0x1;
	s12 =	smul.u32 $0x50000, s1  }
0xa: {  	s29 =	sshll.u32 s1, $0x6;
	_ =	strace $0x80000047;
	s10 =	smul.u32 $0x140000, s7  }
0xb: {  	s13 =	ssub.s32 $0x2, s7;
	s7 =	sor.u32 s7, s26;
	s8 =	sshrl.u32 s6, $0x3  }
0xc: {  	s28 =	sshrl.u32 s13, $0x1;
	s12 =	sshrl.u32 s12, $0x2;
	s14 =	smul.u32 $0x2800, s7  }
0xd: {  	s31 =	smul.u32 $0x500, s7;
	s8 =	sadd.s32 s8, s5;
	s6 =	sadd.s32 s6, s10  }
0xe: {  	s13 =	ssub.s32 s13, s28;
	s16 =	sadd.s32 s12, s2;
	s6 =	sshrl.u32 s6, $0x3  }
0xf: {  	s30 =	sshrl.u32 s14, $0x3;
	s12 =	smax.u32 s13, $0x1;
	s13 =	sshrl.u32 s16, $0x3  }
0x10: {  	s16 =	simm.s32 $0x9400;
	s15 =	sadd.s32 s6, s5;
	s5 =	sadd.s32 $0x3EA00, s8  }
0x11: {  	s6 =	sor.u32 $0x1C03, s29;
	s14 =	sadd.s32 $0x280, s30;
	s7 =	sadd.s32 s9, s30  }
0x12: {  	s8 =	sadd.s32 s11, s31;
	s9 =	sadd.s32 s9, s14;
	s10 =	sadd.s32 s11, s14  }
0x13: {  	s11 =	sadd.s32 $0x66A00, s15;
	s14 =	simm.s32 $0x3;
	s15 =	simm.s32 $0x8000  }
.LBB2_1:
0x14: {  	[spmem:s13], [sflag:s6] =	dma.local [hbm:s5], $0x2800  }
0x15: {  	_ =	swait.ge [sflag:s14], $0x2800  }
0x16: {  	[sflag:s14] =	ssyncset.done $0x0  }
0x17: {  	[sflag:s14] =	ssyncadd.s32 $0xFFFFD800  }
0x18: {  	[bflag:$0x0] =	sbarrier.arrive $0xFFFF  }
0x19: {  	[tilespmem:s15], [sflag:$0x3] =	stream.linear.gather [hbm4b:s7+s3], $0x1400, $0x38;
	[tilespmem:$0x1E800] =	vst v63  }
0x1a: {  	_ =	swait.ge [sflag:s14], $0x1400  }
0x1b: {  	[sflag:s14] =	ssyncset.done $0x0  }
0x1c: {  	[sflag:s14] =	ssyncadd.s32 $0xFFFFEC00  }
0x1d: {  	[tilespmem:s16], [sflag:$0x3] =	stream.linear.gather [hbm4b:s8+s3], $0x1400, $0x38;
	[tilespmem:$0x1E800] =	vst v63  }
0x1e: {  	_ =	swait.ge [sflag:s14], $0x1400  }
0x1f: {  	[sflag:s14] =	ssyncset.done $0x0  }
0x20: {  	[sflag:s14] =	ssyncadd.s32 $0xFFFFEC00  }
0x21: {  	[tilespmem:s3], [sflag:$0x1] =	stream.indirect.gather [hbm4b:s4+s17], $0x80, s15, s17, $0xb8;
	[tilespmem:$0x1E800] =	vst v63  }
0x22: {  	_ = 	snop  }
0x23: {  	[tilespmem:s19], [sflag:$0x2] =	stream.indirect.gather [hbm4b:s4+s17], $0x80, s18, s17, $0xb8;
	[tilespmem:$0x1E800] =	vst v63  }
0x24: {  	_ =	swait.ge [sflag:s20], $0x4000  }
0x25: {  	[sflag:s20] =	ssyncset.done $0x0  }
0x26: {  	s25 =	simm.s32 $0x9400;
	[sflag:s20] =	ssyncadd.s32 $0xFFFFC000  }
0x27: {  	[spmem:s2] =	stream.indirect.scatter.add.f32 [tilespmem:s3], [sflag:$0x3], $0x80, s25, s17, $0xb8;
	[tilespmem:$0x1E800] =	vst v63  }
0x28: {  	_ =	swait.ge [sflag:s14], $0x4000  }
0x29: {  	[sflag:s14] =	ssyncset.done $0x0  }
0x2a: {  	s30 =	simm.s32 $0x8100;
	[sflag:s14] =	ssyncadd.s32 $0xFFFFC000  }
0x2b: {  	[tilespmem:s3], [sflag:$0x1] =	stream.indirect.gather [hbm4b:s4+s17], $0x80, s30, s17, $0xb8;
	[tilespmem:$0x1E800] =	vst v63  }
0x2c: {  	_ =	swait.ge [sflag:s21], $0x4000  }
0x2d: {  	[sflag:s21] =	ssyncset.done $0x0  }
0x2e: {  	s31 =	simm.s32 $0x9480;
	[sflag:s21] =	ssyncadd.s32 $0xFFFFC000  }
0x2f: {  	[spmem:s2] =	stream.indirect.scatter.add.f32 [tilespmem:s19], [sflag:$0x3], $0x80, s31, s17, $0xb8;
	[tilespmem:$0x1E800] =	vst v63  }
0x30: {  	_ =	swait.ge [sflag:s14], $0x4000  }
0x31: {  	[sflag:s14] =	ssyncset.done $0x0  }
0x32: {  	s26 =	simm.s32 $0x8180;
	s25 =	simm.s32 $0x400;
	[sflag:s14] =	ssyncadd.s32 $0xFFFFC000  }
.LBB2_2:
0x33: {  	[tilespmem:s19], [sflag:$0x2] =	stream.indirect.gather [hbm4b:s4+s17], $0x80, s26, s17, $0xb8;
	[tilespmem:$0x1E800] =	vst v63  }
0x34: {  	s26 =	smov.u32 s25  }
0x35: {  	p0 =	sne.s32 s25, $0x4800;
	s25 =	sadd.s32 $0x400, s25;
	_ =	swait.ge [sflag:s20], $0x4000  }
0x36: {  	s26 =	sshra.s32 s26, $0x2;
	[sflag:s20] =	ssyncset.done $0x0  }
0x37: {  	s28 =	sadd.s32 $0x9400, s26;
	[sflag:s20] =	ssyncadd.s32 $0xFFFFC000  }
0x38: {  	[spmem:s2] =	stream.indirect.scatter.add.f32 [tilespmem:s3], [sflag:$0x3], $0x80, s28, s17, $0xb8;
	[tilespmem:$0x1E800] =	vst v63  }
0x39: {  	_ =	swait.ge [sflag:s14], $0x4000  }
0x3a: {  	[sflag:s14] =	ssyncset.done $0x0  }
0x3b: {  	s28 =	sadd.s32 $0x8100, s26;
	[sflag:s14] =	ssyncadd.s32 $0xFFFFC000  }
0x3c: {  	[tilespmem:s3], [sflag:$0x1] =	stream.indirect.gather [hbm4b:s4+s17], $0x80, s28, s17, $0xb8;
	[tilespmem:$0x1E800] =	vst v63  }
0x3d: {  	_ =	swait.ge [sflag:s21], $0x4000  }
0x3e: {  	[sflag:s21] =	ssyncset.done $0x0  }
.Ltmp0:
0x3f: {  	s28 =	sadd.s32 $0x9480, s26;
	[sflag:s21] =	ssyncadd.s32 $0xFFFFC000;
	(pc) =	sbr.rel @p0 .LBB2_2-.Ltmp0, $4  }
0x40: {  	[spmem:s2] =	stream.indirect.scatter.add.f32 [tilespmem:s19], [sflag:$0x3], $0x80, s28, s17, $0xb8;
	[tilespmem:$0x1E800] =	vst v63  }
0x41: {  	_ =	swait.ge [sflag:s14], $0x4000  }
0x42: {  	[sflag:s14] =	ssyncset.done $0x0  }
0x43: {  	s26 =	sadd.s32 $0x8180, s26;
	[sflag:s14] =	ssyncadd.s32 $0xFFFFC000  }
0x44: {  	[tilespmem:s19], [sflag:$0x2] =	stream.indirect.gather [hbm4b:s4+s17], $0x80, s26, s17, $0xb8;
	[tilespmem:$0x1E800] =	vst v63  }
0x45: {  	_ =	swait.ge [sflag:s20], $0x4000  }
0x46: {  	[sflag:s20] =	ssyncset.done $0x0  }
0x47: {  	s25 =	simm.s32 $0x0;
	[sflag:s20] =	ssyncadd.s32 $0xFFFFC000  }
0x48: {  	[spmem:s2] =	stream.indirect.scatter.add.f32 [tilespmem:s25], [sflag:$0x3], $0x80, s22, s17, $0xb8;
	[tilespmem:$0x1E800] =	vst v63  }
0x49: {  	_ =	swait.ge [sflag:s14], $0x4000  }
0x4a: {  	[sflag:s14] =	ssyncset.done $0x0  }
0x4b: {  	[sflag:s14] =	ssyncadd.s32 $0xFFFFC000  }
0x4c: {  	_ =	swait.ge [sflag:s21], $0x4000  }
0x4d: {  	[sflag:s21] =	ssyncset.done $0x0  }
0x4e: {  	[sflag:s21] =	ssyncadd.s32 $0xFFFFC000  }
0x4f: {  	[spmem:s2] =	stream.indirect.scatter.add.f32 [tilespmem:s19], [sflag:$0x3], $0x80, s23, s17, $0xb8;
	[tilespmem:$0x1E800] =	vst v63  }
0x50: {  	_ =	swait.ge [sflag:s14], $0x4000  }
0x51: {  	[sflag:s14] =	ssyncset.done $0x0  }
0x52: {  	[sflag:s14] =	ssyncadd.s32 $0xFFFFC000  }
0x53: {  	[tilespmem:s15], [sflag:$0x3] =	stream.linear.gather [hbm4b:s9+s25], $0x1400, $0x38;
	[tilespmem:$0x1E800] =	vst v63  }
0x54: {  	_ =	swait.ge [sflag:s14], $0x1400  }
0x55: {  	[sflag:s14] =	ssyncset.done $0x0  }
0x56: {  	[sflag:s14] =	ssyncadd.s32 $0xFFFFEC00  }
0x57: {  	[tilespmem:s16], [sflag:$0x3] =	stream.linear.gather [hbm4b:s10+s25], $0x1400, $0x38;
	[tilespmem:$0x1E800] =	vst v63  }
0x58: {  	_ =	swait.ge [sflag:s14], $0x1400  }
0x59: {  	[sflag:s14] =	ssyncset.done $0x0  }
0x5a: {  	[sflag:s14] =	ssyncadd.s32 $0xFFFFEC00  }
0x5b: {  	[tilespmem:s25], [sflag:$0x1] =	stream.indirect.gather [hbm4b:s4+s17], $0x80, s15, s17, $0xb8;
	[tilespmem:$0x1E800] =	vst v63  }
0x5c: {  	_ = 	snop  }
0x5d: {  	[tilespmem:s19], [sflag:$0x2] =	stream.indirect.gather [hbm4b:s4+s17], $0x80, s18, s17, $0xb8;
	[tilespmem:$0x1E800] =	vst v63  }
0x5e: {  	_ =	swait.ge [sflag:s20], $0x4000  }
0x5f: {  	[sflag:s20] =	ssyncset.done $0x0  }
0x60: {  	s29 =	simm.s32 $0x9400;
	[sflag:s20] =	ssyncadd.s32 $0xFFFFC000  }
0x61: {  	[spmem:s2] =	stream.indirect.scatter.add.f32 [tilespmem:s3], [sflag:$0x3], $0x80, s29, s17, $0xb8;
	[tilespmem:$0x1E800] =	vst v63  }
0x62: {  	_ =	swait.ge [sflag:s14], $0x4000  }
0x63: {  	[sflag:s14] =	ssyncset.done $0x0  }
0x64: {  	s30 =	simm.s32 $0x8100;
	[sflag:s14] =	ssyncadd.s32 $0xFFFFC000  }
0x65: {  	[tilespmem:s3], [sflag:$0x1] =	stream.indirect.gather [hbm4b:s4+s17], $0x80, s30, s17, $0xb8;
	[tilespmem:$0x1E800] =	vst v63  }
0x66: {  	_ =	swait.ge [sflag:s21], $0x4000  }
0x67: {  	[sflag:s21] =	ssyncset.done $0x0  }
0x68: {  	s31 =	simm.s32 $0x9480;
	[sflag:s21] =	ssyncadd.s32 $0xFFFFC000  }
0x69: {  	[spmem:s2] =	stream.indirect.scatter.add.f32 [tilespmem:s19], [sflag:$0x3], $0x80, s31, s17, $0xb8;
	[tilespmem:$0x1E800] =	vst v63  }
0x6a: {  	_ =	swait.ge [sflag:s14], $0x4000  }
0x6b: {  	[sflag:s14] =	ssyncset.done $0x0  }
0x6c: {  	s26 =	simm.s32 $0x8180;
	s25 =	simm.s32 $0x400;
	[sflag:s14] =	ssyncadd.s32 $0xFFFFC000  }
.LBB2_4:
0x6d: {  	[tilespmem:s19], [sflag:$0x2] =	stream.indirect.gather [hbm4b:s4+s17], $0x80, s26, s17, $0xb8;
	[tilespmem:$0x1E800] =	vst v63  }
0x6e: {  	s26 =	smov.u32 s25  }
0x6f: {  	p0 =	sne.s32 s25, $0x4800;
	s25 =	sadd.s32 $0x400, s25;
	_ =	swait.ge [sflag:s20], $0x4000  }
0x70: {  	s26 =	sshra.s32 s26, $0x2;
	[sflag:s20] =	ssyncset.done $0x0  }
0x71: {  	s28 =	sadd.s32 $0x9400, s26;
	[sflag:s20] =	ssyncadd.s32 $0xFFFFC000  }
0x72: {  	[spmem:s2] =	stream.indirect.scatter.add.f32 [tilespmem:s3], [sflag:$0x3], $0x80, s28, s17, $0xb8;
	[tilespmem:$0x1E800] =	vst v63  }
0x73: {  	_ =	swait.ge [sflag:s14], $0x4000  }
0x74: {  	[sflag:s14] =	ssyncset.done $0x0  }
0x75: {  	s28 =	sadd.s32 $0x8100, s26;
	[sflag:s14] =	ssyncadd.s32 $0xFFFFC000  }
0x76: {  	[tilespmem:s3], [sflag:$0x1] =	stream.indirect.gather [hbm4b:s4+s17], $0x80, s28, s17, $0xb8;
	[tilespmem:$0x1E800] =	vst v63  }
0x77: {  	_ =	swait.ge [sflag:s21], $0x4000  }
0x78: {  	[sflag:s21] =	ssyncset.done $0x0  }
.Ltmp1:
0x79: {  	s28 =	sadd.s32 $0x9480, s26;
	[sflag:s21] =	ssyncadd.s32 $0xFFFFC000;
	(pc) =	sbr.rel @p0 .LBB2_4-.Ltmp1, $4  }
0x7a: {  	[spmem:s2] =	stream.indirect.scatter.add.f32 [tilespmem:s19], [sflag:$0x3], $0x80, s28, s17, $0xb8;
	[tilespmem:$0x1E800] =	vst v63  }
0x7b: {  	_ =	swait.ge [sflag:s14], $0x4000  }
0x7c: {  	[sflag:s14] =	ssyncset.done $0x0  }
0x7d: {  	s26 =	sadd.s32 $0x8180, s26;
	[sflag:s14] =	ssyncadd.s32 $0xFFFFC000  }
0x7e: {  	[tilespmem:s19], [sflag:$0x2] =	stream.indirect.gather [hbm4b:s4+s17], $0x80, s26, s17, $0xb8;
	[tilespmem:$0x1E800] =	vst v63  }
0x7f: {  	_ =	swait.ge [sflag:s20], $0x4000  }
0x80: {  	[sflag:s20] =	ssyncset.done $0x0  }
0x81: {  	[sflag:s20] =	ssyncadd.s32 $0xFFFFC000  }
0x82: {  	[spmem:s2] =	stream.indirect.scatter.add.f32 [tilespmem:s3], [sflag:$0x3], $0x80, s22, s17, $0xb8;
	[tilespmem:$0x1E800] =	vst v63  }
0x83: {  	_ =	swait.ge [sflag:s14], $0x4000  }
0x84: {  	[sflag:s14] =	ssyncset.done $0x0  }
0x85: {  	[sflag:s14] =	ssyncadd.s32 $0xFFFFC000  }
0x86: {  	_ =	swait.ge [sflag:s21], $0x4000  }
0x87: {  	[sflag:s21] =	ssyncset.done $0x0  }
0x88: {  	[sflag:s21] =	ssyncadd.s32 $0xFFFFC000  }
0x89: {  	[spmem:s2] =	stream.indirect.scatter.add.f32 [tilespmem:s19], [sflag:$0x3], $0x80, s23, s17, $0xb8;
	[tilespmem:$0x1E800] =	vst v63  }
0x8a: {  	_ =	swait.ge [sflag:s14], $0x4000  }
0x8b: {  	s24 =	sadd.s32 $0x1, s24;
	[sflag:s14] =	ssyncset.done $0x0  }
0x8c: {  	p0 =	sne.s32 s24, s12;
	[sflag:s14] =	ssyncadd.s32 $0xFFFFC000  }
.Ltmp2:
0x8d: {  	[bflag:$0x0] =	sbarrier.arrive $0xFFFF;
	(pc) =	sbr.rel @p0 .LBB2_1-.Ltmp2, $4  }
0x8e: {  	[hbm:s11], [sflag:s6] =	dma.local [spmem:s13], $0x2800  }
0x8f: {  	_ =	swait.ge [sflag:s14], $0x2800  }
0x90: {  	[sflag:s14] =	ssyncset.done $0x0  }
0x91: {  	[sflag:s14] =	ssyncadd.s32 $0xFFFFD800  }
0x92: {  	_ =	sfence.sel $0x180000  }
0x93: {  	[bflag:$0x0] =	sbarrier.arrive $0xFFFF  }
0x94: {  	p0 =	sne.s32 s1, $0x0;
	_ =	strace $0x90000047  }
0x95: {  	s0 =	sadd.s32 @!p0 $0x100000, s0;
	[bflag:$0x2] =	sbarrier.arrive $0xFFFF  }
0x96: {  	[sflag:s0] =	ssyncadd.tile.s32 @!p0 $0x1;
	_ =	shalt  }
.Lfunc_end2:
_tile_overlayer_lowered:
.L_overlay_start_2:
0x97: {  	(tag) =	ssettag $0x2  }
0x98: {  	s0 =	rddreg [dreg:$0x0];
	s2 =	stileid.u32  }
0x99: {  	s1 =	rddreg [dreg:$0x1];
	p0 =	sne.s32 s2, $0x0  }
0x9a: {  	s3 =	rddreg [dreg:$0x2];
	[bflag:$0x3] =	sbarrier.arrive $0xFFFF;
	s2 =	simm.s32 @!p0 $0x1C03  }
0x9b: {  	[timem:s3], [sflag:s2] =	dma.local @!p0 [hbm:s0], s1  }
0x9c: {  	s0 =	simm.s32 @!p0 $0x3  }
0x9d: {  	_ =	swait.ge @!p0 [sflag:s0], s1  }
0x9e: {  	s1 =	ssub.s32 @!p0 $0x0, s1;
	[sflag:s0] =	ssyncset.done @!p0 $0x0  }
0x9f: {  	[sflag:s0] =	ssyncadd.s32 @!p0 s1  }
0xa0: {  	[bflag:$0x3] =	sbarrier.arrive $0xFFFF  }
0xa1: {  	_ =	shalt  }

// kernel: kernel.18.cloned.1.call-start
scs
__scs_entry_jumppad:
0x0: {  	(pc) =	sbr.rel $0x88, $3  }
0x1: {  	(tag) =	ssettag $0x0;
	lr =	simm.s32 $0x1  }
0x2: {  	[smem:$0x3F93] =	sst lr;
	_ =	strace $0xD0000000  }
0x3: {  	_ = 	snop  }
0x4: {  	_ = 	snop  }
0x5: {  	_ = 	snop  }
0x6: {  	_ = 	snop  }
0x7: {  	_ = 	snop  }
__scs_overlays_trampoline_lowered:
0x8: {  	[smem:$0x3FA2] =	sst s0  }
0x9: {  	[smem:$0x3FA3] =	sst s1  }
0xa: {  	[smem:$0x3FA4] =	sst s2  }
0xb: {  	[smem:$0x3FA5] =	sst s3  }
0xc: {  	[smem:$0x3FA6] =	sst s4  }
0xd: {  	[smem:$0x3FA7] =	sst s5  }
0xe: {  	[smem:$0x3FA8] =	sst s6  }
0xf: {  	[smem:$0x3FA9] =	sst s7  }
0x10: {  	[smem:$0x3FAA] =	sst s8  }
0x11: {  	[smem:$0x3FAB] =	sst s9;
	s0 =	simm.s32 @!p0 $0x0  }
0x12: {  	s1 =	sld [smem:$0x3F91];
	s0 =	simm.s32 @p0 $0x1  }
0x13: {  	[smem:$0x3FAC] =	sst s0;
	s0 =	simm.s32 @!p1 $0x0  }
0x14: {  	s2 =	sld [smem:$0x3F90];
	s0 =	simm.s32 @p1 $0x1  }
0x15: {  	[smem:$0x3FAD] =	sst s0;
	s0 =	simm.s32 @!p2 $0x0  }
0x16: {  	s3 =	sld [smem:$0x3FDB];
	s0 =	simm.s32 @p2 $0x1  }
0x17: {  	s4 =	simm.s32 $0x1BF5;
	[smem:$0x3FAF] =	sst s0  }
0x18: {  	s0 =	sld [smem:$0x3F92];
	_ =	swait.ge [sflag:s4], $0x0  }
0x19: {  	s7 =	sld [smem:$0x3F93]  }
0x1a: {  	s8 =	sadd.s32 $0xFFFFE003, lr  }
0x1b: {  	s9 =	sadd.s32 $0xFFFFFEF7, lr;
	s5 =	simm.s32 $0xFFFFFFFF;
	p2 =	slt.u32 s8, $0xFFFFF086  }
0x1c: {  	p1 =	slt.u32 s9, $0xF7A;
	s5 =	simm.s32 @!p2 $0x0  }
0x1d: {  	s5 =	simm.s32 @p1 $0x1;
	p0 =	seq.s32 s7, s2  }
0x1e: {  	s7 =	smul.u32 @!p0 $0xF7A, s2;
	p2 =	seq.s32 @!p0 s5, $0x0  }
0x1f: {  	s9 =	smul.u32 $0xF7A, s1;
	s8 =	simm.s32 @!p0 $0x1BF5;
	p2 =	por !p2, p0  }
0x20: {  	[sflag:s8] =	ssyncset.s32 @!p0 $0xFFFFF086;
	s6 =	sadd.s32 @!p0 s3, s7;
	s7 =	simm.s32 @!p0 $0x108  }
0x21: {  	s3 =	sadd.s32 s3, s9;
	s6 =	sadd.s32 @!p0 $0x88, s6;
	s7 =	simm.s32 @p2 $0x1082  }
0x22: {  	[simem:s7], [sflag:s8] =	dma.local @!p0 [hbm:s6], $0xF7A  }
0x23: {  	s9 =	sor.u32 $0xD0000000, s2;
	s6 =	simm.s32 $0x108;
	_ =	swait.ge @!p0 [sflag:s8], $0x0  }
0x24: {  	s3 =	sadd.s32 $0x88, s3;
	s6 =	simm.s32 @!p1 $0x1082;
	[sflag:s4] =	ssyncset.s32 $0xFFFFF086  }
0x25: {  	[simem:s6], [sflag:s4] =	dma.local [hbm:s3], $0xF7A  }
0x26: {  	[smem:$0x3F93] =	sst s1;
	(tag) =	ssettag s2;
	_ =	strace s9  }
0x27: {  	s1 =	sld [smem:$0x3FA3]  }
0x28: {  	s2 =	sld [smem:$0x3FA4]  }
0x29: {  	s4 =	sld [smem:$0x3FA6]  }
0x2a: {  	p0 =	seq.s32 s5, $0x0;
	s5 =	sld [smem:$0x3FA7]  }
0x2b: {  	s6 =	sld [smem:$0x3FA8]  }
0x2c: {  	s7 =	sld [smem:$0x3FA9]  }
0x2d: {  	s3 =	simm.s32 $0x108;
	s8 =	sld [smem:$0x3FAA]  }
0x2e: {  	s3 =	simm.s32 @!p0 $0x1082;
	s9 =	sld [smem:$0x3FAB]  }
0x2f: {  	lr =	sadd.s32 s0, s3;
	s0 =	sld [smem:$0x3FA2]  }
0x30: {  	s3 =	sld [smem:$0x3FA5]  }
0x31: {  	[smem:$0x3FAE] =	sst s10  }
0x32: {  	s10 =	sld [smem:$0x3FAC];
	_ =	sdelay $0x3  }
0x33: {  	p0 =	seq.s32 s10, $0x1;
	s10 =	sld [smem:$0x3FAE];
	_ =	sdelay $0x3  }
0x34: {  	[smem:$0x3FAE] =	sst s10  }
0x35: {  	s10 =	sld [smem:$0x3FAD];
	_ =	sdelay $0x3  }
0x36: {  	p1 =	seq.s32 s10, $0x1;
	s10 =	sld [smem:$0x3FAE];
	_ =	sdelay $0x3  }
0x37: {  	[smem:$0x3FAE] =	sst s10  }
0x38: {  	s10 =	sld [smem:$0x3FAF]  }
0x39: {  	_ = 	snop;
	(pc) =	sbr.ind lr, $3  }
0x3a: {  	_ = 	snop  }
0x3b: {  	_ = 	snop  }
0x3c: {  	p2 =	seq.s32 s10, $0x1;
	s10 =	sld [smem:$0x3FAE]  }
0x3d: {  	_ =	shalt  }
0x3e: {  	_ =	shalt  }
0x3f: {  	_ =	shalt  }
0x40: {  	_ =	shalt  }
0x41: {  	_ =	shalt  }
0x42: {  	_ =	shalt  }
0x43: {  	_ =	shalt  }
0x44: {  	_ =	shalt  }
0x45: {  	_ =	shalt  }
0x46: {  	_ =	shalt  }
0x47: {  	_ =	shalt  }
0x48: {  	_ =	shalt  }
0x49: {  	_ =	shalt  }
0x4a: {  	_ =	shalt  }
0x4b: {  	_ =	shalt  }
0x4c: {  	_ =	shalt  }
0x4d: {  	_ =	shalt  }
0x4e: {  	_ =	shalt  }
0x4f: {  	_ =	shalt  }
0x50: {  	_ =	shalt  }
0x51: {  	_ =	shalt  }
0x52: {  	_ =	shalt  }
0x53: {  	_ =	shalt  }
0x54: {  	_ =	shalt  }
0x55: {  	_ =	shalt  }
0x56: {  	_ =	shalt  }
0x57: {  	_ =	shalt  }
0x58: {  	_ =	shalt  }
0x59: {  	_ =	shalt  }
0x5a: {  	_ =	shalt  }
0x5b: {  	_ =	shalt  }
0x5c: {  	_ =	shalt  }
0x5d: {  	_ =	shalt  }
0x5e: {  	_ =	shalt  }
0x5f: {  	_ =	shalt  }
0x60: {  	_ =	shalt  }
0x61: {  	_ =	shalt  }
0x62: {  	_ =	shalt  }
0x63: {  	_ =	shalt  }
0x64: {  	_ =	shalt  }
0x65: {  	_ =	shalt  }
0x66: {  	_ =	shalt  }
0x67: {  	_ =	shalt  }
0x68: {  	_ =	shalt  }
0x69: {  	_ =	shalt  }
0x6a: {  	_ =	shalt  }
0x6b: {  	_ =	shalt  }
0x6c: {  	_ =	shalt  }
0x6d: {  	_ =	shalt  }
0x6e: {  	_ =	shalt  }
0x6f: {  	_ =	shalt  }
0x70: {  	_ =	shalt  }
0x71: {  	_ =	shalt  }
0x72: {  	_ =	shalt  }
0x73: {  	_ =	shalt  }
0x74: {  	_ =	shalt  }
0x75: {  	_ =	shalt  }
0x76: {  	_ =	shalt  }
0x77: {  	_ =	shalt  }
0x78: {  	_ =	shalt  }
0x79: {  	_ =	shalt  }
0x7a: {  	_ =	shalt  }
0x7b: {  	_ =	shalt  }
0x7c: {  	_ =	shalt  }
0x7d: {  	_ =	shalt  }
0x7e: {  	_ =	shalt  }
0x7f: {  	_ =	shalt  }
0x80: {  	_ =	shalt  }
0x81: {  	_ =	shalt  }
0x82: {  	_ =	shalt  }
0x83: {  	_ =	shalt  }
0x84: {  	_ =	shalt  }
0x85: {  	_ =	shalt  }
0x86: {  	_ =	shalt  }
0x87: {  	_ =	shalt  }
.Lfunc_end0:
.L_simem_size_0:
called_computation.2_lowered:
.L_overlay_start_0:
0x88: {  	s2 =	sld [smem:$0x3FD9]  }
0x89: {  	s3 =	sld [smem:$0x3FFE];
	_ =	sdelay $0x1  }
0x8a: {  	s1 =	srdreg.scid  }
0x8b: {  	s0 =	sand.u32 $0x1, s1  }
0x8c: {  	s16 =	sshll.u32 s0, $0xA;
	s2 =	sadd.s32 s3, s2  }
0x8d: {  	s2 =	sadd.s32 s2, s16  }
0x8e: {  	[smem:$0x3FBA] =	sst s2  }
0x8f: {  	_ = 	snop  }
0x90: {  	(tm) =	ssettm $0x1  }
0x91: {  	s17 =	sld [smem:$0x3FFB];
	_ =	sdelay $0x3  }
0x92: {  	_ =	strace s17  }
0x93: {  	s2 =	sld [smem:$0x3FFC];
	_ =	sdelay $0x3  }
0x94: {  	_ =	strace s2  }
0x95: {  	s2 =	sld [smem:$0x3FFD];
	_ =	sdelay $0x3  }
0x96: {  	_ =	strace s2  }
0x97: {  	_ =	strace $0x8FFFFFFF  }
0x98: {  	s18 =	sld [smem:$0x3FDB];
	_ =	sdelay $0x1  }
0x99: {  	s19 =	simm.s32 $_scs_section_size  }
0x9a: {  	s4 =	simm.s32 $_size__tile_overlayer_lowered;
	s5 =	simm.s32 $_tile_overlayer_lowered  }
0x9b: {  	s22 =	simm.s32 $0x1BFF;
	s21 =	sshll.u32 s5, $0x1;
	s2 =	sadd.s32 s19, s18  }
0x9c: {  	s6 =	simm.s32 $0x0;
	s20 =	sshll.u32 s4, $0x1;
	s4 =	sadd.s32 s21, s2  }
0x9d: {  	[timem:s6], [sflag:s22] =	dma.local [hbm:s4], s20  }
0x9e: {  	_ =	swait.ge [sflag:s22], s20  }
0x9f: {  	s3 =	ssub.s32 $0x0, s20;
	[sflag:s22] =	ssyncset.done $0x0  }
0xa0: {  	[sflag:s22] =	ssyncadd.s32 s3;
	_ =	sdelay $0x1  }
0xa1: {  	s23 =	simm.s32 $0x1B8B  }
0xa2: {  	_ =	swait.ge [sflag:s23], $0x1  }
0xa3: {  	[sflag:s23] =	ssyncset.done $0x0  }
0xa4: {  	s25 =	simm.s32 $0x1B8E;
	s24 =	sld [smem:$0x3FFE];
	[sflag:s23] =	ssyncadd.s32 $0xFFFFFFFF  }
0xa5: {  	s26 =	simm.s32 $execute0_lowered;
	[smem:$0x3FD2] =	sst s25  }
0xa6: {  	s4 =	sshll.u32 s26, $0x1;
	_ =	strace $0x8000004C;
	[dreg:$0x1] =	wrdreg $0xFFFFFFFF  }
0xa7: {  	s28 =	simm.s32 $_size_execute0_lowered;
	s2 =	sadd.s32 s2, s4;
	[dreg:$0x0] =	wrdreg $0x0  }
0xa8: {  	s4 =	sshll.u32 s28, $0x1;
	[dreg:$0x2] =	wrdreg s2  }
0xa9: {  	[dreg:$0x3] =	wrdreg s4  }
0xaa: {  	[dreg:$0x4] =	wrdreg $0xC0  }
0xab: {  	_ =	task [dreg:s6], $0x5FFFF  }
0xac: {  	[dreg:$0x1] =	wrdreg $0xFFFFFFFF  }
0xad: {  	[dreg:$0x0] =	wrdreg $0x60  }
0xae: {  	[dreg:$0x2] =	wrdreg s24  }
0xaf: {  	[dreg:$0x3] =	wrdreg $0xA8000  }
0xb0: {  	[dreg:$0x4] =	wrdreg $0x9  }
0xb1: {  	_ =	task.clear_ibuf [dreg:s6], $0x5FFFF;
	_ =	strace $0x9000004C  }
0xb2: {  	s29 =	simm.s32 $0x9;
	_ =	strace $0x8000004E  }
0xb3: {  	_ =	swait.ge [sflag:s29], $0x1  }
0xb4: {  	[sflag:s29] =	ssyncadd.s32 $0xFFFFFFFF  }
0xb5: {  	_ =	strace $0x9000004E  }
0xb6: {  	_ =	sfence  }
0xb7: {  	s30 =	sld [smem:$0x0];
	_ =	sdelay $0x2  }
0xb8: {  	s31 =	sshll.u32 s1, $0xD;
	s1 =	sshrl.u32 s1, $0x2  }
0xb9: {  	s3 =	sand.u32 $0x4000, s31;
	s1 =	sadd.s32 s1, s30  }
0xba: {  	s0 =	sor.u32 s3, s0;
	s1 =	sshll.u32 s1, $0x11  }
0xbb: {  	s0 =	sor.u32 s1, s0  }
0xbc: {  	s0 =	sadd.s32 $0x8F2B, s0  }
0xbd: {  	[sflag:s0] =	ssyncadd.remote.s32 $0x1  }
0xbe: {  	_ =	sfence.sel $0xFFFF  }
0xbf: {  	[dreg:$0x0] =	wrdreg $0xFFFFFFFF;
	(pc) =	sbr.abs _section_cstart, $3  }
0xc0: {  	[dreg:$0x1] =	wrdreg $0xFFFFFFFF  }
0xc1: {  	_ =	task.clear_ibuf [dreg:s6], $0x2FFFF;
	_ =	strace $0x9FFFFFFF  }
0xc2: {  	(tm) =	ssettm $0x7FFFFFFF  }
0xc3: {  	_ =	shalt  }
tec
execute0_lowered:
.L_overlay_start_1:
0x0: {  	(tag) =	ssettag $0x1  }
0x1: {  	s5 =	rddreg [dreg:$0x0]  }
0x2: {  	s2 =	rddreg [dreg:$0x1]  }
0x3: {  	s0 =	rddreg [dreg:$0x2];
	s3 =	simm.s32 $0x0  }
0x4: {  	s1 =	stileid.u32;
	s4 =	srdreg.scid;
	s17 =	simm.s32 $0x80  }
0x5: {  	s18 =	simm.s32 $0x8080;
	s19 =	simm.s32 $0x4000;
	s20 =	simm.s32 $0x1  }
0x6: {  	s21 =	simm.s32 $0x2;
	s22 =	simm.s32 $0xA700;
	s23 =	simm.s32 $0xA780  }
0x7: {  	s24 =	simm.s32 $0x0;
	[smem:$0x7FF] =	sst s3;
	s6 =	smul.u32 $0x14000, s1  }
0x8: {  	s7 =	sand.u32 $0x1, s4;
	s9 =	sadd.s32 $0xD800, s5;
	s11 =	sadd.s32 $0x3800, s5  }
0x9: {  	s4 =	sadd.s32 $0x17800, s5;
	s26 =	sshll.u32 s1, $0x1;
	s12 =	smul.u32 $0x50000, s1  }
0xa: {  	s29 =	sshll.u32 s1, $0x6;
	_ =	strace $0x8000004D;
	s10 =	smul.u32 $0x140000, s7  }
0xb: {  	s13 =	ssub.s32 $0x2, s7;
	s7 =	sor.u32 s7, s26;
	s8 =	sshrl.u32 s6, $0x3  }
0xc: {  	s28 =	sshrl.u32 s13, $0x1;
	s12 =	sshrl.u32 s12, $0x2;
	s14 =	smul.u32 $0x2800, s7  }
0xd: {  	s31 =	smul.u32 $0x500, s7;
	s8 =	sadd.s32 s8, s5;
	s6 =	sadd.s32 s6, s10  }
0xe: {  	s13 =	ssub.s32 s13, s28;
	s16 =	sadd.s32 s12, s2;
	s6 =	sshrl.u32 s6, $0x3  }
0xf: {  	s30 =	sshrl.u32 s14, $0x3;
	s12 =	smax.u32 s13, $0x1;
	s13 =	sshrl.u32 s16, $0x3  }
0x10: {  	s16 =	simm.s32 $0x9400;
	s15 =	sadd.s32 s6, s5;
	s5 =	sadd.s32 $0x3EA00, s8  }
0x11: {  	s6 =	sor.u32 $0x1C03, s29;
	s14 =	sadd.s32 $0x280, s30;
	s7 =	sadd.s32 s9, s30  }
0x12: {  	s8 =	sadd.s32 s11, s31;
	s9 =	sadd.s32 s9, s14;
	s10 =	sadd.s32 s11, s14  }
0x13: {  	s11 =	sadd.s32 $0x66A00, s15;
	s14 =	simm.s32 $0x3;
	s15 =	simm.s32 $0x8000  }
.LBB2_1:
0x14: {  	[spmem:s13], [sflag:s6] =	dma.local [hbm:s5], $0x2800  }
0x15: {  	_ =	swait.ge [sflag:s14], $0x2800  }
0x16: {  	[sflag:s14] =	ssyncset.done $0x0  }
0x17: {  	[sflag:s14] =	ssyncadd.s32 $0xFFFFD800  }
0x18: {  	[bflag:$0x0] =	sbarrier.arrive $0xFFFF  }
0x19: {  	[tilespmem:s15], [sflag:$0x3] =	stream.linear.gather [hbm4b:s7+s3], $0x1400, $0x38;
	[tilespmem:$0x1E800] =	vst v63  }
0x1a: {  	_ =	swait.ge [sflag:s14], $0x1400  }
0x1b: {  	[sflag:s14] =	ssyncset.done $0x0  }
0x1c: {  	[sflag:s14] =	ssyncadd.s32 $0xFFFFEC00  }
0x1d: {  	[tilespmem:s16], [sflag:$0x3] =	stream.linear.gather [hbm4b:s8+s3], $0x1400, $0x38;
	[tilespmem:$0x1E800] =	vst v63  }
0x1e: {  	_ =	swait.ge [sflag:s14], $0x1400  }
0x1f: {  	[sflag:s14] =	ssyncset.done $0x0  }
0x20: {  	[sflag:s14] =	ssyncadd.s32 $0xFFFFEC00  }
0x21: {  	[tilespmem:s3], [sflag:$0x1] =	stream.indirect.gather [hbm4b:s4+s17], $0x80, s15, s17, $0xb8;
	[tilespmem:$0x1E800] =	vst v63  }
0x22: {  	_ = 	snop  }
0x23: {  	[tilespmem:s19], [sflag:$0x2] =	stream.indirect.gather [hbm4b:s4+s17], $0x80, s18, s17, $0xb8;
	[tilespmem:$0x1E800] =	vst v63  }
0x24: {  	_ =	swait.ge [sflag:s20], $0x4000  }
0x25: {  	[sflag:s20] =	ssyncset.done $0x0  }
0x26: {  	s25 =	simm.s32 $0x9400;
	[sflag:s20] =	ssyncadd.s32 $0xFFFFC000  }
0x27: {  	[spmem:s2] =	stream.indirect.scatter.add.f32 [tilespmem:s3], [sflag:$0x3], $0x80, s25, s17, $0xb8;
	[tilespmem:$0x1E800] =	vst v63  }
0x28: {  	_ =	swait.ge [sflag:s14], $0x4000  }
0x29: {  	[sflag:s14] =	ssyncset.done $0x0  }
0x2a: {  	s30 =	simm.s32 $0x8100;
	[sflag:s14] =	ssyncadd.s32 $0xFFFFC000  }
0x2b: {  	[tilespmem:s3], [sflag:$0x1] =	stream.indirect.gather [hbm4b:s4+s17], $0x80, s30, s17, $0xb8;
	[tilespmem:$0x1E800] =	vst v63  }
0x2c: {  	_ =	swait.ge [sflag:s21], $0x4000  }
0x2d: {  	[sflag:s21] =	ssyncset.done $0x0  }
0x2e: {  	s31 =	simm.s32 $0x9480;
	[sflag:s21] =	ssyncadd.s32 $0xFFFFC000  }
0x2f: {  	[spmem:s2] =	stream.indirect.scatter.add.f32 [tilespmem:s19], [sflag:$0x3], $0x80, s31, s17, $0xb8;
	[tilespmem:$0x1E800] =	vst v63  }
0x30: {  	_ =	swait.ge [sflag:s14], $0x4000  }
0x31: {  	[sflag:s14] =	ssyncset.done $0x0  }
0x32: {  	s26 =	simm.s32 $0x8180;
	s25 =	simm.s32 $0x400;
	[sflag:s14] =	ssyncadd.s32 $0xFFFFC000  }
.LBB2_2:
0x33: {  	[tilespmem:s19], [sflag:$0x2] =	stream.indirect.gather [hbm4b:s4+s17], $0x80, s26, s17, $0xb8;
	[tilespmem:$0x1E800] =	vst v63  }
0x34: {  	s26 =	smov.u32 s25  }
0x35: {  	p0 =	sne.s32 s25, $0x4800;
	s25 =	sadd.s32 $0x400, s25;
	_ =	swait.ge [sflag:s20], $0x4000  }
0x36: {  	s26 =	sshra.s32 s26, $0x2;
	[sflag:s20] =	ssyncset.done $0x0  }
0x37: {  	s28 =	sadd.s32 $0x9400, s26;
	[sflag:s20] =	ssyncadd.s32 $0xFFFFC000  }
0x38: {  	[spmem:s2] =	stream.indirect.scatter.add.f32 [tilespmem:s3], [sflag:$0x3], $0x80, s28, s17, $0xb8;
	[tilespmem:$0x1E800] =	vst v63  }
0x39: {  	_ =	swait.ge [sflag:s14], $0x4000  }
0x3a: {  	[sflag:s14] =	ssyncset.done $0x0  }
0x3b: {  	s28 =	sadd.s32 $0x8100, s26;
	[sflag:s14] =	ssyncadd.s32 $0xFFFFC000  }
0x3c: {  	[tilespmem:s3], [sflag:$0x1] =	stream.indirect.gather [hbm4b:s4+s17], $0x80, s28, s17, $0xb8;
	[tilespmem:$0x1E800] =	vst v63  }
0x3d: {  	_ =	swait.ge [sflag:s21], $0x4000  }
0x3e: {  	[sflag:s21] =	ssyncset.done $0x0  }
.Ltmp0:
0x3f: {  	s28 =	sadd.s32 $0x9480, s26;
	[sflag:s21] =	ssyncadd.s32 $0xFFFFC000;
	(pc) =	sbr.rel @p0 .LBB2_2-.Ltmp0, $4  }
0x40: {  	[spmem:s2] =	stream.indirect.scatter.add.f32 [tilespmem:s19], [sflag:$0x3], $0x80, s28, s17, $0xb8;
	[tilespmem:$0x1E800] =	vst v63  }
0x41: {  	_ =	swait.ge [sflag:s14], $0x4000  }
0x42: {  	[sflag:s14] =	ssyncset.done $0x0  }
0x43: {  	s26 =	sadd.s32 $0x8180, s26;
	[sflag:s14] =	ssyncadd.s32 $0xFFFFC000  }
0x44: {  	[tilespmem:s19], [sflag:$0x2] =	stream.indirect.gather [hbm4b:s4+s17], $0x80, s26, s17, $0xb8;
	[tilespmem:$0x1E800] =	vst v63  }
0x45: {  	_ =	swait.ge [sflag:s20], $0x4000  }
0x46: {  	[sflag:s20] =	ssyncset.done $0x0  }
0x47: {  	s25 =	simm.s32 $0x0;
	[sflag:s20] =	ssyncadd.s32 $0xFFFFC000  }
0x48: {  	[spmem:s2] =	stream.indirect.scatter.add.f32 [tilespmem:s25], [sflag:$0x3], $0x80, s22, s17, $0xb8;
	[tilespmem:$0x1E800] =	vst v63  }
0x49: {  	_ =	swait.ge [sflag:s14], $0x4000  }
0x4a: {  	[sflag:s14] =	ssyncset.done $0x0  }
0x4b: {  	[sflag:s14] =	ssyncadd.s32 $0xFFFFC000  }
0x4c: {  	_ =	swait.ge [sflag:s21], $0x4000  }
0x4d: {  	[sflag:s21] =	ssyncset.done $0x0  }
0x4e: {  	[sflag:s21] =	ssyncadd.s32 $0xFFFFC000  }
0x4f: {  	[spmem:s2] =	stream.indirect.scatter.add.f32 [tilespmem:s19], [sflag:$0x3], $0x80, s23, s17, $0xb8;
	[tilespmem:$0x1E800] =	vst v63  }
0x50: {  	_ =	swait.ge [sflag:s14], $0x4000  }
0x51: {  	[sflag:s14] =	ssyncset.done $0x0  }
0x52: {  	[sflag:s14] =	ssyncadd.s32 $0xFFFFC000  }
0x53: {  	[tilespmem:s15], [sflag:$0x3] =	stream.linear.gather [hbm4b:s9+s25], $0x1400, $0x38;
	[tilespmem:$0x1E800] =	vst v63  }
0x54: {  	_ =	swait.ge [sflag:s14], $0x1400  }
0x55: {  	[sflag:s14] =	ssyncset.done $0x0  }
0x56: {  	[sflag:s14] =	ssyncadd.s32 $0xFFFFEC00  }
0x57: {  	[tilespmem:s16], [sflag:$0x3] =	stream.linear.gather [hbm4b:s10+s25], $0x1400, $0x38;
	[tilespmem:$0x1E800] =	vst v63  }
0x58: {  	_ =	swait.ge [sflag:s14], $0x1400  }
0x59: {  	[sflag:s14] =	ssyncset.done $0x0  }
0x5a: {  	[sflag:s14] =	ssyncadd.s32 $0xFFFFEC00  }
0x5b: {  	[tilespmem:s25], [sflag:$0x1] =	stream.indirect.gather [hbm4b:s4+s17], $0x80, s15, s17, $0xb8;
	[tilespmem:$0x1E800] =	vst v63  }
0x5c: {  	_ = 	snop  }
0x5d: {  	[tilespmem:s19], [sflag:$0x2] =	stream.indirect.gather [hbm4b:s4+s17], $0x80, s18, s17, $0xb8;
	[tilespmem:$0x1E800] =	vst v63  }
0x5e: {  	_ =	swait.ge [sflag:s20], $0x4000  }
0x5f: {  	[sflag:s20] =	ssyncset.done $0x0  }
0x60: {  	s29 =	simm.s32 $0x9400;
	[sflag:s20] =	ssyncadd.s32 $0xFFFFC000  }
0x61: {  	[spmem:s2] =	stream.indirect.scatter.add.f32 [tilespmem:s3], [sflag:$0x3], $0x80, s29, s17, $0xb8;
	[tilespmem:$0x1E800] =	vst v63  }
0x62: {  	_ =	swait.ge [sflag:s14], $0x4000  }
0x63: {  	[sflag:s14] =	ssyncset.done $0x0  }
0x64: {  	s30 =	simm.s32 $0x8100;
	[sflag:s14] =	ssyncadd.s32 $0xFFFFC000  }
0x65: {  	[tilespmem:s3], [sflag:$0x1] =	stream.indirect.gather [hbm4b:s4+s17], $0x80, s30, s17, $0xb8;
	[tilespmem:$0x1E800] =	vst v63  }
0x66: {  	_ =	swait.ge [sflag:s21], $0x4000  }
0x67: {  	[sflag:s21] =	ssyncset.done $0x0  }
0x68: {  	s31 =	simm.s32 $0x9480;
	[sflag:s21] =	ssyncadd.s32 $0xFFFFC000  }
0x69: {  	[spmem:s2] =	stream.indirect.scatter.add.f32 [tilespmem:s19], [sflag:$0x3], $0x80, s31, s17, $0xb8;
	[tilespmem:$0x1E800] =	vst v63  }
0x6a: {  	_ =	swait.ge [sflag:s14], $0x4000  }
0x6b: {  	[sflag:s14] =	ssyncset.done $0x0  }
0x6c: {  	s26 =	simm.s32 $0x8180;
	s25 =	simm.s32 $0x400;
	[sflag:s14] =	ssyncadd.s32 $0xFFFFC000  }
.LBB2_4:
0x6d: {  	[tilespmem:s19], [sflag:$0x2] =	stream.indirect.gather [hbm4b:s4+s17], $0x80, s26, s17, $0xb8;
	[tilespmem:$0x1E800] =	vst v63  }
0x6e: {  	s26 =	smov.u32 s25  }
0x6f: {  	p0 =	sne.s32 s25, $0x4800;
	s25 =	sadd.s32 $0x400, s25;
	_ =	swait.ge [sflag:s20], $0x4000  }
0x70: {  	s26 =	sshra.s32 s26, $0x2;
	[sflag:s20] =	ssyncset.done $0x0  }
0x71: {  	s28 =	sadd.s32 $0x9400, s26;
	[sflag:s20] =	ssyncadd.s32 $0xFFFFC000  }
0x72: {  	[spmem:s2] =	stream.indirect.scatter.add.f32 [tilespmem:s3], [sflag:$0x3], $0x80, s28, s17, $0xb8;
	[tilespmem:$0x1E800] =	vst v63  }
0x73: {  	_ =	swait.ge [sflag:s14], $0x4000  }
0x74: {  	[sflag:s14] =	ssyncset.done $0x0  }
0x75: {  	s28 =	sadd.s32 $0x8100, s26;
	[sflag:s14] =	ssyncadd.s32 $0xFFFFC000  }
0x76: {  	[tilespmem:s3], [sflag:$0x1] =	stream.indirect.gather [hbm4b:s4+s17], $0x80, s28, s17, $0xb8;
	[tilespmem:$0x1E800] =	vst v63  }
0x77: {  	_ =	swait.ge [sflag:s21], $0x4000  }
0x78: {  	[sflag:s21] =	ssyncset.done $0x0  }
.Ltmp1:
0x79: {  	s28 =	sadd.s32 $0x9480, s26;
	[sflag:s21] =	ssyncadd.s32 $0xFFFFC000;
	(pc) =	sbr.rel @p0 .LBB2_4-.Ltmp1, $4  }
0x7a: {  	[spmem:s2] =	stream.indirect.scatter.add.f32 [tilespmem:s19], [sflag:$0x3], $0x80, s28, s17, $0xb8;
	[tilespmem:$0x1E800] =	vst v63  }
0x7b: {  	_ =	swait.ge [sflag:s14], $0x4000  }
0x7c: {  	[sflag:s14] =	ssyncset.done $0x0  }
0x7d: {  	s26 =	sadd.s32 $0x8180, s26;
	[sflag:s14] =	ssyncadd.s32 $0xFFFFC000  }
0x7e: {  	[tilespmem:s19], [sflag:$0x2] =	stream.indirect.gather [hbm4b:s4+s17], $0x80, s26, s17, $0xb8;
	[tilespmem:$0x1E800] =	vst v63  }
0x7f: {  	_ =	swait.ge [sflag:s20], $0x4000  }
0x80: {  	[sflag:s20] =	ssyncset.done $0x0  }
0x81: {  	[sflag:s20] =	ssyncadd.s32 $0xFFFFC000  }
0x82: {  	[spmem:s2] =	stream.indirect.scatter.add.f32 [tilespmem:s3], [sflag:$0x3], $0x80, s22, s17, $0xb8;
	[tilespmem:$0x1E800] =	vst v63  }
0x83: {  	_ =	swait.ge [sflag:s14], $0x4000  }
0x84: {  	[sflag:s14] =	ssyncset.done $0x0  }
0x85: {  	[sflag:s14] =	ssyncadd.s32 $0xFFFFC000  }
0x86: {  	_ =	swait.ge [sflag:s21], $0x4000  }
0x87: {  	[sflag:s21] =	ssyncset.done $0x0  }
0x88: {  	[sflag:s21] =	ssyncadd.s32 $0xFFFFC000  }
0x89: {  	[spmem:s2] =	stream.indirect.scatter.add.f32 [tilespmem:s19], [sflag:$0x3], $0x80, s23, s17, $0xb8;
	[tilespmem:$0x1E800] =	vst v63  }
0x8a: {  	_ =	swait.ge [sflag:s14], $0x4000  }
0x8b: {  	s24 =	sadd.s32 $0x1, s24;
	[sflag:s14] =	ssyncset.done $0x0  }
0x8c: {  	p0 =	sne.s32 s24, s12;
	[sflag:s14] =	ssyncadd.s32 $0xFFFFC000  }
.Ltmp2:
0x8d: {  	[bflag:$0x0] =	sbarrier.arrive $0xFFFF;
	(pc) =	sbr.rel @p0 .LBB2_1-.Ltmp2, $4  }
0x8e: {  	[hbm:s11], [sflag:s6] =	dma.local [spmem:s13], $0x2800  }
0x8f: {  	_ =	swait.ge [sflag:s14], $0x2800  }
0x90: {  	[sflag:s14] =	ssyncset.done $0x0  }
0x91: {  	[sflag:s14] =	ssyncadd.s32 $0xFFFFD800  }
0x92: {  	_ =	sfence.sel $0x180000  }
0x93: {  	[bflag:$0x0] =	sbarrier.arrive $0xFFFF  }
0x94: {  	p0 =	sne.s32 s1, $0x0;
	_ =	strace $0x9000004D  }
0x95: {  	s0 =	sadd.s32 @!p0 $0x100000, s0;
	[bflag:$0x2] =	sbarrier.arrive $0xFFFF  }
0x96: {  	[sflag:s0] =	ssyncadd.tile.s32 @!p0 $0x1;
	_ =	shalt  }
.Lfunc_end2:
_tile_overlayer_lowered:
.L_overlay_start_2:
0x97: {  	(tag) =	ssettag $0x2  }
0x98: {  	s0 =	rddreg [dreg:$0x0];
	s2 =	stileid.u32  }
0x99: {  	s1 =	rddreg [dreg:$0x1];
	p0 =	sne.s32 s2, $0x0  }
0x9a: {  	s3 =	rddreg [dreg:$0x2];
	[bflag:$0x3] =	sbarrier.arrive $0xFFFF;
	s2 =	simm.s32 @!p0 $0x1C03  }
0x9b: {  	[timem:s3], [sflag:s2] =	dma.local @!p0 [hbm:s0], s1  }
0x9c: {  	s0 =	simm.s32 @!p0 $0x3  }
0x9d: {  	_ =	swait.ge @!p0 [sflag:s0], s1  }
0x9e: {  	s1 =	ssub.s32 @!p0 $0x0, s1;
	[sflag:s0] =	ssyncset.done @!p0 $0x0  }
0x9f: {  	[sflag:s0] =	ssyncadd.s32 @!p0 s1  }
0xa0: {  	[bflag:$0x3] =	sbarrier.arrive $0xFFFF  }
0xa1: {  	_ =	shalt  }

// kernel: kernel.21.cloned.1.call-start
scs
__scs_entry_jumppad:
0x0: {  	(pc) =	sbr.rel $0x88, $3  }
0x1: {  	(tag) =	ssettag $0x0;
	lr =	simm.s32 $0x1  }
0x2: {  	[smem:$0x3F93] =	sst lr;
	_ =	strace $0xD0000000  }
0x3: {  	_ = 	snop  }
0x4: {  	_ = 	snop  }
0x5: {  	_ = 	snop  }
0x6: {  	_ = 	snop  }
0x7: {  	_ = 	snop  }
__scs_overlays_trampoline_lowered:
0x8: {  	[smem:$0x3FA2] =	sst s0  }
0x9: {  	[smem:$0x3FA3] =	sst s1  }
0xa: {  	[smem:$0x3FA4] =	sst s2  }
0xb: {  	[smem:$0x3FA5] =	sst s3  }
0xc: {  	[smem:$0x3FA6] =	sst s4  }
0xd: {  	[smem:$0x3FA7] =	sst s5  }
0xe: {  	[smem:$0x3FA8] =	sst s6  }
0xf: {  	[smem:$0x3FA9] =	sst s7  }
0x10: {  	[smem:$0x3FAA] =	sst s8  }
0x11: {  	[smem:$0x3FAB] =	sst s9;
	s0 =	simm.s32 @!p0 $0x0  }
0x12: {  	s1 =	sld [smem:$0x3F91];
	s0 =	simm.s32 @p0 $0x1  }
0x13: {  	[smem:$0x3FAC] =	sst s0;
	s0 =	simm.s32 @!p1 $0x0  }
0x14: {  	s2 =	sld [smem:$0x3F90];
	s0 =	simm.s32 @p1 $0x1  }
0x15: {  	[smem:$0x3FAD] =	sst s0;
	s0 =	simm.s32 @!p2 $0x0  }
0x16: {  	s3 =	sld [smem:$0x3FDB];
	s0 =	simm.s32 @p2 $0x1  }
0x17: {  	s4 =	simm.s32 $0x1BF5;
	[smem:$0x3FAF] =	sst s0  }
0x18: {  	s0 =	sld [smem:$0x3F92];
	_ =	swait.ge [sflag:s4], $0x0  }
0x19: {  	s7 =	sld [smem:$0x3F93]  }
0x1a: {  	s8 =	sadd.s32 $0xFFFFE003, lr  }
0x1b: {  	s9 =	sadd.s32 $0xFFFFFEF7, lr;
	s5 =	simm.s32 $0xFFFFFFFF;
	p2 =	slt.u32 s8, $0xFFFFF086  }
0x1c: {  	p1 =	slt.u32 s9, $0xF7A;
	s5 =	simm.s32 @!p2 $0x0  }
0x1d: {  	s5 =	simm.s32 @p1 $0x1;
	p0 =	seq.s32 s7, s2  }
0x1e: {  	s7 =	smul.u32 @!p0 $0xF7A, s2;
	p2 =	seq.s32 @!p0 s5, $0x0  }
0x1f: {  	s9 =	smul.u32 $0xF7A, s1;
	s8 =	simm.s32 @!p0 $0x1BF5;
	p2 =	por !p2, p0  }
0x20: {  	[sflag:s8] =	ssyncset.s32 @!p0 $0xFFFFF086;
	s6 =	sadd.s32 @!p0 s3, s7;
	s7 =	simm.s32 @!p0 $0x108  }
0x21: {  	s3 =	sadd.s32 s3, s9;
	s6 =	sadd.s32 @!p0 $0x88, s6;
	s7 =	simm.s32 @p2 $0x1082  }
0x22: {  	[simem:s7], [sflag:s8] =	dma.local @!p0 [hbm:s6], $0xF7A  }
0x23: {  	s9 =	sor.u32 $0xD0000000, s2;
	s6 =	simm.s32 $0x108;
	_ =	swait.ge @!p0 [sflag:s8], $0x0  }
0x24: {  	s3 =	sadd.s32 $0x88, s3;
	s6 =	simm.s32 @!p1 $0x1082;
	[sflag:s4] =	ssyncset.s32 $0xFFFFF086  }
0x25: {  	[simem:s6], [sflag:s4] =	dma.local [hbm:s3], $0xF7A  }
0x26: {  	[smem:$0x3F93] =	sst s1;
	(tag) =	ssettag s2;
	_ =	strace s9  }
0x27: {  	s1 =	sld [smem:$0x3FA3]  }
0x28: {  	s2 =	sld [smem:$0x3FA4]  }
0x29: {  	s4 =	sld [smem:$0x3FA6]  }
0x2a: {  	p0 =	seq.s32 s5, $0x0;
	s5 =	sld [smem:$0x3FA7]  }
0x2b: {  	s6 =	sld [smem:$0x3FA8]  }
0x2c: {  	s7 =	sld [smem:$0x3FA9]  }
0x2d: {  	s3 =	simm.s32 $0x108;
	s8 =	sld [smem:$0x3FAA]  }
0x2e: {  	s3 =	simm.s32 @!p0 $0x1082;
	s9 =	sld [smem:$0x3FAB]  }
0x2f: {  	lr =	sadd.s32 s0, s3;
	s0 =	sld [smem:$0x3FA2]  }
0x30: {  	s3 =	sld [smem:$0x3FA5]  }
0x31: {  	[smem:$0x3FAE] =	sst s10  }
0x32: {  	s10 =	sld [smem:$0x3FAC];
	_ =	sdelay $0x3  }
0x33: {  	p0 =	seq.s32 s10, $0x1;
	s10 =	sld [smem:$0x3FAE];
	_ =	sdelay $0x3  }
0x34: {  	[smem:$0x3FAE] =	sst s10  }
0x35: {  	s10 =	sld [smem:$0x3FAD];
	_ =	sdelay $0x3  }
0x36: {  	p1 =	seq.s32 s10, $0x1;
	s10 =	sld [smem:$0x3FAE];
	_ =	sdelay $0x3  }
0x37: {  	[smem:$0x3FAE] =	sst s10  }
0x38: {  	s10 =	sld [smem:$0x3FAF]  }
0x39: {  	_ = 	snop;
	(pc) =	sbr.ind lr, $3  }
0x3a: {  	_ = 	snop  }
0x3b: {  	_ = 	snop  }
0x3c: {  	p2 =	seq.s32 s10, $0x1;
	s10 =	sld [smem:$0x3FAE]  }
0x3d: {  	_ =	shalt  }
0x3e: {  	_ =	shalt  }
0x3f: {  	_ =	shalt  }
0x40: {  	_ =	shalt  }
0x41: {  	_ =	shalt  }
0x42: {  	_ =	shalt  }
0x43: {  	_ =	shalt  }
0x44: {  	_ =	shalt  }
0x45: {  	_ =	shalt  }
0x46: {  	_ =	shalt  }
0x47: {  	_ =	shalt  }
0x48: {  	_ =	shalt  }
0x49: {  	_ =	shalt  }
0x4a: {  	_ =	shalt  }
0x4b: {  	_ =	shalt  }
0x4c: {  	_ =	shalt  }
0x4d: {  	_ =	shalt  }
0x4e: {  	_ =	shalt  }
0x4f: {  	_ =	shalt  }
0x50: {  	_ =	shalt  }
0x51: {  	_ =	shalt  }
0x52: {  	_ =	shalt  }
0x53: {  	_ =	shalt  }
0x54: {  	_ =	shalt  }
0x55: {  	_ =	shalt  }
0x56: {  	_ =	shalt  }
0x57: {  	_ =	shalt  }
0x58: {  	_ =	shalt  }
0x59: {  	_ =	shalt  }
0x5a: {  	_ =	shalt  }
0x5b: {  	_ =	shalt  }
0x5c: {  	_ =	shalt  }
0x5d: {  	_ =	shalt  }
0x5e: {  	_ =	shalt  }
0x5f: {  	_ =	shalt  }
0x60: {  	_ =	shalt  }
0x61: {  	_ =	shalt  }
0x62: {  	_ =	shalt  }
0x63: {  	_ =	shalt  }
0x64: {  	_ =	shalt  }
0x65: {  	_ =	shalt  }
0x66: {  	_ =	shalt  }
0x67: {  	_ =	shalt  }
0x68: {  	_ =	shalt  }
0x69: {  	_ =	shalt  }
0x6a: {  	_ =	shalt  }
0x6b: {  	_ =	shalt  }
0x6c: {  	_ =	shalt  }
0x6d: {  	_ =	shalt  }
0x6e: {  	_ =	shalt  }
0x6f: {  	_ =	shalt  }
0x70: {  	_ =	shalt  }
0x71: {  	_ =	shalt  }
0x72: {  	_ =	shalt  }
0x73: {  	_ =	shalt  }
0x74: {  	_ =	shalt  }
0x75: {  	_ =	shalt  }
0x76: {  	_ =	shalt  }
0x77: {  	_ =	shalt  }
0x78: {  	_ =	shalt  }
0x79: {  	_ =	shalt  }
0x7a: {  	_ =	shalt  }
0x7b: {  	_ =	shalt  }
0x7c: {  	_ =	shalt  }
0x7d: {  	_ =	shalt  }
0x7e: {  	_ =	shalt  }
0x7f: {  	_ =	shalt  }
0x80: {  	_ =	shalt  }
0x81: {  	_ =	shalt  }
0x82: {  	_ =	shalt  }
0x83: {  	_ =	shalt  }
0x84: {  	_ =	shalt  }
0x85: {  	_ =	shalt  }
0x86: {  	_ =	shalt  }
0x87: {  	_ =	shalt  }
.Lfunc_end0:
.L_simem_size_0:
called_computation.3_lowered:
.L_overlay_start_0:
0x88: {  	s2 =	sld [smem:$0x3FD9]  }
0x89: {  	s3 =	sld [smem:$0x3FFE];
	_ =	sdelay $0x1  }
0x8a: {  	s1 =	srdreg.scid  }
0x8b: {  	s0 =	sand.u32 $0x1, s1  }
0x8c: {  	s16 =	sshll.u32 s0, $0xA;
	s2 =	sadd.s32 s3, s2  }
0x8d: {  	s2 =	sadd.s32 s2, s16  }
0x8e: {  	[smem:$0x3FBA] =	sst s2  }
0x8f: {  	_ = 	snop  }
0x90: {  	(tm) =	ssettm $0x1  }
0x91: {  	s17 =	sld [smem:$0x3FFB];
	_ =	sdelay $0x3  }
0x92: {  	_ =	strace s17  }
0x93: {  	s2 =	sld [smem:$0x3FFC];
	_ =	sdelay $0x3  }
0x94: {  	_ =	strace s2  }
0x95: {  	s2 =	sld [smem:$0x3FFD];
	_ =	sdelay $0x3  }
0x96: {  	_ =	strace s2  }
0x97: {  	_ =	strace $0x8FFFFFFF  }
0x98: {  	s18 =	sld [smem:$0x3FDB];
	_ =	sdelay $0x1  }
0x99: {  	s19 =	simm.s32 $_scs_section_size  }
0x9a: {  	s4 =	simm.s32 $_size__tile_overlayer_lowered;
	s5 =	simm.s32 $_tile_overlayer_lowered  }
0x9b: {  	s22 =	simm.s32 $0x1BFF;
	s21 =	sshll.u32 s5, $0x1;
	s2 =	sadd.s32 s19, s18  }
0x9c: {  	s6 =	simm.s32 $0x0;
	s20 =	sshll.u32 s4, $0x1;
	s4 =	sadd.s32 s21, s2  }
0x9d: {  	[timem:s6], [sflag:s22] =	dma.local [hbm:s4], s20  }
0x9e: {  	_ =	swait.ge [sflag:s22], s20  }
0x9f: {  	s3 =	ssub.s32 $0x0, s20;
	[sflag:s22] =	ssyncset.done $0x0  }
0xa0: {  	[sflag:s22] =	ssyncadd.s32 s3;
	_ =	sdelay $0x1  }
0xa1: {  	s23 =	simm.s32 $0x1B8B  }
0xa2: {  	_ =	swait.ge [sflag:s23], $0x1  }
0xa3: {  	[sflag:s23] =	ssyncset.done $0x0  }
0xa4: {  	s25 =	simm.s32 $0x1B8E;
	s24 =	sld [smem:$0x3FFE];
	[sflag:s23] =	ssyncadd.s32 $0xFFFFFFFF  }
0xa5: {  	s26 =	simm.s32 $execute0_lowered;
	[smem:$0x3FD2] =	sst s25  }
0xa6: {  	s4 =	sshll.u32 s26, $0x1;
	_ =	strace $0x8000004F;
	[dreg:$0x1] =	wrdreg $0xFFFFFFFF  }
0xa7: {  	s28 =	simm.s32 $_size_execute0_lowered;
	s2 =	sadd.s32 s2, s4;
	[dreg:$0x0] =	wrdreg $0x0  }
0xa8: {  	s4 =	sshll.u32 s28, $0x1;
	[dreg:$0x2] =	wrdreg s2  }
0xa9: {  	[dreg:$0x3] =	wrdreg s4  }
0xaa: {  	[dreg:$0x4] =	wrdreg $0xC0  }
0xab: {  	_ =	task [dreg:s6], $0x5FFFF  }
0xac: {  	[dreg:$0x1] =	wrdreg $0xFFFFFFFF  }
0xad: {  	[dreg:$0x0] =	wrdreg $0x60  }
0xae: {  	[dreg:$0x2] =	wrdreg s24  }
0xaf: {  	[dreg:$0x3] =	wrdreg $0xA8000  }
0xb0: {  	[dreg:$0x4] =	wrdreg $0x9  }
0xb1: {  	_ =	task.clear_ibuf [dreg:s6], $0x5FFFF;
	_ =	strace $0x9000004F  }
0xb2: {  	s29 =	simm.s32 $0x9;
	_ =	strace $0x80000051  }
0xb3: {  	_ =	swait.ge [sflag:s29], $0x1  }
0xb4: {  	[sflag:s29] =	ssyncadd.s32 $0xFFFFFFFF  }
0xb5: {  	_ =	strace $0x90000051  }
0xb6: {  	_ =	sfence  }
0xb7: {  	s30 =	sld [smem:$0x0];
	_ =	sdelay $0x2  }
0xb8: {  	s31 =	sshll.u32 s1, $0xD;
	s1 =	sshrl.u32 s1, $0x2  }
0xb9: {  	s3 =	sand.u32 $0x4000, s31;
	s1 =	sadd.s32 s1, s30  }
0xba: {  	s0 =	sor.u32 s3, s0;
	s1 =	sshll.u32 s1, $0x11  }
0xbb: {  	s0 =	sor.u32 s1, s0  }
0xbc: {  	s0 =	sadd.s32 $0x8F2B, s0  }
0xbd: {  	[sflag:s0] =	ssyncadd.remote.s32 $0x1  }
0xbe: {  	_ =	sfence.sel $0xFFFF  }
0xbf: {  	[dreg:$0x0] =	wrdreg $0xFFFFFFFF;
	(pc) =	sbr.abs _section_cstart, $3  }
0xc0: {  	[dreg:$0x1] =	wrdreg $0xFFFFFFFF  }
0xc1: {  	_ =	task.clear_ibuf [dreg:s6], $0x2FFFF;
	_ =	strace $0x9FFFFFFF  }
0xc2: {  	(tm) =	ssettm $0x7FFFFFFF  }
0xc3: {  	_ =	shalt  }
tec
execute0_lowered:
.L_overlay_start_1:
0x0: {  	(tag) =	ssettag $0x1  }
0x1: {  	s5 =	rddreg [dreg:$0x0]  }
0x2: {  	s2 =	rddreg [dreg:$0x1]  }
0x3: {  	s0 =	rddreg [dreg:$0x2];
	s3 =	simm.s32 $0x0  }
0x4: {  	s1 =	stileid.u32;
	s4 =	srdreg.scid;
	s17 =	simm.s32 $0x80  }
0x5: {  	s18 =	simm.s32 $0x8080;
	s19 =	simm.s32 $0x4000;
	s20 =	simm.s32 $0x1  }
0x6: {  	s21 =	simm.s32 $0x2;
	s22 =	simm.s32 $0xA700;
	s23 =	simm.s32 $0xA780  }
0x7: {  	s24 =	simm.s32 $0x0;
	[smem:$0x7FF] =	sst s3;
	s6 =	smul.u32 $0x14000, s1  }
0x8: {  	s7 =	sand.u32 $0x1, s4;
	s9 =	sadd.s32 $0xD800, s5;
	s11 =	sadd.s32 $0x3800, s5  }
0x9: {  	s4 =	sadd.s32 $0x17800, s5;
	s26 =	sshll.u32 s1, $0x1;
	s12 =	smul.u32 $0x50000, s1  }
0xa: {  	s29 =	sshll.u32 s1, $0x6;
	_ =	strace $0x80000050;
	s10 =	smul.u32 $0x140000, s7  }
0xb: {  	s13 =	ssub.s32 $0x2, s7;
	s7 =	sor.u32 s7, s26;
	s8 =	sshrl.u32 s6, $0x3  }
0xc: {  	s28 =	sshrl.u32 s13, $0x1;
	s12 =	sshrl.u32 s12, $0x2;
	s14 =	smul.u32 $0x2800, s7  }
0xd: {  	s31 =	smul.u32 $0x500, s7;
	s8 =	sadd.s32 s8, s5;
	s6 =	sadd.s32 s6, s10  }
0xe: {  	s13 =	ssub.s32 s13, s28;
	s16 =	sadd.s32 s12, s2;
	s6 =	sshrl.u32 s6, $0x3  }
0xf: {  	s30 =	sshrl.u32 s14, $0x3;
	s12 =	smax.u32 s13, $0x1;
	s13 =	sshrl.u32 s16, $0x3  }
0x10: {  	s16 =	simm.s32 $0x9400;
	s15 =	sadd.s32 s6, s5;
	s5 =	sadd.s32 $0x3EA00, s8  }
0x11: {  	s6 =	sor.u32 $0x1C03, s29;
	s14 =	sadd.s32 $0x280, s30;
	s7 =	sadd.s32 s9, s30  }
0x12: {  	s8 =	sadd.s32 s11, s31;
	s9 =	sadd.s32 s9, s14;
	s10 =	sadd.s32 s11, s14  }
0x13: {  	s11 =	sadd.s32 $0x66A00, s15;
	s14 =	simm.s32 $0x3;
	s15 =	simm.s32 $0x8000  }
.LBB2_1:
0x14: {  	[spmem:s13], [sflag:s6] =	dma.local [hbm:s5], $0x2800  }
0x15: {  	_ =	swait.ge [sflag:s14], $0x2800  }
0x16: {  	[sflag:s14] =	ssyncset.done $0x0  }
0x17: {  	[sflag:s14] =	ssyncadd.s32 $0xFFFFD800  }
0x18: {  	[bflag:$0x0] =	sbarrier.arrive $0xFFFF  }
0x19: {  	[tilespmem:s15], [sflag:$0x3] =	stream.linear.gather [hbm4b:s7+s3], $0x1400, $0x38;
	[tilespmem:$0x1E800] =	vst v63  }
0x1a: {  	_ =	swait.ge [sflag:s14], $0x1400  }
0x1b: {  	[sflag:s14] =	ssyncset.done $0x0  }
0x1c: {  	[sflag:s14] =	ssyncadd.s32 $0xFFFFEC00  }
0x1d: {  	[tilespmem:s16], [sflag:$0x3] =	stream.linear.gather [hbm4b:s8+s3], $0x1400, $0x38;
	[tilespmem:$0x1E800] =	vst v63  }
0x1e: {  	_ =	swait.ge [sflag:s14], $0x1400  }
0x1f: {  	[sflag:s14] =	ssyncset.done $0x0  }
0x20: {  	[sflag:s14] =	ssyncadd.s32 $0xFFFFEC00  }
0x21: {  	[tilespmem:s3], [sflag:$0x1] =	stream.indirect.gather [hbm4b:s4+s17], $0x80, s15, s17, $0xb8;
	[tilespmem:$0x1E800] =	vst v63  }
0x22: {  	_ = 	snop  }
0x23: {  	[tilespmem:s19], [sflag:$0x2] =	stream.indirect.gather [hbm4b:s4+s17], $0x80, s18, s17, $0xb8;
	[tilespmem:$0x1E800] =	vst v63  }
0x24: {  	_ =	swait.ge [sflag:s20], $0x4000  }
0x25: {  	[sflag:s20] =	ssyncset.done $0x0  }
0x26: {  	s25 =	simm.s32 $0x9400;
	[sflag:s20] =	ssyncadd.s32 $0xFFFFC000  }
0x27: {  	[spmem:s2] =	stream.indirect.scatter.add.f32 [tilespmem:s3], [sflag:$0x3], $0x80, s25, s17, $0xb8;
	[tilespmem:$0x1E800] =	vst v63  }
0x28: {  	_ =	swait.ge [sflag:s14], $0x4000  }
0x29: {  	[sflag:s14] =	ssyncset.done $0x0  }
0x2a: {  	s30 =	simm.s32 $0x8100;
	[sflag:s14] =	ssyncadd.s32 $0xFFFFC000  }
0x2b: {  	[tilespmem:s3], [sflag:$0x1] =	stream.indirect.gather [hbm4b:s4+s17], $0x80, s30, s17, $0xb8;
	[tilespmem:$0x1E800] =	vst v63  }
0x2c: {  	_ =	swait.ge [sflag:s21], $0x4000  }
0x2d: {  	[sflag:s21] =	ssyncset.done $0x0  }
0x2e: {  	s31 =	simm.s32 $0x9480;
	[sflag:s21] =	ssyncadd.s32 $0xFFFFC000  }
0x2f: {  	[spmem:s2] =	stream.indirect.scatter.add.f32 [tilespmem:s19], [sflag:$0x3], $0x80, s31, s17, $0xb8;
	[tilespmem:$0x1E800] =	vst v63  }
0x30: {  	_ =	swait.ge [sflag:s14], $0x4000  }
0x31: {  	[sflag:s14] =	ssyncset.done $0x0  }
0x32: {  	s26 =	simm.s32 $0x8180;
	s25 =	simm.s32 $0x400;
	[sflag:s14] =	ssyncadd.s32 $0xFFFFC000  }
.LBB2_2:
0x33: {  	[tilespmem:s19], [sflag:$0x2] =	stream.indirect.gather [hbm4b:s4+s17], $0x80, s26, s17, $0xb8;
	[tilespmem:$0x1E800] =	vst v63  }
0x34: {  	s26 =	smov.u32 s25  }
0x35: {  	p0 =	sne.s32 s25, $0x4800;
	s25 =	sadd.s32 $0x400, s25;
	_ =	swait.ge [sflag:s20], $0x4000  }
0x36: {  	s26 =	sshra.s32 s26, $0x2;
	[sflag:s20] =	ssyncset.done $0x0  }
0x37: {  	s28 =	sadd.s32 $0x9400, s26;
	[sflag:s20] =	ssyncadd.s32 $0xFFFFC000  }
0x38: {  	[spmem:s2] =	stream.indirect.scatter.add.f32 [tilespmem:s3], [sflag:$0x3], $0x80, s28, s17, $0xb8;
	[tilespmem:$0x1E800] =	vst v63  }
0x39: {  	_ =	swait.ge [sflag:s14], $0x4000  }
0x3a: {  	[sflag:s14] =	ssyncset.done $0x0  }
0x3b: {  	s28 =	sadd.s32 $0x8100, s26;
	[sflag:s14] =	ssyncadd.s32 $0xFFFFC000  }
0x3c: {  	[tilespmem:s3], [sflag:$0x1] =	stream.indirect.gather [hbm4b:s4+s17], $0x80, s28, s17, $0xb8;
	[tilespmem:$0x1E800] =	vst v63  }
0x3d: {  	_ =	swait.ge [sflag:s21], $0x4000  }
0x3e: {  	[sflag:s21] =	ssyncset.done $0x0  }
.Ltmp0:
0x3f: {  	s28 =	sadd.s32 $0x9480, s26;
	[sflag:s21] =	ssyncadd.s32 $0xFFFFC000;
	(pc) =	sbr.rel @p0 .LBB2_2-.Ltmp0, $4  }
0x40: {  	[spmem:s2] =	stream.indirect.scatter.add.f32 [tilespmem:s19], [sflag:$0x3], $0x80, s28, s17, $0xb8;
	[tilespmem:$0x1E800] =	vst v63  }
0x41: {  	_ =	swait.ge [sflag:s14], $0x4000  }
0x42: {  	[sflag:s14] =	ssyncset.done $0x0  }
0x43: {  	s26 =	sadd.s32 $0x8180, s26;
	[sflag:s14] =	ssyncadd.s32 $0xFFFFC000  }
0x44: {  	[tilespmem:s19], [sflag:$0x2] =	stream.indirect.gather [hbm4b:s4+s17], $0x80, s26, s17, $0xb8;
	[tilespmem:$0x1E800] =	vst v63  }
0x45: {  	_ =	swait.ge [sflag:s20], $0x4000  }
0x46: {  	[sflag:s20] =	ssyncset.done $0x0  }
0x47: {  	s25 =	simm.s32 $0x0;
	[sflag:s20] =	ssyncadd.s32 $0xFFFFC000  }
0x48: {  	[spmem:s2] =	stream.indirect.scatter.add.f32 [tilespmem:s25], [sflag:$0x3], $0x80, s22, s17, $0xb8;
	[tilespmem:$0x1E800] =	vst v63  }
0x49: {  	_ =	swait.ge [sflag:s14], $0x4000  }
0x4a: {  	[sflag:s14] =	ssyncset.done $0x0  }
0x4b: {  	[sflag:s14] =	ssyncadd.s32 $0xFFFFC000  }
0x4c: {  	_ =	swait.ge [sflag:s21], $0x4000  }
0x4d: {  	[sflag:s21] =	ssyncset.done $0x0  }
0x4e: {  	[sflag:s21] =	ssyncadd.s32 $0xFFFFC000  }
0x4f: {  	[spmem:s2] =	stream.indirect.scatter.add.f32 [tilespmem:s19], [sflag:$0x3], $0x80, s23, s17, $0xb8;
	[tilespmem:$0x1E800] =	vst v63  }
0x50: {  	_ =	swait.ge [sflag:s14], $0x4000  }
0x51: {  	[sflag:s14] =	ssyncset.done $0x0  }
0x52: {  	[sflag:s14] =	ssyncadd.s32 $0xFFFFC000  }
0x53: {  	[tilespmem:s15], [sflag:$0x3] =	stream.linear.gather [hbm4b:s9+s25], $0x1400, $0x38;
	[tilespmem:$0x1E800] =	vst v63  }
0x54: {  	_ =	swait.ge [sflag:s14], $0x1400  }
0x55: {  	[sflag:s14] =	ssyncset.done $0x0  }
0x56: {  	[sflag:s14] =	ssyncadd.s32 $0xFFFFEC00  }
0x57: {  	[tilespmem:s16], [sflag:$0x3] =	stream.linear.gather [hbm4b:s10+s25], $0x1400, $0x38;
	[tilespmem:$0x1E800] =	vst v63  }
0x58: {  	_ =	swait.ge [sflag:s14], $0x1400  }
0x59: {  	[sflag:s14] =	ssyncset.done $0x0  }
0x5a: {  	[sflag:s14] =	ssyncadd.s32 $0xFFFFEC00  }
0x5b: {  	[tilespmem:s25], [sflag:$0x1] =	stream.indirect.gather [hbm4b:s4+s17], $0x80, s15, s17, $0xb8;
	[tilespmem:$0x1E800] =	vst v63  }
0x5c: {  	_ = 	snop  }
0x5d: {  	[tilespmem:s19], [sflag:$0x2] =	stream.indirect.gather [hbm4b:s4+s17], $0x80, s18, s17, $0xb8;
	[tilespmem:$0x1E800] =	vst v63  }
0x5e: {  	_ =	swait.ge [sflag:s20], $0x4000  }
0x5f: {  	[sflag:s20] =	ssyncset.done $0x0  }
0x60: {  	s29 =	simm.s32 $0x9400;
	[sflag:s20] =	ssyncadd.s32 $0xFFFFC000  }
0x61: {  	[spmem:s2] =	stream.indirect.scatter.add.f32 [tilespmem:s3], [sflag:$0x3], $0x80, s29, s17, $0xb8;
	[tilespmem:$0x1E800] =	vst v63  }
0x62: {  	_ =	swait.ge [sflag:s14], $0x4000  }
0x63: {  	[sflag:s14] =	ssyncset.done $0x0  }
0x64: {  	s30 =	simm.s32 $0x8100;
	[sflag:s14] =	ssyncadd.s32 $0xFFFFC000  }
0x65: {  	[tilespmem:s3], [sflag:$0x1] =	stream.indirect.gather [hbm4b:s4+s17], $0x80, s30, s17, $0xb8;
	[tilespmem:$0x1E800] =	vst v63  }
0x66: {  	_ =	swait.ge [sflag:s21], $0x4000  }
0x67: {  	[sflag:s21] =	ssyncset.done $0x0  }
0x68: {  	s31 =	simm.s32 $0x9480;
	[sflag:s21] =	ssyncadd.s32 $0xFFFFC000  }
0x69: {  	[spmem:s2] =	stream.indirect.scatter.add.f32 [tilespmem:s19], [sflag:$0x3], $0x80, s31, s17, $0xb8;
	[tilespmem:$0x1E800] =	vst v63  }
0x6a: {  	_ =	swait.ge [sflag:s14], $0x4000  }
0x6b: {  	[sflag:s14] =	ssyncset.done $0x0  }
0x6c: {  	s26 =	simm.s32 $0x8180;
	s25 =	simm.s32 $0x400;
	[sflag:s14] =	ssyncadd.s32 $0xFFFFC000  }
.LBB2_4:
0x6d: {  	[tilespmem:s19], [sflag:$0x2] =	stream.indirect.gather [hbm4b:s4+s17], $0x80, s26, s17, $0xb8;
	[tilespmem:$0x1E800] =	vst v63  }
0x6e: {  	s26 =	smov.u32 s25  }
0x6f: {  	p0 =	sne.s32 s25, $0x4800;
	s25 =	sadd.s32 $0x400, s25;
	_ =	swait.ge [sflag:s20], $0x4000  }
0x70: {  	s26 =	sshra.s32 s26, $0x2;
	[sflag:s20] =	ssyncset.done $0x0  }
0x71: {  	s28 =	sadd.s32 $0x9400, s26;
	[sflag:s20] =	ssyncadd.s32 $0xFFFFC000  }
0x72: {  	[spmem:s2] =	stream.indirect.scatter.add.f32 [tilespmem:s3], [sflag:$0x3], $0x80, s28, s17, $0xb8;
	[tilespmem:$0x1E800] =	vst v63  }
0x73: {  	_ =	swait.ge [sflag:s14], $0x4000  }
0x74: {  	[sflag:s14] =	ssyncset.done $0x0  }
0x75: {  	s28 =	sadd.s32 $0x8100, s26;
	[sflag:s14] =	ssyncadd.s32 $0xFFFFC000  }
0x76: {  	[tilespmem:s3], [sflag:$0x1] =	stream.indirect.gather [hbm4b:s4+s17], $0x80, s28, s17, $0xb8;
	[tilespmem:$0x1E800] =	vst v63  }
0x77: {  	_ =	swait.ge [sflag:s21], $0x4000  }
0x78: {  	[sflag:s21] =	ssyncset.done $0x0  }
.Ltmp1:
0x79: {  	s28 =	sadd.s32 $0x9480, s26;
	[sflag:s21] =	ssyncadd.s32 $0xFFFFC000;
	(pc) =	sbr.rel @p0 .LBB2_4-.Ltmp1, $4  }
0x7a: {  	[spmem:s2] =	stream.indirect.scatter.add.f32 [tilespmem:s19], [sflag:$0x3], $0x80, s28, s17, $0xb8;
	[tilespmem:$0x1E800] =	vst v63  }
0x7b: {  	_ =	swait.ge [sflag:s14], $0x4000  }
0x7c: {  	[sflag:s14] =	ssyncset.done $0x0  }
0x7d: {  	s26 =	sadd.s32 $0x8180, s26;
	[sflag:s14] =	ssyncadd.s32 $0xFFFFC000  }
0x7e: {  	[tilespmem:s19], [sflag:$0x2] =	stream.indirect.gather [hbm4b:s4+s17], $0x80, s26, s17, $0xb8;
	[tilespmem:$0x1E800] =	vst v63  }
0x7f: {  	_ =	swait.ge [sflag:s20], $0x4000  }
0x80: {  	[sflag:s20] =	ssyncset.done $0x0  }
0x81: {  	[sflag:s20] =	ssyncadd.s32 $0xFFFFC000  }
0x82: {  	[spmem:s2] =	stream.indirect.scatter.add.f32 [tilespmem:s3], [sflag:$0x3], $0x80, s22, s17, $0xb8;
	[tilespmem:$0x1E800] =	vst v63  }
0x83: {  	_ =	swait.ge [sflag:s14], $0x4000  }
0x84: {  	[sflag:s14] =	ssyncset.done $0x0  }
0x85: {  	[sflag:s14] =	ssyncadd.s32 $0xFFFFC000  }
0x86: {  	_ =	swait.ge [sflag:s21], $0x4000  }
0x87: {  	[sflag:s21] =	ssyncset.done $0x0  }
0x88: {  	[sflag:s21] =	ssyncadd.s32 $0xFFFFC000  }
0x89: {  	[spmem:s2] =	stream.indirect.scatter.add.f32 [tilespmem:s19], [sflag:$0x3], $0x80, s23, s17, $0xb8;
	[tilespmem:$0x1E800] =	vst v63  }
0x8a: {  	_ =	swait.ge [sflag:s14], $0x4000  }
0x8b: {  	s24 =	sadd.s32 $0x1, s24;
	[sflag:s14] =	ssyncset.done $0x0  }
0x8c: {  	p0 =	sne.s32 s24, s12;
	[sflag:s14] =	ssyncadd.s32 $0xFFFFC000  }
.Ltmp2:
0x8d: {  	[bflag:$0x0] =	sbarrier.arrive $0xFFFF;
	(pc) =	sbr.rel @p0 .LBB2_1-.Ltmp2, $4  }
0x8e: {  	[hbm:s11], [sflag:s6] =	dma.local [spmem:s13], $0x2800  }
0x8f: {  	_ =	swait.ge [sflag:s14], $0x2800  }
0x90: {  	[sflag:s14] =	ssyncset.done $0x0  }
0x91: {  	[sflag:s14] =	ssyncadd.s32 $0xFFFFD800  }
0x92: {  	_ =	sfence.sel $0x180000  }
0x93: {  	[bflag:$0x0] =	sbarrier.arrive $0xFFFF  }
0x94: {  	p0 =	sne.s32 s1, $0x0;
	_ =	strace $0x90000050  }
0x95: {  	s0 =	sadd.s32 @!p0 $0x100000, s0;
	[bflag:$0x2] =	sbarrier.arrive $0xFFFF  }
0x96: {  	[sflag:s0] =	ssyncadd.tile.s32 @!p0 $0x1;
	_ =	shalt  }
.Lfunc_end2:
_tile_overlayer_lowered:
.L_overlay_start_2:
0x97: {  	(tag) =	ssettag $0x2  }
0x98: {  	s0 =	rddreg [dreg:$0x0];
	s2 =	stileid.u32  }
0x99: {  	s1 =	rddreg [dreg:$0x1];
	p0 =	sne.s32 s2, $0x0  }
0x9a: {  	s3 =	rddreg [dreg:$0x2];
	[bflag:$0x3] =	sbarrier.arrive $0xFFFF;
	s2 =	simm.s32 @!p0 $0x1C03  }
0x9b: {  	[timem:s3], [sflag:s2] =	dma.local @!p0 [hbm:s0], s1  }
0x9c: {  	s0 =	simm.s32 @!p0 $0x3  }
0x9d: {  	_ =	swait.ge @!p0 [sflag:s0], s1  }
0x9e: {  	s1 =	ssub.s32 @!p0 $0x0, s1;
	[sflag:s0] =	ssyncset.done @!p0 $0x0  }
0x9f: {  	[sflag:s0] =	ssyncadd.s32 @!p0 s1  }
0xa0: {  	[bflag:$0x3] =	sbarrier.arrive $0xFFFF  }
0xa1: {  	_ =	shalt  }

// kernel: kernel.24.cloned.1.call-start
scs
__scs_entry_jumppad:
0x0: {  	(pc) =	sbr.rel $0x88, $3  }
0x1: {  	(tag) =	ssettag $0x0;
	lr =	simm.s32 $0x1  }
0x2: {  	[smem:$0x3F93] =	sst lr;
	_ =	strace $0xD0000000  }
0x3: {  	_ = 	snop  }
0x4: {  	_ = 	snop  }
0x5: {  	_ = 	snop  }
0x6: {  	_ = 	snop  }
0x7: {  	_ = 	snop  }
__scs_overlays_trampoline_lowered:
0x8: {  	[smem:$0x3FA2] =	sst s0  }
0x9: {  	[smem:$0x3FA3] =	sst s1  }
0xa: {  	[smem:$0x3FA4] =	sst s2  }
0xb: {  	[smem:$0x3FA5] =	sst s3  }
0xc: {  	[smem:$0x3FA6] =	sst s4  }
0xd: {  	[smem:$0x3FA7] =	sst s5  }
0xe: {  	[smem:$0x3FA8] =	sst s6  }
0xf: {  	[smem:$0x3FA9] =	sst s7  }
0x10: {  	[smem:$0x3FAA] =	sst s8  }
0x11: {  	[smem:$0x3FAB] =	sst s9;
	s0 =	simm.s32 @!p0 $0x0  }
0x12: {  	s1 =	sld [smem:$0x3F91];
	s0 =	simm.s32 @p0 $0x1  }
0x13: {  	[smem:$0x3FAC] =	sst s0;
	s0 =	simm.s32 @!p1 $0x0  }
0x14: {  	s2 =	sld [smem:$0x3F90];
	s0 =	simm.s32 @p1 $0x1  }
0x15: {  	[smem:$0x3FAD] =	sst s0;
	s0 =	simm.s32 @!p2 $0x0  }
0x16: {  	s3 =	sld [smem:$0x3FDB];
	s0 =	simm.s32 @p2 $0x1  }
0x17: {  	s4 =	simm.s32 $0x1BF5;
	[smem:$0x3FAF] =	sst s0  }
0x18: {  	s0 =	sld [smem:$0x3F92];
	_ =	swait.ge [sflag:s4], $0x0  }
0x19: {  	s7 =	sld [smem:$0x3F93]  }
0x1a: {  	s8 =	sadd.s32 $0xFFFFE003, lr  }
0x1b: {  	s9 =	sadd.s32 $0xFFFFFEF7, lr;
	s5 =	simm.s32 $0xFFFFFFFF;
	p2 =	slt.u32 s8, $0xFFFFF086  }
0x1c: {  	p1 =	slt.u32 s9, $0xF7A;
	s5 =	simm.s32 @!p2 $0x0  }
0x1d: {  	s5 =	simm.s32 @p1 $0x1;
	p0 =	seq.s32 s7, s2  }
0x1e: {  	s7 =	smul.u32 @!p0 $0xF7A, s2;
	p2 =	seq.s32 @!p0 s5, $0x0  }
0x1f: {  	s9 =	smul.u32 $0xF7A, s1;
	s8 =	simm.s32 @!p0 $0x1BF5;
	p2 =	por !p2, p0  }
0x20: {  	[sflag:s8] =	ssyncset.s32 @!p0 $0xFFFFF086;
	s6 =	sadd.s32 @!p0 s3, s7;
	s7 =	simm.s32 @!p0 $0x108  }
0x21: {  	s3 =	sadd.s32 s3, s9;
	s6 =	sadd.s32 @!p0 $0x88, s6;
	s7 =	simm.s32 @p2 $0x1082  }
0x22: {  	[simem:s7], [sflag:s8] =	dma.local @!p0 [hbm:s6], $0xF7A  }
0x23: {  	s9 =	sor.u32 $0xD0000000, s2;
	s6 =	simm.s32 $0x108;
	_ =	swait.ge @!p0 [sflag:s8], $0x0  }
0x24: {  	s3 =	sadd.s32 $0x88, s3;
	s6 =	simm.s32 @!p1 $0x1082;
	[sflag:s4] =	ssyncset.s32 $0xFFFFF086  }
0x25: {  	[simem:s6], [sflag:s4] =	dma.local [hbm:s3], $0xF7A  }
0x26: {  	[smem:$0x3F93] =	sst s1;
	(tag) =	ssettag s2;
	_ =	strace s9  }
0x27: {  	s1 =	sld [smem:$0x3FA3]  }
0x28: {  	s2 =	sld [smem:$0x3FA4]  }
0x29: {  	s4 =	sld [smem:$0x3FA6]  }
0x2a: {  	p0 =	seq.s32 s5, $0x0;
	s5 =	sld [smem:$0x3FA7]  }
0x2b: {  	s6 =	sld [smem:$0x3FA8]  }
0x2c: {  	s7 =	sld [smem:$0x3FA9]  }
0x2d: {  	s3 =	simm.s32 $0x108;
	s8 =	sld [smem:$0x3FAA]  }
0x2e: {  	s3 =	simm.s32 @!p0 $0x1082;
	s9 =	sld [smem:$0x3FAB]  }
0x2f: {  	lr =	sadd.s32 s0, s3;
	s0 =	sld [smem:$0x3FA2]  }
0x30: {  	s3 =	sld [smem:$0x3FA5]  }
0x31: {  	[smem:$0x3FAE] =	sst s10  }
0x32: {  	s10 =	sld [smem:$0x3FAC];
	_ =	sdelay $0x3  }
0x33: {  	p0 =	seq.s32 s10, $0x1;
	s10 =	sld [smem:$0x3FAE];
	_ =	sdelay $0x3  }
0x34: {  	[smem:$0x3FAE] =	sst s10  }
0x35: {  	s10 =	sld [smem:$0x3FAD];
	_ =	sdelay $0x3  }
0x36: {  	p1 =	seq.s32 s10, $0x1;
	s10 =	sld [smem:$0x3FAE];
	_ =	sdelay $0x3  }
0x37: {  	[smem:$0x3FAE] =	sst s10  }
0x38: {  	s10 =	sld [smem:$0x3FAF]  }
0x39: {  	_ = 	snop;
	(pc) =	sbr.ind lr, $3  }
0x3a: {  	_ = 	snop  }
0x3b: {  	_ = 	snop  }
0x3c: {  	p2 =	seq.s32 s10, $0x1;
	s10 =	sld [smem:$0x3FAE]  }
0x3d: {  	_ =	shalt  }
0x3e: {  	_ =	shalt  }
0x3f: {  	_ =	shalt  }
0x40: {  	_ =	shalt  }
0x41: {  	_ =	shalt  }
0x42: {  	_ =	shalt  }
0x43: {  	_ =	shalt  }
0x44: {  	_ =	shalt  }
0x45: {  	_ =	shalt  }
0x46: {  	_ =	shalt  }
0x47: {  	_ =	shalt  }
0x48: {  	_ =	shalt  }
0x49: {  	_ =	shalt  }
0x4a: {  	_ =	shalt  }
0x4b: {  	_ =	shalt  }
0x4c: {  	_ =	shalt  }
0x4d: {  	_ =	shalt  }
0x4e: {  	_ =	shalt  }
0x4f: {  	_ =	shalt  }
0x50: {  	_ =	shalt  }
0x51: {  	_ =	shalt  }
0x52: {  	_ =	shalt  }
0x53: {  	_ =	shalt  }
0x54: {  	_ =	shalt  }
0x55: {  	_ =	shalt  }
0x56: {  	_ =	shalt  }
0x57: {  	_ =	shalt  }
0x58: {  	_ =	shalt  }
0x59: {  	_ =	shalt  }
0x5a: {  	_ =	shalt  }
0x5b: {  	_ =	shalt  }
0x5c: {  	_ =	shalt  }
0x5d: {  	_ =	shalt  }
0x5e: {  	_ =	shalt  }
0x5f: {  	_ =	shalt  }
0x60: {  	_ =	shalt  }
0x61: {  	_ =	shalt  }
0x62: {  	_ =	shalt  }
0x63: {  	_ =	shalt  }
0x64: {  	_ =	shalt  }
0x65: {  	_ =	shalt  }
0x66: {  	_ =	shalt  }
0x67: {  	_ =	shalt  }
0x68: {  	_ =	shalt  }
0x69: {  	_ =	shalt  }
0x6a: {  	_ =	shalt  }
0x6b: {  	_ =	shalt  }
0x6c: {  	_ =	shalt  }
0x6d: {  	_ =	shalt  }
0x6e: {  	_ =	shalt  }
0x6f: {  	_ =	shalt  }
0x70: {  	_ =	shalt  }
0x71: {  	_ =	shalt  }
0x72: {  	_ =	shalt  }
0x73: {  	_ =	shalt  }
0x74: {  	_ =	shalt  }
0x75: {  	_ =	shalt  }
0x76: {  	_ =	shalt  }
0x77: {  	_ =	shalt  }
0x78: {  	_ =	shalt  }
0x79: {  	_ =	shalt  }
0x7a: {  	_ =	shalt  }
0x7b: {  	_ =	shalt  }
0x7c: {  	_ =	shalt  }
0x7d: {  	_ =	shalt  }
0x7e: {  	_ =	shalt  }
0x7f: {  	_ =	shalt  }
0x80: {  	_ =	shalt  }
0x81: {  	_ =	shalt  }
0x82: {  	_ =	shalt  }
0x83: {  	_ =	shalt  }
0x84: {  	_ =	shalt  }
0x85: {  	_ =	shalt  }
0x86: {  	_ =	shalt  }
0x87: {  	_ =	shalt  }
.Lfunc_end0:
.L_simem_size_0:
called_computation.4_lowered:
.L_overlay_start_0:
0x88: {  	s2 =	sld [smem:$0x3FD9]  }
0x89: {  	s3 =	sld [smem:$0x3FFE];
	_ =	sdelay $0x1  }
0x8a: {  	s1 =	srdreg.scid  }
0x8b: {  	s0 =	sand.u32 $0x1, s1  }
0x8c: {  	s17 =	sshll.u32 s0, $0xA;
	s2 =	sadd.s32 s3, s2  }
0x8d: {  	s2 =	sadd.s32 s2, s17  }
0x8e: {  	[smem:$0x3FBA] =	sst s2  }
0x8f: {  	_ = 	snop  }
0x90: {  	s2 =	sld [smem:$0x3FC7];
	(tm) =	ssettm $0x1  }
0x91: {  	s18 =	sld [smem:$0x3FFB];
	_ =	sdelay $0x3  }
0x92: {  	_ =	strace s18  }
0x93: {  	s3 =	sld [smem:$0x3FFC];
	_ =	sdelay $0x3  }
0x94: {  	_ =	strace s3  }
0x95: {  	s3 =	sld [smem:$0x3FFD];
	_ =	sdelay $0x3  }
0x96: {  	_ =	strace s3  }
0x97: {  	_ =	strace $0x8FFFFFFF  }
0x98: {  	s19 =	sld [smem:$0x3FDB];
	_ =	sdelay $0x1  }
0x99: {  	s4 =	simm.s32 $_scs_section_size  }
0x9a: {  	s5 =	simm.s32 $_size__tile_overlayer_lowered;
	s6 =	simm.s32 $_tile_overlayer_lowered  }
0x9b: {  	s22 =	simm.s32 $0x1BFF;
	s21 =	sshll.u32 s6, $0x1;
	s3 =	sadd.s32 s4, s19  }
0x9c: {  	s7 =	simm.s32 $0x0;
	s20 =	sshll.u32 s5, $0x1;
	s5 =	sadd.s32 s21, s3  }
0x9d: {  	[timem:s7], [sflag:s22] =	dma.local [hbm:s5], s20  }
0x9e: {  	_ =	swait.ge [sflag:s22], s20  }
0x9f: {  	s4 =	ssub.s32 $0x0, s20;
	[sflag:s22] =	ssyncset.done $0x0  }
0xa0: {  	[sflag:s22] =	ssyncadd.s32 s4;
	_ =	sdelay $0x1  }
0xa1: {  	s23 =	simm.s32 $0x1B8B  }
0xa2: {  	_ =	swait.ge [sflag:s23], $0x1  }
0xa3: {  	[sflag:s23] =	ssyncset.done $0x0  }
0xa4: {  	s25 =	simm.s32 $0x1B8E;
	s24 =	sld [smem:$0x3FFE];
	[sflag:s23] =	ssyncadd.s32 $0xFFFFFFFF  }
0xa5: {  	s26 =	simm.s32 $execute0_lowered;
	[smem:$0x3FD2] =	sst s25  }
0xa6: {  	s5 =	sshll.u32 s26, $0x1;
	_ =	strace $0x80000052;
	[dreg:$0x1] =	wrdreg $0xFFFFFFFF  }
0xa7: {  	s28 =	simm.s32 $_size_execute0_lowered;
	s3 =	sadd.s32 s3, s5;
	[dreg:$0x0] =	wrdreg $0x0  }
0xa8: {  	s5 =	sshll.u32 s28, $0x1;
	[dreg:$0x2] =	wrdreg s3  }
0xa9: {  	[dreg:$0x3] =	wrdreg s5  }
0xaa: {  	[dreg:$0x4] =	wrdreg $0xC0  }
0xab: {  	_ =	task [dreg:s7], $0x5FFFF  }
0xac: {  	[dreg:$0x1] =	wrdreg $0xFFFFFFFF  }
0xad: {  	[dreg:$0x0] =	wrdreg $0x60  }
0xae: {  	[dreg:$0x2] =	wrdreg s24  }
0xaf: {  	[dreg:$0x3] =	wrdreg s2  }
0xb0: {  	[dreg:$0x4] =	wrdreg $0x9  }
0xb1: {  	_ =	task.clear_ibuf [dreg:s7], $0x5FFFF;
	_ =	strace $0x90000052  }
0xb2: {  	s29 =	simm.s32 $0x9;
	_ =	strace $0x80000054  }
0xb3: {  	_ =	swait.ge [sflag:s29], $0x1  }
0xb4: {  	[sflag:s29] =	ssyncadd.s32 $0xFFFFFFFF  }
0xb5: {  	_ =	strace $0x90000054  }
0xb6: {  	_ =	sfence  }
0xb7: {  	s30 =	sld [smem:$0x0];
	_ =	sdelay $0x2  }
0xb8: {  	s31 =	sshll.u32 s1, $0xD;
	s1 =	sshrl.u32 s1, $0x2  }
0xb9: {  	s3 =	sand.u32 $0x4000, s31;
	s1 =	sadd.s32 s1, s30  }
0xba: {  	s0 =	sor.u32 s3, s0;
	s1 =	sshll.u32 s1, $0x11  }
0xbb: {  	s0 =	sor.u32 s1, s0  }
0xbc: {  	s0 =	sadd.s32 $0x8F2B, s0  }
0xbd: {  	[sflag:s0] =	ssyncadd.remote.s32 $0x1  }
0xbe: {  	_ =	sfence.sel $0xFFFF  }
0xbf: {  	[dreg:$0x0] =	wrdreg $0xFFFFFFFF;
	(pc) =	sbr.abs _section_cstart, $3  }
0xc0: {  	[dreg:$0x1] =	wrdreg $0xFFFFFFFF  }
0xc1: {  	_ =	task.clear_ibuf [dreg:s7], $0x2FFFF;
	_ =	strace $0x9FFFFFFF  }
0xc2: {  	(tm) =	ssettm $0x7FFFFFFF  }
0xc3: {  	_ =	shalt  }
tec
execute0_lowered:
.L_overlay_start_1:
0x0: {  	(tag) =	ssettag $0x1  }
0x1: {  	s1 =	srdreg.scid;
	s9 =	rddreg [dreg:$0x0]  }
0x2: {  	s0 =	stileid.u32;
	s3 =	rddreg [dreg:$0x1]  }
0x3: {  	s2 =	simm.s32 $0x0;
	s7 =	simm.s32 $0x80;
	s6 =	sand.u32 $0x1, s1  }
0x4: {  	s4 =	sshll.u32 s0, $0x5;
	s1 =	rddreg [dreg:$0x2];
	s5 =	sshll.u32 s6, $0x4  }
0x5: {  	s8 =	simm.s32 $0x1;
	[smem:$0x7FF] =	sst s2;
	s10 =	sor.u32 s5, s4  }
0x6: {  	_ =	strace $0x80000053;
	s11 =	ssub.s32 $0x2, s6;
	s4 =	sshrl.u32 s10, $0x3  }
0x7: {  	s6 =	simm.s32 $0x10;
	s4 =	sadd.s32 s3, s4;
	s3 =	simm.s32 $0x2  }
0x8: {  	[tilespmem:s2], [sflag:$0x2] =	stream.linear.gather [hbm4b:s4+s2], $0x10, $0x38;
	[tilespmem:$0x880] =	vst v63  }
0x9: {  	s5 =	sadd.s32 $0x3800, s9;
	s12 =	sshrl.u32 s11, $0x1;
	_ =	swait.ge [sflag:s3], $0x10  }
0xa: {  	s10 =	sshll.u32 s10, $0x4;
	s31 =	ssub.s32 s11, s12;
	[sflag:s3] =	ssyncset.done $0x0  }
0xb: {  	s9 =	sadd.s32 s10, s9;
	s10 =	smax.u32 s31, $0x1;
	[sflag:s3] =	ssyncadd.s32 $0xFFFFFFF0  }
0xc: {  	[tilespmem:s7], [sflag:$0x1] =	stream.indirect.gather [hbm4b:s5+s6], $0x80, s2, s6, $0xb8;
	[tilespmem:$0x880] =	vst v63  }
0xd: {  	p0 =	sne.s32 s10, $0x1;
	_ =	swait.ge [sflag:s8], $0x800  }
.Ltmp0:
0xe: {  	[sflag:s8] =	ssyncset.done $0x0;
	(pc) =	sbr.rel @!p0 .LBB2_2-.Ltmp0, $4  }
0xf: {  	s9 =	sadd.s32 $0x2AA00, s9;
	[sflag:s8] =	ssyncadd.s32 $0xFFFFF800  }
0x10: {  	[hbm4b:s9+s2] =	stream.linear.scatter [tilespmem:s7], [sflag:$0x2], $0x800, $0x38;
	[tilespmem:$0x880] =	vst v63  }
0x11: {  	_ =	swait.ge [sflag:s3], $0x800  }
0x12: {  	s10 =	sadd.s32 $0xFFFFFFFF, s10;
	[sflag:s3] =	ssyncset.done $0x0  }
.LBB2_1:
0x13: {  	p0 =	sne.s32 s10, $0x1;
	s10 =	sadd.s32 $0xFFFFFFFF, s10;
	[sflag:s3] =	ssyncadd.s32 $0xFFFFF800  }
0x14: {  	[tilespmem:s2], [sflag:$0x2] =	stream.linear.gather [hbm4b:s4+s2], $0x10, $0x38;
	[tilespmem:$0x880] =	vst v63  }
0x15: {  	_ =	swait.ge [sflag:s3], $0x10  }
0x16: {  	[sflag:s3] =	ssyncset.done $0x0  }
0x17: {  	[sflag:s3] =	ssyncadd.s32 $0xFFFFFFF0  }
0x18: {  	[tilespmem:s7], [sflag:$0x1] =	stream.indirect.gather [hbm4b:s5+s6], $0x80, s2, s6, $0xb8;
	[tilespmem:$0x880] =	vst v63  }
0x19: {  	_ =	swait.ge [sflag:s8], $0x800  }
.Ltmp1:
0x1a: {  	[sflag:s8] =	ssyncset.done $0x0;
	(pc) =	sbr.rel @p0 .LBB2_1-.Ltmp1, $4  }
0x1b: {  	[sflag:s8] =	ssyncadd.s32 $0xFFFFF800  }
0x1c: {  	[hbm4b:s9+s2] =	stream.linear.scatter [tilespmem:s7], [sflag:$0x2], $0x800, $0x38;
	[tilespmem:$0x880] =	vst v63  }
0x1d: {  	_ =	swait.ge [sflag:s3], $0x800  }
0x1e: {  	[sflag:s3] =	ssyncset.done $0x0  }
.LBB2_2:
0x1f: {  	[sflag:s3] =	ssyncadd.s32 $0xFFFFF800  }
0x20: {  	_ =	sfence.sel $0x180000  }
0x21: {  	[bflag:$0x0] =	sbarrier.arrive $0xFFFF  }
0x22: {  	p0 =	sne.s32 s0, $0x0;
	_ =	strace $0x90000053  }
0x23: {  	s0 =	sadd.s32 @!p0 $0x100000, s1;
	[bflag:$0x2] =	sbarrier.arrive $0xFFFF  }
0x24: {  	[sflag:s0] =	ssyncadd.tile.s32 @!p0 $0x1;
	_ =	shalt  }
.Lfunc_end2:
_tile_overlayer_lowered:
.L_overlay_start_2:
0x25: {  	(tag) =	ssettag $0x2  }
0x26: {  	s0 =	rddreg [dreg:$0x0];
	s2 =	stileid.u32  }
0x27: {  	s1 =	rddreg [dreg:$0x1];
	p0 =	sne.s32 s2, $0x0  }
0x28: {  	s3 =	rddreg [dreg:$0x2];
	[bflag:$0x3] =	sbarrier.arrive $0xFFFF;
	s2 =	simm.s32 @!p0 $0x1C02  }
0x29: {  	[timem:s3], [sflag:s2] =	dma.local @!p0 [hbm:s0], s1  }
0x2a: {  	s0 =	simm.s32 @!p0 $0x2  }
0x2b: {  	_ =	swait.ge @!p0 [sflag:s0], s1  }
0x2c: {  	s1 =	ssub.s32 @!p0 $0x0, s1;
	[sflag:s0] =	ssyncset.done @!p0 $0x0  }
0x2d: {  	[sflag:s0] =	ssyncadd.s32 @!p0 s1  }
0x2e: {  	[bflag:$0x3] =	sbarrier.arrive $0xFFFF  }
0x2f: {  	_ =	shalt  }

</sc_bundles>
